<compile_context>
chip_gen: v7x
topology: tpu7x:2x2x1
jax: 0.10.2.dev20260603
libtpu: 0.0.44.dev20260713+nightly
codegen_flags: <defaults>
</compile_context>

<pallas_src>
import jax
import jax.numpy as jnp
from jax import lax
from jax.experimental import pallas as pl
from jax.experimental.pallas import tpu as pltpu
from jax.experimental.pallas import tpu_sc as plsc

N = 50000
D = 128
E = 400000

NC = 2
NS = 16
LANES = 16

EPT = 25600
EPAD = NS * EPT
STAGE_E = 2560
STAGE_BLOCKS = EPT // STAGE_E
NBLK = STAGE_E // 128

CHUNK = 10112
NPASS = 5
ACC_ROWS = CHUNK + 128
ZPT = ACC_ROWS // NS
NROW_PAD = NPASS * CHUNK

NP = N + 16


def _sc_mesh():
  return plsc.VectorSubcoreMesh(core_axis_name="c", subcore_axis_name="s")


EPT_R = E // NS
_DEG_FULL = EPT_R // LANES


def _deg_body(e0_hbm, e1_hbm, out_hbm, idx_v, hist_v):
  c = lax.axis_index("c")
  s = lax.axis_index("s")
  ones16 = jnp.ones((LANES,), jnp.float32)
  tailm = lax.iota(jnp.int32, LANES) < (EPT_R - _DEG_FULL * LANES)

  def process(e_ref):
    for kind in range(2):
      def zero_body(i, _):
        hist_v[pl.ds(i * LANES, LANES)] = jnp.zeros((LANES,), jnp.float32)
        return 0

      lax.fori_loop(0, NP // LANES, zero_body, 0, unroll=8)

      pltpu.sync_copy(e_ref.at[pl.ds(kind * E + s * EPT_R, EPT_R)],
                      idx_v.at[pl.ds(0, EPT_R)])

      def hist_body(i, _):
        v = idx_v[pl.ds(i * LANES, LANES)]
        plsc.addupdate_scatter(hist_v, [v], ones16)
        return 0

      lax.fori_loop(0, _DEG_FULL, hist_body, 0, unroll=8)
      vt = idx_v[pl.ds(_DEG_FULL * LANES, LANES)]
      plsc.addupdate_scatter(hist_v, [vt], ones16, mask=tailm)

      pltpu.sync_copy(hist_v, out_hbm.at[c, kind, s])

  @pl.when(c == 0)
  def _():
    process(e0_hbm)

  @pl.when(c == 1)
  def _():
    process(e1_hbm)


def _degree_kernel(e0, e1):
  return pl.kernel(
      _deg_body,
      out_type=jax.ShapeDtypeStruct((2, 2, NS, NP), jnp.float32),
      mesh=_sc_mesh(),
      scratch_types=[
          pltpu.VMEM((EPT_R + LANES,), jnp.int32),
          pltpu.VMEM((NP,), jnp.float32),
      ],
      compiler_params=pltpu.CompilerParams(needs_layout_passes=False),
  )(e0, e1)


_RB = 1024
_NRB = (N + _RB - 1) // _RB


def _mm_body(x_ref, degp_ref, w0_ref, w1_ref, y_ref, nd_ref):
  dp = degp_ref[...]
  deg = jnp.sum(dp, axis=2)
  norm = jnp.where(deg > 0, lax.rsqrt(jnp.maximum(deg, 1.0)), 0.0)
  xb = x_ref[...]
  y_ref[0] = jnp.dot(xb * norm[0, 0][:, None], w0_ref[...],
                     preferred_element_type=jnp.float32)
  y_ref[1] = jnp.dot(xb * norm[1, 0][:, None], w1_ref[...],
                     preferred_element_type=jnp.float32)
  nd_ref[0] = norm[0, 1]
  nd_ref[1] = norm[1, 1]


def _matmul_kernel(x, degp, w0, w1):
  return pl.pallas_call(
      _mm_body,
      grid=(_NRB,),
      in_specs=[
          pl.BlockSpec((_RB, D), lambda i: (i, 0)),
          pl.BlockSpec((2, 2, NS, _RB), lambda i: (0, 0, 0, i)),
          pl.BlockSpec((D, D), lambda i: (0, 0)),
          pl.BlockSpec((D, D), lambda i: (0, 0)),
      ],
      out_specs=[
          pl.BlockSpec((2, _RB, D), lambda i: (0, i, 0)),
          pl.BlockSpec((2, _RB), lambda i: (0, i)),
      ],
      out_shape=[
          jax.ShapeDtypeStruct((2, N, D), jnp.float32),
          jax.ShapeDtypeStruct((2, N), jnp.float32),
      ],
  )(x, degp, w0, w1)


def _scatter_body(y_hbm, edges_hbm, agg_hbm, acc, src_sa, dst_sa, src_sb,
                  dst_sb, srcflat, dstflat, rows_a, rows_b, fill_smem, sem,
                  sem_s, sem_d, sem_z):
  c = lax.axis_index("c")
  s = lax.axis_index("s")
  src_base = (c * 2 + 0) * EPAD + s * EPT
  dst_base = (c * 2 + 1) * EPAD + s * EPT
  yoff = c * N

  lane_iota = lax.iota(jnp.int32, LANES)
  pad_src = s * LANES + lane_iota + yoff
  pad_dst = CHUNK + lane_iota

  def pass_body(p, _):
    lo = pl.multiple_of(p * CHUNK, CHUNK)
    hi = jnp.minimum(lo + CHUNK, N)

    def zzero(i, _):
      j = i // 8
      k = i % 8
      rows_a[j, pl.ds(k * LANES, LANES)] = jnp.zeros((LANES,), jnp.float32)
      return 0

    lax.fori_loop(0, 128 * 8, zzero, 0, unroll=8)
    for k in range(5):
      pltpu.async_copy(rows_a, acc.at[pl.ds(s * ZPT + k * 128, 128)],
                       sem_z)
    for k in range(5):
      pltpu.make_async_copy(rows_a, acc.at[pl.ds(s * ZPT + k * 128, 128)],
                            sem_z).wait()
    plsc.subcore_barrier()

    QR = 128

    def gidx(j):
      return y_hbm.at[srcflat.at[pl.ds(j * QR, QR)]]

    def didx(j):
      return acc.at[dstflat.at[pl.ds(j * QR, QR)]]

    def drain(nb):
      @pl.when(nb > 0)
      def _():
        pltpu.async_copy(gidx(0), rows_a, sem)

      def drain_body(j, _):
        jeven = (j & 1) == 0

        @pl.when(jeven)
        def _():
          pltpu.make_async_copy(gidx(j), rows_a, sem).wait()

          @pl.when(j + 1 < nb)
          def _():
            pltpu.async_copy(gidx(j + 1), rows_b, sem)

          pltpu.sync_copy(rows_a, didx(j), add=True)

        @pl.when(jnp.logical_not(jeven))
        def _():
          pltpu.make_async_copy(gidx(j), rows_b, sem).wait()

          @pl.when(j + 1 < nb)
          def _():
            pltpu.async_copy(gidx(j + 1), rows_a, sem)

          pltpu.sync_copy(rows_b, didx(j), add=True)

        return 0

      lax.fori_loop(0, nb, drain_body, 0)

    def stage_start(b, src_s, dst_s):
      soff = pl.multiple_of(src_base + b * STAGE_E, STAGE_E)
      doff = pl.multiple_of(dst_base + b * STAGE_E, STAGE_E)
      pltpu.async_copy(edges_hbm.at[pl.ds(soff, STAGE_E)], src_s, sem_s)
      pltpu.async_copy(edges_hbm.at[pl.ds(doff, STAGE_E)], dst_s, sem_d)

    def stage_wait(src_s, dst_s):
      pltpu.make_async_copy(edges_hbm.at[pl.ds(0, STAGE_E)], src_s,
                            sem_s).wait()
      pltpu.make_async_copy(edges_hbm.at[pl.ds(0, STAGE_E)], dst_s,
                            sem_d).wait()

    stage_start(0, src_sa, dst_sa)

    def make_append(src_s, dst_s):
      def append_body(i, fill):
        sv = src_s[pl.ds(i * LANES, LANES)]
        dv = dst_s[pl.ds(i * LANES, LANES)]
        dloc = dv - lo
        m = dloc.astype(jnp.uint32) < (hi - lo).astype(jnp.uint32)
        plsc.store_compressed(srcflat.at[pl.ds(fill, LANES)], sv + yoff,
                              mask=m)
        plsc.store_compressed(dstflat.at[pl.ds(fill, LANES)], dloc,
                              mask=m)
        return fill + plsc.all_reduce_population_count(m)[0]
      return append_body

    def stage_body(b, fill0):
      def run(src_s, dst_s, src_n, dst_n):
        stage_wait(src_s, dst_s)

        @pl.when(b + 1 < STAGE_BLOCKS)
        def _():
          stage_start(b + 1, src_n, dst_n)

        fill_smem[0] = lax.fori_loop(0, STAGE_E // LANES,
                                     make_append(src_s, dst_s), fill0,
                                     unroll=8)

      beven = (b & 1) == 0

      @pl.when(beven)
      def _():
        run(src_sa, dst_sa, src_sb, dst_sb)

      @pl.when(jnp.logical_not(beven))
      def _():
        run(src_sb, dst_sb, src_sa, dst_sa)

      fill = fill_smem[0]
      nb = fill // QR
      drain(nb)

      @pl.when(nb > 0)
      def _():
        off = pl.multiple_of(nb * QR, QR)
        for k in range(8):
          srcflat[pl.ds(k * LANES, LANES)] = (
              srcflat[pl.ds(off + k * LANES, LANES)])
          dstflat[pl.ds(k * LANES, LANES)] = (
              dstflat[pl.ds(off + k * LANES, LANES)])

      return fill - nb * QR

    fill = lax.fori_loop(0, STAGE_BLOCKS, stage_body, 0)

    @pl.when(fill > 0)
    def _():
      f = fill
      npad = QR - f
      for k in range(8):
        cnt_k = jnp.clip(npad - k * LANES, 0, LANES)
        pm = lane_iota < cnt_k
        plsc.store_compressed(srcflat.at[pl.ds(f, LANES)], pad_src,
                              mask=pm)
        plsc.store_compressed(dstflat.at[pl.ds(f, LANES)], pad_dst,
                              mask=pm)
        f = f + cnt_k
      drain(1)

    plsc.subcore_barrier()

    rows_pt = CHUNK // NS
    foff = pl.multiple_of(c * NROW_PAD + lo + s * rows_pt, 8)
    pltpu.sync_copy(acc.at[pl.ds(s * rows_pt, rows_pt)],
                    agg_hbm.at[pl.ds(foff, rows_pt)])
    plsc.subcore_barrier()
    return 0

  lax.fori_loop(0, NPASS, pass_body, 0)


def _scatter_kernel(y2, edges1d):
  return pl.kernel(
      _scatter_body,
      out_type=jax.ShapeDtypeStruct((2 * NROW_PAD, D), jnp.float32),
      mesh=_sc_mesh(),
      scratch_types=[
          pltpu.VMEM_SHARED((ACC_ROWS, D), jnp.float32),
          pltpu.VMEM((STAGE_E,), jnp.int32),
          pltpu.VMEM((STAGE_E,), jnp.int32),
          pltpu.VMEM((STAGE_E,), jnp.int32),
          pltpu.VMEM((STAGE_E,), jnp.int32),
          pltpu.VMEM((STAGE_E + 256,), jnp.int32),
          pltpu.VMEM((STAGE_E + 256,), jnp.int32),
          pltpu.VMEM((128, D), jnp.float32),
          pltpu.VMEM((128, D), jnp.float32),
          pltpu.SMEM((1,), jnp.int32),
          pltpu.SemaphoreType.DMA,
          pltpu.SemaphoreType.DMA,
          pltpu.SemaphoreType.DMA,
          pltpu.SemaphoreType.DMA,
      ],
      compiler_params=pltpu.CompilerParams(needs_layout_passes=False),
  )(y2, edges1d)


def _post_body(a0_ref, a1_ref, nd_ref, g_ref, b_ref, out_ref, sums_ref):
  t = pl.program_id(0)
  i = pl.program_id(1)
  nd = nd_ref[...]
  hb = (a0_ref[0] * nd[0][:, None] + a1_ref[0] * nd[1][:, None])

  @pl.when((t == 0) & (i == 0))
  def _():
    sums_ref[...] = jnp.zeros_like(sums_ref)

  @pl.when(t == 0)
  def _():
    rows = i * _RB + lax.broadcasted_iota(jnp.int32, (_RB, 1), 0)
    hv = jnp.where(rows < N, hb, 0.0)
    sums_ref[0] += jnp.sum(hv, axis=0)
    sums_ref[1] += jnp.sum(hv * hv, axis=0)

  @pl.when(t == 1)
  def _():
    mean = sums_ref[0] / N
    var = jnp.maximum(sums_ref[1] / N - mean * mean, 0.0)
    scale = g_ref[0] * lax.rsqrt(var + 1e-5)
    shift = b_ref[0] - mean * scale
    tv = hb * scale + shift
    nrm = jnp.sqrt(jnp.sum(tv * tv, axis=1, keepdims=True))
    out_ref[...] = tv / jnp.maximum(nrm, 1e-12)


def _post_kernel(agg3, nd, gamma, beta):
  return pl.pallas_call(
      _post_body,
      grid=(2, _NRB),
      in_specs=[
          pl.BlockSpec((1, _RB, D), lambda t, i: (0, i, 0)),
          pl.BlockSpec((1, _RB, D), lambda t, i: (1, i, 0)),
          pl.BlockSpec((2, _RB), lambda t, i: (0, i)),
          pl.BlockSpec((1, D), lambda t, i: (0, 0)),
          pl.BlockSpec((1, D), lambda t, i: (0, 0)),
      ],
      out_specs=pl.BlockSpec((_RB, D), lambda t, i: (i, 0)),
      out_shape=jax.ShapeDtypeStruct((N, D), jnp.float32),
      scratch_shapes=[pltpu.VMEM((2, D), jnp.float32)],
  )(agg3, agg3, nd, gamma, beta)


@jax.jit
def kernel(x, edge_index_rel0, edge_index_rel1, W0, W1, gamma, beta):
  e0 = edge_index_rel0.astype(jnp.int32)
  e1 = edge_index_rel1.astype(jnp.int32)
  pad = EPAD - E
  padvals = N + (jnp.arange(pad, dtype=jnp.int32) % LANES)
  parts = []
  for ei in (e0, e1):
    for kind in range(2):
      parts.append(jnp.concatenate([ei[kind], padvals]))
  edges1d = jnp.concatenate(parts)

  degp = _degree_kernel(e0.reshape(-1), e1.reshape(-1))
  y, nd = _matmul_kernel(x, degp, W0, W1)
  y2 = y.reshape(2 * N, D)
  agg2 = _scatter_kernel(y2, edges1d)
  return _post_kernel(agg2.reshape(2, NROW_PAD, D), nd,
                      gamma.reshape(1, D), beta.reshape(1, D))

# --- scband reference (transcript-rebuilt; emitter-appended) ---
"""Pipeline reference for scband-hetero-general-layer-32667521253698 (READ-ONLY COPY).

The authoritative reference and input builder live on the scoring server;
editing this copy changes nothing except your own understanding.
"""

import jax, jax.numpy as jnp
import numpy as np

N = 50000
D_IN = 128
D_OUT = 128
E = 400000

def setup_inputs(seed: int = 0) -> dict:
    key = jax.random.key(seed)
    k_x, k_e0, k_e1, k_w0, k_w1, k_g, k_b = jax.random.split(key, 7)
    x = jax.random.normal(k_x, (N, D_IN), dtype=jnp.float32)
    edge_index_rel0 = jax.random.randint(k_e0, (2, E), 0, N, dtype=jnp.int64)
    edge_index_rel1 = jax.random.randint(k_e1, (2, E), 0, N, dtype=jnp.int64)
    W0 = jax.random.normal(k_w0, (D_IN, D_OUT), dtype=jnp.float32) * (1.0 / np.sqrt(D_IN))
    W1 = jax.random.normal(k_w1, (D_IN, D_OUT), dtype=jnp.float32) * (1.0 / np.sqrt(D_IN))
    gamma = jnp.ones((D_OUT,), dtype=jnp.float32)
    beta = jnp.zeros((D_OUT,), dtype=jnp.float32)
    return {"x": x, "edge_index_rel0": edge_index_rel0, "edge_index_rel1": edge_index_rel1,
            "W0": W0, "W1": W1, "gamma": gamma, "beta": beta}

def _gcn_conv(x, edge_index, W, n_nodes):
    # DGL GraphConv with norm='both', bias=False:
    # h' = D_dst^{-1/2} A D_src^{-1/2} x W
    src = edge_index[0]
    dst = edge_index[1]
    ones = jnp.ones((edge_index.shape[1],), dtype=x.dtype)
    deg_out = jnp.zeros((n_nodes,), dtype=x.dtype).at[src].add(ones)
    deg_in = jnp.zeros((n_nodes,), dtype=x.dtype).at[dst].add(ones)
    norm_src = jnp.where(deg_out > 0, jax.lax.rsqrt(jnp.maximum(deg_out, 1.0)), 0.0)
    norm_dst = jnp.where(deg_in > 0, jax.lax.rsqrt(jnp.maximum(deg_in, 1.0)), 0.0)
    m = x * norm_src[:, None]
    gathered = jnp.take(m, src, axis=0)
    agg = jnp.zeros_like(x).at[dst].add(gathered)
    agg = agg * norm_dst[:, None]
    return agg @ W

def reference(x, edge_index_rel0, edge_index_rel1, W0, W1, gamma, beta):
    n_nodes = x.shape[0]
    # HeteroGraphConv: per-relation GraphConv, 'sum' macro aggregate
    h0 = _gcn_conv(x, edge_index_rel0, W0, n_nodes)
    h1 = _gcn_conv(x, edge_index_rel1, W1, n_nodes)
    h = h0 + h1
    # post_layer: BatchNorm1d (training-mode batch statistics), dropout=0 -> identity
    mean = jnp.mean(h, axis=0)
    var = jnp.var(h, axis=0)
    h = (h - mean) * jax.lax.rsqrt(var + 1e-5) * gamma + beta
    # has_l2norm: F.normalize(p=2, dim=-1)
    nrm = jnp.sqrt(jnp.sum(h * h, axis=-1, keepdims=True))
    h = h / jnp.maximum(nrm, 1e-12)
    return h

if __name__ == "__main__":
    import jax
    _d = setup_inputs()
    print(jax.jit(kernel)(*tuple(_d.values())))

</pallas_src>

<mosaic_0001>
#map = affine_map<(d0, d1) -> (0, 0)>
#map1 = affine_map<(d0, d1) -> (0)>
module attributes {stable_mosaic.version = 14 : i64} {
  func.func @_scatter_body(%arg0: i32, %arg1: i32, %arg2: memref<100000x128xf32, #tpu.memory_space<hbm>>, %arg3: memref<1638400xi32, #tpu.memory_space<hbm>>, %arg4: memref<101120x128xf32, #tpu.memory_space<hbm>>, %arg5: memref<10240x128xf32, #tpu.memory_space<vmem_shared>>, %arg6: memref<2560xi32, #tpu.memory_space<vmem>>, %arg7: memref<2560xi32, #tpu.memory_space<vmem>>, %arg8: memref<2560xi32, #tpu.memory_space<vmem>>, %arg9: memref<2560xi32, #tpu.memory_space<vmem>>, %arg10: memref<2816xi32, #tpu.memory_space<vmem>>, %arg11: memref<2816xi32, #tpu.memory_space<vmem>>, %arg12: memref<128x128xf32, #tpu.memory_space<vmem>>, %arg13: memref<128x128xf32, #tpu.memory_space<vmem>>, %arg14: memref<1xi32, #tpu.memory_space<smem>>, %arg15: memref<!tpu.dma_semaphore, #tpu.memory_space<semaphore_mem>>, %arg16: memref<!tpu.dma_semaphore, #tpu.memory_space<semaphore_mem>>, %arg17: memref<!tpu.dma_semaphore, #tpu.memory_space<semaphore_mem>>, %arg18: memref<!tpu.dma_semaphore, #tpu.memory_space<semaphore_mem>>) attributes {dimension_semantics = [#tpu.dimension_semantics<core_parallel>, #tpu.dimension_semantics<subcore_parallel>], iteration_bounds = array<i64: 2, 16>, scalar_prefetch = 0 : i64, scratch_operands = 14 : i64, tpu.core_type = #tpu.core_type<sc_vector_subcore>, window_params = [{transform_indices = #map}, {transform_indices = #map1}, {transform_indices = #map}]} {
    %mul3A = arith.constant 2 : i32
    %mul3A_0 = arith.muli %arg0, %mul3A : i32
    %add3A = arith.constant 0 : i32
    %add3A_1 = arith.addi %mul3A_0, %add3A : i32
    %mul3A_2 = arith.constant 409600 : i32
    %mul3A_3 = arith.muli %add3A_1, %mul3A_2 : i32
    %mul3A_4 = arith.constant 25600 : i32
    %mul3A_5 = arith.muli %arg1, %mul3A_4 : i32
    %add3A_6 = arith.addi %mul3A_3, %mul3A_5 : i32
    %mul3A_7 = arith.constant 2 : i32
    %mul3A_8 = arith.muli %arg0, %mul3A_7 : i32
    %add3A_9 = arith.constant 1 : i32
    %add3A_10 = arith.addi %mul3A_8, %add3A_9 : i32
    %mul3A_11 = arith.constant 409600 : i32
    %mul3A_12 = arith.muli %add3A_10, %mul3A_11 : i32
    %mul3A_13 = arith.constant 25600 : i32
    %mul3A_14 = arith.muli %arg1, %mul3A_13 : i32
    %add3A_15 = arith.addi %mul3A_12, %mul3A_14 : i32
    %mul3A_16 = arith.constant 50000 : i32
    %mul3A_17 = arith.muli %arg0, %mul3A_16 : i32
    %iota3A = tpu.iota {dimensions = array<i32: 0>} : vector<16xi32>
    %mul3A_18 = arith.constant 16 : i32
    %mul3A_19 = arith.muli %arg1, %mul3A_18 : i32
    %add3A_20 = vector.broadcast %mul3A_19 : i32 to vector<16xi32>
    %add3A_21 = arith.addi %add3A_20, %iota3A : vector<16xi32>
    %add3A_22 = vector.broadcast %mul3A_17 : i32 to vector<16xi32>
    %add3A_23 = arith.addi %add3A_21, %add3A_22 : vector<16xi32>
    %add3A_24 = arith.constant 10112 : i32
    %add3A_25 = vector.broadcast %add3A_24 : i32 to vector<16xi32>
    %add3A_26 = arith.addi %add3A_25, %iota3A : vector<16xi32>
    %scan3A = arith.constant 0 : i32
    %scan3A_27 = arith.constant 0 : i32
    %scan3A_28 = arith.constant 5 : i32
    %scan3A_29 = arith.addi %scan3A_27, %scan3A_28 : i32
    %scan3A_30 = arith.constant 1 : i32
    %scan3A_31 = scf.for %scan3A_33 = %scan3A_27 to %scan3A_29 step %scan3A_30 iter_args(%scan3A_34 = %scan3A) -> (i32)  : i32 {
      %mul3A_35 = arith.constant 10112 : i32
      %mul3A_36 = arith.muli %scan3A_33, %mul3A_35 : i32
      %multiple_of3A = tpu.assume_multiple %mul3A_36, 10112 : i32
      %add3A_37 = arith.constant 10112 : i32
      %add3A_38 = arith.addi %multiple_of3A, %add3A_37 : i32
      %min3A = arith.constant 50000 : i32
      %min3A_39 = arith.minsi %add3A_38, %min3A : i32
      %scan3A_40 = arith.constant 0 : i32
      %scan3A_41 = arith.constant 0 : i32
      %scan3A_42 = arith.constant 1024 : i32
      %scan3A_43 = arith.addi %scan3A_41, %scan3A_42 : i32
      %scan3A_44 = arith.constant 8 : i32
      %scan3A_45 = scf.for %scan3A_156 = %scan3A_41 to %scan3A_43 step %scan3A_44 iter_args(%scan3A_157 = %scan3A_40) -> (i32)  : i32 {
        %jit3A = arith.constant 8 : i32
        %div3A = arith.divsi %scan3A_156, %jit3A : i32
        %sign3A = arith.constant 0 : i32
        %sign3A_158 = arith.cmpi sgt, %scan3A_156, %sign3A : i32
        %sign3A_159 = arith.extui %sign3A_158 : i1 to i32
        %sign3A_160 = arith.constant 0 : i32
        %sign3A_161 = arith.cmpi slt, %scan3A_156, %sign3A_160 : i32
        %sign3A_162 = arith.extui %sign3A_161 : i1 to i32
        %sign3A_163 = arith.subi %sign3A_159, %sign3A_162 : i32
        %sign3A_164 = arith.constant 0 : i32
        %sign3A_165 = arith.cmpi sgt, %jit3A, %sign3A_164 : i32
        %sign3A_166 = arith.extui %sign3A_165 : i1 to i32
        %sign3A_167 = arith.constant 0 : i32
        %sign3A_168 = arith.cmpi slt, %jit3A, %sign3A_167 : i32
        %sign3A_169 = arith.extui %sign3A_168 : i1 to i32
        %sign3A_170 = arith.subi %sign3A_166, %sign3A_169 : i32
        %ne3A = arith.cmpi ne, %sign3A_163, %sign3A_170 : i32
        %rem3A = arith.remsi %scan3A_156, %jit3A : i32
        %ne3A_171 = arith.constant 0 : i32
        %ne3A_172 = arith.cmpi ne, %rem3A, %ne3A_171 : i32
        %and3A = arith.andi %ne3A, %ne3A_172 : i1
        %sub3A = arith.constant 1 : i32
        %sub3A_173 = arith.subi %div3A, %sub3A : i32
        %select_n3A = arith.select %and3A, %sub3A_173, %div3A : i32
        %jit3A_174 = arith.constant 8 : i32
        %eq3A = arith.constant 0 : i32
        %eq3A_175 = arith.cmpi eq, %jit3A_174, %eq3A : i32
        %jit3A_176 = arith.constant 1 : i32
        %select_n3A_177 = arith.select %eq3A_175, %jit3A_176, %jit3A_174 : i32
        %rem3A_178 = arith.remsi %scan3A_156, %select_n3A_177 : i32
        %ne3A_179 = arith.constant 0 : i32
        %ne3A_180 = arith.cmpi ne, %rem3A_178, %ne3A_179 : i32
        %lt3A = arith.constant 0 : i32
        %lt3A_181 = arith.cmpi slt, %rem3A_178, %lt3A : i32
        %lt3A_182 = arith.constant 0 : i32
        %lt3A_183 = arith.cmpi slt, %select_n3A_177, %lt3A_182 : i32
        %ne3A_184 = arith.xori %lt3A_181, %lt3A_183 : i1
        %and3A_185 = arith.andi %ne3A_184, %ne3A_180 : i1
        %add3A_186 = arith.addi %rem3A_178, %select_n3A_177 : i32
        %select_n3A_187 = arith.select %and3A_185, %add3A_186, %rem3A_178 : i32
        %broadcast_in_dim3A = arith.constant 0.000000e+00 : f32
        %broadcast_in_dim3A_188 = vector.broadcast %broadcast_in_dim3A : f32 to vector<16xf32>
        %mul3A_189 = arith.constant 16 : i32
        %mul3A_190 = arith.muli %select_n3A_187, %mul3A_189 : i32
        %swap3A = arith.index_cast %select_n3A : i32 to index
        %swap3A_191 = arith.index_cast %mul3A_190 : i32 to index
        %swap3A_192 = tpu.vector_load %arg12[%swap3A, %swap3A_191] {strides = array<i32>} : memref<128x128xf32, #tpu.memory_space<vmem>>, vector<16xf32>,
        tpu.vector_store %arg12[%swap3A, %swap3A_191], %broadcast_in_dim3A_188 {strides = array<i32>} : memref<128x128xf32, #tpu.memory_space<vmem>>, vector<16xf32>,
        %scan3A_193 = arith.constant 0 : i32
        %scan3A_194 = arith.constant 1 : i32
        %scan3A_195 = arith.addi %scan3A_156, %scan3A_194 : i32
        %jit3A_196 = arith.constant 8 : i32
        %div3A_197 = arith.divsi %scan3A_195, %jit3A_196 : i32
        %sign3A_198 = arith.constant 0 : i32
        %sign3A_199 = arith.cmpi sgt, %scan3A_195, %sign3A_198 : i32
        %sign3A_200 = arith.extui %sign3A_199 : i1 to i32
        %sign3A_201 = arith.constant 0 : i32
        %sign3A_202 = arith.cmpi slt, %scan3A_195, %sign3A_201 : i32
        %sign3A_203 = arith.extui %sign3A_202 : i1 to i32
        %sign3A_204 = arith.subi %sign3A_200, %sign3A_203 : i32
        %sign3A_205 = arith.constant 0 : i32
        %sign3A_206 = arith.cmpi sgt, %jit3A_196, %sign3A_205 : i32
        %sign3A_207 = arith.extui %sign3A_206 : i1 to i32
        %sign3A_208 = arith.constant 0 : i32
        %sign3A_209 = arith.cmpi slt, %jit3A_196, %sign3A_208 : i32
        %sign3A_210 = arith.extui %sign3A_209 : i1 to i32
        %sign3A_211 = arith.subi %sign3A_207, %sign3A_210 : i32
        %ne3A_212 = arith.cmpi ne, %sign3A_204, %sign3A_211 : i32
        %rem3A_213 = arith.remsi %scan3A_195, %jit3A_196 : i32
        %ne3A_214 = arith.constant 0 : i32
        %ne3A_215 = arith.cmpi ne, %rem3A_213, %ne3A_214 : i32
        %and3A_216 = arith.andi %ne3A_212, %ne3A_215 : i1
        %sub3A_217 = arith.constant 1 : i32
        %sub3A_218 = arith.subi %div3A_197, %sub3A_217 : i32
        %select_n3A_219 = arith.select %and3A_216, %sub3A_218, %div3A_197 : i32
        %jit3A_220 = arith.constant 8 : i32
        %eq3A_221 = arith.constant 0 : i32
        %eq3A_222 = arith.cmpi eq, %jit3A_220, %eq3A_221 : i32
        %jit3A_223 = arith.constant 1 : i32
        %select_n3A_224 = arith.select %eq3A_222, %jit3A_223, %jit3A_220 : i32
        %rem3A_225 = arith.remsi %scan3A_195, %select_n3A_224 : i32
        %ne3A_226 = arith.constant 0 : i32
        %ne3A_227 = arith.cmpi ne, %rem3A_225, %ne3A_226 : i32
        %lt3A_228 = arith.constant 0 : i32
        %lt3A_229 = arith.cmpi slt, %rem3A_225, %lt3A_228 : i32
        %lt3A_230 = arith.constant 0 : i32
        %lt3A_231 = arith.cmpi slt, %select_n3A_224, %lt3A_230 : i32
        %ne3A_232 = arith.xori %lt3A_229, %lt3A_231 : i1
        %and3A_233 = arith.andi %ne3A_232, %ne3A_227 : i1
        %add3A_234 = arith.addi %rem3A_225, %select_n3A_224 : i32
        %select_n3A_235 = arith.select %and3A_233, %add3A_234, %rem3A_225 : i32
        %broadcast_in_dim3A_236 = arith.constant 0.000000e+00 : f32
        %broadcast_in_dim3A_237 = vector.broadcast %broadcast_in_dim3A_236 : f32 to vector<16xf32>
        %mul3A_238 = arith.constant 16 : i32
        %mul3A_239 = arith.muli %select_n3A_235, %mul3A_238 : i32
        %swap3A_240 = arith.index_cast %select_n3A_219 : i32 to index
        %swap3A_241 = arith.index_cast %mul3A_239 : i32 to index
        %swap3A_242 = tpu.vector_load %arg12[%swap3A_240, %swap3A_241] {strides = array<i32>} : memref<128x128xf32, #tpu.memory_space<vmem>>, vector<16xf32>,
        tpu.vector_store %arg12[%swap3A_240, %swap3A_241], %broadcast_in_dim3A_237 {strides = array<i32>} : memref<128x128xf32, #tpu.memory_space<vmem>>, vector<16xf32>,
        %scan3A_243 = arith.constant 0 : i32
        %scan3A_244 = arith.constant 2 : i32
        %scan3A_245 = arith.addi %scan3A_156, %scan3A_244 : i32
        %jit3A_246 = arith.constant 8 : i32
        %div3A_247 = arith.divsi %scan3A_245, %jit3A_246 : i32
        %sign3A_248 = arith.constant 0 : i32
        %sign3A_249 = arith.cmpi sgt, %scan3A_245, %sign3A_248 : i32
        %sign3A_250 = arith.extui %sign3A_249 : i1 to i32
        %sign3A_251 = arith.constant 0 : i32
        %sign3A_252 = arith.cmpi slt, %scan3A_245, %sign3A_251 : i32
        %sign3A_253 = arith.extui %sign3A_252 : i1 to i32
        %sign3A_254 = arith.subi %sign3A_250, %sign3A_253 : i32
        %sign3A_255 = arith.constant 0 : i32
        %sign3A_256 = arith.cmpi sgt, %jit3A_246, %sign3A_255 : i32
        %sign3A_257 = arith.extui %sign3A_256 : i1 to i32
        %sign3A_258 = arith.constant 0 : i32
        %sign3A_259 = arith.cmpi slt, %jit3A_246, %sign3A_258 : i32
        %sign3A_260 = arith.extui %sign3A_259 : i1 to i32
        %sign3A_261 = arith.subi %sign3A_257, %sign3A_260 : i32
        %ne3A_262 = arith.cmpi ne, %sign3A_254, %sign3A_261 : i32
        %rem3A_263 = arith.remsi %scan3A_245, %jit3A_246 : i32
        %ne3A_264 = arith.constant 0 : i32
        %ne3A_265 = arith.cmpi ne, %rem3A_263, %ne3A_264 : i32
        %and3A_266 = arith.andi %ne3A_262, %ne3A_265 : i1
        %sub3A_267 = arith.constant 1 : i32
        %sub3A_268 = arith.subi %div3A_247, %sub3A_267 : i32
        %select_n3A_269 = arith.select %and3A_266, %sub3A_268, %div3A_247 : i32
        %jit3A_270 = arith.constant 8 : i32
        %eq3A_271 = arith.constant 0 : i32
        %eq3A_272 = arith.cmpi eq, %jit3A_270, %eq3A_271 : i32
        %jit3A_273 = arith.constant 1 : i32
        %select_n3A_274 = arith.select %eq3A_272, %jit3A_273, %jit3A_270 : i32
        %rem3A_275 = arith.remsi %scan3A_245, %select_n3A_274 : i32
        %ne3A_276 = arith.constant 0 : i32
        %ne3A_277 = arith.cmpi ne, %rem3A_275, %ne3A_276 : i32
        %lt3A_278 = arith.constant 0 : i32
        %lt3A_279 = arith.cmpi slt, %rem3A_275, %lt3A_278 : i32
        %lt3A_280 = arith.constant 0 : i32
        %lt3A_281 = arith.cmpi slt, %select_n3A_274, %lt3A_280 : i32
        %ne3A_282 = arith.xori %lt3A_279, %lt3A_281 : i1
        %and3A_283 = arith.andi %ne3A_282, %ne3A_277 : i1
        %add3A_284 = arith.addi %rem3A_275, %select_n3A_274 : i32
        %select_n3A_285 = arith.select %and3A_283, %add3A_284, %rem3A_275 : i32
        %broadcast_in_dim3A_286 = arith.constant 0.000000e+00 : f32
        %broadcast_in_dim3A_287 = vector.broadcast %broadcast_in_dim3A_286 : f32 to vector<16xf32>
        %mul3A_288 = arith.constant 16 : i32
        %mul3A_289 = arith.muli %select_n3A_285, %mul3A_288 : i32
        %swap3A_290 = arith.index_cast %select_n3A_269 : i32 to index
        %swap3A_291 = arith.index_cast %mul3A_289 : i32 to index
        %swap3A_292 = tpu.vector_load %arg12[%swap3A_290, %swap3A_291] {strides = array<i32>} : memref<128x128xf32, #tpu.memory_space<vmem>>, vector<16xf32>,
        tpu.vector_store %arg12[%swap3A_290, %swap3A_291], %broadcast_in_dim3A_287 {strides = array<i32>} : memref<128x128xf32, #tpu.memory_space<vmem>>, vector<16xf32>,
        %scan3A_293 = arith.constant 0 : i32
        %scan3A_294 = arith.constant 3 : i32
        %scan3A_295 = arith.addi %scan3A_156, %scan3A_294 : i32
        %jit3A_296 = arith.constant 8 : i32
        %div3A_297 = arith.divsi %scan3A_295, %jit3A_296 : i32
        %sign3A_298 = arith.constant 0 : i32
        %sign3A_299 = arith.cmpi sgt, %scan3A_295, %sign3A_298 : i32
        %sign3A_300 = arith.extui %sign3A_299 : i1 to i32
        %sign3A_301 = arith.constant 0 : i32
        %sign3A_302 = arith.cmpi slt, %scan3A_295, %sign3A_301 : i32
        %sign3A_303 = arith.extui %sign3A_302 : i1 to i32
        %sign3A_304 = arith.subi %sign3A_300, %sign3A_303 : i32
        %sign3A_305 = arith.constant 0 : i32
        %sign3A_306 = arith.cmpi sgt, %jit3A_296, %sign3A_305 : i32
        %sign3A_307 = arith.extui %sign3A_306 : i1 to i32
        %sign3A_308 = arith.constant 0 : i32
        %sign3A_309 = arith.cmpi slt, %jit3A_296, %sign3A_308 : i32
        %sign3A_310 = arith.extui %sign3A_309 : i1 to i32
        %sign3A_311 = arith.subi %sign3A_307, %sign3A_310 : i32
        %ne3A_312 = arith.cmpi ne, %sign3A_304, %sign3A_311 : i32
        %rem3A_313 = arith.remsi %scan3A_295, %jit3A_296 : i32
        %ne3A_314 = arith.constant 0 : i32
        %ne3A_315 = arith.cmpi ne, %rem3A_313, %ne3A_314 : i32
        %and3A_316 = arith.andi %ne3A_312, %ne3A_315 : i1
        %sub3A_317 = arith.constant 1 : i32
        %sub3A_318 = arith.subi %div3A_297, %sub3A_317 : i32
        %select_n3A_319 = arith.select %and3A_316, %sub3A_318, %div3A_297 : i32
        %jit3A_320 = arith.constant 8 : i32
        %eq3A_321 = arith.constant 0 : i32
        %eq3A_322 = arith.cmpi eq, %jit3A_320, %eq3A_321 : i32
        %jit3A_323 = arith.constant 1 : i32
        %select_n3A_324 = arith.select %eq3A_322, %jit3A_323, %jit3A_320 : i32
        %rem3A_325 = arith.remsi %scan3A_295, %select_n3A_324 : i32
        %ne3A_326 = arith.constant 0 : i32
        %ne3A_327 = arith.cmpi ne, %rem3A_325, %ne3A_326 : i32
        %lt3A_328 = arith.constant 0 : i32
        %lt3A_329 = arith.cmpi slt, %rem3A_325, %lt3A_328 : i32
        %lt3A_330 = arith.constant 0 : i32
        %lt3A_331 = arith.cmpi slt, %select_n3A_324, %lt3A_330 : i32
        %ne3A_332 = arith.xori %lt3A_329, %lt3A_331 : i1
        %and3A_333 = arith.andi %ne3A_332, %ne3A_327 : i1
        %add3A_334 = arith.addi %rem3A_325, %select_n3A_324 : i32
        %select_n3A_335 = arith.select %and3A_333, %add3A_334, %rem3A_325 : i32
        %broadcast_in_dim3A_336 = arith.constant 0.000000e+00 : f32
        %broadcast_in_dim3A_337 = vector.broadcast %broadcast_in_dim3A_336 : f32 to vector<16xf32>
        %mul3A_338 = arith.constant 16 : i32
        %mul3A_339 = arith.muli %select_n3A_335, %mul3A_338 : i32
        %swap3A_340 = arith.index_cast %select_n3A_319 : i32 to index
        %swap3A_341 = arith.index_cast %mul3A_339 : i32 to index
        %swap3A_342 = tpu.vector_load %arg12[%swap3A_340, %swap3A_341] {strides = array<i32>} : memref<128x128xf32, #tpu.memory_space<vmem>>, vector<16xf32>,
        tpu.vector_store %arg12[%swap3A_340, %swap3A_341], %broadcast_in_dim3A_337 {strides = array<i32>} : memref<128x128xf32, #tpu.memory_space<vmem>>, vector<16xf32>,
        %scan3A_343 = arith.constant 0 : i32
        %scan3A_344 = arith.constant 4 : i32
        %scan3A_345 = arith.addi %scan3A_156, %scan3A_344 : i32
        %jit3A_346 = arith.constant 8 : i32
        %div3A_347 = arith.divsi %scan3A_345, %jit3A_346 : i32
        %sign3A_348 = arith.constant 0 : i32
        %sign3A_349 = arith.cmpi sgt, %scan3A_345, %sign3A_348 : i32
        %sign3A_350 = arith.extui %sign3A_349 : i1 to i32
        %sign3A_351 = arith.constant 0 : i32
        %sign3A_352 = arith.cmpi slt, %scan3A_345, %sign3A_351 : i32
        %sign3A_353 = arith.extui %sign3A_352 : i1 to i32
        %sign3A_354 = arith.subi %sign3A_350, %sign3A_353 : i32
        %sign3A_355 = arith.constant 0 : i32
        %sign3A_356 = arith.cmpi sgt, %jit3A_346, %sign3A_355 : i32
        %sign3A_357 = arith.extui %sign3A_356 : i1 to i32
        %sign3A_358 = arith.constant 0 : i32
        %sign3A_359 = arith.cmpi slt, %jit3A_346, %sign3A_358 : i32
        %sign3A_360 = arith.extui %sign3A_359 : i1 to i32
        %sign3A_361 = arith.subi %sign3A_357, %sign3A_360 : i32
        %ne3A_362 = arith.cmpi ne, %sign3A_354, %sign3A_361 : i32
        %rem3A_363 = arith.remsi %scan3A_345, %jit3A_346 : i32
        %ne3A_364 = arith.constant 0 : i32
        %ne3A_365 = arith.cmpi ne, %rem3A_363, %ne3A_364 : i32
        %and3A_366 = arith.andi %ne3A_362, %ne3A_365 : i1
        %sub3A_367 = arith.constant 1 : i32
        %sub3A_368 = arith.subi %div3A_347, %sub3A_367 : i32
        %select_n3A_369 = arith.select %and3A_366, %sub3A_368, %div3A_347 : i32
        %jit3A_370 = arith.constant 8 : i32
        %eq3A_371 = arith.constant 0 : i32
        %eq3A_372 = arith.cmpi eq, %jit3A_370, %eq3A_371 : i32
        %jit3A_373 = arith.constant 1 : i32
        %select_n3A_374 = arith.select %eq3A_372, %jit3A_373, %jit3A_370 : i32
        %rem3A_375 = arith.remsi %scan3A_345, %select_n3A_374 : i32
        %ne3A_376 = arith.constant 0 : i32
        %ne3A_377 = arith.cmpi ne, %rem3A_375, %ne3A_376 : i32
        %lt3A_378 = arith.constant 0 : i32
        %lt3A_379 = arith.cmpi slt, %rem3A_375, %lt3A_378 : i32
        %lt3A_380 = arith.constant 0 : i32
        %lt3A_381 = arith.cmpi slt, %select_n3A_374, %lt3A_380 : i32
        %ne3A_382 = arith.xori %lt3A_379, %lt3A_381 : i1
        %and3A_383 = arith.andi %ne3A_382, %ne3A_377 : i1
        %add3A_384 = arith.addi %rem3A_375, %select_n3A_374 : i32
        %select_n3A_385 = arith.select %and3A_383, %add3A_384, %rem3A_375 : i32
        %broadcast_in_dim3A_386 = arith.constant 0.000000e+00 : f32
        %broadcast_in_dim3A_387 = vector.broadcast %broadcast_in_dim3A_386 : f32 to vector<16xf32>
        %mul3A_388 = arith.constant 16 : i32
        %mul3A_389 = arith.muli %select_n3A_385, %mul3A_388 : i32
        %swap3A_390 = arith.index_cast %select_n3A_369 : i32 to index
        %swap3A_391 = arith.index_cast %mul3A_389 : i32 to index
        %swap3A_392 = tpu.vector_load %arg12[%swap3A_390, %swap3A_391] {strides = array<i32>} : memref<128x128xf32, #tpu.memory_space<vmem>>, vector<16xf32>,
        tpu.vector_store %arg12[%swap3A_390, %swap3A_391], %broadcast_in_dim3A_387 {strides = array<i32>} : memref<128x128xf32, #tpu.memory_space<vmem>>, vector<16xf32>,
        %scan3A_393 = arith.constant 0 : i32
        %scan3A_394 = arith.constant 5 : i32
        %scan3A_395 = arith.addi %scan3A_156, %scan3A_394 : i32
        %jit3A_396 = arith.constant 8 : i32
        %div3A_397 = arith.divsi %scan3A_395, %jit3A_396 : i32
        %sign3A_398 = arith.constant 0 : i32
        %sign3A_399 = arith.cmpi sgt, %scan3A_395, %sign3A_398 : i32
        %sign3A_400 = arith.extui %sign3A_399 : i1 to i32
        %sign3A_401 = arith.constant 0 : i32
        %sign3A_402 = arith.cmpi slt, %scan3A_395, %sign3A_401 : i32
        %sign3A_403 = arith.extui %sign3A_402 : i1 to i32
        %sign3A_404 = arith.subi %sign3A_400, %sign3A_403 : i32
        %sign3A_405 = arith.constant 0 : i32
        %sign3A_406 = arith.cmpi sgt, %jit3A_396, %sign3A_405 : i32
        %sign3A_407 = arith.extui %sign3A_406 : i1 to i32
        %sign3A_408 = arith.constant 0 : i32
        %sign3A_409 = arith.cmpi slt, %jit3A_396, %sign3A_408 : i32
        %sign3A_410 = arith.extui %sign3A_409 : i1 to i32
        %sign3A_411 = arith.subi %sign3A_407, %sign3A_410 : i32
        %ne3A_412 = arith.cmpi ne, %sign3A_404, %sign3A_411 : i32
        %rem3A_413 = arith.remsi %scan3A_395, %jit3A_396 : i32
        %ne3A_414 = arith.constant 0 : i32
        %ne3A_415 = arith.cmpi ne, %rem3A_413, %ne3A_414 : i32
        %and3A_416 = arith.andi %ne3A_412, %ne3A_415 : i1
        %sub3A_417 = arith.constant 1 : i32
        %sub3A_418 = arith.subi %div3A_397, %sub3A_417 : i32
        %select_n3A_419 = arith.select %and3A_416, %sub3A_418, %div3A_397 : i32
        %jit3A_420 = arith.constant 8 : i32
        %eq3A_421 = arith.constant 0 : i32
        %eq3A_422 = arith.cmpi eq, %jit3A_420, %eq3A_421 : i32
        %jit3A_423 = arith.constant 1 : i32
        %select_n3A_424 = arith.select %eq3A_422, %jit3A_423, %jit3A_420 : i32
        %rem3A_425 = arith.remsi %scan3A_395, %select_n3A_424 : i32
        %ne3A_426 = arith.constant 0 : i32
        %ne3A_427 = arith.cmpi ne, %rem3A_425, %ne3A_426 : i32
        %lt3A_428 = arith.constant 0 : i32
        %lt3A_429 = arith.cmpi slt, %rem3A_425, %lt3A_428 : i32
        %lt3A_430 = arith.constant 0 : i32
        %lt3A_431 = arith.cmpi slt, %select_n3A_424, %lt3A_430 : i32
        %ne3A_432 = arith.xori %lt3A_429, %lt3A_431 : i1
        %and3A_433 = arith.andi %ne3A_432, %ne3A_427 : i1
        %add3A_434 = arith.addi %rem3A_425, %select_n3A_424 : i32
        %select_n3A_435 = arith.select %and3A_433, %add3A_434, %rem3A_425 : i32
        %broadcast_in_dim3A_436 = arith.constant 0.000000e+00 : f32
        %broadcast_in_dim3A_437 = vector.broadcast %broadcast_in_dim3A_436 : f32 to vector<16xf32>
        %mul3A_438 = arith.constant 16 : i32
        %mul3A_439 = arith.muli %select_n3A_435, %mul3A_438 : i32
        %swap3A_440 = arith.index_cast %select_n3A_419 : i32 to index
        %swap3A_441 = arith.index_cast %mul3A_439 : i32 to index
        %swap3A_442 = tpu.vector_load %arg12[%swap3A_440, %swap3A_441] {strides = array<i32>} : memref<128x128xf32, #tpu.memory_space<vmem>>, vector<16xf32>,
        tpu.vector_store %arg12[%swap3A_440, %swap3A_441], %broadcast_in_dim3A_437 {strides = array<i32>} : memref<128x128xf32, #tpu.memory_space<vmem>>, vector<16xf32>,
        %scan3A_443 = arith.constant 0 : i32
        %scan3A_444 = arith.constant 6 : i32
        %scan3A_445 = arith.addi %scan3A_156, %scan3A_444 : i32
        %jit3A_446 = arith.constant 8 : i32
        %div3A_447 = arith.divsi %scan3A_445, %jit3A_446 : i32
        %sign3A_448 = arith.constant 0 : i32
        %sign3A_449 = arith.cmpi sgt, %scan3A_445, %sign3A_448 : i32
        %sign3A_450 = arith.extui %sign3A_449 : i1 to i32
        %sign3A_451 = arith.constant 0 : i32
        %sign3A_452 = arith.cmpi slt, %scan3A_445, %sign3A_451 : i32
        %sign3A_453 = arith.extui %sign3A_452 : i1 to i32
        %sign3A_454 = arith.subi %sign3A_450, %sign3A_453 : i32
        %sign3A_455 = arith.constant 0 : i32
        %sign3A_456 = arith.cmpi sgt, %jit3A_446, %sign3A_455 : i32
        %sign3A_457 = arith.extui %sign3A_456 : i1 to i32
        %sign3A_458 = arith.constant 0 : i32
        %sign3A_459 = arith.cmpi slt, %jit3A_446, %sign3A_458 : i32
        %sign3A_460 = arith.extui %sign3A_459 : i1 to i32
        %sign3A_461 = arith.subi %sign3A_457, %sign3A_460 : i32
        %ne3A_462 = arith.cmpi ne, %sign3A_454, %sign3A_461 : i32
        %rem3A_463 = arith.remsi %scan3A_445, %jit3A_446 : i32
        %ne3A_464 = arith.constant 0 : i32
        %ne3A_465 = arith.cmpi ne, %rem3A_463, %ne3A_464 : i32
        %and3A_466 = arith.andi %ne3A_462, %ne3A_465 : i1
        %sub3A_467 = arith.constant 1 : i32
        %sub3A_468 = arith.subi %div3A_447, %sub3A_467 : i32
        %select_n3A_469 = arith.select %and3A_466, %sub3A_468, %div3A_447 : i32
        %jit3A_470 = arith.constant 8 : i32
        %eq3A_471 = arith.constant 0 : i32
        %eq3A_472 = arith.cmpi eq, %jit3A_470, %eq3A_471 : i32
        %jit3A_473 = arith.constant 1 : i32
        %select_n3A_474 = arith.select %eq3A_472, %jit3A_473, %jit3A_470 : i32
        %rem3A_475 = arith.remsi %scan3A_445, %select_n3A_474 : i32
        %ne3A_476 = arith.constant 0 : i32
        %ne3A_477 = arith.cmpi ne, %rem3A_475, %ne3A_476 : i32
        %lt3A_478 = arith.constant 0 : i32
        %lt3A_479 = arith.cmpi slt, %rem3A_475, %lt3A_478 : i32
        %lt3A_480 = arith.constant 0 : i32
        %lt3A_481 = arith.cmpi slt, %select_n3A_474, %lt3A_480 : i32
        %ne3A_482 = arith.xori %lt3A_479, %lt3A_481 : i1
        %and3A_483 = arith.andi %ne3A_482, %ne3A_477 : i1
        %add3A_484 = arith.addi %rem3A_475, %select_n3A_474 : i32
        %select_n3A_485 = arith.select %and3A_483, %add3A_484, %rem3A_475 : i32
        %broadcast_in_dim3A_486 = arith.constant 0.000000e+00 : f32
        %broadcast_in_dim3A_487 = vector.broadcast %broadcast_in_dim3A_486 : f32 to vector<16xf32>
        %mul3A_488 = arith.constant 16 : i32
        %mul3A_489 = arith.muli %select_n3A_485, %mul3A_488 : i32
        %swap3A_490 = arith.index_cast %select_n3A_469 : i32 to index
        %swap3A_491 = arith.index_cast %mul3A_489 : i32 to index
        %swap3A_492 = tpu.vector_load %arg12[%swap3A_490, %swap3A_491] {strides = array<i32>} : memref<128x128xf32, #tpu.memory_space<vmem>>, vector<16xf32>,
        tpu.vector_store %arg12[%swap3A_490, %swap3A_491], %broadcast_in_dim3A_487 {strides = array<i32>} : memref<128x128xf32, #tpu.memory_space<vmem>>, vector<16xf32>,
        %scan3A_493 = arith.constant 0 : i32
        %scan3A_494 = arith.constant 7 : i32
        %scan3A_495 = arith.addi %scan3A_156, %scan3A_494 : i32
        %jit3A_496 = arith.constant 8 : i32
        %div3A_497 = arith.divsi %scan3A_495, %jit3A_496 : i32
        %sign3A_498 = arith.constant 0 : i32
        %sign3A_499 = arith.cmpi sgt, %scan3A_495, %sign3A_498 : i32
        %sign3A_500 = arith.extui %sign3A_499 : i1 to i32
        %sign3A_501 = arith.constant 0 : i32
        %sign3A_502 = arith.cmpi slt, %scan3A_495, %sign3A_501 : i32
        %sign3A_503 = arith.extui %sign3A_502 : i1 to i32
        %sign3A_504 = arith.subi %sign3A_500, %sign3A_503 : i32
        %sign3A_505 = arith.constant 0 : i32
        %sign3A_506 = arith.cmpi sgt, %jit3A_496, %sign3A_505 : i32
        %sign3A_507 = arith.extui %sign3A_506 : i1 to i32
        %sign3A_508 = arith.constant 0 : i32
        %sign3A_509 = arith.cmpi slt, %jit3A_496, %sign3A_508 : i32
        %sign3A_510 = arith.extui %sign3A_509 : i1 to i32
        %sign3A_511 = arith.subi %sign3A_507, %sign3A_510 : i32
        %ne3A_512 = arith.cmpi ne, %sign3A_504, %sign3A_511 : i32
        %rem3A_513 = arith.remsi %scan3A_495, %jit3A_496 : i32
        %ne3A_514 = arith.constant 0 : i32
        %ne3A_515 = arith.cmpi ne, %rem3A_513, %ne3A_514 : i32
        %and3A_516 = arith.andi %ne3A_512, %ne3A_515 : i1
        %sub3A_517 = arith.constant 1 : i32
        %sub3A_518 = arith.subi %div3A_497, %sub3A_517 : i32
        %select_n3A_519 = arith.select %and3A_516, %sub3A_518, %div3A_497 : i32
        %jit3A_520 = arith.constant 8 : i32
        %eq3A_521 = arith.constant 0 : i32
        %eq3A_522 = arith.cmpi eq, %jit3A_520, %eq3A_521 : i32
        %jit3A_523 = arith.constant 1 : i32
        %select_n3A_524 = arith.select %eq3A_522, %jit3A_523, %jit3A_520 : i32
        %rem3A_525 = arith.remsi %scan3A_495, %select_n3A_524 : i32
        %ne3A_526 = arith.constant 0 : i32
        %ne3A_527 = arith.cmpi ne, %rem3A_525, %ne3A_526 : i32
        %lt3A_528 = arith.constant 0 : i32
        %lt3A_529 = arith.cmpi slt, %rem3A_525, %lt3A_528 : i32
        %lt3A_530 = arith.constant 0 : i32
        %lt3A_531 = arith.cmpi slt, %select_n3A_524, %lt3A_530 : i32
        %ne3A_532 = arith.xori %lt3A_529, %lt3A_531 : i1
        %and3A_533 = arith.andi %ne3A_532, %ne3A_527 : i1
        %add3A_534 = arith.addi %rem3A_525, %select_n3A_524 : i32
        %select_n3A_535 = arith.select %and3A_533, %add3A_534, %rem3A_525 : i32
        %broadcast_in_dim3A_536 = arith.constant 0.000000e+00 : f32
        %broadcast_in_dim3A_537 = vector.broadcast %broadcast_in_dim3A_536 : f32 to vector<16xf32>
        %mul3A_538 = arith.constant 16 : i32
        %mul3A_539 = arith.muli %select_n3A_535, %mul3A_538 : i32
        %swap3A_540 = arith.index_cast %select_n3A_519 : i32 to index
        %swap3A_541 = arith.index_cast %mul3A_539 : i32 to index
        %swap3A_542 = tpu.vector_load %arg12[%swap3A_540, %swap3A_541] {strides = array<i32>} : memref<128x128xf32, #tpu.memory_space<vmem>>, vector<16xf32>,
        tpu.vector_store %arg12[%swap3A_540, %swap3A_541], %broadcast_in_dim3A_537 {strides = array<i32>} : memref<128x128xf32, #tpu.memory_space<vmem>>, vector<16xf32>,
        %scan3A_543 = arith.constant 0 : i32
        scf.yield %scan3A_543 : i32
      }
      %scan3A_46 = arith.constant 1024 : i32
      %mul3A_47 = arith.constant 640 : i32
      %mul3A_48 = arith.muli %arg1, %mul3A_47 : i32
      %add3A_49 = arith.constant 0 : i32
      %add3A_50 = arith.addi %mul3A_48, %add3A_49 : i32
      %dma_start3A = arith.constant 0 : i32
      %dma_start3A_51 = tpu.memref_slice %arg5[%add3A_50, %dma_start3A] : memref<10240x128xf32, #tpu.memory_space<vmem_shared>> -> memref<128x128xf32, #tpu.memory_space<vmem_shared>>
      %dma_start3A_52 = arith.constant 0 : i32
      %dma_start3A_53 = tpu.memref_slice %arg5[%add3A_50, %dma_start3A_52] : memref<10240x128xf32, #tpu.memory_space<vmem_shared>> -> memref<128x128xf32, #tpu.memory_space<vmem_shared>>
      tpu.enqueue_dma source(%arg12 : memref<128x128xf32, #tpu.memory_space<vmem>>) target(%dma_start3A_53 : memref<128x128xf32, #tpu.memory_space<vmem_shared>>) target_semaphore(%arg18 : memref<!tpu.dma_semaphore, #tpu.memory_space<semaphore_mem>>)
      %mul3A_54 = arith.constant 640 : i32
      %mul3A_55 = arith.muli %arg1, %mul3A_54 : i32
      %add3A_56 = arith.constant 128 : i32
      %add3A_57 = arith.addi %mul3A_55, %add3A_56 : i32
      %dma_start3A_58 = arith.constant 0 : i32
      %dma_start3A_59 = tpu.memref_slice %arg5[%add3A_57, %dma_start3A_58] : memref<10240x128xf32, #tpu.memory_space<vmem_shared>> -> memref<128x128xf32, #tpu.memory_space<vmem_shared>>
      %dma_start3A_60 = arith.constant 0 : i32
      %dma_start3A_61 = tpu.memref_slice %arg5[%add3A_57, %dma_start3A_60] : memref<10240x128xf32, #tpu.memory_space<vmem_shared>> -> memref<128x128xf32, #tpu.memory_space<vmem_shared>>
      tpu.enqueue_dma source(%arg12 : memref<128x128xf32, #tpu.memory_space<vmem>>) target(%dma_start3A_61 : memref<128x128xf32, #tpu.memory_space<vmem_shared>>) target_semaphore(%arg18 : memref<!tpu.dma_semaphore, #tpu.memory_space<semaphore_mem>>)
      %mul3A_62 = arith.constant 640 : i32
      %mul3A_63 = arith.muli %arg1, %mul3A_62 : i32
      %add3A_64 = arith.constant 256 : i32
      %add3A_65 = arith.addi %mul3A_63, %add3A_64 : i32
      %dma_start3A_66 = arith.constant 0 : i32
      %dma_start3A_67 = tpu.memref_slice %arg5[%add3A_65, %dma_start3A_66] : memref<10240x128xf32, #tpu.memory_space<vmem_shared>> -> memref<128x128xf32, #tpu.memory_space<vmem_shared>>
      %dma_start3A_68 = arith.constant 0 : i32
      %dma_start3A_69 = tpu.memref_slice %arg5[%add3A_65, %dma_start3A_68] : memref<10240x128xf32, #tpu.memory_space<vmem_shared>> -> memref<128x128xf32, #tpu.memory_space<vmem_shared>>
      tpu.enqueue_dma source(%arg12 : memref<128x128xf32, #tpu.memory_space<vmem>>) target(%dma_start3A_69 : memref<128x128xf32, #tpu.memory_space<vmem_shared>>) target_semaphore(%arg18 : memref<!tpu.dma_semaphore, #tpu.memory_space<semaphore_mem>>)
      %mul3A_70 = arith.constant 640 : i32
      %mul3A_71 = arith.muli %arg1, %mul3A_70 : i32
      %add3A_72 = arith.constant 384 : i32
      %add3A_73 = arith.addi %mul3A_71, %add3A_72 : i32
      %dma_start3A_74 = arith.constant 0 : i32
      %dma_start3A_75 = tpu.memref_slice %arg5[%add3A_73, %dma_start3A_74] : memref<10240x128xf32, #tpu.memory_space<vmem_shared>> -> memref<128x128xf32, #tpu.memory_space<vmem_shared>>
      %dma_start3A_76 = arith.constant 0 : i32
      %dma_start3A_77 = tpu.memref_slice %arg5[%add3A_73, %dma_start3A_76] : memref<10240x128xf32, #tpu.memory_space<vmem_shared>> -> memref<128x128xf32, #tpu.memory_space<vmem_shared>>
      tpu.enqueue_dma source(%arg12 : memref<128x128xf32, #tpu.memory_space<vmem>>) target(%dma_start3A_77 : memref<128x128xf32, #tpu.memory_space<vmem_shared>>) target_semaphore(%arg18 : memref<!tpu.dma_semaphore, #tpu.memory_space<semaphore_mem>>)
      %mul3A_78 = arith.constant 640 : i32
      %mul3A_79 = arith.muli %arg1, %mul3A_78 : i32
      %add3A_80 = arith.constant 512 : i32
      %add3A_81 = arith.addi %mul3A_79, %add3A_80 : i32
      %dma_start3A_82 = arith.constant 0 : i32
      %dma_start3A_83 = tpu.memref_slice %arg5[%add3A_81, %dma_start3A_82] : memref<10240x128xf32, #tpu.memory_space<vmem_shared>> -> memref<128x128xf32, #tpu.memory_space<vmem_shared>>
      %dma_start3A_84 = arith.constant 0 : i32
      %dma_start3A_85 = tpu.memref_slice %arg5[%add3A_81, %dma_start3A_84] : memref<10240x128xf32, #tpu.memory_space<vmem_shared>> -> memref<128x128xf32, #tpu.memory_space<vmem_shared>>
      tpu.enqueue_dma source(%arg12 : memref<128x128xf32, #tpu.memory_space<vmem>>) target(%dma_start3A_85 : memref<128x128xf32, #tpu.memory_space<vmem_shared>>) target_semaphore(%arg18 : memref<!tpu.dma_semaphore, #tpu.memory_space<semaphore_mem>>)
      %mul3A_86 = arith.constant 640 : i32
      %mul3A_87 = arith.muli %arg1, %mul3A_86 : i32
      %add3A_88 = arith.constant 0 : i32
      %add3A_89 = arith.addi %mul3A_87, %add3A_88 : i32
      %dma_wait3A = arith.constant 0 : i32
      %dma_wait3A_90 = tpu.memref_slice %arg5[%add3A_89, %dma_wait3A] : memref<10240x128xf32, #tpu.memory_space<vmem_shared>> -> memref<128x128xf32, #tpu.memory_space<vmem_shared>>
      %dma_wait3A_91 = arith.constant 0 : i32
      %dma_wait3A_92 = tpu.memref_slice %arg5[%add3A_89, %dma_wait3A_91] : memref<10240x128xf32, #tpu.memory_space<vmem_shared>> -> memref<128x128xf32, #tpu.memory_space<vmem_shared>>
      tpu.wait_dma2 semaphore(%arg18 : memref<!tpu.dma_semaphore, #tpu.memory_space<semaphore_mem>>) src(%arg12 : memref<128x128xf32, #tpu.memory_space<vmem>>) dst(%dma_wait3A_92 : memref<128x128xf32, #tpu.memory_space<vmem_shared>>)
      %mul3A_93 = arith.constant 640 : i32
      %mul3A_94 = arith.muli %arg1, %mul3A_93 : i32
      %add3A_95 = arith.constant 128 : i32
      %add3A_96 = arith.addi %mul3A_94, %add3A_95 : i32
      %dma_wait3A_97 = arith.constant 0 : i32
      %dma_wait3A_98 = tpu.memref_slice %arg5[%add3A_96, %dma_wait3A_97] : memref<10240x128xf32, #tpu.memory_space<vmem_shared>> -> memref<128x128xf32, #tpu.memory_space<vmem_shared>>
      %dma_wait3A_99 = arith.constant 0 : i32
      %dma_wait3A_100 = tpu.memref_slice %arg5[%add3A_96, %dma_wait3A_99] : memref<10240x128xf32, #tpu.memory_space<vmem_shared>> -> memref<128x128xf32, #tpu.memory_space<vmem_shared>>
      tpu.wait_dma2 semaphore(%arg18 : memref<!tpu.dma_semaphore, #tpu.memory_space<semaphore_mem>>) src(%arg12 : memref<128x128xf32, #tpu.memory_space<vmem>>) dst(%dma_wait3A_100 : memref<128x128xf32, #tpu.memory_space<vmem_shared>>)
      %mul3A_101 = arith.constant 640 : i32
      %mul3A_102 = arith.muli %arg1, %mul3A_101 : i32
      %add3A_103 = arith.constant 256 : i32
      %add3A_104 = arith.addi %mul3A_102, %add3A_103 : i32
      %dma_wait3A_105 = arith.constant 0 : i32
      %dma_wait3A_106 = tpu.memref_slice %arg5[%add3A_104, %dma_wait3A_105] : memref<10240x128xf32, #tpu.memory_space<vmem_shared>> -> memref<128x128xf32, #tpu.memory_space<vmem_shared>>
      %dma_wait3A_107 = arith.constant 0 : i32
      %dma_wait3A_108 = tpu.memref_slice %arg5[%add3A_104, %dma_wait3A_107] : memref<10240x128xf32, #tpu.memory_space<vmem_shared>> -> memref<128x128xf32, #tpu.memory_space<vmem_shared>>
      tpu.wait_dma2 semaphore(%arg18 : memref<!tpu.dma_semaphore, #tpu.memory_space<semaphore_mem>>) src(%arg12 : memref<128x128xf32, #tpu.memory_space<vmem>>) dst(%dma_wait3A_108 : memref<128x128xf32, #tpu.memory_space<vmem_shared>>)
      %mul3A_109 = arith.constant 640 : i32
      %mul3A_110 = arith.muli %arg1, %mul3A_109 : i32
      %add3A_111 = arith.constant 384 : i32
      %add3A_112 = arith.addi %mul3A_110, %add3A_111 : i32
      %dma_wait3A_113 = arith.constant 0 : i32
      %dma_wait3A_114 = tpu.memref_slice %arg5[%add3A_112, %dma_wait3A_113] : memref<10240x128xf32, #tpu.memory_space<vmem_shared>> -> memref<128x128xf32, #tpu.memory_space<vmem_shared>>
      %dma_wait3A_115 = arith.constant 0 : i32
      %dma_wait3A_116 = tpu.memref_slice %arg5[%add3A_112, %dma_wait3A_115] : memref<10240x128xf32, #tpu.memory_space<vmem_shared>> -> memref<128x128xf32, #tpu.memory_space<vmem_shared>>
      tpu.wait_dma2 semaphore(%arg18 : memref<!tpu.dma_semaphore, #tpu.memory_space<semaphore_mem>>) src(%arg12 : memref<128x128xf32, #tpu.memory_space<vmem>>) dst(%dma_wait3A_116 : memref<128x128xf32, #tpu.memory_space<vmem_shared>>)
      %mul3A_117 = arith.constant 640 : i32
      %mul3A_118 = arith.muli %arg1, %mul3A_117 : i32
      %add3A_119 = arith.constant 512 : i32
      %add3A_120 = arith.addi %mul3A_118, %add3A_119 : i32
      %dma_wait3A_121 = arith.constant 0 : i32
      %dma_wait3A_122 = tpu.memref_slice %arg5[%add3A_120, %dma_wait3A_121] : memref<10240x128xf32, #tpu.memory_space<vmem_shared>> -> memref<128x128xf32, #tpu.memory_space<vmem_shared>>
      %dma_wait3A_123 = arith.constant 0 : i32
      %dma_wait3A_124 = tpu.memref_slice %arg5[%add3A_120, %dma_wait3A_123] : memref<10240x128xf32, #tpu.memory_space<vmem_shared>> -> memref<128x128xf32, #tpu.memory_space<vmem_shared>>
      tpu.wait_dma2 semaphore(%arg18 : memref<!tpu.dma_semaphore, #tpu.memory_space<semaphore_mem>>) src(%arg12 : memref<128x128xf32, #tpu.memory_space<vmem>>) dst(%dma_wait3A_124 : memref<128x128xf32, #tpu.memory_space<vmem_shared>>)
      %barrier3A = arith.constant 0 : index
      tpu.barrier barrier_id(%barrier3A)
      %add3A_125 = arith.constant 0 : i32
      %add3A_126 = arith.addi %add3A_6, %add3A_125 : i32
      %multiple_of3A_127 = tpu.assume_multiple %add3A_126, 2560 : i32
      %add3A_128 = arith.constant 0 : i32
      %add3A_129 = arith.addi %add3A_15, %add3A_128 : i32
      %multiple_of3A_130 = tpu.assume_multiple %add3A_129, 2560 : i32
      %dma_start3A_131 = tpu.memref_slice %arg3[%multiple_of3A_127] : memref<1638400xi32, #tpu.memory_space<hbm>> -> memref<2560xi32, #tpu.memory_space<hbm>>
      %dma_start3A_132 = tpu.memref_slice %arg3[%multiple_of3A_127] : memref<1638400xi32, #tpu.memory_space<hbm>> -> memref<2560xi32, #tpu.memory_space<hbm>>
      tpu.enqueue_dma source(%dma_start3A_132 : memref<2560xi32, #tpu.memory_space<hbm>>) target(%arg6 : memref<2560xi32, #tpu.memory_space<vmem>>) target_semaphore(%arg16 : memref<!tpu.dma_semaphore, #tpu.memory_space<semaphore_mem>>)
      %dma_start3A_133 = tpu.memref_slice %arg3[%multiple_of3A_130] : memref<1638400xi32, #tpu.memory_space<hbm>> -> memref<2560xi32, #tpu.memory_space<hbm>>
      %dma_start3A_134 = tpu.memref_slice %arg3[%multiple_of3A_130] : memref<1638400xi32, #tpu.memory_space<hbm>> -> memref<2560xi32, #tpu.memory_space<hbm>>
      tpu.enqueue_dma source(%dma_start3A_134 : memref<2560xi32, #tpu.memory_space<hbm>>) target(%arg7 : memref<2560xi32, #tpu.memory_space<vmem>>) target_semaphore(%arg17 : memref<!tpu.dma_semaphore, #tpu.memory_space<semaphore_mem>>)
      %scan3A_135 = arith.constant 0 : i32
      %scan3A_136 = arith.constant 0 : i32
      %scan3A_137 = arith.constant 10 : i32
      %scan3A_138 = arith.addi %scan3A_136, %scan3A_137 : i32
      %scan3A_139 = arith.constant 1 : i32
      %scan3A_140 = scf.for %scan3A_156 = %scan3A_136 to %scan3A_138 step %scan3A_139 iter_args(%scan3A_157 = %scan3A_135) -> (i32)  : i32 {
        %and3A = arith.constant 1 : i32
        %and3A_158 = arith.andi %scan3A_156, %and3A : i32
        %eq3A = arith.constant 0 : i32
        %eq3A_159 = arith.cmpi eq, %and3A_158, %eq3A : i32
        %convert_element_type3A_160 = arith.extui %eq3A_159 : i1 to i32
        %cond3A_161 = arith.constant 0 : i32
        %cond3A_162 = arith.cmpi ne, %convert_element_type3A_160, %cond3A_161 : i32
        scf.if %cond3A_162 {
          %dma_wait3A_210 = arith.constant 0 : i32
          %dma_wait3A_211 = tpu.memref_slice %arg3[%dma_wait3A_210] : memref<1638400xi32, #tpu.memory_space<hbm>> -> memref<2560xi32, #tpu.memory_space<hbm>>
          %dma_wait3A_212 = arith.constant 0 : i32
          %dma_wait3A_213 = tpu.memref_slice %arg3[%dma_wait3A_212] : memref<1638400xi32, #tpu.memory_space<hbm>> -> memref<2560xi32, #tpu.memory_space<hbm>>
          tpu.wait_dma2 semaphore(%arg16 : memref<!tpu.dma_semaphore, #tpu.memory_space<semaphore_mem>>) src(%dma_wait3A_213 : memref<2560xi32, #tpu.memory_space<hbm>>) dst(%arg6 : memref<2560xi32, #tpu.memory_space<vmem>>)
          %dma_wait3A_214 = arith.constant 0 : i32
          %dma_wait3A_215 = tpu.memref_slice %arg3[%dma_wait3A_214] : memref<1638400xi32, #tpu.memory_space<hbm>> -> memref<2560xi32, #tpu.memory_space<hbm>>
          %dma_wait3A_216 = arith.constant 0 : i32
          %dma_wait3A_217 = tpu.memref_slice %arg3[%dma_wait3A_216] : memref<1638400xi32, #tpu.memory_space<hbm>> -> memref<2560xi32, #tpu.memory_space<hbm>>
          tpu.wait_dma2 semaphore(%arg17 : memref<!tpu.dma_semaphore, #tpu.memory_space<semaphore_mem>>) src(%dma_wait3A_217 : memref<2560xi32, #tpu.memory_space<hbm>>) dst(%arg7 : memref<2560xi32, #tpu.memory_space<vmem>>)
          %add3A_218 = arith.constant 1 : i32
          %add3A_219 = arith.addi %scan3A_156, %add3A_218 : i32
          %lt3A = arith.constant 10 : i32
          %lt3A_220 = arith.cmpi slt, %add3A_219, %lt3A : i32
          %convert_element_type3A_221 = arith.extui %lt3A_220 : i1 to i32
          %cond3A_222 = arith.constant 0 : i32
          %cond3A_223 = arith.cmpi ne, %convert_element_type3A_221, %cond3A_222 : i32
          scf.if %cond3A_223 {
            %add3A_232 = arith.constant 1 : i32
            %add3A_233 = arith.addi %scan3A_156, %add3A_232 : i32
            %mul3A_234 = arith.constant 2560 : i32
            %mul3A_235 = arith.muli %add3A_233, %mul3A_234 : i32
            %add3A_236 = arith.addi %add3A_6, %mul3A_235 : i32
            %multiple_of3A_237 = tpu.assume_multiple %add3A_236, 2560 : i32
            %mul3A_238 = arith.constant 2560 : i32
            %mul3A_239 = arith.muli %add3A_233, %mul3A_238 : i32
            %add3A_240 = arith.addi %add3A_15, %mul3A_239 : i32
            %multiple_of3A_241 = tpu.assume_multiple %add3A_240, 2560 : i32
            %dma_start3A_242 = tpu.memref_slice %arg3[%multiple_of3A_237] : memref<1638400xi32, #tpu.memory_space<hbm>> -> memref<2560xi32, #tpu.memory_space<hbm>>
            %dma_start3A_243 = tpu.memref_slice %arg3[%multiple_of3A_237] : memref<1638400xi32, #tpu.memory_space<hbm>> -> memref<2560xi32, #tpu.memory_space<hbm>>
            tpu.enqueue_dma source(%dma_start3A_243 : memref<2560xi32, #tpu.memory_space<hbm>>) target(%arg8 : memref<2560xi32, #tpu.memory_space<vmem>>) target_semaphore(%arg16 : memref<!tpu.dma_semaphore, #tpu.memory_space<semaphore_mem>>)
            %dma_start3A_244 = tpu.memref_slice %arg3[%multiple_of3A_241] : memref<1638400xi32, #tpu.memory_space<hbm>> -> memref<2560xi32, #tpu.memory_space<hbm>>
            %dma_start3A_245 = tpu.memref_slice %arg3[%multiple_of3A_241] : memref<1638400xi32, #tpu.memory_space<hbm>> -> memref<2560xi32, #tpu.memory_space<hbm>>
            tpu.enqueue_dma source(%dma_start3A_245 : memref<2560xi32, #tpu.memory_space<hbm>>) target(%arg9 : memref<2560xi32, #tpu.memory_space<vmem>>) target_semaphore(%arg17 : memref<!tpu.dma_semaphore, #tpu.memory_space<semaphore_mem>>)
          } else {
          }
          %scan3A_224 = arith.constant 0 : i32
          %scan3A_225 = arith.constant 160 : i32
          %scan3A_226 = arith.addi %scan3A_224, %scan3A_225 : i32
          %scan3A_227 = arith.constant 8 : i32
          %scan3A_228 = scf.for %scan3A_232 = %scan3A_224 to %scan3A_226 step %scan3A_227 iter_args(%scan3A_233 = %scan3A_157) -> (i32)  : i32 {
            %mul3A_234 = arith.constant 16 : i32
            %mul3A_235 = arith.muli %scan3A_232, %mul3A_234 : i32
            %get3A_236 = arith.index_cast %mul3A_235 : i32 to index
            %get3A_237 = tpu.vector_load %arg6[%get3A_236] {strides = array<i32>} : memref<2560xi32, #tpu.memory_space<vmem>>, vector<16xi32>,
            %mul3A_238 = arith.constant 16 : i32
            %mul3A_239 = arith.muli %scan3A_232, %mul3A_238 : i32
            %get3A_240 = arith.index_cast %mul3A_239 : i32 to index
            %get3A_241 = tpu.vector_load %arg7[%get3A_240] {strides = array<i32>} : memref<2560xi32, #tpu.memory_space<vmem>>, vector<16xi32>,
            %sub3A_242 = vector.broadcast %multiple_of3A : i32 to vector<16xi32>
            %sub3A_243 = arith.subi %get3A_241, %sub3A_242 : vector<16xi32>
            %sub3A_244 = arith.subi %min3A_39, %multiple_of3A : i32
            %lt3A_245 = vector.broadcast %sub3A_244 : i32 to vector<16xi32>
            %lt3A_246 = arith.cmpi ult, %sub3A_243, %lt3A_245 : vector<16xi32>
            %add3A_247 = vector.broadcast %mul3A_17 : i32 to vector<16xi32>
            %add3A_248 = arith.addi %get3A_237, %add3A_247 : vector<16xi32>
            %swap3A_249 = arith.index_cast %scan3A_233 : i32 to index
            %swap3A_250 = tpu.vector_load %arg10[%swap3A_249] masked %lt3A_246 {strides = array<i32>} : memref<2816xi32, #tpu.memory_space<vmem>>, vector<16xi32>, vector<16xi1>
            tpu.vector_store %arg10[%swap3A_249], %add3A_248 masked %lt3A_246 {strides = array<i32>} : memref<2816xi32, #tpu.memory_space<vmem>>, vector<16xi32>, vector<16xi1>
            %swap3A_251 = arith.index_cast %scan3A_233 : i32 to index
            %swap3A_252 = tpu.vector_load %arg11[%swap3A_251] masked %lt3A_246 {strides = array<i32>} : memref<2816xi32, #tpu.memory_space<vmem>>, vector<16xi32>, vector<16xi1>
            tpu.vector_store %arg11[%swap3A_251], %sub3A_243 masked %lt3A_246 {strides = array<i32>} : memref<2816xi32, #tpu.memory_space<vmem>>, vector<16xi32>, vector<16xi1>
            %all_reduce_population_count3A = tpu.all_reduce %lt3A_246 {dim = 0 : i64, kind = #tpu.reduction_kind<sum>} : vector<16xi1> -> vector<16xi32>
            %slice3A = vector.extract_strided_slice %all_reduce_population_count3A {offsets = [0], sizes = [1], strides = [1]} : vector<16xi32> to vector<1xi32>
            %squeeze3A = vector.extract %slice3A[0] : i32 from vector<1xi32>
            %add3A_253 = arith.addi %scan3A_233, %squeeze3A : i32
            %scan3A_254 = arith.constant 1 : i32
            %scan3A_255 = arith.addi %scan3A_232, %scan3A_254 : i32
            %mul3A_256 = arith.constant 16 : i32
            %mul3A_257 = arith.muli %scan3A_255, %mul3A_256 : i32
            %get3A_258 = arith.index_cast %mul3A_257 : i32 to index
            %get3A_259 = tpu.vector_load %arg6[%get3A_258] {strides = array<i32>} : memref<2560xi32, #tpu.memory_space<vmem>>, vector<16xi32>,
            %mul3A_260 = arith.constant 16 : i32
            %mul3A_261 = arith.muli %scan3A_255, %mul3A_260 : i32
            %get3A_262 = arith.index_cast %mul3A_261 : i32 to index
            %get3A_263 = tpu.vector_load %arg7[%get3A_262] {strides = array<i32>} : memref<2560xi32, #tpu.memory_space<vmem>>, vector<16xi32>,
            %sub3A_264 = vector.broadcast %multiple_of3A : i32 to vector<16xi32>
            %sub3A_265 = arith.subi %get3A_263, %sub3A_264 : vector<16xi32>
            %sub3A_266 = arith.subi %min3A_39, %multiple_of3A : i32
            %lt3A_267 = vector.broadcast %sub3A_266 : i32 to vector<16xi32>
            %lt3A_268 = arith.cmpi ult, %sub3A_265, %lt3A_267 : vector<16xi32>
            %add3A_269 = vector.broadcast %mul3A_17 : i32 to vector<16xi32>
            %add3A_270 = arith.addi %get3A_259, %add3A_269 : vector<16xi32>
            %swap3A_271 = arith.index_cast %add3A_253 : i32 to index
            %swap3A_272 = tpu.vector_load %arg10[%swap3A_271] masked %lt3A_268 {strides = array<i32>} : memref<2816xi32, #tpu.memory_space<vmem>>, vector<16xi32>, vector<16xi1>
            tpu.vector_store %arg10[%swap3A_271], %add3A_270 masked %lt3A_268 {strides = array<i32>} : memref<2816xi32, #tpu.memory_space<vmem>>, vector<16xi32>, vector<16xi1>
            %swap3A_273 = arith.index_cast %add3A_253 : i32 to index
            %swap3A_274 = tpu.vector_load %arg11[%swap3A_273] masked %lt3A_268 {strides = array<i32>} : memref<2816xi32, #tpu.memory_space<vmem>>, vector<16xi32>, vector<16xi1>
            tpu.vector_store %arg11[%swap3A_273], %sub3A_265 masked %lt3A_268 {strides = array<i32>} : memref<2816xi32, #tpu.memory_space<vmem>>, vector<16xi32>, vector<16xi1>
            %all_reduce_population_count3A_275 = tpu.all_reduce %lt3A_268 {dim = 0 : i64, kind = #tpu.reduction_kind<sum>} : vector<16xi1> -> vector<16xi32>
            %slice3A_276 = vector.extract_strided_slice %all_reduce_population_count3A_275 {offsets = [0], sizes = [1], strides = [1]} : vector<16xi32> to vector<1xi32>
            %squeeze3A_277 = vector.extract %slice3A_276[0] : i32 from vector<1xi32>
            %add3A_278 = arith.addi %add3A_253, %squeeze3A_277 : i32
            %scan3A_279 = arith.constant 2 : i32
            %scan3A_280 = arith.addi %scan3A_232, %scan3A_279 : i32
            %mul3A_281 = arith.constant 16 : i32
            %mul3A_282 = arith.muli %scan3A_280, %mul3A_281 : i32
            %get3A_283 = arith.index_cast %mul3A_282 : i32 to index
            %get3A_284 = tpu.vector_load %arg6[%get3A_283] {strides = array<i32>} : memref<2560xi32, #tpu.memory_space<vmem>>, vector<16xi32>,
            %mul3A_285 = arith.constant 16 : i32
            %mul3A_286 = arith.muli %scan3A_280, %mul3A_285 : i32
            %get3A_287 = arith.index_cast %mul3A_286 : i32 to index
            %get3A_288 = tpu.vector_load %arg7[%get3A_287] {strides = array<i32>} : memref<2560xi32, #tpu.memory_space<vmem>>, vector<16xi32>,
            %sub3A_289 = vector.broadcast %multiple_of3A : i32 to vector<16xi32>
            %sub3A_290 = arith.subi %get3A_288, %sub3A_289 : vector<16xi32>
            %sub3A_291 = arith.subi %min3A_39, %multiple_of3A : i32
            %lt3A_292 = vector.broadcast %sub3A_291 : i32 to vector<16xi32>
            %lt3A_293 = arith.cmpi ult, %sub3A_290, %lt3A_292 : vector<16xi32>
            %add3A_294 = vector.broadcast %mul3A_17 : i32 to vector<16xi32>
            %add3A_295 = arith.addi %get3A_284, %add3A_294 : vector<16xi32>
            %swap3A_296 = arith.index_cast %add3A_278 : i32 to index
            %swap3A_297 = tpu.vector_load %arg10[%swap3A_296] masked %lt3A_293 {strides = array<i32>} : memref<2816xi32, #tpu.memory_space<vmem>>, vector<16xi32>, vector<16xi1>
            tpu.vector_store %arg10[%swap3A_296], %add3A_295 masked %lt3A_293 {strides = array<i32>} : memref<2816xi32, #tpu.memory_space<vmem>>, vector<16xi32>, vector<16xi1>
            %swap3A_298 = arith.index_cast %add3A_278 : i32 to index
            %swap3A_299 = tpu.vector_load %arg11[%swap3A_298] masked %lt3A_293 {strides = array<i32>} : memref<2816xi32, #tpu.memory_space<vmem>>, vector<16xi32>, vector<16xi1>
            tpu.vector_store %arg11[%swap3A_298], %sub3A_290 masked %lt3A_293 {strides = array<i32>} : memref<2816xi32, #tpu.memory_space<vmem>>, vector<16xi32>, vector<16xi1>
            %all_reduce_population_count3A_300 = tpu.all_reduce %lt3A_293 {dim = 0 : i64, kind = #tpu.reduction_kind<sum>} : vector<16xi1> -> vector<16xi32>
            %slice3A_301 = vector.extract_strided_slice %all_reduce_population_count3A_300 {offsets = [0], sizes = [1], strides = [1]} : vector<16xi32> to vector<1xi32>
            %squeeze3A_302 = vector.extract %slice3A_301[0] : i32 from vector<1xi32>
            %add3A_303 = arith.addi %add3A_278, %squeeze3A_302 : i32
            %scan3A_304 = arith.constant 3 : i32
            %scan3A_305 = arith.addi %scan3A_232, %scan3A_304 : i32
            %mul3A_306 = arith.constant 16 : i32
            %mul3A_307 = arith.muli %scan3A_305, %mul3A_306 : i32
            %get3A_308 = arith.index_cast %mul3A_307 : i32 to index
            %get3A_309 = tpu.vector_load %arg6[%get3A_308] {strides = array<i32>} : memref<2560xi32, #tpu.memory_space<vmem>>, vector<16xi32>,
            %mul3A_310 = arith.constant 16 : i32
            %mul3A_311 = arith.muli %scan3A_305, %mul3A_310 : i32
            %get3A_312 = arith.index_cast %mul3A_311 : i32 to index
            %get3A_313 = tpu.vector_load %arg7[%get3A_312] {strides = array<i32>} : memref<2560xi32, #tpu.memory_space<vmem>>, vector<16xi32>,
            %sub3A_314 = vector.broadcast %multiple_of3A : i32 to vector<16xi32>
            %sub3A_315 = arith.subi %get3A_313, %sub3A_314 : vector<16xi32>
            %sub3A_316 = arith.subi %min3A_39, %multiple_of3A : i32
            %lt3A_317 = vector.broadcast %sub3A_316 : i32 to vector<16xi32>
            %lt3A_318 = arith.cmpi ult, %sub3A_315, %lt3A_317 : vector<16xi32>
            %add3A_319 = vector.broadcast %mul3A_17 : i32 to vector<16xi32>
            %add3A_320 = arith.addi %get3A_309, %add3A_319 : vector<16xi32>
            %swap3A_321 = arith.index_cast %add3A_303 : i32 to index
            %swap3A_322 = tpu.vector_load %arg10[%swap3A_321] masked %lt3A_318 {strides = array<i32>} : memref<2816xi32, #tpu.memory_space<vmem>>, vector<16xi32>, vector<16xi1>
            tpu.vector_store %arg10[%swap3A_321], %add3A_320 masked %lt3A_318 {strides = array<i32>} : memref<2816xi32, #tpu.memory_space<vmem>>, vector<16xi32>, vector<16xi1>
            %swap3A_323 = arith.index_cast %add3A_303 : i32 to index
            %swap3A_324 = tpu.vector_load %arg11[%swap3A_323] masked %lt3A_318 {strides = array<i32>} : memref<2816xi32, #tpu.memory_space<vmem>>, vector<16xi32>, vector<16xi1>
            tpu.vector_store %arg11[%swap3A_323], %sub3A_315 masked %lt3A_318 {strides = array<i32>} : memref<2816xi32, #tpu.memory_space<vmem>>, vector<16xi32>, vector<16xi1>
            %all_reduce_population_count3A_325 = tpu.all_reduce %lt3A_318 {dim = 0 : i64, kind = #tpu.reduction_kind<sum>} : vector<16xi1> -> vector<16xi32>
            %slice3A_326 = vector.extract_strided_slice %all_reduce_population_count3A_325 {offsets = [0], sizes = [1], strides = [1]} : vector<16xi32> to vector<1xi32>
            %squeeze3A_327 = vector.extract %slice3A_326[0] : i32 from vector<1xi32>
            %add3A_328 = arith.addi %add3A_303, %squeeze3A_327 : i32
            %scan3A_329 = arith.constant 4 : i32
            %scan3A_330 = arith.addi %scan3A_232, %scan3A_329 : i32
            %mul3A_331 = arith.constant 16 : i32
            %mul3A_332 = arith.muli %scan3A_330, %mul3A_331 : i32
            %get3A_333 = arith.index_cast %mul3A_332 : i32 to index
            %get3A_334 = tpu.vector_load %arg6[%get3A_333] {strides = array<i32>} : memref<2560xi32, #tpu.memory_space<vmem>>, vector<16xi32>,
            %mul3A_335 = arith.constant 16 : i32
            %mul3A_336 = arith.muli %scan3A_330, %mul3A_335 : i32
            %get3A_337 = arith.index_cast %mul3A_336 : i32 to index
            %get3A_338 = tpu.vector_load %arg7[%get3A_337] {strides = array<i32>} : memref<2560xi32, #tpu.memory_space<vmem>>, vector<16xi32>,
            %sub3A_339 = vector.broadcast %multiple_of3A : i32 to vector<16xi32>
            %sub3A_340 = arith.subi %get3A_338, %sub3A_339 : vector<16xi32>
            %sub3A_341 = arith.subi %min3A_39, %multiple_of3A : i32
            %lt3A_342 = vector.broadcast %sub3A_341 : i32 to vector<16xi32>
            %lt3A_343 = arith.cmpi ult, %sub3A_340, %lt3A_342 : vector<16xi32>
            %add3A_344 = vector.broadcast %mul3A_17 : i32 to vector<16xi32>
            %add3A_345 = arith.addi %get3A_334, %add3A_344 : vector<16xi32>
            %swap3A_346 = arith.index_cast %add3A_328 : i32 to index
            %swap3A_347 = tpu.vector_load %arg10[%swap3A_346] masked %lt3A_343 {strides = array<i32>} : memref<2816xi32, #tpu.memory_space<vmem>>, vector<16xi32>, vector<16xi1>
            tpu.vector_store %arg10[%swap3A_346], %add3A_345 masked %lt3A_343 {strides = array<i32>} : memref<2816xi32, #tpu.memory_space<vmem>>, vector<16xi32>, vector<16xi1>
            %swap3A_348 = arith.index_cast %add3A_328 : i32 to index
            %swap3A_349 = tpu.vector_load %arg11[%swap3A_348] masked %lt3A_343 {strides = array<i32>} : memref<2816xi32, #tpu.memory_space<vmem>>, vector<16xi32>, vector<16xi1>
            tpu.vector_store %arg11[%swap3A_348], %sub3A_340 masked %lt3A_343 {strides = array<i32>} : memref<2816xi32, #tpu.memory_space<vmem>>, vector<16xi32>, vector<16xi1>
            %all_reduce_population_count3A_350 = tpu.all_reduce %lt3A_343 {dim = 0 : i64, kind = #tpu.reduction_kind<sum>} : vector<16xi1> -> vector<16xi32>
            %slice3A_351 = vector.extract_strided_slice %all_reduce_population_count3A_350 {offsets = [0], sizes = [1], strides = [1]} : vector<16xi32> to vector<1xi32>
            %squeeze3A_352 = vector.extract %slice3A_351[0] : i32 from vector<1xi32>
            %add3A_353 = arith.addi %add3A_328, %squeeze3A_352 : i32
            %scan3A_354 = arith.constant 5 : i32
            %scan3A_355 = arith.addi %scan3A_232, %scan3A_354 : i32
            %mul3A_356 = arith.constant 16 : i32
            %mul3A_357 = arith.muli %scan3A_355, %mul3A_356 : i32
            %get3A_358 = arith.index_cast %mul3A_357 : i32 to index
            %get3A_359 = tpu.vector_load %arg6[%get3A_358] {strides = array<i32>} : memref<2560xi32, #tpu.memory_space<vmem>>, vector<16xi32>,
            %mul3A_360 = arith.constant 16 : i32
            %mul3A_361 = arith.muli %scan3A_355, %mul3A_360 : i32
            %get3A_362 = arith.index_cast %mul3A_361 : i32 to index
            %get3A_363 = tpu.vector_load %arg7[%get3A_362] {strides = array<i32>} : memref<2560xi32, #tpu.memory_space<vmem>>, vector<16xi32>,
            %sub3A_364 = vector.broadcast %multiple_of3A : i32 to vector<16xi32>
            %sub3A_365 = arith.subi %get3A_363, %sub3A_364 : vector<16xi32>
            %sub3A_366 = arith.subi %min3A_39, %multiple_of3A : i32
            %lt3A_367 = vector.broadcast %sub3A_366 : i32 to vector<16xi32>
            %lt3A_368 = arith.cmpi ult, %sub3A_365, %lt3A_367 : vector<16xi32>
            %add3A_369 = vector.broadcast %mul3A_17 : i32 to vector<16xi32>
            %add3A_370 = arith.addi %get3A_359, %add3A_369 : vector<16xi32>
            %swap3A_371 = arith.index_cast %add3A_353 : i32 to index
            %swap3A_372 = tpu.vector_load %arg10[%swap3A_371] masked %lt3A_368 {strides = array<i32>} : memref<2816xi32, #tpu.memory_space<vmem>>, vector<16xi32>, vector<16xi1>
            tpu.vector_store %arg10[%swap3A_371], %add3A_370 masked %lt3A_368 {strides = array<i32>} : memref<2816xi32, #tpu.memory_space<vmem>>, vector<16xi32>, vector<16xi1>
            %swap3A_373 = arith.index_cast %add3A_353 : i32 to index
            %swap3A_374 = tpu.vector_load %arg11[%swap3A_373] masked %lt3A_368 {strides = array<i32>} : memref<2816xi32, #tpu.memory_space<vmem>>, vector<16xi32>, vector<16xi1>
            tpu.vector_store %arg11[%swap3A_373], %sub3A_365 masked %lt3A_368 {strides = array<i32>} : memref<2816xi32, #tpu.memory_space<vmem>>, vector<16xi32>, vector<16xi1>
            %all_reduce_population_count3A_375 = tpu.all_reduce %lt3A_368 {dim = 0 : i64, kind = #tpu.reduction_kind<sum>} : vector<16xi1> -> vector<16xi32>
            %slice3A_376 = vector.extract_strided_slice %all_reduce_population_count3A_375 {offsets = [0], sizes = [1], strides = [1]} : vector<16xi32> to vector<1xi32>
            %squeeze3A_377 = vector.extract %slice3A_376[0] : i32 from vector<1xi32>
            %add3A_378 = arith.addi %add3A_353, %squeeze3A_377 : i32
            %scan3A_379 = arith.constant 6 : i32
            %scan3A_380 = arith.addi %scan3A_232, %scan3A_379 : i32
            %mul3A_381 = arith.constant 16 : i32
            %mul3A_382 = arith.muli %scan3A_380, %mul3A_381 : i32
            %get3A_383 = arith.index_cast %mul3A_382 : i32 to index
            %get3A_384 = tpu.vector_load %arg6[%get3A_383] {strides = array<i32>} : memref<2560xi32, #tpu.memory_space<vmem>>, vector<16xi32>,
            %mul3A_385 = arith.constant 16 : i32
            %mul3A_386 = arith.muli %scan3A_380, %mul3A_385 : i32
            %get3A_387 = arith.index_cast %mul3A_386 : i32 to index
            %get3A_388 = tpu.vector_load %arg7[%get3A_387] {strides = array<i32>} : memref<2560xi32, #tpu.memory_space<vmem>>, vector<16xi32>,
            %sub3A_389 = vector.broadcast %multiple_of3A : i32 to vector<16xi32>
            %sub3A_390 = arith.subi %get3A_388, %sub3A_389 : vector<16xi32>
            %sub3A_391 = arith.subi %min3A_39, %multiple_of3A : i32
            %lt3A_392 = vector.broadcast %sub3A_391 : i32 to vector<16xi32>
            %lt3A_393 = arith.cmpi ult, %sub3A_390, %lt3A_392 : vector<16xi32>
            %add3A_394 = vector.broadcast %mul3A_17 : i32 to vector<16xi32>
            %add3A_395 = arith.addi %get3A_384, %add3A_394 : vector<16xi32>
            %swap3A_396 = arith.index_cast %add3A_378 : i32 to index
            %swap3A_397 = tpu.vector_load %arg10[%swap3A_396] masked %lt3A_393 {strides = array<i32>} : memref<2816xi32, #tpu.memory_space<vmem>>, vector<16xi32>, vector<16xi1>
            tpu.vector_store %arg10[%swap3A_396], %add3A_395 masked %lt3A_393 {strides = array<i32>} : memref<2816xi32, #tpu.memory_space<vmem>>, vector<16xi32>, vector<16xi1>
            %swap3A_398 = arith.index_cast %add3A_378 : i32 to index
            %swap3A_399 = tpu.vector_load %arg11[%swap3A_398] masked %lt3A_393 {strides = array<i32>} : memref<2816xi32, #tpu.memory_space<vmem>>, vector<16xi32>, vector<16xi1>
            tpu.vector_store %arg11[%swap3A_398], %sub3A_390 masked %lt3A_393 {strides = array<i32>} : memref<2816xi32, #tpu.memory_space<vmem>>, vector<16xi32>, vector<16xi1>
            %all_reduce_population_count3A_400 = tpu.all_reduce %lt3A_393 {dim = 0 : i64, kind = #tpu.reduction_kind<sum>} : vector<16xi1> -> vector<16xi32>
            %slice3A_401 = vector.extract_strided_slice %all_reduce_population_count3A_400 {offsets = [0], sizes = [1], strides = [1]} : vector<16xi32> to vector<1xi32>
            %squeeze3A_402 = vector.extract %slice3A_401[0] : i32 from vector<1xi32>
            %add3A_403 = arith.addi %add3A_378, %squeeze3A_402 : i32
            %scan3A_404 = arith.constant 7 : i32
            %scan3A_405 = arith.addi %scan3A_232, %scan3A_404 : i32
            %mul3A_406 = arith.constant 16 : i32
            %mul3A_407 = arith.muli %scan3A_405, %mul3A_406 : i32
            %get3A_408 = arith.index_cast %mul3A_407 : i32 to index
            %get3A_409 = tpu.vector_load %arg6[%get3A_408] {strides = array<i32>} : memref<2560xi32, #tpu.memory_space<vmem>>, vector<16xi32>,
            %mul3A_410 = arith.constant 16 : i32
            %mul3A_411 = arith.muli %scan3A_405, %mul3A_410 : i32
            %get3A_412 = arith.index_cast %mul3A_411 : i32 to index
            %get3A_413 = tpu.vector_load %arg7[%get3A_412] {strides = array<i32>} : memref<2560xi32, #tpu.memory_space<vmem>>, vector<16xi32>,
            %sub3A_414 = vector.broadcast %multiple_of3A : i32 to vector<16xi32>
            %sub3A_415 = arith.subi %get3A_413, %sub3A_414 : vector<16xi32>
            %sub3A_416 = arith.subi %min3A_39, %multiple_of3A : i32
            %lt3A_417 = vector.broadcast %sub3A_416 : i32 to vector<16xi32>
            %lt3A_418 = arith.cmpi ult, %sub3A_415, %lt3A_417 : vector<16xi32>
            %add3A_419 = vector.broadcast %mul3A_17 : i32 to vector<16xi32>
            %add3A_420 = arith.addi %get3A_409, %add3A_419 : vector<16xi32>
            %swap3A_421 = arith.index_cast %add3A_403 : i32 to index
            %swap3A_422 = tpu.vector_load %arg10[%swap3A_421] masked %lt3A_418 {strides = array<i32>} : memref<2816xi32, #tpu.memory_space<vmem>>, vector<16xi32>, vector<16xi1>
            tpu.vector_store %arg10[%swap3A_421], %add3A_420 masked %lt3A_418 {strides = array<i32>} : memref<2816xi32, #tpu.memory_space<vmem>>, vector<16xi32>, vector<16xi1>
            %swap3A_423 = arith.index_cast %add3A_403 : i32 to index
            %swap3A_424 = tpu.vector_load %arg11[%swap3A_423] masked %lt3A_418 {strides = array<i32>} : memref<2816xi32, #tpu.memory_space<vmem>>, vector<16xi32>, vector<16xi1>
            tpu.vector_store %arg11[%swap3A_423], %sub3A_415 masked %lt3A_418 {strides = array<i32>} : memref<2816xi32, #tpu.memory_space<vmem>>, vector<16xi32>, vector<16xi1>
            %all_reduce_population_count3A_425 = tpu.all_reduce %lt3A_418 {dim = 0 : i64, kind = #tpu.reduction_kind<sum>} : vector<16xi1> -> vector<16xi32>
            %slice3A_426 = vector.extract_strided_slice %all_reduce_population_count3A_425 {offsets = [0], sizes = [1], strides = [1]} : vector<16xi32> to vector<1xi32>
            %squeeze3A_427 = vector.extract %slice3A_426[0] : i32 from vector<1xi32>
            %add3A_428 = arith.addi %add3A_403, %squeeze3A_427 : i32
            scf.yield %add3A_428 : i32
          }
          %scan3A_229 = arith.constant 160 : i32
          %swap3A = arith.constant 0 : i32
          %swap3A_230 = arith.index_cast %swap3A : i32 to index
          %swap3A_231 = memref.load %arg14[%swap3A_230] : memref<1xi32, #tpu.memory_space<smem>>
          memref.store %scan3A_228, %arg14[%swap3A_230] : memref<1xi32, #tpu.memory_space<smem>>
        } else {
        }
        %not3A = arith.constant true
        %not3A_163 = arith.xori %eq3A_159, %not3A : i1
        %convert_element_type3A_164 = arith.extui %not3A_163 : i1 to i32
        %cond3A_165 = arith.constant 0 : i32
        %cond3A_166 = arith.cmpi ne, %convert_element_type3A_164, %cond3A_165 : i32
        scf.if %cond3A_166 {
          %dma_wait3A_210 = arith.constant 0 : i32
          %dma_wait3A_211 = tpu.memref_slice %arg3[%dma_wait3A_210] : memref<1638400xi32, #tpu.memory_space<hbm>> -> memref<2560xi32, #tpu.memory_space<hbm>>
          %dma_wait3A_212 = arith.constant 0 : i32
          %dma_wait3A_213 = tpu.memref_slice %arg3[%dma_wait3A_212] : memref<1638400xi32, #tpu.memory_space<hbm>> -> memref<2560xi32, #tpu.memory_space<hbm>>
          tpu.wait_dma2 semaphore(%arg16 : memref<!tpu.dma_semaphore, #tpu.memory_space<semaphore_mem>>) src(%dma_wait3A_213 : memref<2560xi32, #tpu.memory_space<hbm>>) dst(%arg8 : memref<2560xi32, #tpu.memory_space<vmem>>)
          %dma_wait3A_214 = arith.constant 0 : i32
          %dma_wait3A_215 = tpu.memref_slice %arg3[%dma_wait3A_214] : memref<1638400xi32, #tpu.memory_space<hbm>> -> memref<2560xi32, #tpu.memory_space<hbm>>
          %dma_wait3A_216 = arith.constant 0 : i32
          %dma_wait3A_217 = tpu.memref_slice %arg3[%dma_wait3A_216] : memref<1638400xi32, #tpu.memory_space<hbm>> -> memref<2560xi32, #tpu.memory_space<hbm>>
          tpu.wait_dma2 semaphore(%arg17 : memref<!tpu.dma_semaphore, #tpu.memory_space<semaphore_mem>>) src(%dma_wait3A_217 : memref<2560xi32, #tpu.memory_space<hbm>>) dst(%arg9 : memref<2560xi32, #tpu.memory_space<vmem>>)
          %add3A_218 = arith.constant 1 : i32
          %add3A_219 = arith.addi %scan3A_156, %add3A_218 : i32
          %lt3A = arith.constant 10 : i32
          %lt3A_220 = arith.cmpi slt, %add3A_219, %lt3A : i32
          %convert_element_type3A_221 = arith.extui %lt3A_220 : i1 to i32
          %cond3A_222 = arith.constant 0 : i32
          %cond3A_223 = arith.cmpi ne, %convert_element_type3A_221, %cond3A_222 : i32
          scf.if %cond3A_223 {
            %add3A_232 = arith.constant 1 : i32
            %add3A_233 = arith.addi %scan3A_156, %add3A_232 : i32
            %mul3A_234 = arith.constant 2560 : i32
            %mul3A_235 = arith.muli %add3A_233, %mul3A_234 : i32
            %add3A_236 = arith.addi %add3A_6, %mul3A_235 : i32
            %multiple_of3A_237 = tpu.assume_multiple %add3A_236, 2560 : i32
            %mul3A_238 = arith.constant 2560 : i32
            %mul3A_239 = arith.muli %add3A_233, %mul3A_238 : i32
            %add3A_240 = arith.addi %add3A_15, %mul3A_239 : i32
            %multiple_of3A_241 = tpu.assume_multiple %add3A_240, 2560 : i32
            %dma_start3A_242 = tpu.memref_slice %arg3[%multiple_of3A_237] : memref<1638400xi32, #tpu.memory_space<hbm>> -> memref<2560xi32, #tpu.memory_space<hbm>>
            %dma_start3A_243 = tpu.memref_slice %arg3[%multiple_of3A_237] : memref<1638400xi32, #tpu.memory_space<hbm>> -> memref<2560xi32, #tpu.memory_space<hbm>>
            tpu.enqueue_dma source(%dma_start3A_243 : memref<2560xi32, #tpu.memory_space<hbm>>) target(%arg6 : memref<2560xi32, #tpu.memory_space<vmem>>) target_semaphore(%arg16 : memref<!tpu.dma_semaphore, #tpu.memory_space<semaphore_mem>>)
            %dma_start3A_244 = tpu.memref_slice %arg3[%multiple_of3A_241] : memref<1638400xi32, #tpu.memory_space<hbm>> -> memref<2560xi32, #tpu.memory_space<hbm>>
            %dma_start3A_245 = tpu.memref_slice %arg3[%multiple_of3A_241] : memref<1638400xi32, #tpu.memory_space<hbm>> -> memref<2560xi32, #tpu.memory_space<hbm>>
            tpu.enqueue_dma source(%dma_start3A_245 : memref<2560xi32, #tpu.memory_space<hbm>>) target(%arg7 : memref<2560xi32, #tpu.memory_space<vmem>>) target_semaphore(%arg17 : memref<!tpu.dma_semaphore, #tpu.memory_space<semaphore_mem>>)
          } else {
          }
          %scan3A_224 = arith.constant 0 : i32
          %scan3A_225 = arith.constant 160 : i32
          %scan3A_226 = arith.addi %scan3A_224, %scan3A_225 : i32
          %scan3A_227 = arith.constant 8 : i32
          %scan3A_228 = scf.for %scan3A_232 = %scan3A_224 to %scan3A_226 step %scan3A_227 iter_args(%scan3A_233 = %scan3A_157) -> (i32)  : i32 {
            %mul3A_234 = arith.constant 16 : i32
            %mul3A_235 = arith.muli %scan3A_232, %mul3A_234 : i32
            %get3A_236 = arith.index_cast %mul3A_235 : i32 to index
            %get3A_237 = tpu.vector_load %arg8[%get3A_236] {strides = array<i32>} : memref<2560xi32, #tpu.memory_space<vmem>>, vector<16xi32>,
            %mul3A_238 = arith.constant 16 : i32
            %mul3A_239 = arith.muli %scan3A_232, %mul3A_238 : i32
            %get3A_240 = arith.index_cast %mul3A_239 : i32 to index
            %get3A_241 = tpu.vector_load %arg9[%get3A_240] {strides = array<i32>} : memref<2560xi32, #tpu.memory_space<vmem>>, vector<16xi32>,
            %sub3A_242 = vector.broadcast %multiple_of3A : i32 to vector<16xi32>
            %sub3A_243 = arith.subi %get3A_241, %sub3A_242 : vector<16xi32>
            %sub3A_244 = arith.subi %min3A_39, %multiple_of3A : i32
            %lt3A_245 = vector.broadcast %sub3A_244 : i32 to vector<16xi32>
            %lt3A_246 = arith.cmpi ult, %sub3A_243, %lt3A_245 : vector<16xi32>
            %add3A_247 = vector.broadcast %mul3A_17 : i32 to vector<16xi32>
            %add3A_248 = arith.addi %get3A_237, %add3A_247 : vector<16xi32>
            %swap3A_249 = arith.index_cast %scan3A_233 : i32 to index
            %swap3A_250 = tpu.vector_load %arg10[%swap3A_249] masked %lt3A_246 {strides = array<i32>} : memref<2816xi32, #tpu.memory_space<vmem>>, vector<16xi32>, vector<16xi1>
            tpu.vector_store %arg10[%swap3A_249], %add3A_248 masked %lt3A_246 {strides = array<i32>} : memref<2816xi32, #tpu.memory_space<vmem>>, vector<16xi32>, vector<16xi1>
            %swap3A_251 = arith.index_cast %scan3A_233 : i32 to index
            %swap3A_252 = tpu.vector_load %arg11[%swap3A_251] masked %lt3A_246 {strides = array<i32>} : memref<2816xi32, #tpu.memory_space<vmem>>, vector<16xi32>, vector<16xi1>
            tpu.vector_store %arg11[%swap3A_251], %sub3A_243 masked %lt3A_246 {strides = array<i32>} : memref<2816xi32, #tpu.memory_space<vmem>>, vector<16xi32>, vector<16xi1>
            %all_reduce_population_count3A = tpu.all_reduce %lt3A_246 {dim = 0 : i64, kind = #tpu.reduction_kind<sum>} : vector<16xi1> -> vector<16xi32>
            %slice3A = vector.extract_strided_slice %all_reduce_population_count3A {offsets = [0], sizes = [1], strides = [1]} : vector<16xi32> to vector<1xi32>
            %squeeze3A = vector.extract %slice3A[0] : i32 from vector<1xi32>
            %add3A_253 = arith.addi %scan3A_233, %squeeze3A : i32
            %scan3A_254 = arith.constant 1 : i32
            %scan3A_255 = arith.addi %scan3A_232, %scan3A_254 : i32
            %mul3A_256 = arith.constant 16 : i32
            %mul3A_257 = arith.muli %scan3A_255, %mul3A_256 : i32
            %get3A_258 = arith.index_cast %mul3A_257 : i32 to index
            %get3A_259 = tpu.vector_load %arg8[%get3A_258] {strides = array<i32>} : memref<2560xi32, #tpu.memory_space<vmem>>, vector<16xi32>,
            %mul3A_260 = arith.constant 16 : i32
            %mul3A_261 = arith.muli %scan3A_255, %mul3A_260 : i32
            %get3A_262 = arith.index_cast %mul3A_261 : i32 to index
            %get3A_263 = tpu.vector_load %arg9[%get3A_262] {strides = array<i32>} : memref<2560xi32, #tpu.memory_space<vmem>>, vector<16xi32>,
            %sub3A_264 = vector.broadcast %multiple_of3A : i32 to vector<16xi32>
            %sub3A_265 = arith.subi %get3A_263, %sub3A_264 : vector<16xi32>
            %sub3A_266 = arith.subi %min3A_39, %multiple_of3A : i32
            %lt3A_267 = vector.broadcast %sub3A_266 : i32 to vector<16xi32>
            %lt3A_268 = arith.cmpi ult, %sub3A_265, %lt3A_267 : vector<16xi32>
            %add3A_269 = vector.broadcast %mul3A_17 : i32 to vector<16xi32>
            %add3A_270 = arith.addi %get3A_259, %add3A_269 : vector<16xi32>
            %swap3A_271 = arith.index_cast %add3A_253 : i32 to index
            %swap3A_272 = tpu.vector_load %arg10[%swap3A_271] masked %lt3A_268 {strides = array<i32>} : memref<2816xi32, #tpu.memory_space<vmem>>, vector<16xi32>, vector<16xi1>
            tpu.vector_store %arg10[%swap3A_271], %add3A_270 masked %lt3A_268 {strides = array<i32>} : memref<2816xi32, #tpu.memory_space<vmem>>, vector<16xi32>, vector<16xi1>
            %swap3A_273 = arith.index_cast %add3A_253 : i32 to index
            %swap3A_274 = tpu.vector_load %arg11[%swap3A_273] masked %lt3A_268 {strides = array<i32>} : memref<2816xi32, #tpu.memory_space<vmem>>, vector<16xi32>, vector<16xi1>
            tpu.vector_store %arg11[%swap3A_273], %sub3A_265 masked %lt3A_268 {strides = array<i32>} : memref<2816xi32, #tpu.memory_space<vmem>>, vector<16xi32>, vector<16xi1>
            %all_reduce_population_count3A_275 = tpu.all_reduce %lt3A_268 {dim = 0 : i64, kind = #tpu.reduction_kind<sum>} : vector<16xi1> -> vector<16xi32>
            %slice3A_276 = vector.extract_strided_slice %all_reduce_population_count3A_275 {offsets = [0], sizes = [1], strides = [1]} : vector<16xi32> to vector<1xi32>
            %squeeze3A_277 = vector.extract %slice3A_276[0] : i32 from vector<1xi32>
            %add3A_278 = arith.addi %add3A_253, %squeeze3A_277 : i32
            %scan3A_279 = arith.constant 2 : i32
            %scan3A_280 = arith.addi %scan3A_232, %scan3A_279 : i32
            %mul3A_281 = arith.constant 16 : i32
            %mul3A_282 = arith.muli %scan3A_280, %mul3A_281 : i32
            %get3A_283 = arith.index_cast %mul3A_282 : i32 to index
            %get3A_284 = tpu.vector_load %arg8[%get3A_283] {strides = array<i32>} : memref<2560xi32, #tpu.memory_space<vmem>>, vector<16xi32>,
            %mul3A_285 = arith.constant 16 : i32
            %mul3A_286 = arith.muli %scan3A_280, %mul3A_285 : i32
            %get3A_287 = arith.index_cast %mul3A_286 : i32 to index
            %get3A_288 = tpu.vector_load %arg9[%get3A_287] {strides = array<i32>} : memref<2560xi32, #tpu.memory_space<vmem>>, vector<16xi32>,
            %sub3A_289 = vector.broadcast %multiple_of3A : i32 to vector<16xi32>
            %sub3A_290 = arith.subi %get3A_288, %sub3A_289 : vector<16xi32>
            %sub3A_291 = arith.subi %min3A_39, %multiple_of3A : i32
            %lt3A_292 = vector.broadcast %sub3A_291 : i32 to vector<16xi32>
            %lt3A_293 = arith.cmpi ult, %sub3A_290, %lt3A_292 : vector<16xi32>
            %add3A_294 = vector.broadcast %mul3A_17 : i32 to vector<16xi32>
            %add3A_295 = arith.addi %get3A_284, %add3A_294 : vector<16xi32>
            %swap3A_296 = arith.index_cast %add3A_278 : i32 to index
            %swap3A_297 = tpu.vector_load %arg10[%swap3A_296] masked %lt3A_293 {strides = array<i32>} : memref<2816xi32, #tpu.memory_space<vmem>>, vector<16xi32>, vector<16xi1>
            tpu.vector_store %arg10[%swap3A_296], %add3A_295 masked %lt3A_293 {strides = array<i32>} : memref<2816xi32, #tpu.memory_space<vmem>>, vector<16xi32>, vector<16xi1>
            %swap3A_298 = arith.index_cast %add3A_278 : i32 to index
            %swap3A_299 = tpu.vector_load %arg11[%swap3A_298] masked %lt3A_293 {strides = array<i32>} : memref<2816xi32, #tpu.memory_space<vmem>>, vector<16xi32>, vector<16xi1>
            tpu.vector_store %arg11[%swap3A_298], %sub3A_290 masked %lt3A_293 {strides = array<i32>} : memref<2816xi32, #tpu.memory_space<vmem>>, vector<16xi32>, vector<16xi1>
            %all_reduce_population_count3A_300 = tpu.all_reduce %lt3A_293 {dim = 0 : i64, kind = #tpu.reduction_kind<sum>} : vector<16xi1> -> vector<16xi32>
            %slice3A_301 = vector.extract_strided_slice %all_reduce_population_count3A_300 {offsets = [0], sizes = [1], strides = [1]} : vector<16xi32> to vector<1xi32>
            %squeeze3A_302 = vector.extract %slice3A_301[0] : i32 from vector<1xi32>
            %add3A_303 = arith.addi %add3A_278, %squeeze3A_302 : i32
            %scan3A_304 = arith.constant 3 : i32
            %scan3A_305 = arith.addi %scan3A_232, %scan3A_304 : i32
            %mul3A_306 = arith.constant 16 : i32
            %mul3A_307 = arith.muli %scan3A_305, %mul3A_306 : i32
            %get3A_308 = arith.index_cast %mul3A_307 : i32 to index
            %get3A_309 = tpu.vector_load %arg8[%get3A_308] {strides = array<i32>} : memref<2560xi32, #tpu.memory_space<vmem>>, vector<16xi32>,
            %mul3A_310 = arith.constant 16 : i32
            %mul3A_311 = arith.muli %scan3A_305, %mul3A_310 : i32
            %get3A_312 = arith.index_cast %mul3A_311 : i32 to index
            %get3A_313 = tpu.vector_load %arg9[%get3A_312] {strides = array<i32>} : memref<2560xi32, #tpu.memory_space<vmem>>, vector<16xi32>,
            %sub3A_314 = vector.broadcast %multiple_of3A : i32 to vector<16xi32>
            %sub3A_315 = arith.subi %get3A_313, %sub3A_314 : vector<16xi32>
            %sub3A_316 = arith.subi %min3A_39, %multiple_of3A : i32
            %lt3A_317 = vector.broadcast %sub3A_316 : i32 to vector<16xi32>
            %lt3A_318 = arith.cmpi ult, %sub3A_315, %lt3A_317 : vector<16xi32>
            %add3A_319 = vector.broadcast %mul3A_17 : i32 to vector<16xi32>
            %add3A_320 = arith.addi %get3A_309, %add3A_319 : vector<16xi32>
            %swap3A_321 = arith.index_cast %add3A_303 : i32 to index
            %swap3A_322 = tpu.vector_load %arg10[%swap3A_321] masked %lt3A_318 {strides = array<i32>} : memref<2816xi32, #tpu.memory_space<vmem>>, vector<16xi32>, vector<16xi1>
            tpu.vector_store %arg10[%swap3A_321], %add3A_320 masked %lt3A_318 {strides = array<i32>} : memref<2816xi32, #tpu.memory_space<vmem>>, vector<16xi32>, vector<16xi1>
            %swap3A_323 = arith.index_cast %add3A_303 : i32 to index
            %swap3A_324 = tpu.vector_load %arg11[%swap3A_323] masked %lt3A_318 {strides = array<i32>} : memref<2816xi32, #tpu.memory_space<vmem>>, vector<16xi32>, vector<16xi1>
            tpu.vector_store %arg11[%swap3A_323], %sub3A_315 masked %lt3A_318 {strides = array<i32>} : memref<2816xi32, #tpu.memory_space<vmem>>, vector<16xi32>, vector<16xi1>
            %all_reduce_population_count3A_325 = tpu.all_reduce %lt3A_318 {dim = 0 : i64, kind = #tpu.reduction_kind<sum>} : vector<16xi1> -> vector<16xi32>
            %slice3A_326 = vector.extract_strided_slice %all_reduce_population_count3A_325 {offsets = [0], sizes = [1], strides = [1]} : vector<16xi32> to vector<1xi32>
            %squeeze3A_327 = vector.extract %slice3A_326[0] : i32 from vector<1xi32>
            %add3A_328 = arith.addi %add3A_303, %squeeze3A_327 : i32
            %scan3A_329 = arith.constant 4 : i32
            %scan3A_330 = arith.addi %scan3A_232, %scan3A_329 : i32
            %mul3A_331 = arith.constant 16 : i32
            %mul3A_332 = arith.muli %scan3A_330, %mul3A_331 : i32
            %get3A_333 = arith.index_cast %mul3A_332 : i32 to index
            %get3A_334 = tpu.vector_load %arg8[%get3A_333] {strides = array<i32>} : memref<2560xi32, #tpu.memory_space<vmem>>, vector<16xi32>,
            %mul3A_335 = arith.constant 16 : i32
            %mul3A_336 = arith.muli %scan3A_330, %mul3A_335 : i32
            %get3A_337 = arith.index_cast %mul3A_336 : i32 to index
            %get3A_338 = tpu.vector_load %arg9[%get3A_337] {strides = array<i32>} : memref<2560xi32, #tpu.memory_space<vmem>>, vector<16xi32>,
            %sub3A_339 = vector.broadcast %multiple_of3A : i32 to vector<16xi32>
            %sub3A_340 = arith.subi %get3A_338, %sub3A_339 : vector<16xi32>
            %sub3A_341 = arith.subi %min3A_39, %multiple_of3A : i32
            %lt3A_342 = vector.broadcast %sub3A_341 : i32 to vector<16xi32>
            %lt3A_343 = arith.cmpi ult, %sub3A_340, %lt3A_342 : vector<16xi32>
            %add3A_344 = vector.broadcast %mul3A_17 : i32 to vector<16xi32>
            %add3A_345 = arith.addi %get3A_334, %add3A_344 : vector<16xi32>
            %swap3A_346 = arith.index_cast %add3A_328 : i32 to index
            %swap3A_347 = tpu.vector_load %arg10[%swap3A_346] masked %lt3A_343 {strides = array<i32>} : memref<2816xi32, #tpu.memory_space<vmem>>, vector<16xi32>, vector<16xi1>
            tpu.vector_store %arg10[%swap3A_346], %add3A_345 masked %lt3A_343 {strides = array<i32>} : memref<2816xi32, #tpu.memory_space<vmem>>, vector<16xi32>, vector<16xi1>
            %swap3A_348 = arith.index_cast %add3A_328 : i32 to index
            %swap3A_349 = tpu.vector_load %arg11[%swap3A_348] masked %lt3A_343 {strides = array<i32>} : memref<2816xi32, #tpu.memory_space<vmem>>, vector<16xi32>, vector<16xi1>
            tpu.vector_store %arg11[%swap3A_348], %sub3A_340 masked %lt3A_343 {strides = array<i32>} : memref<2816xi32, #tpu.memory_space<vmem>>, vector<16xi32>, vector<16xi1>
            %all_reduce_population_count3A_350 = tpu.all_reduce %lt3A_343 {dim = 0 : i64, kind = #tpu.reduction_kind<sum>} : vector<16xi1> -> vector<16xi32>
            %slice3A_351 = vector.extract_strided_slice %all_reduce_population_count3A_350 {offsets = [0], sizes = [1], strides = [1]} : vector<16xi32> to vector<1xi32>
            %squeeze3A_352 = vector.extract %slice3A_351[0] : i32 from vector<1xi32>
            %add3A_353 = arith.addi %add3A_328, %squeeze3A_352 : i32
            %scan3A_354 = arith.constant 5 : i32
            %scan3A_355 = arith.addi %scan3A_232, %scan3A_354 : i32
            %mul3A_356 = arith.constant 16 : i32
            %mul3A_357 = arith.muli %scan3A_355, %mul3A_356 : i32
            %get3A_358 = arith.index_cast %mul3A_357 : i32 to index
            %get3A_359 = tpu.vector_load %arg8[%get3A_358] {strides = array<i32>} : memref<2560xi32, #tpu.memory_space<vmem>>, vector<16xi32>,
            %mul3A_360 = arith.constant 16 : i32
            %mul3A_361 = arith.muli %scan3A_355, %mul3A_360 : i32
            %get3A_362 = arith.index_cast %mul3A_361 : i32 to index
            %get3A_363 = tpu.vector_load %arg9[%get3A_362] {strides = array<i32>} : memref<2560xi32, #tpu.memory_space<vmem>>, vector<16xi32>,
            %sub3A_364 = vector.broadcast %multiple_of3A : i32 to vector<16xi32>
            %sub3A_365 = arith.subi %get3A_363, %sub3A_364 : vector<16xi32>
            %sub3A_366 = arith.subi %min3A_39, %multiple_of3A : i32
            %lt3A_367 = vector.broadcast %sub3A_366 : i32 to vector<16xi32>
            %lt3A_368 = arith.cmpi ult, %sub3A_365, %lt3A_367 : vector<16xi32>
            %add3A_369 = vector.broadcast %mul3A_17 : i32 to vector<16xi32>
            %add3A_370 = arith.addi %get3A_359, %add3A_369 : vector<16xi32>
            %swap3A_371 = arith.index_cast %add3A_353 : i32 to index
            %swap3A_372 = tpu.vector_load %arg10[%swap3A_371] masked %lt3A_368 {strides = array<i32>} : memref<2816xi32, #tpu.memory_space<vmem>>, vector<16xi32>, vector<16xi1>
            tpu.vector_store %arg10[%swap3A_371], %add3A_370 masked %lt3A_368 {strides = array<i32>} : memref<2816xi32, #tpu.memory_space<vmem>>, vector<16xi32>, vector<16xi1>
            %swap3A_373 = arith.index_cast %add3A_353 : i32 to index
            %swap3A_374 = tpu.vector_load %arg11[%swap3A_373] masked %lt3A_368 {strides = array<i32>} : memref<2816xi32, #tpu.memory_space<vmem>>, vector<16xi32>, vector<16xi1>
            tpu.vector_store %arg11[%swap3A_373], %sub3A_365 masked %lt3A_368 {strides = array<i32>} : memref<2816xi32, #tpu.memory_space<vmem>>, vector<16xi32>, vector<16xi1>
            %all_reduce_population_count3A_375 = tpu.all_reduce %lt3A_368 {dim = 0 : i64, kind = #tpu.reduction_kind<sum>} : vector<16xi1> -> vector<16xi32>
            %slice3A_376 = vector.extract_strided_slice %all_reduce_population_count3A_375 {offsets = [0], sizes = [1], strides = [1]} : vector<16xi32> to vector<1xi32>
            %squeeze3A_377 = vector.extract %slice3A_376[0] : i32 from vector<1xi32>
            %add3A_378 = arith.addi %add3A_353, %squeeze3A_377 : i32
            %scan3A_379 = arith.constant 6 : i32
            %scan3A_380 = arith.addi %scan3A_232, %scan3A_379 : i32
            %mul3A_381 = arith.constant 16 : i32
            %mul3A_382 = arith.muli %scan3A_380, %mul3A_381 : i32
            %get3A_383 = arith.index_cast %mul3A_382 : i32 to index
            %get3A_384 = tpu.vector_load %arg8[%get3A_383] {strides = array<i32>} : memref<2560xi32, #tpu.memory_space<vmem>>, vector<16xi32>,
            %mul3A_385 = arith.constant 16 : i32
            %mul3A_386 = arith.muli %scan3A_380, %mul3A_385 : i32
            %get3A_387 = arith.index_cast %mul3A_386 : i32 to index
            %get3A_388 = tpu.vector_load %arg9[%get3A_387] {strides = array<i32>} : memref<2560xi32, #tpu.memory_space<vmem>>, vector<16xi32>,
            %sub3A_389 = vector.broadcast %multiple_of3A : i32 to vector<16xi32>
            %sub3A_390 = arith.subi %get3A_388, %sub3A_389 : vector<16xi32>
            %sub3A_391 = arith.subi %min3A_39, %multiple_of3A : i32
            %lt3A_392 = vector.broadcast %sub3A_391 : i32 to vector<16xi32>
            %lt3A_393 = arith.cmpi ult, %sub3A_390, %lt3A_392 : vector<16xi32>
            %add3A_394 = vector.broadcast %mul3A_17 : i32 to vector<16xi32>
            %add3A_395 = arith.addi %get3A_384, %add3A_394 : vector<16xi32>
            %swap3A_396 = arith.index_cast %add3A_378 : i32 to index
            %swap3A_397 = tpu.vector_load %arg10[%swap3A_396] masked %lt3A_393 {strides = array<i32>} : memref<2816xi32, #tpu.memory_space<vmem>>, vector<16xi32>, vector<16xi1>
            tpu.vector_store %arg10[%swap3A_396], %add3A_395 masked %lt3A_393 {strides = array<i32>} : memref<2816xi32, #tpu.memory_space<vmem>>, vector<16xi32>, vector<16xi1>
            %swap3A_398 = arith.index_cast %add3A_378 : i32 to index
            %swap3A_399 = tpu.vector_load %arg11[%swap3A_398] masked %lt3A_393 {strides = array<i32>} : memref<2816xi32, #tpu.memory_space<vmem>>, vector<16xi32>, vector<16xi1>
            tpu.vector_store %arg11[%swap3A_398], %sub3A_390 masked %lt3A_393 {strides = array<i32>} : memref<2816xi32, #tpu.memory_space<vmem>>, vector<16xi32>, vector<16xi1>
            %all_reduce_population_count3A_400 = tpu.all_reduce %lt3A_393 {dim = 0 : i64, kind = #tpu.reduction_kind<sum>} : vector<16xi1> -> vector<16xi32>
            %slice3A_401 = vector.extract_strided_slice %all_reduce_population_count3A_400 {offsets = [0], sizes = [1], strides = [1]} : vector<16xi32> to vector<1xi32>
            %squeeze3A_402 = vector.extract %slice3A_401[0] : i32 from vector<1xi32>
            %add3A_403 = arith.addi %add3A_378, %squeeze3A_402 : i32
            %scan3A_404 = arith.constant 7 : i32
            %scan3A_405 = arith.addi %scan3A_232, %scan3A_404 : i32
            %mul3A_406 = arith.constant 16 : i32
            %mul3A_407 = arith.muli %scan3A_405, %mul3A_406 : i32
            %get3A_408 = arith.index_cast %mul3A_407 : i32 to index
            %get3A_409 = tpu.vector_load %arg8[%get3A_408] {strides = array<i32>} : memref<2560xi32, #tpu.memory_space<vmem>>, vector<16xi32>,
            %mul3A_410 = arith.constant 16 : i32
            %mul3A_411 = arith.muli %scan3A_405, %mul3A_410 : i32
            %get3A_412 = arith.index_cast %mul3A_411 : i32 to index
            %get3A_413 = tpu.vector_load %arg9[%get3A_412] {strides = array<i32>} : memref<2560xi32, #tpu.memory_space<vmem>>, vector<16xi32>,
            %sub3A_414 = vector.broadcast %multiple_of3A : i32 to vector<16xi32>
            %sub3A_415 = arith.subi %get3A_413, %sub3A_414 : vector<16xi32>
            %sub3A_416 = arith.subi %min3A_39, %multiple_of3A : i32
            %lt3A_417 = vector.broadcast %sub3A_416 : i32 to vector<16xi32>
            %lt3A_418 = arith.cmpi ult, %sub3A_415, %lt3A_417 : vector<16xi32>
            %add3A_419 = vector.broadcast %mul3A_17 : i32 to vector<16xi32>
            %add3A_420 = arith.addi %get3A_409, %add3A_419 : vector<16xi32>
            %swap3A_421 = arith.index_cast %add3A_403 : i32 to index
            %swap3A_422 = tpu.vector_load %arg10[%swap3A_421] masked %lt3A_418 {strides = array<i32>} : memref<2816xi32, #tpu.memory_space<vmem>>, vector<16xi32>, vector<16xi1>
            tpu.vector_store %arg10[%swap3A_421], %add3A_420 masked %lt3A_418 {strides = array<i32>} : memref<2816xi32, #tpu.memory_space<vmem>>, vector<16xi32>, vector<16xi1>
            %swap3A_423 = arith.index_cast %add3A_403 : i32 to index
            %swap3A_424 = tpu.vector_load %arg11[%swap3A_423] masked %lt3A_418 {strides = array<i32>} : memref<2816xi32, #tpu.memory_space<vmem>>, vector<16xi32>, vector<16xi1>
            tpu.vector_store %arg11[%swap3A_423], %sub3A_415 masked %lt3A_418 {strides = array<i32>} : memref<2816xi32, #tpu.memory_space<vmem>>, vector<16xi32>, vector<16xi1>
            %all_reduce_population_count3A_425 = tpu.all_reduce %lt3A_418 {dim = 0 : i64, kind = #tpu.reduction_kind<sum>} : vector<16xi1> -> vector<16xi32>
            %slice3A_426 = vector.extract_strided_slice %all_reduce_population_count3A_425 {offsets = [0], sizes = [1], strides = [1]} : vector<16xi32> to vector<1xi32>
            %squeeze3A_427 = vector.extract %slice3A_426[0] : i32 from vector<1xi32>
            %add3A_428 = arith.addi %add3A_403, %squeeze3A_427 : i32
            scf.yield %add3A_428 : i32
          }
          %scan3A_229 = arith.constant 160 : i32
          %swap3A = arith.constant 0 : i32
          %swap3A_230 = arith.index_cast %swap3A : i32 to index
          %swap3A_231 = memref.load %arg14[%swap3A_230] : memref<1xi32, #tpu.memory_space<smem>>
          memref.store %scan3A_228, %arg14[%swap3A_230] : memref<1xi32, #tpu.memory_space<smem>>
        } else {
        }
        %get3A = arith.constant 0 : i32
        %get3A_167 = arith.index_cast %get3A : i32 to index
        %get3A_168 = memref.load %arg14[%get3A_167] : memref<1xi32, #tpu.memory_space<smem>>
        %jit3A = arith.constant 128 : i32
        %div3A = arith.divsi %get3A_168, %jit3A : i32
        %sign3A = arith.constant 0 : i32
        %sign3A_169 = arith.cmpi sgt, %get3A_168, %sign3A : i32
        %sign3A_170 = arith.extui %sign3A_169 : i1 to i32
        %sign3A_171 = arith.constant 0 : i32
        %sign3A_172 = arith.cmpi slt, %get3A_168, %sign3A_171 : i32
        %sign3A_173 = arith.extui %sign3A_172 : i1 to i32
        %sign3A_174 = arith.subi %sign3A_170, %sign3A_173 : i32
        %sign3A_175 = arith.constant 0 : i32
        %sign3A_176 = arith.cmpi sgt, %jit3A, %sign3A_175 : i32
        %sign3A_177 = arith.extui %sign3A_176 : i1 to i32
        %sign3A_178 = arith.constant 0 : i32
        %sign3A_179 = arith.cmpi slt, %jit3A, %sign3A_178 : i32
        %sign3A_180 = arith.extui %sign3A_179 : i1 to i32
        %sign3A_181 = arith.subi %sign3A_177, %sign3A_180 : i32
        %ne3A = arith.cmpi ne, %sign3A_174, %sign3A_181 : i32
        %rem3A = arith.remsi %get3A_168, %jit3A : i32
        %ne3A_182 = arith.constant 0 : i32
        %ne3A_183 = arith.cmpi ne, %rem3A, %ne3A_182 : i32
        %and3A_184 = arith.andi %ne3A, %ne3A_183 : i1
        %sub3A = arith.constant 1 : i32
        %sub3A_185 = arith.subi %div3A, %sub3A : i32
        %select_n3A = arith.select %and3A_184, %sub3A_185, %div3A : i32
        %gt3A_186 = arith.constant 0 : i32
        %gt3A_187 = arith.cmpi sgt, %select_n3A, %gt3A_186 : i32
        %convert_element_type3A_188 = arith.extui %gt3A_187 : i1 to i32
        %cond3A_189 = arith.constant 0 : i32
        %cond3A_190 = arith.cmpi ne, %convert_element_type3A_188, %cond3A_189 : i32
        scf.if %cond3A_190 {
          %dma_start3A_210 = arith.constant 0 : i32
          %dma_start3A_211 = tpu.memref_slice %arg10[%dma_start3A_210] : memref<2816xi32, #tpu.memory_space<vmem>> -> memref<128xi32, #tpu.memory_space<vmem>>
          %dma_start3A_212 = arith.constant 0 : i32
          %dma_start3A_213 = arith.constant 0 : i32
          %dma_start3A_214 = tpu.memref_slice %arg2[%dma_start3A_212, %dma_start3A_213] : memref<100000x128xf32, #tpu.memory_space<hbm>> -> memref<100000x128xf32, #tpu.memory_space<hbm>>
          tpu.enqueue_indirect_dma source(%dma_start3A_214 : memref<100000x128xf32, #tpu.memory_space<hbm>>) target(%arg12 : memref<128x128xf32, #tpu.memory_space<vmem>>) offsets(%dma_start3A_211 : memref<128xi32, #tpu.memory_space<vmem>>) semaphore(%arg15 : memref<!tpu.dma_semaphore, #tpu.memory_space<semaphore_mem>>)
        } else {
        }
        %while3A = arith.constant 0 : i32
        %while3A_191 = arith.constant 0 : i32
        %while3A_192 = arith.subi %select_n3A, %while3A : i32
        %while3A_193 = arith.addi %while3A, %while3A_192 : i32
        %while3A_194 = arith.constant 1 : i32
        %while3A_195 = arith.divsi %while3A_192, %while3A_194 : i32
        %while3A_196 = arith.muli %while3A_195, %while3A_194 : i32
        %while3A_197 = arith.addi %while3A, %while3A_196 : i32
        %while3A_198 = arith.constant 1 : i32
        %while3A_199 = scf.for %while3A_210 = %while3A to %while3A_197 step %while3A_198 iter_args(%while3A_211 = %while3A_191) -> (i32)  : i32 {
          %and3A_212 = arith.constant 1 : i32
          %and3A_213 = arith.andi %while3A_210, %and3A_212 : i32
          %eq3A_214 = arith.constant 0 : i32
          %eq3A_215 = arith.cmpi eq, %and3A_213, %eq3A_214 : i32
          %convert_element_type3A_216 = arith.extui %eq3A_215 : i1 to i32
          %cond3A_217 = arith.constant 0 : i32
          %cond3A_218 = arith.cmpi ne, %convert_element_type3A_216, %cond3A_217 : i32
          scf.if %cond3A_218 {
            %mul3A_225 = arith.constant 128 : i32
            %mul3A_226 = arith.muli %while3A_210, %mul3A_225 : i32
            %dma_wait3A_227 = tpu.memref_slice %arg10[%mul3A_226] : memref<2816xi32, #tpu.memory_space<vmem>> -> memref<128xi32, #tpu.memory_space<vmem>>
            %dma_wait3A_228 = arith.constant 0 : i32
            %dma_wait3A_229 = arith.constant 0 : i32
            %dma_wait3A_230 = tpu.memref_slice %arg2[%dma_wait3A_228, %dma_wait3A_229] : memref<100000x128xf32, #tpu.memory_space<hbm>> -> memref<100000x128xf32, #tpu.memory_space<hbm>>
            tpu.wait_indirect_dma semaphore(%arg15 : memref<!tpu.dma_semaphore, #tpu.memory_space<semaphore_mem>>) src(%dma_wait3A_230 : memref<100000x128xf32, #tpu.memory_space<hbm>>) dst(%arg12 : memref<128x128xf32, #tpu.memory_space<vmem>>)
            %add3A_231 = arith.constant 1 : i32
            %add3A_232 = arith.addi %while3A_210, %add3A_231 : i32
            %lt3A = arith.cmpi slt, %add3A_232, %select_n3A : i32
            %convert_element_type3A_233 = arith.extui %lt3A : i1 to i32
            %cond3A_234 = arith.constant 0 : i32
            %cond3A_235 = arith.cmpi ne, %convert_element_type3A_233, %cond3A_234 : i32
            scf.if %cond3A_235 {
              %add3A_238 = arith.constant 1 : i32
              %add3A_239 = arith.addi %while3A_210, %add3A_238 : i32
              %mul3A_240 = arith.constant 128 : i32
              %mul3A_241 = arith.muli %add3A_239, %mul3A_240 : i32
              %dma_start3A_242 = tpu.memref_slice %arg10[%mul3A_241] : memref<2816xi32, #tpu.memory_space<vmem>> -> memref<128xi32, #tpu.memory_space<vmem>>
              %dma_start3A_243 = arith.constant 0 : i32
              %dma_start3A_244 = arith.constant 0 : i32
              %dma_start3A_245 = tpu.memref_slice %arg2[%dma_start3A_243, %dma_start3A_244] : memref<100000x128xf32, #tpu.memory_space<hbm>> -> memref<100000x128xf32, #tpu.memory_space<hbm>>
              tpu.enqueue_indirect_dma source(%dma_start3A_245 : memref<100000x128xf32, #tpu.memory_space<hbm>>) target(%arg13 : memref<128x128xf32, #tpu.memory_space<vmem>>) offsets(%dma_start3A_242 : memref<128xi32, #tpu.memory_space<vmem>>) semaphore(%arg15 : memref<!tpu.dma_semaphore, #tpu.memory_space<semaphore_mem>>)
            } else {
            }
            %mul3A_236 = arith.constant 128 : i32
            %mul3A_237 = arith.muli %while3A_210, %mul3A_236 : i32
            "tpu.region"() ({
              %run_scoped3A = tpu.sem_alloc : memref<!tpu.dma_semaphore, #tpu.memory_space<semaphore_mem>>
              %dma_start3A_238 = tpu.memref_slice %arg11[%mul3A_237] : memref<2816xi32, #tpu.memory_space<vmem>> -> memref<128xi32, #tpu.memory_space<vmem>>
              %dma_start3A_239 = arith.constant 0 : i32
              %dma_start3A_240 = arith.constant 0 : i32
              %dma_start3A_241 = tpu.memref_slice %arg5[%dma_start3A_239, %dma_start3A_240] : memref<10240x128xf32, #tpu.memory_space<vmem_shared>> -> memref<10240x128xf32, #tpu.memory_space<vmem_shared>>
              tpu.enqueue_indirect_dma source(%arg12 : memref<128x128xf32, #tpu.memory_space<vmem>>) target(%dma_start3A_241 : memref<10240x128xf32, #tpu.memory_space<vmem_shared>>) offsets(%dma_start3A_238 : memref<128xi32, #tpu.memory_space<vmem>>) semaphore(%run_scoped3A : memref<!tpu.dma_semaphore, #tpu.memory_space<semaphore_mem>>) {add = true}
              %dma_wait3A_242 = tpu.memref_slice %arg11[%mul3A_237] : memref<2816xi32, #tpu.memory_space<vmem>> -> memref<128xi32, #tpu.memory_space<vmem>>
              %dma_wait3A_243 = arith.constant 0 : i32
              %dma_wait3A_244 = arith.constant 0 : i32
              %dma_wait3A_245 = tpu.memref_slice %arg5[%dma_wait3A_243, %dma_wait3A_244] : memref<10240x128xf32, #tpu.memory_space<vmem_shared>> -> memref<10240x128xf32, #tpu.memory_space<vmem_shared>>
              tpu.wait_indirect_dma semaphore(%run_scoped3A : memref<!tpu.dma_semaphore, #tpu.memory_space<semaphore_mem>>) src(%arg12 : memref<128x128xf32, #tpu.memory_space<vmem>>) dst(%dma_wait3A_245 : memref<10240x128xf32, #tpu.memory_space<vmem_shared>>)
              tpu.yield
            }) : () -> ()
          } else {
          }
          %not3A_219 = arith.constant true
          %not3A_220 = arith.xori %eq3A_215, %not3A_219 : i1
          %convert_element_type3A_221 = arith.extui %not3A_220 : i1 to i32
          %cond3A_222 = arith.constant 0 : i32
          %cond3A_223 = arith.cmpi ne, %convert_element_type3A_221, %cond3A_222 : i32
          scf.if %cond3A_223 {
            %mul3A_225 = arith.constant 128 : i32
            %mul3A_226 = arith.muli %while3A_210, %mul3A_225 : i32
            %dma_wait3A_227 = tpu.memref_slice %arg10[%mul3A_226] : memref<2816xi32, #tpu.memory_space<vmem>> -> memref<128xi32, #tpu.memory_space<vmem>>
            %dma_wait3A_228 = arith.constant 0 : i32
            %dma_wait3A_229 = arith.constant 0 : i32
            %dma_wait3A_230 = tpu.memref_slice %arg2[%dma_wait3A_228, %dma_wait3A_229] : memref<100000x128xf32, #tpu.memory_space<hbm>> -> memref<100000x128xf32, #tpu.memory_space<hbm>>
            tpu.wait_indirect_dma semaphore(%arg15 : memref<!tpu.dma_semaphore, #tpu.memory_space<semaphore_mem>>) src(%dma_wait3A_230 : memref<100000x128xf32, #tpu.memory_space<hbm>>) dst(%arg13 : memref<128x128xf32, #tpu.memory_space<vmem>>)
            %add3A_231 = arith.constant 1 : i32
            %add3A_232 = arith.addi %while3A_210, %add3A_231 : i32
            %lt3A = arith.cmpi slt, %add3A_232, %select_n3A : i32
            %convert_element_type3A_233 = arith.extui %lt3A : i1 to i32
            %cond3A_234 = arith.constant 0 : i32
            %cond3A_235 = arith.cmpi ne, %convert_element_type3A_233, %cond3A_234 : i32
            scf.if %cond3A_235 {
              %add3A_238 = arith.constant 1 : i32
              %add3A_239 = arith.addi %while3A_210, %add3A_238 : i32
              %mul3A_240 = arith.constant 128 : i32
              %mul3A_241 = arith.muli %add3A_239, %mul3A_240 : i32
              %dma_start3A_242 = tpu.memref_slice %arg10[%mul3A_241] : memref<2816xi32, #tpu.memory_space<vmem>> -> memref<128xi32, #tpu.memory_space<vmem>>
              %dma_start3A_243 = arith.constant 0 : i32
              %dma_start3A_244 = arith.constant 0 : i32
              %dma_start3A_245 = tpu.memref_slice %arg2[%dma_start3A_243, %dma_start3A_244] : memref<100000x128xf32, #tpu.memory_space<hbm>> -> memref<100000x128xf32, #tpu.memory_space<hbm>>
              tpu.enqueue_indirect_dma source(%dma_start3A_245 : memref<100000x128xf32, #tpu.memory_space<hbm>>) target(%arg12 : memref<128x128xf32, #tpu.memory_space<vmem>>) offsets(%dma_start3A_242 : memref<128xi32, #tpu.memory_space<vmem>>) semaphore(%arg15 : memref<!tpu.dma_semaphore, #tpu.memory_space<semaphore_mem>>)
            } else {
            }
            %mul3A_236 = arith.constant 128 : i32
            %mul3A_237 = arith.muli %while3A_210, %mul3A_236 : i32
            "tpu.region"() ({
              %run_scoped3A = tpu.sem_alloc : memref<!tpu.dma_semaphore, #tpu.memory_space<semaphore_mem>>
              %dma_start3A_238 = tpu.memref_slice %arg11[%mul3A_237] : memref<2816xi32, #tpu.memory_space<vmem>> -> memref<128xi32, #tpu.memory_space<vmem>>
              %dma_start3A_239 = arith.constant 0 : i32
              %dma_start3A_240 = arith.constant 0 : i32
              %dma_start3A_241 = tpu.memref_slice %arg5[%dma_start3A_239, %dma_start3A_240] : memref<10240x128xf32, #tpu.memory_space<vmem_shared>> -> memref<10240x128xf32, #tpu.memory_space<vmem_shared>>
              tpu.enqueue_indirect_dma source(%arg13 : memref<128x128xf32, #tpu.memory_space<vmem>>) target(%dma_start3A_241 : memref<10240x128xf32, #tpu.memory_space<vmem_shared>>) offsets(%dma_start3A_238 : memref<128xi32, #tpu.memory_space<vmem>>) semaphore(%run_scoped3A : memref<!tpu.dma_semaphore, #tpu.memory_space<semaphore_mem>>) {add = true}
              %dma_wait3A_242 = tpu.memref_slice %arg11[%mul3A_237] : memref<2816xi32, #tpu.memory_space<vmem>> -> memref<128xi32, #tpu.memory_space<vmem>>
              %dma_wait3A_243 = arith.constant 0 : i32
              %dma_wait3A_244 = arith.constant 0 : i32
              %dma_wait3A_245 = tpu.memref_slice %arg5[%dma_wait3A_243, %dma_wait3A_244] : memref<10240x128xf32, #tpu.memory_space<vmem_shared>> -> memref<10240x128xf32, #tpu.memory_space<vmem_shared>>
              tpu.wait_indirect_dma semaphore(%run_scoped3A : memref<!tpu.dma_semaphore, #tpu.memory_space<semaphore_mem>>) src(%arg13 : memref<128x128xf32, #tpu.memory_space<vmem>>) dst(%dma_wait3A_245 : memref<10240x128xf32, #tpu.memory_space<vmem_shared>>)
              tpu.yield
            }) : () -> ()
          } else {
          }
          %while3A_224 = arith.constant 0 : i32
          scf.yield %while3A_224 : i32
        }
        %while3A_200 = arith.constant 1 : i32
        %while3A_201 = scf.for %while3A_210 = %while3A_197 to %while3A_193 step %while3A_200 iter_args(%while3A_211 = %while3A_199) -> (i32)  : i32 {
          %and3A_212 = arith.constant 1 : i32
          %and3A_213 = arith.andi %while3A_210, %and3A_212 : i32
          %eq3A_214 = arith.constant 0 : i32
          %eq3A_215 = arith.cmpi eq, %and3A_213, %eq3A_214 : i32
          %convert_element_type3A_216 = arith.extui %eq3A_215 : i1 to i32
          %cond3A_217 = arith.constant 0 : i32
          %cond3A_218 = arith.cmpi ne, %convert_element_type3A_216, %cond3A_217 : i32
          scf.if %cond3A_218 {
            %mul3A_225 = arith.constant 128 : i32
            %mul3A_226 = arith.muli %while3A_210, %mul3A_225 : i32
            %dma_wait3A_227 = tpu.memref_slice %arg10[%mul3A_226] : memref<2816xi32, #tpu.memory_space<vmem>> -> memref<128xi32, #tpu.memory_space<vmem>>
            %dma_wait3A_228 = arith.constant 0 : i32
            %dma_wait3A_229 = arith.constant 0 : i32
            %dma_wait3A_230 = tpu.memref_slice %arg2[%dma_wait3A_228, %dma_wait3A_229] : memref<100000x128xf32, #tpu.memory_space<hbm>> -> memref<100000x128xf32, #tpu.memory_space<hbm>>
            tpu.wait_indirect_dma semaphore(%arg15 : memref<!tpu.dma_semaphore, #tpu.memory_space<semaphore_mem>>) src(%dma_wait3A_230 : memref<100000x128xf32, #tpu.memory_space<hbm>>) dst(%arg12 : memref<128x128xf32, #tpu.memory_space<vmem>>)
            %add3A_231 = arith.constant 1 : i32
            %add3A_232 = arith.addi %while3A_210, %add3A_231 : i32
            %lt3A = arith.cmpi slt, %add3A_232, %select_n3A : i32
            %convert_element_type3A_233 = arith.extui %lt3A : i1 to i32
            %cond3A_234 = arith.constant 0 : i32
            %cond3A_235 = arith.cmpi ne, %convert_element_type3A_233, %cond3A_234 : i32
            scf.if %cond3A_235 {
              %add3A_238 = arith.constant 1 : i32
              %add3A_239 = arith.addi %while3A_210, %add3A_238 : i32
              %mul3A_240 = arith.constant 128 : i32
              %mul3A_241 = arith.muli %add3A_239, %mul3A_240 : i32
              %dma_start3A_242 = tpu.memref_slice %arg10[%mul3A_241] : memref<2816xi32, #tpu.memory_space<vmem>> -> memref<128xi32, #tpu.memory_space<vmem>>
              %dma_start3A_243 = arith.constant 0 : i32
              %dma_start3A_244 = arith.constant 0 : i32
              %dma_start3A_245 = tpu.memref_slice %arg2[%dma_start3A_243, %dma_start3A_244] : memref<100000x128xf32, #tpu.memory_space<hbm>> -> memref<100000x128xf32, #tpu.memory_space<hbm>>
              tpu.enqueue_indirect_dma source(%dma_start3A_245 : memref<100000x128xf32, #tpu.memory_space<hbm>>) target(%arg13 : memref<128x128xf32, #tpu.memory_space<vmem>>) offsets(%dma_start3A_242 : memref<128xi32, #tpu.memory_space<vmem>>) semaphore(%arg15 : memref<!tpu.dma_semaphore, #tpu.memory_space<semaphore_mem>>)
            } else {
            }
            %mul3A_236 = arith.constant 128 : i32
            %mul3A_237 = arith.muli %while3A_210, %mul3A_236 : i32
            "tpu.region"() ({
              %run_scoped3A = tpu.sem_alloc : memref<!tpu.dma_semaphore, #tpu.memory_space<semaphore_mem>>
              %dma_start3A_238 = tpu.memref_slice %arg11[%mul3A_237] : memref<2816xi32, #tpu.memory_space<vmem>> -> memref<128xi32, #tpu.memory_space<vmem>>
              %dma_start3A_239 = arith.constant 0 : i32
              %dma_start3A_240 = arith.constant 0 : i32
              %dma_start3A_241 = tpu.memref_slice %arg5[%dma_start3A_239, %dma_start3A_240] : memref<10240x128xf32, #tpu.memory_space<vmem_shared>> -> memref<10240x128xf32, #tpu.memory_space<vmem_shared>>
              tpu.enqueue_indirect_dma source(%arg12 : memref<128x128xf32, #tpu.memory_space<vmem>>) target(%dma_start3A_241 : memref<10240x128xf32, #tpu.memory_space<vmem_shared>>) offsets(%dma_start3A_238 : memref<128xi32, #tpu.memory_space<vmem>>) semaphore(%run_scoped3A : memref<!tpu.dma_semaphore, #tpu.memory_space<semaphore_mem>>) {add = true}
              %dma_wait3A_242 = tpu.memref_slice %arg11[%mul3A_237] : memref<2816xi32, #tpu.memory_space<vmem>> -> memref<128xi32, #tpu.memory_space<vmem>>
              %dma_wait3A_243 = arith.constant 0 : i32
              %dma_wait3A_244 = arith.constant 0 : i32
              %dma_wait3A_245 = tpu.memref_slice %arg5[%dma_wait3A_243, %dma_wait3A_244] : memref<10240x128xf32, #tpu.memory_space<vmem_shared>> -> memref<10240x128xf32, #tpu.memory_space<vmem_shared>>
              tpu.wait_indirect_dma semaphore(%run_scoped3A : memref<!tpu.dma_semaphore, #tpu.memory_space<semaphore_mem>>) src(%arg12 : memref<128x128xf32, #tpu.memory_space<vmem>>) dst(%dma_wait3A_245 : memref<10240x128xf32, #tpu.memory_space<vmem_shared>>)
              tpu.yield
            }) : () -> ()
          } else {
          }
          %not3A_219 = arith.constant true
          %not3A_220 = arith.xori %eq3A_215, %not3A_219 : i1
          %convert_element_type3A_221 = arith.extui %not3A_220 : i1 to i32
          %cond3A_222 = arith.constant 0 : i32
          %cond3A_223 = arith.cmpi ne, %convert_element_type3A_221, %cond3A_222 : i32
          scf.if %cond3A_223 {
            %mul3A_225 = arith.constant 128 : i32
            %mul3A_226 = arith.muli %while3A_210, %mul3A_225 : i32
            %dma_wait3A_227 = tpu.memref_slice %arg10[%mul3A_226] : memref<2816xi32, #tpu.memory_space<vmem>> -> memref<128xi32, #tpu.memory_space<vmem>>
            %dma_wait3A_228 = arith.constant 0 : i32
            %dma_wait3A_229 = arith.constant 0 : i32
            %dma_wait3A_230 = tpu.memref_slice %arg2[%dma_wait3A_228, %dma_wait3A_229] : memref<100000x128xf32, #tpu.memory_space<hbm>> -> memref<100000x128xf32, #tpu.memory_space<hbm>>
            tpu.wait_indirect_dma semaphore(%arg15 : memref<!tpu.dma_semaphore, #tpu.memory_space<semaphore_mem>>) src(%dma_wait3A_230 : memref<100000x128xf32, #tpu.memory_space<hbm>>) dst(%arg13 : memref<128x128xf32, #tpu.memory_space<vmem>>)
            %add3A_231 = arith.constant 1 : i32
            %add3A_232 = arith.addi %while3A_210, %add3A_231 : i32
            %lt3A = arith.cmpi slt, %add3A_232, %select_n3A : i32
            %convert_element_type3A_233 = arith.extui %lt3A : i1 to i32
            %cond3A_234 = arith.constant 0 : i32
            %cond3A_235 = arith.cmpi ne, %convert_element_type3A_233, %cond3A_234 : i32
            scf.if %cond3A_235 {
              %add3A_238 = arith.constant 1 : i32
              %add3A_239 = arith.addi %while3A_210, %add3A_238 : i32
              %mul3A_240 = arith.constant 128 : i32
              %mul3A_241 = arith.muli %add3A_239, %mul3A_240 : i32
              %dma_start3A_242 = tpu.memref_slice %arg10[%mul3A_241] : memref<2816xi32, #tpu.memory_space<vmem>> -> memref<128xi32, #tpu.memory_space<vmem>>
              %dma_start3A_243 = arith.constant 0 : i32
              %dma_start3A_244 = arith.constant 0 : i32
              %dma_start3A_245 = tpu.memref_slice %arg2[%dma_start3A_243, %dma_start3A_244] : memref<100000x128xf32, #tpu.memory_space<hbm>> -> memref<100000x128xf32, #tpu.memory_space<hbm>>
              tpu.enqueue_indirect_dma source(%dma_start3A_245 : memref<100000x128xf32, #tpu.memory_space<hbm>>) target(%arg12 : memref<128x128xf32, #tpu.memory_space<vmem>>) offsets(%dma_start3A_242 : memref<128xi32, #tpu.memory_space<vmem>>) semaphore(%arg15 : memref<!tpu.dma_semaphore, #tpu.memory_space<semaphore_mem>>)
            } else {
            }
            %mul3A_236 = arith.constant 128 : i32
            %mul3A_237 = arith.muli %while3A_210, %mul3A_236 : i32
            "tpu.region"() ({
              %run_scoped3A = tpu.sem_alloc : memref<!tpu.dma_semaphore, #tpu.memory_space<semaphore_mem>>
              %dma_start3A_238 = tpu.memref_slice %arg11[%mul3A_237] : memref<2816xi32, #tpu.memory_space<vmem>> -> memref<128xi32, #tpu.memory_space<vmem>>
              %dma_start3A_239 = arith.constant 0 : i32
              %dma_start3A_240 = arith.constant 0 : i32
              %dma_start3A_241 = tpu.memref_slice %arg5[%dma_start3A_239, %dma_start3A_240] : memref<10240x128xf32, #tpu.memory_space<vmem_shared>> -> memref<10240x128xf32, #tpu.memory_space<vmem_shared>>
              tpu.enqueue_indirect_dma source(%arg13 : memref<128x128xf32, #tpu.memory_space<vmem>>) target(%dma_start3A_241 : memref<10240x128xf32, #tpu.memory_space<vmem_shared>>) offsets(%dma_start3A_238 : memref<128xi32, #tpu.memory_space<vmem>>) semaphore(%run_scoped3A : memref<!tpu.dma_semaphore, #tpu.memory_space<semaphore_mem>>) {add = true}
              %dma_wait3A_242 = tpu.memref_slice %arg11[%mul3A_237] : memref<2816xi32, #tpu.memory_space<vmem>> -> memref<128xi32, #tpu.memory_space<vmem>>
              %dma_wait3A_243 = arith.constant 0 : i32
              %dma_wait3A_244 = arith.constant 0 : i32
              %dma_wait3A_245 = tpu.memref_slice %arg5[%dma_wait3A_243, %dma_wait3A_244] : memref<10240x128xf32, #tpu.memory_space<vmem_shared>> -> memref<10240x128xf32, #tpu.memory_space<vmem_shared>>
              tpu.wait_indirect_dma semaphore(%run_scoped3A : memref<!tpu.dma_semaphore, #tpu.memory_space<semaphore_mem>>) src(%arg13 : memref<128x128xf32, #tpu.memory_space<vmem>>) dst(%dma_wait3A_245 : memref<10240x128xf32, #tpu.memory_space<vmem_shared>>)
              tpu.yield
            }) : () -> ()
          } else {
          }
          %while3A_224 = arith.constant 0 : i32
          scf.yield %while3A_224 : i32
        }
        %gt3A_202 = arith.constant 0 : i32
        %gt3A_203 = arith.cmpi sgt, %select_n3A, %gt3A_202 : i32
        %convert_element_type3A_204 = arith.extui %gt3A_203 : i1 to i32
        %cond3A_205 = arith.constant 0 : i32
        %cond3A_206 = arith.cmpi ne, %convert_element_type3A_204, %cond3A_205 : i32
        scf.if %cond3A_206 {
          %mul3A_210 = arith.constant 128 : i32
          %mul3A_211 = arith.muli %select_n3A, %mul3A_210 : i32
          %multiple_of3A_212 = tpu.assume_multiple %mul3A_211, 128 : i32
          %add3A_213 = arith.constant 0 : i32
          %add3A_214 = arith.addi %multiple_of3A_212, %add3A_213 : i32
          %get3A_215 = arith.index_cast %add3A_214 : i32 to index
          %get3A_216 = tpu.vector_load %arg10[%get3A_215] {strides = array<i32>} : memref<2816xi32, #tpu.memory_space<vmem>>, vector<16xi32>,
          %swap3A = arith.constant 0 : index
          %swap3A_217 = tpu.vector_load %arg10[%swap3A] {strides = array<i32>} : memref<2816xi32, #tpu.memory_space<vmem>>, vector<16xi32>,
          tpu.vector_store %arg10[%swap3A], %get3A_216 {strides = array<i32>} : memref<2816xi32, #tpu.memory_space<vmem>>, vector<16xi32>,
          %add3A_218 = arith.constant 0 : i32
          %add3A_219 = arith.addi %multiple_of3A_212, %add3A_218 : i32
          %get3A_220 = arith.index_cast %add3A_219 : i32 to index
          %get3A_221 = tpu.vector_load %arg11[%get3A_220] {strides = array<i32>} : memref<2816xi32, #tpu.memory_space<vmem>>, vector<16xi32>,
          %swap3A_222 = arith.constant 0 : index
          %swap3A_223 = tpu.vector_load %arg11[%swap3A_222] {strides = array<i32>} : memref<2816xi32, #tpu.memory_space<vmem>>, vector<16xi32>,
          tpu.vector_store %arg11[%swap3A_222], %get3A_221 {strides = array<i32>} : memref<2816xi32, #tpu.memory_space<vmem>>, vector<16xi32>,
          %add3A_224 = arith.constant 16 : i32
          %add3A_225 = arith.addi %multiple_of3A_212, %add3A_224 : i32
          %get3A_226 = arith.index_cast %add3A_225 : i32 to index
          %get3A_227 = tpu.vector_load %arg10[%get3A_226] {strides = array<i32>} : memref<2816xi32, #tpu.memory_space<vmem>>, vector<16xi32>,
          %swap3A_228 = arith.constant 16 : index
          %swap3A_229 = tpu.vector_load %arg10[%swap3A_228] {strides = array<i32>} : memref<2816xi32, #tpu.memory_space<vmem>>, vector<16xi32>,
          tpu.vector_store %arg10[%swap3A_228], %get3A_227 {strides = array<i32>} : memref<2816xi32, #tpu.memory_space<vmem>>, vector<16xi32>,
          %add3A_230 = arith.constant 16 : i32
          %add3A_231 = arith.addi %multiple_of3A_212, %add3A_230 : i32
          %get3A_232 = arith.index_cast %add3A_231 : i32 to index
          %get3A_233 = tpu.vector_load %arg11[%get3A_232] {strides = array<i32>} : memref<2816xi32, #tpu.memory_space<vmem>>, vector<16xi32>,
          %swap3A_234 = arith.constant 16 : index
          %swap3A_235 = tpu.vector_load %arg11[%swap3A_234] {strides = array<i32>} : memref<2816xi32, #tpu.memory_space<vmem>>, vector<16xi32>,
          tpu.vector_store %arg11[%swap3A_234], %get3A_233 {strides = array<i32>} : memref<2816xi32, #tpu.memory_space<vmem>>, vector<16xi32>,
          %add3A_236 = arith.constant 32 : i32
          %add3A_237 = arith.addi %multiple_of3A_212, %add3A_236 : i32
          %get3A_238 = arith.index_cast %add3A_237 : i32 to index
          %get3A_239 = tpu.vector_load %arg10[%get3A_238] {strides = array<i32>} : memref<2816xi32, #tpu.memory_space<vmem>>, vector<16xi32>,
          %swap3A_240 = arith.constant 32 : index
          %swap3A_241 = tpu.vector_load %arg10[%swap3A_240] {strides = array<i32>} : memref<2816xi32, #tpu.memory_space<vmem>>, vector<16xi32>,
          tpu.vector_store %arg10[%swap3A_240], %get3A_239 {strides = array<i32>} : memref<2816xi32, #tpu.memory_space<vmem>>, vector<16xi32>,
          %add3A_242 = arith.constant 32 : i32
          %add3A_243 = arith.addi %multiple_of3A_212, %add3A_242 : i32
          %get3A_244 = arith.index_cast %add3A_243 : i32 to index
          %get3A_245 = tpu.vector_load %arg11[%get3A_244] {strides = array<i32>} : memref<2816xi32, #tpu.memory_space<vmem>>, vector<16xi32>,
          %swap3A_246 = arith.constant 32 : index
          %swap3A_247 = tpu.vector_load %arg11[%swap3A_246] {strides = array<i32>} : memref<2816xi32, #tpu.memory_space<vmem>>, vector<16xi32>,
          tpu.vector_store %arg11[%swap3A_246], %get3A_245 {strides = array<i32>} : memref<2816xi32, #tpu.memory_space<vmem>>, vector<16xi32>,
          %add3A_248 = arith.constant 48 : i32
          %add3A_249 = arith.addi %multiple_of3A_212, %add3A_248 : i32
          %get3A_250 = arith.index_cast %add3A_249 : i32 to index
          %get3A_251 = tpu.vector_load %arg10[%get3A_250] {strides = array<i32>} : memref<2816xi32, #tpu.memory_space<vmem>>, vector<16xi32>,
          %swap3A_252 = arith.constant 48 : index
          %swap3A_253 = tpu.vector_load %arg10[%swap3A_252] {strides = array<i32>} : memref<2816xi32, #tpu.memory_space<vmem>>, vector<16xi32>,
          tpu.vector_store %arg10[%swap3A_252], %get3A_251 {strides = array<i32>} : memref<2816xi32, #tpu.memory_space<vmem>>, vector<16xi32>,
          %add3A_254 = arith.constant 48 : i32
          %add3A_255 = arith.addi %multiple_of3A_212, %add3A_254 : i32
          %get3A_256 = arith.index_cast %add3A_255 : i32 to index
          %get3A_257 = tpu.vector_load %arg11[%get3A_256] {strides = array<i32>} : memref<2816xi32, #tpu.memory_space<vmem>>, vector<16xi32>,
          %swap3A_258 = arith.constant 48 : index
          %swap3A_259 = tpu.vector_load %arg11[%swap3A_258] {strides = array<i32>} : memref<2816xi32, #tpu.memory_space<vmem>>, vector<16xi32>,
          tpu.vector_store %arg11[%swap3A_258], %get3A_257 {strides = array<i32>} : memref<2816xi32, #tpu.memory_space<vmem>>, vector<16xi32>,
          %add3A_260 = arith.constant 64 : i32
          %add3A_261 = arith.addi %multiple_of3A_212, %add3A_260 : i32
          %get3A_262 = arith.index_cast %add3A_261 : i32 to index
          %get3A_263 = tpu.vector_load %arg10[%get3A_262] {strides = array<i32>} : memref<2816xi32, #tpu.memory_space<vmem>>, vector<16xi32>,
          %swap3A_264 = arith.constant 64 : index
          %swap3A_265 = tpu.vector_load %arg10[%swap3A_264] {strides = array<i32>} : memref<2816xi32, #tpu.memory_space<vmem>>, vector<16xi32>,
          tpu.vector_store %arg10[%swap3A_264], %get3A_263 {strides = array<i32>} : memref<2816xi32, #tpu.memory_space<vmem>>, vector<16xi32>,
          %add3A_266 = arith.constant 64 : i32
          %add3A_267 = arith.addi %multiple_of3A_212, %add3A_266 : i32
          %get3A_268 = arith.index_cast %add3A_267 : i32 to index
          %get3A_269 = tpu.vector_load %arg11[%get3A_268] {strides = array<i32>} : memref<2816xi32, #tpu.memory_space<vmem>>, vector<16xi32>,
          %swap3A_270 = arith.constant 64 : index
          %swap3A_271 = tpu.vector_load %arg11[%swap3A_270] {strides = array<i32>} : memref<2816xi32, #tpu.memory_space<vmem>>, vector<16xi32>,
          tpu.vector_store %arg11[%swap3A_270], %get3A_269 {strides = array<i32>} : memref<2816xi32, #tpu.memory_space<vmem>>, vector<16xi32>,
          %add3A_272 = arith.constant 80 : i32
          %add3A_273 = arith.addi %multiple_of3A_212, %add3A_272 : i32
          %get3A_274 = arith.index_cast %add3A_273 : i32 to index
          %get3A_275 = tpu.vector_load %arg10[%get3A_274] {strides = array<i32>} : memref<2816xi32, #tpu.memory_space<vmem>>, vector<16xi32>,
          %swap3A_276 = arith.constant 80 : index
          %swap3A_277 = tpu.vector_load %arg10[%swap3A_276] {strides = array<i32>} : memref<2816xi32, #tpu.memory_space<vmem>>, vector<16xi32>,
          tpu.vector_store %arg10[%swap3A_276], %get3A_275 {strides = array<i32>} : memref<2816xi32, #tpu.memory_space<vmem>>, vector<16xi32>,
          %add3A_278 = arith.constant 80 : i32
          %add3A_279 = arith.addi %multiple_of3A_212, %add3A_278 : i32
          %get3A_280 = arith.index_cast %add3A_279 : i32 to index
          %get3A_281 = tpu.vector_load %arg11[%get3A_280] {strides = array<i32>} : memref<2816xi32, #tpu.memory_space<vmem>>, vector<16xi32>,
          %swap3A_282 = arith.constant 80 : index
          %swap3A_283 = tpu.vector_load %arg11[%swap3A_282] {strides = array<i32>} : memref<2816xi32, #tpu.memory_space<vmem>>, vector<16xi32>,
          tpu.vector_store %arg11[%swap3A_282], %get3A_281 {strides = array<i32>} : memref<2816xi32, #tpu.memory_space<vmem>>, vector<16xi32>,
          %add3A_284 = arith.constant 96 : i32
          %add3A_285 = arith.addi %multiple_of3A_212, %add3A_284 : i32
          %get3A_286 = arith.index_cast %add3A_285 : i32 to index
          %get3A_287 = tpu.vector_load %arg10[%get3A_286] {strides = array<i32>} : memref<2816xi32, #tpu.memory_space<vmem>>, vector<16xi32>,
          %swap3A_288 = arith.constant 96 : index
          %swap3A_289 = tpu.vector_load %arg10[%swap3A_288] {strides = array<i32>} : memref<2816xi32, #tpu.memory_space<vmem>>, vector<16xi32>,
          tpu.vector_store %arg10[%swap3A_288], %get3A_287 {strides = array<i32>} : memref<2816xi32, #tpu.memory_space<vmem>>, vector<16xi32>,
          %add3A_290 = arith.constant 96 : i32
          %add3A_291 = arith.addi %multiple_of3A_212, %add3A_290 : i32
          %get3A_292 = arith.index_cast %add3A_291 : i32 to index
          %get3A_293 = tpu.vector_load %arg11[%get3A_292] {strides = array<i32>} : memref<2816xi32, #tpu.memory_space<vmem>>, vector<16xi32>,
          %swap3A_294 = arith.constant 96 : index
          %swap3A_295 = tpu.vector_load %arg11[%swap3A_294] {strides = array<i32>} : memref<2816xi32, #tpu.memory_space<vmem>>, vector<16xi32>,
          tpu.vector_store %arg11[%swap3A_294], %get3A_293 {strides = array<i32>} : memref<2816xi32, #tpu.memory_space<vmem>>, vector<16xi32>,
          %add3A_296 = arith.constant 112 : i32
          %add3A_297 = arith.addi %multiple_of3A_212, %add3A_296 : i32
          %get3A_298 = arith.index_cast %add3A_297 : i32 to index
          %get3A_299 = tpu.vector_load %arg10[%get3A_298] {strides = array<i32>} : memref<2816xi32, #tpu.memory_space<vmem>>, vector<16xi32>,
          %swap3A_300 = arith.constant 112 : index
          %swap3A_301 = tpu.vector_load %arg10[%swap3A_300] {strides = array<i32>} : memref<2816xi32, #tpu.memory_space<vmem>>, vector<16xi32>,
          tpu.vector_store %arg10[%swap3A_300], %get3A_299 {strides = array<i32>} : memref<2816xi32, #tpu.memory_space<vmem>>, vector<16xi32>,
          %add3A_302 = arith.constant 112 : i32
          %add3A_303 = arith.addi %multiple_of3A_212, %add3A_302 : i32
          %get3A_304 = arith.index_cast %add3A_303 : i32 to index
          %get3A_305 = tpu.vector_load %arg11[%get3A_304] {strides = array<i32>} : memref<2816xi32, #tpu.memory_space<vmem>>, vector<16xi32>,
          %swap3A_306 = arith.constant 112 : index
          %swap3A_307 = tpu.vector_load %arg11[%swap3A_306] {strides = array<i32>} : memref<2816xi32, #tpu.memory_space<vmem>>, vector<16xi32>,
          tpu.vector_store %arg11[%swap3A_306], %get3A_305 {strides = array<i32>} : memref<2816xi32, #tpu.memory_space<vmem>>, vector<16xi32>,
        } else {
        }
        %mul3A_207 = arith.constant 128 : i32
        %mul3A_208 = arith.muli %select_n3A, %mul3A_207 : i32
        %sub3A_209 = arith.subi %get3A_168, %mul3A_208 : i32
        scf.yield %sub3A_209 : i32
      }
      %scan3A_141 = arith.constant 10 : i32
      %gt3A = arith.constant 0 : i32
      %gt3A_142 = arith.cmpi sgt, %scan3A_140, %gt3A : i32
      %convert_element_type3A = arith.extui %gt3A_142 : i1 to i32
      %cond3A = arith.constant 0 : i32
      %cond3A_143 = arith.cmpi ne, %convert_element_type3A, %cond3A : i32
      scf.if %cond3A_143 {
        %sub3A = arith.constant 128 : i32
        %sub3A_156 = arith.subi %sub3A, %scan3A_140 : i32
        %sub3A_157 = arith.constant 0 : i32
        %sub3A_158 = arith.subi %sub3A_156, %sub3A_157 : i32
        %jit3A = arith.constant 0 : i32
        %jit3A_159 = arith.constant 16 : i32
        %max3A = arith.maxsi %jit3A, %sub3A_158 : i32
        %min3A_160 = arith.minsi %jit3A_159, %max3A : i32
        %lt3A = vector.broadcast %min3A_160 : i32 to vector<16xi32>
        %lt3A_161 = arith.cmpi slt, %iota3A, %lt3A : vector<16xi32>
        %swap3A = arith.index_cast %scan3A_140 : i32 to index
        %swap3A_162 = tpu.vector_load %arg10[%swap3A] masked %lt3A_161 {strides = array<i32>} : memref<2816xi32, #tpu.memory_space<vmem>>, vector<16xi32>, vector<16xi1>
        tpu.vector_store %arg10[%swap3A], %add3A_23 masked %lt3A_161 {strides = array<i32>} : memref<2816xi32, #tpu.memory_space<vmem>>, vector<16xi32>, vector<16xi1>
        %swap3A_163 = arith.index_cast %scan3A_140 : i32 to index
        %swap3A_164 = tpu.vector_load %arg11[%swap3A_163] masked %lt3A_161 {strides = array<i32>} : memref<2816xi32, #tpu.memory_space<vmem>>, vector<16xi32>, vector<16xi1>
        tpu.vector_store %arg11[%swap3A_163], %add3A_26 masked %lt3A_161 {strides = array<i32>} : memref<2816xi32, #tpu.memory_space<vmem>>, vector<16xi32>, vector<16xi1>
        %add3A_165 = arith.addi %scan3A_140, %min3A_160 : i32
        %sub3A_166 = arith.constant 16 : i32
        %sub3A_167 = arith.subi %sub3A_156, %sub3A_166 : i32
        %jit3A_168 = arith.constant 0 : i32
        %jit3A_169 = arith.constant 16 : i32
        %max3A_170 = arith.maxsi %jit3A_168, %sub3A_167 : i32
        %min3A_171 = arith.minsi %jit3A_169, %max3A_170 : i32
        %lt3A_172 = vector.broadcast %min3A_171 : i32 to vector<16xi32>
        %lt3A_173 = arith.cmpi slt, %iota3A, %lt3A_172 : vector<16xi32>
        %swap3A_174 = arith.index_cast %add3A_165 : i32 to index
        %swap3A_175 = tpu.vector_load %arg10[%swap3A_174] masked %lt3A_173 {strides = array<i32>} : memref<2816xi32, #tpu.memory_space<vmem>>, vector<16xi32>, vector<16xi1>
        tpu.vector_store %arg10[%swap3A_174], %add3A_23 masked %lt3A_173 {strides = array<i32>} : memref<2816xi32, #tpu.memory_space<vmem>>, vector<16xi32>, vector<16xi1>
        %swap3A_176 = arith.index_cast %add3A_165 : i32 to index
        %swap3A_177 = tpu.vector_load %arg11[%swap3A_176] masked %lt3A_173 {strides = array<i32>} : memref<2816xi32, #tpu.memory_space<vmem>>, vector<16xi32>, vector<16xi1>
        tpu.vector_store %arg11[%swap3A_176], %add3A_26 masked %lt3A_173 {strides = array<i32>} : memref<2816xi32, #tpu.memory_space<vmem>>, vector<16xi32>, vector<16xi1>
        %add3A_178 = arith.addi %add3A_165, %min3A_171 : i32
        %sub3A_179 = arith.constant 32 : i32
        %sub3A_180 = arith.subi %sub3A_156, %sub3A_179 : i32
        %jit3A_181 = arith.constant 0 : i32
        %jit3A_182 = arith.constant 16 : i32
        %max3A_183 = arith.maxsi %jit3A_181, %sub3A_180 : i32
        %min3A_184 = arith.minsi %jit3A_182, %max3A_183 : i32
        %lt3A_185 = vector.broadcast %min3A_184 : i32 to vector<16xi32>
        %lt3A_186 = arith.cmpi slt, %iota3A, %lt3A_185 : vector<16xi32>
        %swap3A_187 = arith.index_cast %add3A_178 : i32 to index
        %swap3A_188 = tpu.vector_load %arg10[%swap3A_187] masked %lt3A_186 {strides = array<i32>} : memref<2816xi32, #tpu.memory_space<vmem>>, vector<16xi32>, vector<16xi1>
        tpu.vector_store %arg10[%swap3A_187], %add3A_23 masked %lt3A_186 {strides = array<i32>} : memref<2816xi32, #tpu.memory_space<vmem>>, vector<16xi32>, vector<16xi1>
        %swap3A_189 = arith.index_cast %add3A_178 : i32 to index
        %swap3A_190 = tpu.vector_load %arg11[%swap3A_189] masked %lt3A_186 {strides = array<i32>} : memref<2816xi32, #tpu.memory_space<vmem>>, vector<16xi32>, vector<16xi1>
        tpu.vector_store %arg11[%swap3A_189], %add3A_26 masked %lt3A_186 {strides = array<i32>} : memref<2816xi32, #tpu.memory_space<vmem>>, vector<16xi32>, vector<16xi1>
        %add3A_191 = arith.addi %add3A_178, %min3A_184 : i32
        %sub3A_192 = arith.constant 48 : i32
        %sub3A_193 = arith.subi %sub3A_156, %sub3A_192 : i32
        %jit3A_194 = arith.constant 0 : i32
        %jit3A_195 = arith.constant 16 : i32
        %max3A_196 = arith.maxsi %jit3A_194, %sub3A_193 : i32
        %min3A_197 = arith.minsi %jit3A_195, %max3A_196 : i32
        %lt3A_198 = vector.broadcast %min3A_197 : i32 to vector<16xi32>
        %lt3A_199 = arith.cmpi slt, %iota3A, %lt3A_198 : vector<16xi32>
        %swap3A_200 = arith.index_cast %add3A_191 : i32 to index
        %swap3A_201 = tpu.vector_load %arg10[%swap3A_200] masked %lt3A_199 {strides = array<i32>} : memref<2816xi32, #tpu.memory_space<vmem>>, vector<16xi32>, vector<16xi1>
        tpu.vector_store %arg10[%swap3A_200], %add3A_23 masked %lt3A_199 {strides = array<i32>} : memref<2816xi32, #tpu.memory_space<vmem>>, vector<16xi32>, vector<16xi1>
        %swap3A_202 = arith.index_cast %add3A_191 : i32 to index
        %swap3A_203 = tpu.vector_load %arg11[%swap3A_202] masked %lt3A_199 {strides = array<i32>} : memref<2816xi32, #tpu.memory_space<vmem>>, vector<16xi32>, vector<16xi1>
        tpu.vector_store %arg11[%swap3A_202], %add3A_26 masked %lt3A_199 {strides = array<i32>} : memref<2816xi32, #tpu.memory_space<vmem>>, vector<16xi32>, vector<16xi1>
        %add3A_204 = arith.addi %add3A_191, %min3A_197 : i32
        %sub3A_205 = arith.constant 64 : i32
        %sub3A_206 = arith.subi %sub3A_156, %sub3A_205 : i32
        %jit3A_207 = arith.constant 0 : i32
        %jit3A_208 = arith.constant 16 : i32
        %max3A_209 = arith.maxsi %jit3A_207, %sub3A_206 : i32
        %min3A_210 = arith.minsi %jit3A_208, %max3A_209 : i32
        %lt3A_211 = vector.broadcast %min3A_210 : i32 to vector<16xi32>
        %lt3A_212 = arith.cmpi slt, %iota3A, %lt3A_211 : vector<16xi32>
        %swap3A_213 = arith.index_cast %add3A_204 : i32 to index
        %swap3A_214 = tpu.vector_load %arg10[%swap3A_213] masked %lt3A_212 {strides = array<i32>} : memref<2816xi32, #tpu.memory_space<vmem>>, vector<16xi32>, vector<16xi1>
        tpu.vector_store %arg10[%swap3A_213], %add3A_23 masked %lt3A_212 {strides = array<i32>} : memref<2816xi32, #tpu.memory_space<vmem>>, vector<16xi32>, vector<16xi1>
        %swap3A_215 = arith.index_cast %add3A_204 : i32 to index
        %swap3A_216 = tpu.vector_load %arg11[%swap3A_215] masked %lt3A_212 {strides = array<i32>} : memref<2816xi32, #tpu.memory_space<vmem>>, vector<16xi32>, vector<16xi1>
        tpu.vector_store %arg11[%swap3A_215], %add3A_26 masked %lt3A_212 {strides = array<i32>} : memref<2816xi32, #tpu.memory_space<vmem>>, vector<16xi32>, vector<16xi1>
        %add3A_217 = arith.addi %add3A_204, %min3A_210 : i32
        %sub3A_218 = arith.constant 80 : i32
        %sub3A_219 = arith.subi %sub3A_156, %sub3A_218 : i32
        %jit3A_220 = arith.constant 0 : i32
        %jit3A_221 = arith.constant 16 : i32
        %max3A_222 = arith.maxsi %jit3A_220, %sub3A_219 : i32
        %min3A_223 = arith.minsi %jit3A_221, %max3A_222 : i32
        %lt3A_224 = vector.broadcast %min3A_223 : i32 to vector<16xi32>
        %lt3A_225 = arith.cmpi slt, %iota3A, %lt3A_224 : vector<16xi32>
        %swap3A_226 = arith.index_cast %add3A_217 : i32 to index
        %swap3A_227 = tpu.vector_load %arg10[%swap3A_226] masked %lt3A_225 {strides = array<i32>} : memref<2816xi32, #tpu.memory_space<vmem>>, vector<16xi32>, vector<16xi1>
        tpu.vector_store %arg10[%swap3A_226], %add3A_23 masked %lt3A_225 {strides = array<i32>} : memref<2816xi32, #tpu.memory_space<vmem>>, vector<16xi32>, vector<16xi1>
        %swap3A_228 = arith.index_cast %add3A_217 : i32 to index
        %swap3A_229 = tpu.vector_load %arg11[%swap3A_228] masked %lt3A_225 {strides = array<i32>} : memref<2816xi32, #tpu.memory_space<vmem>>, vector<16xi32>, vector<16xi1>
        tpu.vector_store %arg11[%swap3A_228], %add3A_26 masked %lt3A_225 {strides = array<i32>} : memref<2816xi32, #tpu.memory_space<vmem>>, vector<16xi32>, vector<16xi1>
        %add3A_230 = arith.addi %add3A_217, %min3A_223 : i32
        %sub3A_231 = arith.constant 96 : i32
        %sub3A_232 = arith.subi %sub3A_156, %sub3A_231 : i32
        %jit3A_233 = arith.constant 0 : i32
        %jit3A_234 = arith.constant 16 : i32
        %max3A_235 = arith.maxsi %jit3A_233, %sub3A_232 : i32
        %min3A_236 = arith.minsi %jit3A_234, %max3A_235 : i32
        %lt3A_237 = vector.broadcast %min3A_236 : i32 to vector<16xi32>
        %lt3A_238 = arith.cmpi slt, %iota3A, %lt3A_237 : vector<16xi32>
        %swap3A_239 = arith.index_cast %add3A_230 : i32 to index
        %swap3A_240 = tpu.vector_load %arg10[%swap3A_239] masked %lt3A_238 {strides = array<i32>} : memref<2816xi32, #tpu.memory_space<vmem>>, vector<16xi32>, vector<16xi1>
        tpu.vector_store %arg10[%swap3A_239], %add3A_23 masked %lt3A_238 {strides = array<i32>} : memref<2816xi32, #tpu.memory_space<vmem>>, vector<16xi32>, vector<16xi1>
        %swap3A_241 = arith.index_cast %add3A_230 : i32 to index
        %swap3A_242 = tpu.vector_load %arg11[%swap3A_241] masked %lt3A_238 {strides = array<i32>} : memref<2816xi32, #tpu.memory_space<vmem>>, vector<16xi32>, vector<16xi1>
        tpu.vector_store %arg11[%swap3A_241], %add3A_26 masked %lt3A_238 {strides = array<i32>} : memref<2816xi32, #tpu.memory_space<vmem>>, vector<16xi32>, vector<16xi1>
        %add3A_243 = arith.addi %add3A_230, %min3A_236 : i32
        %sub3A_244 = arith.constant 112 : i32
        %sub3A_245 = arith.subi %sub3A_156, %sub3A_244 : i32
        %jit3A_246 = arith.constant 0 : i32
        %jit3A_247 = arith.constant 16 : i32
        %max3A_248 = arith.maxsi %jit3A_246, %sub3A_245 : i32
        %min3A_249 = arith.minsi %jit3A_247, %max3A_248 : i32
        %lt3A_250 = vector.broadcast %min3A_249 : i32 to vector<16xi32>
        %lt3A_251 = arith.cmpi slt, %iota3A, %lt3A_250 : vector<16xi32>
        %swap3A_252 = arith.index_cast %add3A_243 : i32 to index
        %swap3A_253 = tpu.vector_load %arg10[%swap3A_252] masked %lt3A_251 {strides = array<i32>} : memref<2816xi32, #tpu.memory_space<vmem>>, vector<16xi32>, vector<16xi1>
        tpu.vector_store %arg10[%swap3A_252], %add3A_23 masked %lt3A_251 {strides = array<i32>} : memref<2816xi32, #tpu.memory_space<vmem>>, vector<16xi32>, vector<16xi1>
        %swap3A_254 = arith.index_cast %add3A_243 : i32 to index
        %swap3A_255 = tpu.vector_load %arg11[%swap3A_254] masked %lt3A_251 {strides = array<i32>} : memref<2816xi32, #tpu.memory_space<vmem>>, vector<16xi32>, vector<16xi1>
        tpu.vector_store %arg11[%swap3A_254], %add3A_26 masked %lt3A_251 {strides = array<i32>} : memref<2816xi32, #tpu.memory_space<vmem>>, vector<16xi32>, vector<16xi1>
        %add3A_256 = arith.addi %add3A_243, %min3A_249 : i32
        %dma_start3A_257 = arith.constant 0 : i32
        %dma_start3A_258 = tpu.memref_slice %arg10[%dma_start3A_257] : memref<2816xi32, #tpu.memory_space<vmem>> -> memref<128xi32, #tpu.memory_space<vmem>>
        %dma_start3A_259 = arith.constant 0 : i32
        %dma_start3A_260 = arith.constant 0 : i32
        %dma_start3A_261 = tpu.memref_slice %arg2[%dma_start3A_259, %dma_start3A_260] : memref<100000x128xf32, #tpu.memory_space<hbm>> -> memref<100000x128xf32, #tpu.memory_space<hbm>>
        tpu.enqueue_indirect_dma source(%dma_start3A_261 : memref<100000x128xf32, #tpu.memory_space<hbm>>) target(%arg12 : memref<128x128xf32, #tpu.memory_space<vmem>>) offsets(%dma_start3A_258 : memref<128xi32, #tpu.memory_space<vmem>>) semaphore(%arg15 : memref<!tpu.dma_semaphore, #tpu.memory_space<semaphore_mem>>)
        %scan3A_262 = arith.constant 0 : i32
        %scan3A_263 = arith.constant 0 : i32
        %and3A = arith.constant 1 : i32
        %and3A_264 = arith.andi %scan3A_263, %and3A : i32
        %eq3A = arith.constant 0 : i32
        %eq3A_265 = arith.cmpi eq, %and3A_264, %eq3A : i32
        %convert_element_type3A_266 = arith.extui %eq3A_265 : i1 to i32
        %cond3A_267 = arith.constant 0 : i32
        %cond3A_268 = arith.cmpi ne, %convert_element_type3A_266, %cond3A_267 : i32
        scf.if %cond3A_268 {
          %mul3A_275 = arith.constant 128 : i32
          %mul3A_276 = arith.muli %scan3A_263, %mul3A_275 : i32
          %dma_wait3A_277 = tpu.memref_slice %arg10[%mul3A_276] : memref<2816xi32, #tpu.memory_space<vmem>> -> memref<128xi32, #tpu.memory_space<vmem>>
          %dma_wait3A_278 = arith.constant 0 : i32
          %dma_wait3A_279 = arith.constant 0 : i32
          %dma_wait3A_280 = tpu.memref_slice %arg2[%dma_wait3A_278, %dma_wait3A_279] : memref<100000x128xf32, #tpu.memory_space<hbm>> -> memref<100000x128xf32, #tpu.memory_space<hbm>>
          tpu.wait_indirect_dma semaphore(%arg15 : memref<!tpu.dma_semaphore, #tpu.memory_space<semaphore_mem>>) src(%dma_wait3A_280 : memref<100000x128xf32, #tpu.memory_space<hbm>>) dst(%arg12 : memref<128x128xf32, #tpu.memory_space<vmem>>)
          %add3A_281 = arith.constant 1 : i32
          %add3A_282 = arith.addi %scan3A_263, %add3A_281 : i32
          %lt3A_283 = arith.constant 1 : i32
          %lt3A_284 = arith.cmpi slt, %add3A_282, %lt3A_283 : i32
          %convert_element_type3A_285 = arith.extui %lt3A_284 : i1 to i32
          %cond3A_286 = arith.constant 0 : i32
          %cond3A_287 = arith.cmpi ne, %convert_element_type3A_285, %cond3A_286 : i32
          scf.if %cond3A_287 {
            %add3A_290 = arith.constant 1 : i32
            %add3A_291 = arith.addi %scan3A_263, %add3A_290 : i32
            %mul3A_292 = arith.constant 128 : i32
            %mul3A_293 = arith.muli %add3A_291, %mul3A_292 : i32
            %dma_start3A_294 = tpu.memref_slice %arg10[%mul3A_293] : memref<2816xi32, #tpu.memory_space<vmem>> -> memref<128xi32, #tpu.memory_space<vmem>>
            %dma_start3A_295 = arith.constant 0 : i32
            %dma_start3A_296 = arith.constant 0 : i32
            %dma_start3A_297 = tpu.memref_slice %arg2[%dma_start3A_295, %dma_start3A_296] : memref<100000x128xf32, #tpu.memory_space<hbm>> -> memref<100000x128xf32, #tpu.memory_space<hbm>>
            tpu.enqueue_indirect_dma source(%dma_start3A_297 : memref<100000x128xf32, #tpu.memory_space<hbm>>) target(%arg13 : memref<128x128xf32, #tpu.memory_space<vmem>>) offsets(%dma_start3A_294 : memref<128xi32, #tpu.memory_space<vmem>>) semaphore(%arg15 : memref<!tpu.dma_semaphore, #tpu.memory_space<semaphore_mem>>)
          } else {
          }
          %mul3A_288 = arith.constant 128 : i32
          %mul3A_289 = arith.muli %scan3A_263, %mul3A_288 : i32
          "tpu.region"() ({
            %run_scoped3A = tpu.sem_alloc : memref<!tpu.dma_semaphore, #tpu.memory_space<semaphore_mem>>
            %dma_start3A_290 = tpu.memref_slice %arg11[%mul3A_289] : memref<2816xi32, #tpu.memory_space<vmem>> -> memref<128xi32, #tpu.memory_space<vmem>>
            %dma_start3A_291 = arith.constant 0 : i32
            %dma_start3A_292 = arith.constant 0 : i32
            %dma_start3A_293 = tpu.memref_slice %arg5[%dma_start3A_291, %dma_start3A_292] : memref<10240x128xf32, #tpu.memory_space<vmem_shared>> -> memref<10240x128xf32, #tpu.memory_space<vmem_shared>>
            tpu.enqueue_indirect_dma source(%arg12 : memref<128x128xf32, #tpu.memory_space<vmem>>) target(%dma_start3A_293 : memref<10240x128xf32, #tpu.memory_space<vmem_shared>>) offsets(%dma_start3A_290 : memref<128xi32, #tpu.memory_space<vmem>>) semaphore(%run_scoped3A : memref<!tpu.dma_semaphore, #tpu.memory_space<semaphore_mem>>) {add = true}
            %dma_wait3A_294 = tpu.memref_slice %arg11[%mul3A_289] : memref<2816xi32, #tpu.memory_space<vmem>> -> memref<128xi32, #tpu.memory_space<vmem>>
            %dma_wait3A_295 = arith.constant 0 : i32
            %dma_wait3A_296 = arith.constant 0 : i32
            %dma_wait3A_297 = tpu.memref_slice %arg5[%dma_wait3A_295, %dma_wait3A_296] : memref<10240x128xf32, #tpu.memory_space<vmem_shared>> -> memref<10240x128xf32, #tpu.memory_space<vmem_shared>>
            tpu.wait_indirect_dma semaphore(%run_scoped3A : memref<!tpu.dma_semaphore, #tpu.memory_space<semaphore_mem>>) src(%arg12 : memref<128x128xf32, #tpu.memory_space<vmem>>) dst(%dma_wait3A_297 : memref<10240x128xf32, #tpu.memory_space<vmem_shared>>)
            tpu.yield
          }) : () -> ()
        } else {
        }
        %not3A = arith.constant true
        %not3A_269 = arith.xori %eq3A_265, %not3A : i1
        %convert_element_type3A_270 = arith.extui %not3A_269 : i1 to i32
        %cond3A_271 = arith.constant 0 : i32
        %cond3A_272 = arith.cmpi ne, %convert_element_type3A_270, %cond3A_271 : i32
        scf.if %cond3A_272 {
          %mul3A_275 = arith.constant 128 : i32
          %mul3A_276 = arith.muli %scan3A_263, %mul3A_275 : i32
          %dma_wait3A_277 = tpu.memref_slice %arg10[%mul3A_276] : memref<2816xi32, #tpu.memory_space<vmem>> -> memref<128xi32, #tpu.memory_space<vmem>>
          %dma_wait3A_278 = arith.constant 0 : i32
          %dma_wait3A_279 = arith.constant 0 : i32
          %dma_wait3A_280 = tpu.memref_slice %arg2[%dma_wait3A_278, %dma_wait3A_279] : memref<100000x128xf32, #tpu.memory_space<hbm>> -> memref<100000x128xf32, #tpu.memory_space<hbm>>
          tpu.wait_indirect_dma semaphore(%arg15 : memref<!tpu.dma_semaphore, #tpu.memory_space<semaphore_mem>>) src(%dma_wait3A_280 : memref<100000x128xf32, #tpu.memory_space<hbm>>) dst(%arg13 : memref<128x128xf32, #tpu.memory_space<vmem>>)
          %add3A_281 = arith.constant 1 : i32
          %add3A_282 = arith.addi %scan3A_263, %add3A_281 : i32
          %lt3A_283 = arith.constant 1 : i32
          %lt3A_284 = arith.cmpi slt, %add3A_282, %lt3A_283 : i32
          %convert_element_type3A_285 = arith.extui %lt3A_284 : i1 to i32
          %cond3A_286 = arith.constant 0 : i32
          %cond3A_287 = arith.cmpi ne, %convert_element_type3A_285, %cond3A_286 : i32
          scf.if %cond3A_287 {
            %add3A_290 = arith.constant 1 : i32
            %add3A_291 = arith.addi %scan3A_263, %add3A_290 : i32
            %mul3A_292 = arith.constant 128 : i32
            %mul3A_293 = arith.muli %add3A_291, %mul3A_292 : i32
            %dma_start3A_294 = tpu.memref_slice %arg10[%mul3A_293] : memref<2816xi32, #tpu.memory_space<vmem>> -> memref<128xi32, #tpu.memory_space<vmem>>
            %dma_start3A_295 = arith.constant 0 : i32
            %dma_start3A_296 = arith.constant 0 : i32
            %dma_start3A_297 = tpu.memref_slice %arg2[%dma_start3A_295, %dma_start3A_296] : memref<100000x128xf32, #tpu.memory_space<hbm>> -> memref<100000x128xf32, #tpu.memory_space<hbm>>
            tpu.enqueue_indirect_dma source(%dma_start3A_297 : memref<100000x128xf32, #tpu.memory_space<hbm>>) target(%arg12 : memref<128x128xf32, #tpu.memory_space<vmem>>) offsets(%dma_start3A_294 : memref<128xi32, #tpu.memory_space<vmem>>) semaphore(%arg15 : memref<!tpu.dma_semaphore, #tpu.memory_space<semaphore_mem>>)
          } else {
          }
          %mul3A_288 = arith.constant 128 : i32
          %mul3A_289 = arith.muli %scan3A_263, %mul3A_288 : i32
          "tpu.region"() ({
            %run_scoped3A = tpu.sem_alloc : memref<!tpu.dma_semaphore, #tpu.memory_space<semaphore_mem>>
            %dma_start3A_290 = tpu.memref_slice %arg11[%mul3A_289] : memref<2816xi32, #tpu.memory_space<vmem>> -> memref<128xi32, #tpu.memory_space<vmem>>
            %dma_start3A_291 = arith.constant 0 : i32
            %dma_start3A_292 = arith.constant 0 : i32
            %dma_start3A_293 = tpu.memref_slice %arg5[%dma_start3A_291, %dma_start3A_292] : memref<10240x128xf32, #tpu.memory_space<vmem_shared>> -> memref<10240x128xf32, #tpu.memory_space<vmem_shared>>
            tpu.enqueue_indirect_dma source(%arg13 : memref<128x128xf32, #tpu.memory_space<vmem>>) target(%dma_start3A_293 : memref<10240x128xf32, #tpu.memory_space<vmem_shared>>) offsets(%dma_start3A_290 : memref<128xi32, #tpu.memory_space<vmem>>) semaphore(%run_scoped3A : memref<!tpu.dma_semaphore, #tpu.memory_space<semaphore_mem>>) {add = true}
            %dma_wait3A_294 = tpu.memref_slice %arg11[%mul3A_289] : memref<2816xi32, #tpu.memory_space<vmem>> -> memref<128xi32, #tpu.memory_space<vmem>>
            %dma_wait3A_295 = arith.constant 0 : i32
            %dma_wait3A_296 = arith.constant 0 : i32
            %dma_wait3A_297 = tpu.memref_slice %arg5[%dma_wait3A_295, %dma_wait3A_296] : memref<10240x128xf32, #tpu.memory_space<vmem_shared>> -> memref<10240x128xf32, #tpu.memory_space<vmem_shared>>
            tpu.wait_indirect_dma semaphore(%run_scoped3A : memref<!tpu.dma_semaphore, #tpu.memory_space<semaphore_mem>>) src(%arg13 : memref<128x128xf32, #tpu.memory_space<vmem>>) dst(%dma_wait3A_297 : memref<10240x128xf32, #tpu.memory_space<vmem_shared>>)
            tpu.yield
          }) : () -> ()
        } else {
        }
        %scan3A_273 = arith.constant 0 : i32
        %scan3A_274 = arith.constant 1 : i32
      } else {
      }
      %barrier3A_144 = arith.constant 0 : index
      tpu.barrier barrier_id(%barrier3A_144)
      %mul3A_145 = arith.constant 50560 : i32
      %mul3A_146 = arith.muli %arg0, %mul3A_145 : i32
      %add3A_147 = arith.addi %mul3A_146, %multiple_of3A : i32
      %mul3A_148 = arith.constant 632 : i32
      %mul3A_149 = arith.muli %arg1, %mul3A_148 : i32
      %add3A_150 = arith.addi %add3A_147, %mul3A_149 : i32
      %multiple_of3A_151 = tpu.assume_multiple %add3A_150, 8 : i32
      %mul3A_152 = arith.constant 632 : i32
      %mul3A_153 = arith.muli %arg1, %mul3A_152 : i32
      "tpu.region"() ({
        %run_scoped3A = tpu.sem_alloc : memref<!tpu.dma_semaphore, #tpu.memory_space<semaphore_mem>>
        %dma_start3A_156 = arith.constant 0 : i32
        %dma_start3A_157 = tpu.memref_slice %arg4[%multiple_of3A_151, %dma_start3A_156] : memref<101120x128xf32, #tpu.memory_space<hbm>> -> memref<632x128xf32, #tpu.memory_space<hbm>>
        %dma_start3A_158 = arith.constant 0 : i32
        %dma_start3A_159 = tpu.memref_slice %arg5[%mul3A_153, %dma_start3A_158] : memref<10240x128xf32, #tpu.memory_space<vmem_shared>> -> memref<632x128xf32, #tpu.memory_space<vmem_shared>>
        tpu.enqueue_dma source(%dma_start3A_159 : memref<632x128xf32, #tpu.memory_space<vmem_shared>>) target(%dma_start3A_157 : memref<632x128xf32, #tpu.memory_space<hbm>>) target_semaphore(%run_scoped3A : memref<!tpu.dma_semaphore, #tpu.memory_space<semaphore_mem>>)
        %dma_wait3A_160 = arith.constant 0 : i32
        %dma_wait3A_161 = tpu.memref_slice %arg4[%multiple_of3A_151, %dma_wait3A_160] : memref<101120x128xf32, #tpu.memory_space<hbm>> -> memref<632x128xf32, #tpu.memory_space<hbm>>
        %dma_wait3A_162 = arith.constant 0 : i32
        %dma_wait3A_163 = tpu.memref_slice %arg5[%mul3A_153, %dma_wait3A_162] : memref<10240x128xf32, #tpu.memory_space<vmem_shared>> -> memref<632x128xf32, #tpu.memory_space<vmem_shared>>
        tpu.wait_dma2 semaphore(%run_scoped3A : memref<!tpu.dma_semaphore, #tpu.memory_space<semaphore_mem>>) src(%dma_wait3A_163 : memref<632x128xf32, #tpu.memory_space<vmem_shared>>) dst(%dma_wait3A_161 : memref<632x128xf32, #tpu.memory_space<hbm>>)
        tpu.yield
      }) : () -> ()
      %barrier3A_154 = arith.constant 0 : index
      tpu.barrier barrier_id(%barrier3A_154)
      %scan3A_155 = arith.constant 0 : i32
      scf.yield %scan3A_155 : i32
    }
    %scan3A_32 = arith.constant 5 : i32
    return
  }
}

#map = affine_map<(d0, d1) -> (0)>
#map1 = affine_map<(d0, d1) -> (0, 0, 0, 0)>
module attributes {stable_mosaic.version = 14 : i64} {
  func.func @_deg_body(%arg0: i32, %arg1: i32, %arg2: memref<800000xi32, #tpu.memory_space<hbm>>, %arg3: memref<800000xi32, #tpu.memory_space<hbm>>, %arg4: memref<2x2x16x50016xf32, #tpu.memory_space<hbm>>, %arg5: memref<25016xi32, #tpu.memory_space<vmem>>, %arg6: memref<50016xf32, #tpu.memory_space<vmem>>) attributes {dimension_semantics = [#tpu.dimension_semantics<core_parallel>, #tpu.dimension_semantics<subcore_parallel>], iteration_bounds = array<i64: 2, 16>, scalar_prefetch = 0 : i64, scratch_operands = 2 : i64, tpu.core_type = #tpu.core_type<sc_vector_subcore>, window_params = [{transform_indices = #map}, {transform_indices = #map}, {transform_indices = #map1}]} {
    %broadcast_in_dim3A = arith.constant 1.000000e+00 : f32
    %broadcast_in_dim3A_0 = vector.broadcast %broadcast_in_dim3A : f32 to vector<16xf32>
    %iota3A = tpu.iota {dimensions = array<i32: 0>} : vector<16xi32>
    %lt3A = arith.constant 8 : i32
    %lt3A_1 = vector.broadcast %lt3A : i32 to vector<16xi32>
    %lt3A_2 = arith.cmpi slt, %iota3A, %lt3A_1 : vector<16xi32>
    %eq3A = arith.constant 0 : i32
    %eq3A_3 = arith.cmpi eq, %arg0, %eq3A : i32
    %convert_element_type3A = arith.extui %eq3A_3 : i1 to i32
    %cond3A = arith.constant 0 : i32
    %cond3A_4 = arith.cmpi ne, %convert_element_type3A, %cond3A : i32
    scf.if %cond3A_4 {
      %scan3A = arith.constant 0 : i32
      %scan3A_10 = arith.constant 0 : i32
      %scan3A_11 = arith.constant 3120 : i32
      %scan3A_12 = arith.addi %scan3A_10, %scan3A_11 : i32
      %scan3A_13 = arith.constant 8 : i32
      %scan3A_14 = scf.for %scan3A_182 = %scan3A_10 to %scan3A_12 step %scan3A_13 iter_args(%scan3A_183 = %scan3A) -> (i32)  : i32 {
        %broadcast_in_dim3A_184 = arith.constant 0.000000e+00 : f32
        %broadcast_in_dim3A_185 = vector.broadcast %broadcast_in_dim3A_184 : f32 to vector<16xf32>
        %mul3A_186 = arith.constant 16 : i32
        %mul3A_187 = arith.muli %scan3A_182, %mul3A_186 : i32
        %swap3A_188 = arith.index_cast %mul3A_187 : i32 to index
        %swap3A_189 = tpu.vector_load %arg6[%swap3A_188] {strides = array<i32>} : memref<50016xf32, #tpu.memory_space<vmem>>, vector<16xf32>,
        tpu.vector_store %arg6[%swap3A_188], %broadcast_in_dim3A_185 {strides = array<i32>} : memref<50016xf32, #tpu.memory_space<vmem>>, vector<16xf32>,
        %scan3A_190 = arith.constant 0 : i32
        %scan3A_191 = arith.constant 1 : i32
        %scan3A_192 = arith.addi %scan3A_182, %scan3A_191 : i32
        %broadcast_in_dim3A_193 = arith.constant 0.000000e+00 : f32
        %broadcast_in_dim3A_194 = vector.broadcast %broadcast_in_dim3A_193 : f32 to vector<16xf32>
        %mul3A_195 = arith.constant 16 : i32
        %mul3A_196 = arith.muli %scan3A_192, %mul3A_195 : i32
        %swap3A_197 = arith.index_cast %mul3A_196 : i32 to index
        %swap3A_198 = tpu.vector_load %arg6[%swap3A_197] {strides = array<i32>} : memref<50016xf32, #tpu.memory_space<vmem>>, vector<16xf32>,
        tpu.vector_store %arg6[%swap3A_197], %broadcast_in_dim3A_194 {strides = array<i32>} : memref<50016xf32, #tpu.memory_space<vmem>>, vector<16xf32>,
        %scan3A_199 = arith.constant 0 : i32
        %scan3A_200 = arith.constant 2 : i32
        %scan3A_201 = arith.addi %scan3A_182, %scan3A_200 : i32
        %broadcast_in_dim3A_202 = arith.constant 0.000000e+00 : f32
        %broadcast_in_dim3A_203 = vector.broadcast %broadcast_in_dim3A_202 : f32 to vector<16xf32>
        %mul3A_204 = arith.constant 16 : i32
        %mul3A_205 = arith.muli %scan3A_201, %mul3A_204 : i32
        %swap3A_206 = arith.index_cast %mul3A_205 : i32 to index
        %swap3A_207 = tpu.vector_load %arg6[%swap3A_206] {strides = array<i32>} : memref<50016xf32, #tpu.memory_space<vmem>>, vector<16xf32>,
        tpu.vector_store %arg6[%swap3A_206], %broadcast_in_dim3A_203 {strides = array<i32>} : memref<50016xf32, #tpu.memory_space<vmem>>, vector<16xf32>,
        %scan3A_208 = arith.constant 0 : i32
        %scan3A_209 = arith.constant 3 : i32
        %scan3A_210 = arith.addi %scan3A_182, %scan3A_209 : i32
        %broadcast_in_dim3A_211 = arith.constant 0.000000e+00 : f32
        %broadcast_in_dim3A_212 = vector.broadcast %broadcast_in_dim3A_211 : f32 to vector<16xf32>
        %mul3A_213 = arith.constant 16 : i32
        %mul3A_214 = arith.muli %scan3A_210, %mul3A_213 : i32
        %swap3A_215 = arith.index_cast %mul3A_214 : i32 to index
        %swap3A_216 = tpu.vector_load %arg6[%swap3A_215] {strides = array<i32>} : memref<50016xf32, #tpu.memory_space<vmem>>, vector<16xf32>,
        tpu.vector_store %arg6[%swap3A_215], %broadcast_in_dim3A_212 {strides = array<i32>} : memref<50016xf32, #tpu.memory_space<vmem>>, vector<16xf32>,
        %scan3A_217 = arith.constant 0 : i32
        %scan3A_218 = arith.constant 4 : i32
        %scan3A_219 = arith.addi %scan3A_182, %scan3A_218 : i32
        %broadcast_in_dim3A_220 = arith.constant 0.000000e+00 : f32
        %broadcast_in_dim3A_221 = vector.broadcast %broadcast_in_dim3A_220 : f32 to vector<16xf32>
        %mul3A_222 = arith.constant 16 : i32
        %mul3A_223 = arith.muli %scan3A_219, %mul3A_222 : i32
        %swap3A_224 = arith.index_cast %mul3A_223 : i32 to index
        %swap3A_225 = tpu.vector_load %arg6[%swap3A_224] {strides = array<i32>} : memref<50016xf32, #tpu.memory_space<vmem>>, vector<16xf32>,
        tpu.vector_store %arg6[%swap3A_224], %broadcast_in_dim3A_221 {strides = array<i32>} : memref<50016xf32, #tpu.memory_space<vmem>>, vector<16xf32>,
        %scan3A_226 = arith.constant 0 : i32
        %scan3A_227 = arith.constant 5 : i32
        %scan3A_228 = arith.addi %scan3A_182, %scan3A_227 : i32
        %broadcast_in_dim3A_229 = arith.constant 0.000000e+00 : f32
        %broadcast_in_dim3A_230 = vector.broadcast %broadcast_in_dim3A_229 : f32 to vector<16xf32>
        %mul3A_231 = arith.constant 16 : i32
        %mul3A_232 = arith.muli %scan3A_228, %mul3A_231 : i32
        %swap3A_233 = arith.index_cast %mul3A_232 : i32 to index
        %swap3A_234 = tpu.vector_load %arg6[%swap3A_233] {strides = array<i32>} : memref<50016xf32, #tpu.memory_space<vmem>>, vector<16xf32>,
        tpu.vector_store %arg6[%swap3A_233], %broadcast_in_dim3A_230 {strides = array<i32>} : memref<50016xf32, #tpu.memory_space<vmem>>, vector<16xf32>,
        %scan3A_235 = arith.constant 0 : i32
        %scan3A_236 = arith.constant 6 : i32
        %scan3A_237 = arith.addi %scan3A_182, %scan3A_236 : i32
        %broadcast_in_dim3A_238 = arith.constant 0.000000e+00 : f32
        %broadcast_in_dim3A_239 = vector.broadcast %broadcast_in_dim3A_238 : f32 to vector<16xf32>
        %mul3A_240 = arith.constant 16 : i32
        %mul3A_241 = arith.muli %scan3A_237, %mul3A_240 : i32
        %swap3A_242 = arith.index_cast %mul3A_241 : i32 to index
        %swap3A_243 = tpu.vector_load %arg6[%swap3A_242] {strides = array<i32>} : memref<50016xf32, #tpu.memory_space<vmem>>, vector<16xf32>,
        tpu.vector_store %arg6[%swap3A_242], %broadcast_in_dim3A_239 {strides = array<i32>} : memref<50016xf32, #tpu.memory_space<vmem>>, vector<16xf32>,
        %scan3A_244 = arith.constant 0 : i32
        %scan3A_245 = arith.constant 7 : i32
        %scan3A_246 = arith.addi %scan3A_182, %scan3A_245 : i32
        %broadcast_in_dim3A_247 = arith.constant 0.000000e+00 : f32
        %broadcast_in_dim3A_248 = vector.broadcast %broadcast_in_dim3A_247 : f32 to vector<16xf32>
        %mul3A_249 = arith.constant 16 : i32
        %mul3A_250 = arith.muli %scan3A_246, %mul3A_249 : i32
        %swap3A_251 = arith.index_cast %mul3A_250 : i32 to index
        %swap3A_252 = tpu.vector_load %arg6[%swap3A_251] {strides = array<i32>} : memref<50016xf32, #tpu.memory_space<vmem>>, vector<16xf32>,
        tpu.vector_store %arg6[%swap3A_251], %broadcast_in_dim3A_248 {strides = array<i32>} : memref<50016xf32, #tpu.memory_space<vmem>>, vector<16xf32>,
        %scan3A_253 = arith.constant 0 : i32
        scf.yield %scan3A_253 : i32
      }
      %scan3A_15 = arith.constant 3120 : i32
      %scan3A_16 = arith.addi %scan3A_10, %scan3A_15 : i32
      %broadcast_in_dim3A_17 = arith.constant 0.000000e+00 : f32
      %broadcast_in_dim3A_18 = vector.broadcast %broadcast_in_dim3A_17 : f32 to vector<16xf32>
      %mul3A = arith.constant 16 : i32
      %mul3A_19 = arith.muli %scan3A_16, %mul3A : i32
      %swap3A = arith.index_cast %mul3A_19 : i32 to index
      %swap3A_20 = tpu.vector_load %arg6[%swap3A] {strides = array<i32>} : memref<50016xf32, #tpu.memory_space<vmem>>, vector<16xf32>,
      tpu.vector_store %arg6[%swap3A], %broadcast_in_dim3A_18 {strides = array<i32>} : memref<50016xf32, #tpu.memory_space<vmem>>, vector<16xf32>,
      %scan3A_21 = arith.constant 0 : i32
      %scan3A_22 = arith.constant 3121 : i32
      %scan3A_23 = arith.addi %scan3A_10, %scan3A_22 : i32
      %broadcast_in_dim3A_24 = arith.constant 0.000000e+00 : f32
      %broadcast_in_dim3A_25 = vector.broadcast %broadcast_in_dim3A_24 : f32 to vector<16xf32>
      %mul3A_26 = arith.constant 16 : i32
      %mul3A_27 = arith.muli %scan3A_23, %mul3A_26 : i32
      %swap3A_28 = arith.index_cast %mul3A_27 : i32 to index
      %swap3A_29 = tpu.vector_load %arg6[%swap3A_28] {strides = array<i32>} : memref<50016xf32, #tpu.memory_space<vmem>>, vector<16xf32>,
      tpu.vector_store %arg6[%swap3A_28], %broadcast_in_dim3A_25 {strides = array<i32>} : memref<50016xf32, #tpu.memory_space<vmem>>, vector<16xf32>,
      %scan3A_30 = arith.constant 0 : i32
      %scan3A_31 = arith.constant 3122 : i32
      %scan3A_32 = arith.addi %scan3A_10, %scan3A_31 : i32
      %broadcast_in_dim3A_33 = arith.constant 0.000000e+00 : f32
      %broadcast_in_dim3A_34 = vector.broadcast %broadcast_in_dim3A_33 : f32 to vector<16xf32>
      %mul3A_35 = arith.constant 16 : i32
      %mul3A_36 = arith.muli %scan3A_32, %mul3A_35 : i32
      %swap3A_37 = arith.index_cast %mul3A_36 : i32 to index
      %swap3A_38 = tpu.vector_load %arg6[%swap3A_37] {strides = array<i32>} : memref<50016xf32, #tpu.memory_space<vmem>>, vector<16xf32>,
      tpu.vector_store %arg6[%swap3A_37], %broadcast_in_dim3A_34 {strides = array<i32>} : memref<50016xf32, #tpu.memory_space<vmem>>, vector<16xf32>,
      %scan3A_39 = arith.constant 0 : i32
      %scan3A_40 = arith.constant 3123 : i32
      %scan3A_41 = arith.addi %scan3A_10, %scan3A_40 : i32
      %broadcast_in_dim3A_42 = arith.constant 0.000000e+00 : f32
      %broadcast_in_dim3A_43 = vector.broadcast %broadcast_in_dim3A_42 : f32 to vector<16xf32>
      %mul3A_44 = arith.constant 16 : i32
      %mul3A_45 = arith.muli %scan3A_41, %mul3A_44 : i32
      %swap3A_46 = arith.index_cast %mul3A_45 : i32 to index
      %swap3A_47 = tpu.vector_load %arg6[%swap3A_46] {strides = array<i32>} : memref<50016xf32, #tpu.memory_space<vmem>>, vector<16xf32>,
      tpu.vector_store %arg6[%swap3A_46], %broadcast_in_dim3A_43 {strides = array<i32>} : memref<50016xf32, #tpu.memory_space<vmem>>, vector<16xf32>,
      %scan3A_48 = arith.constant 0 : i32
      %scan3A_49 = arith.constant 3124 : i32
      %scan3A_50 = arith.addi %scan3A_10, %scan3A_49 : i32
      %broadcast_in_dim3A_51 = arith.constant 0.000000e+00 : f32
      %broadcast_in_dim3A_52 = vector.broadcast %broadcast_in_dim3A_51 : f32 to vector<16xf32>
      %mul3A_53 = arith.constant 16 : i32
      %mul3A_54 = arith.muli %scan3A_50, %mul3A_53 : i32
      %swap3A_55 = arith.index_cast %mul3A_54 : i32 to index
      %swap3A_56 = tpu.vector_load %arg6[%swap3A_55] {strides = array<i32>} : memref<50016xf32, #tpu.memory_space<vmem>>, vector<16xf32>,
      tpu.vector_store %arg6[%swap3A_55], %broadcast_in_dim3A_52 {strides = array<i32>} : memref<50016xf32, #tpu.memory_space<vmem>>, vector<16xf32>,
      %scan3A_57 = arith.constant 0 : i32
      %scan3A_58 = arith.constant 3125 : i32
      %scan3A_59 = arith.addi %scan3A_10, %scan3A_58 : i32
      %broadcast_in_dim3A_60 = arith.constant 0.000000e+00 : f32
      %broadcast_in_dim3A_61 = vector.broadcast %broadcast_in_dim3A_60 : f32 to vector<16xf32>
      %mul3A_62 = arith.constant 16 : i32
      %mul3A_63 = arith.muli %scan3A_59, %mul3A_62 : i32
      %swap3A_64 = arith.index_cast %mul3A_63 : i32 to index
      %swap3A_65 = tpu.vector_load %arg6[%swap3A_64] {strides = array<i32>} : memref<50016xf32, #tpu.memory_space<vmem>>, vector<16xf32>,
      tpu.vector_store %arg6[%swap3A_64], %broadcast_in_dim3A_61 {strides = array<i32>} : memref<50016xf32, #tpu.memory_space<vmem>>, vector<16xf32>,
      %scan3A_66 = arith.constant 0 : i32
      %scan3A_67 = arith.constant 3126 : i32
      %mul3A_68 = arith.constant 25000 : i32
      %mul3A_69 = arith.muli %arg1, %mul3A_68 : i32
      %add3A = arith.constant 0 : i32
      %add3A_70 = arith.addi %add3A, %mul3A_69 : i32
      "tpu.region"() ({
        %run_scoped3A_182 = tpu.sem_alloc : memref<!tpu.dma_semaphore, #tpu.memory_space<semaphore_mem>>
        %dma_start3A = arith.constant 0 : i32
        %dma_start3A_183 = tpu.memref_slice %arg5[%dma_start3A] : memref<25016xi32, #tpu.memory_space<vmem>> -> memref<25000xi32, #tpu.memory_space<vmem>>
        %dma_start3A_184 = tpu.memref_slice %arg2[%add3A_70] : memref<800000xi32, #tpu.memory_space<hbm>> -> memref<25000xi32, #tpu.memory_space<hbm>>
        %dma_start3A_185 = arith.constant 0 : i32
        %dma_start3A_186 = tpu.memref_slice %arg5[%dma_start3A_185] : memref<25016xi32, #tpu.memory_space<vmem>> -> memref<25000xi32, #tpu.memory_space<vmem>>
        %dma_start3A_187 = tpu.memref_slice %arg2[%add3A_70] : memref<800000xi32, #tpu.memory_space<hbm>> -> memref<25000xi32, #tpu.memory_space<hbm>>
        tpu.enqueue_dma source(%dma_start3A_187 : memref<25000xi32, #tpu.memory_space<hbm>>) target(%dma_start3A_186 : memref<25000xi32, #tpu.memory_space<vmem>>) target_semaphore(%run_scoped3A_182 : memref<!tpu.dma_semaphore, #tpu.memory_space<semaphore_mem>>)
        %dma_wait3A = arith.constant 0 : i32
        %dma_wait3A_188 = tpu.memref_slice %arg5[%dma_wait3A] : memref<25016xi32, #tpu.memory_space<vmem>> -> memref<25000xi32, #tpu.memory_space<vmem>>
        %dma_wait3A_189 = tpu.memref_slice %arg2[%add3A_70] : memref<800000xi32, #tpu.memory_space<hbm>> -> memref<25000xi32, #tpu.memory_space<hbm>>
        %dma_wait3A_190 = arith.constant 0 : i32
        %dma_wait3A_191 = tpu.memref_slice %arg5[%dma_wait3A_190] : memref<25016xi32, #tpu.memory_space<vmem>> -> memref<25000xi32, #tpu.memory_space<vmem>>
        %dma_wait3A_192 = tpu.memref_slice %arg2[%add3A_70] : memref<800000xi32, #tpu.memory_space<hbm>> -> memref<25000xi32, #tpu.memory_space<hbm>>
        tpu.wait_dma2 semaphore(%run_scoped3A_182 : memref<!tpu.dma_semaphore, #tpu.memory_space<semaphore_mem>>) src(%dma_wait3A_192 : memref<25000xi32, #tpu.memory_space<hbm>>) dst(%dma_wait3A_191 : memref<25000xi32, #tpu.memory_space<vmem>>)
        tpu.yield
      }) : () -> ()
      %scan3A_71 = arith.constant 0 : i32
      %scan3A_72 = arith.constant 0 : i32
      %scan3A_73 = arith.constant 1560 : i32
      %scan3A_74 = arith.addi %scan3A_72, %scan3A_73 : i32
      %scan3A_75 = arith.constant 8 : i32
      %scan3A_76 = scf.for %scan3A_182 = %scan3A_72 to %scan3A_74 step %scan3A_75 iter_args(%scan3A_183 = %scan3A_71) -> (i32)  : i32 {
        %mul3A_184 = arith.constant 16 : i32
        %mul3A_185 = arith.muli %scan3A_182, %mul3A_184 : i32
        %get3A_186 = arith.index_cast %mul3A_185 : i32 to index
        %get3A_187 = tpu.vector_load %arg5[%get3A_186] {strides = array<i32>} : memref<25016xi32, #tpu.memory_space<vmem>>, vector<16xi32>,
        tpu.vector_store_idx %arg6[%get3A_187], %broadcast_in_dim3A_0 {add = true} : memref<50016xf32, #tpu.memory_space<vmem>>[vector<16xi32>], vector<16xf32>,
        %scan3A_188 = arith.constant 0 : i32
        %scan3A_189 = arith.constant 1 : i32
        %scan3A_190 = arith.addi %scan3A_182, %scan3A_189 : i32
        %mul3A_191 = arith.constant 16 : i32
        %mul3A_192 = arith.muli %scan3A_190, %mul3A_191 : i32
        %get3A_193 = arith.index_cast %mul3A_192 : i32 to index
        %get3A_194 = tpu.vector_load %arg5[%get3A_193] {strides = array<i32>} : memref<25016xi32, #tpu.memory_space<vmem>>, vector<16xi32>,
        tpu.vector_store_idx %arg6[%get3A_194], %broadcast_in_dim3A_0 {add = true} : memref<50016xf32, #tpu.memory_space<vmem>>[vector<16xi32>], vector<16xf32>,
        %scan3A_195 = arith.constant 0 : i32
        %scan3A_196 = arith.constant 2 : i32
        %scan3A_197 = arith.addi %scan3A_182, %scan3A_196 : i32
        %mul3A_198 = arith.constant 16 : i32
        %mul3A_199 = arith.muli %scan3A_197, %mul3A_198 : i32
        %get3A_200 = arith.index_cast %mul3A_199 : i32 to index
        %get3A_201 = tpu.vector_load %arg5[%get3A_200] {strides = array<i32>} : memref<25016xi32, #tpu.memory_space<vmem>>, vector<16xi32>,
        tpu.vector_store_idx %arg6[%get3A_201], %broadcast_in_dim3A_0 {add = true} : memref<50016xf32, #tpu.memory_space<vmem>>[vector<16xi32>], vector<16xf32>,
        %scan3A_202 = arith.constant 0 : i32
        %scan3A_203 = arith.constant 3 : i32
        %scan3A_204 = arith.addi %scan3A_182, %scan3A_203 : i32
        %mul3A_205 = arith.constant 16 : i32
        %mul3A_206 = arith.muli %scan3A_204, %mul3A_205 : i32
        %get3A_207 = arith.index_cast %mul3A_206 : i32 to index
        %get3A_208 = tpu.vector_load %arg5[%get3A_207] {strides = array<i32>} : memref<25016xi32, #tpu.memory_space<vmem>>, vector<16xi32>,
        tpu.vector_store_idx %arg6[%get3A_208], %broadcast_in_dim3A_0 {add = true} : memref<50016xf32, #tpu.memory_space<vmem>>[vector<16xi32>], vector<16xf32>,
        %scan3A_209 = arith.constant 0 : i32
        %scan3A_210 = arith.constant 4 : i32
        %scan3A_211 = arith.addi %scan3A_182, %scan3A_210 : i32
        %mul3A_212 = arith.constant 16 : i32
        %mul3A_213 = arith.muli %scan3A_211, %mul3A_212 : i32
        %get3A_214 = arith.index_cast %mul3A_213 : i32 to index
        %get3A_215 = tpu.vector_load %arg5[%get3A_214] {strides = array<i32>} : memref<25016xi32, #tpu.memory_space<vmem>>, vector<16xi32>,
        tpu.vector_store_idx %arg6[%get3A_215], %broadcast_in_dim3A_0 {add = true} : memref<50016xf32, #tpu.memory_space<vmem>>[vector<16xi32>], vector<16xf32>,
        %scan3A_216 = arith.constant 0 : i32
        %scan3A_217 = arith.constant 5 : i32
        %scan3A_218 = arith.addi %scan3A_182, %scan3A_217 : i32
        %mul3A_219 = arith.constant 16 : i32
        %mul3A_220 = arith.muli %scan3A_218, %mul3A_219 : i32
        %get3A_221 = arith.index_cast %mul3A_220 : i32 to index
        %get3A_222 = tpu.vector_load %arg5[%get3A_221] {strides = array<i32>} : memref<25016xi32, #tpu.memory_space<vmem>>, vector<16xi32>,
        tpu.vector_store_idx %arg6[%get3A_222], %broadcast_in_dim3A_0 {add = true} : memref<50016xf32, #tpu.memory_space<vmem>>[vector<16xi32>], vector<16xf32>,
        %scan3A_223 = arith.constant 0 : i32
        %scan3A_224 = arith.constant 6 : i32
        %scan3A_225 = arith.addi %scan3A_182, %scan3A_224 : i32
        %mul3A_226 = arith.constant 16 : i32
        %mul3A_227 = arith.muli %scan3A_225, %mul3A_226 : i32
        %get3A_228 = arith.index_cast %mul3A_227 : i32 to index
        %get3A_229 = tpu.vector_load %arg5[%get3A_228] {strides = array<i32>} : memref<25016xi32, #tpu.memory_space<vmem>>, vector<16xi32>,
        tpu.vector_store_idx %arg6[%get3A_229], %broadcast_in_dim3A_0 {add = true} : memref<50016xf32, #tpu.memory_space<vmem>>[vector<16xi32>], vector<16xf32>,
        %scan3A_230 = arith.constant 0 : i32
        %scan3A_231 = arith.constant 7 : i32
        %scan3A_232 = arith.addi %scan3A_182, %scan3A_231 : i32
        %mul3A_233 = arith.constant 16 : i32
        %mul3A_234 = arith.muli %scan3A_232, %mul3A_233 : i32
        %get3A_235 = arith.index_cast %mul3A_234 : i32 to index
        %get3A_236 = tpu.vector_load %arg5[%get3A_235] {strides = array<i32>} : memref<25016xi32, #tpu.memory_space<vmem>>, vector<16xi32>,
        tpu.vector_store_idx %arg6[%get3A_236], %broadcast_in_dim3A_0 {add = true} : memref<50016xf32, #tpu.memory_space<vmem>>[vector<16xi32>], vector<16xf32>,
        %scan3A_237 = arith.constant 0 : i32
        scf.yield %scan3A_237 : i32
      }
      %scan3A_77 = arith.constant 1560 : i32
      %scan3A_78 = arith.addi %scan3A_72, %scan3A_77 : i32
      %mul3A_79 = arith.constant 16 : i32
      %mul3A_80 = arith.muli %scan3A_78, %mul3A_79 : i32
      %get3A = arith.index_cast %mul3A_80 : i32 to index
      %get3A_81 = tpu.vector_load %arg5[%get3A] {strides = array<i32>} : memref<25016xi32, #tpu.memory_space<vmem>>, vector<16xi32>,
      tpu.vector_store_idx %arg6[%get3A_81], %broadcast_in_dim3A_0 {add = true} : memref<50016xf32, #tpu.memory_space<vmem>>[vector<16xi32>], vector<16xf32>,
      %scan3A_82 = arith.constant 0 : i32
      %scan3A_83 = arith.constant 1561 : i32
      %scan3A_84 = arith.addi %scan3A_72, %scan3A_83 : i32
      %mul3A_85 = arith.constant 16 : i32
      %mul3A_86 = arith.muli %scan3A_84, %mul3A_85 : i32
      %get3A_87 = arith.index_cast %mul3A_86 : i32 to index
      %get3A_88 = tpu.vector_load %arg5[%get3A_87] {strides = array<i32>} : memref<25016xi32, #tpu.memory_space<vmem>>, vector<16xi32>,
      tpu.vector_store_idx %arg6[%get3A_88], %broadcast_in_dim3A_0 {add = true} : memref<50016xf32, #tpu.memory_space<vmem>>[vector<16xi32>], vector<16xf32>,
      %scan3A_89 = arith.constant 0 : i32
      %scan3A_90 = arith.constant 1562 : i32
      %get3A_91 = arith.constant 24992 : index
      %get3A_92 = tpu.vector_load %arg5[%get3A_91] {strides = array<i32>} : memref<25016xi32, #tpu.memory_space<vmem>>, vector<16xi32>,
      tpu.vector_store_idx %arg6[%get3A_92], %broadcast_in_dim3A_0 masked %lt3A_2 {add = true} : memref<50016xf32, #tpu.memory_space<vmem>>[vector<16xi32>], vector<16xf32>, vector<16xi1>
      %run_scoped3A = arith.constant 0 : i32
      "tpu.region"() ({
        %run_scoped3A_182 = tpu.sem_alloc : memref<!tpu.dma_semaphore, #tpu.memory_space<semaphore_mem>>
        %dma_start3A = arith.constant 0 : i32
        %dma_start3A_183 = tpu.memref_slice %arg4[%arg0, %run_scoped3A, %arg1, %dma_start3A] : memref<2x2x16x50016xf32, #tpu.memory_space<hbm>> -> memref<1x1x1x50016xf32, #tpu.memory_space<hbm>>
        %dma_start3A_184 = tpu.memref_squeeze %dma_start3A_183 : memref<1x1x1x50016xf32, #tpu.memory_space<hbm>> -> memref<50016xf32, #tpu.memory_space<hbm>>
        %dma_start3A_185 = arith.constant 0 : i32
        %dma_start3A_186 = tpu.memref_slice %arg4[%arg0, %run_scoped3A, %arg1, %dma_start3A_185] : memref<2x2x16x50016xf32, #tpu.memory_space<hbm>> -> memref<1x1x1x50016xf32, #tpu.memory_space<hbm>>
        %dma_start3A_187 = tpu.memref_squeeze %dma_start3A_186 : memref<1x1x1x50016xf32, #tpu.memory_space<hbm>> -> memref<50016xf32, #tpu.memory_space<hbm>>
        tpu.enqueue_dma source(%arg6 : memref<50016xf32, #tpu.memory_space<vmem>>) target(%dma_start3A_187 : memref<50016xf32, #tpu.memory_space<hbm>>) target_semaphore(%run_scoped3A_182 : memref<!tpu.dma_semaphore, #tpu.memory_space<semaphore_mem>>)
        %dma_wait3A = arith.constant 0 : i32
        %dma_wait3A_188 = tpu.memref_slice %arg4[%arg0, %run_scoped3A, %arg1, %dma_wait3A] : memref<2x2x16x50016xf32, #tpu.memory_space<hbm>> -> memref<1x1x1x50016xf32, #tpu.memory_space<hbm>>
        %dma_wait3A_189 = tpu.memref_squeeze %dma_wait3A_188 : memref<1x1x1x50016xf32, #tpu.memory_space<hbm>> -> memref<50016xf32, #tpu.memory_space<hbm>>
        %dma_wait3A_190 = arith.constant 0 : i32
        %dma_wait3A_191 = tpu.memref_slice %arg4[%arg0, %run_scoped3A, %arg1, %dma_wait3A_190] : memref<2x2x16x50016xf32, #tpu.memory_space<hbm>> -> memref<1x1x1x50016xf32, #tpu.memory_space<hbm>>
        %dma_wait3A_192 = tpu.memref_squeeze %dma_wait3A_191 : memref<1x1x1x50016xf32, #tpu.memory_space<hbm>> -> memref<50016xf32, #tpu.memory_space<hbm>>
        tpu.wait_dma2 semaphore(%run_scoped3A_182 : memref<!tpu.dma_semaphore, #tpu.memory_space<semaphore_mem>>) src(%arg6 : memref<50016xf32, #tpu.memory_space<vmem>>) dst(%dma_wait3A_192 : memref<50016xf32, #tpu.memory_space<hbm>>)
        tpu.yield
      }) : () -> ()
      %scan3A_93 = arith.constant 0 : i32
      %scan3A_94 = arith.constant 0 : i32
      %scan3A_95 = arith.constant 3120 : i32
      %scan3A_96 = arith.addi %scan3A_94, %scan3A_95 : i32
      %scan3A_97 = arith.constant 8 : i32
      %scan3A_98 = scf.for %scan3A_182 = %scan3A_94 to %scan3A_96 step %scan3A_97 iter_args(%scan3A_183 = %scan3A_93) -> (i32)  : i32 {
        %broadcast_in_dim3A_184 = arith.constant 0.000000e+00 : f32
        %broadcast_in_dim3A_185 = vector.broadcast %broadcast_in_dim3A_184 : f32 to vector<16xf32>
        %mul3A_186 = arith.constant 16 : i32
        %mul3A_187 = arith.muli %scan3A_182, %mul3A_186 : i32
        %swap3A_188 = arith.index_cast %mul3A_187 : i32 to index
        %swap3A_189 = tpu.vector_load %arg6[%swap3A_188] {strides = array<i32>} : memref<50016xf32, #tpu.memory_space<vmem>>, vector<16xf32>,
        tpu.vector_store %arg6[%swap3A_188], %broadcast_in_dim3A_185 {strides = array<i32>} : memref<50016xf32, #tpu.memory_space<vmem>>, vector<16xf32>,
        %scan3A_190 = arith.constant 0 : i32
        %scan3A_191 = arith.constant 1 : i32
        %scan3A_192 = arith.addi %scan3A_182, %scan3A_191 : i32
        %broadcast_in_dim3A_193 = arith.constant 0.000000e+00 : f32
        %broadcast_in_dim3A_194 = vector.broadcast %broadcast_in_dim3A_193 : f32 to vector<16xf32>
        %mul3A_195 = arith.constant 16 : i32
        %mul3A_196 = arith.muli %scan3A_192, %mul3A_195 : i32
        %swap3A_197 = arith.index_cast %mul3A_196 : i32 to index
        %swap3A_198 = tpu.vector_load %arg6[%swap3A_197] {strides = array<i32>} : memref<50016xf32, #tpu.memory_space<vmem>>, vector<16xf32>,
        tpu.vector_store %arg6[%swap3A_197], %broadcast_in_dim3A_194 {strides = array<i32>} : memref<50016xf32, #tpu.memory_space<vmem>>, vector<16xf32>,
        %scan3A_199 = arith.constant 0 : i32
        %scan3A_200 = arith.constant 2 : i32
        %scan3A_201 = arith.addi %scan3A_182, %scan3A_200 : i32
        %broadcast_in_dim3A_202 = arith.constant 0.000000e+00 : f32
        %broadcast_in_dim3A_203 = vector.broadcast %broadcast_in_dim3A_202 : f32 to vector<16xf32>
        %mul3A_204 = arith.constant 16 : i32
        %mul3A_205 = arith.muli %scan3A_201, %mul3A_204 : i32
        %swap3A_206 = arith.index_cast %mul3A_205 : i32 to index
        %swap3A_207 = tpu.vector_load %arg6[%swap3A_206] {strides = array<i32>} : memref<50016xf32, #tpu.memory_space<vmem>>, vector<16xf32>,
        tpu.vector_store %arg6[%swap3A_206], %broadcast_in_dim3A_203 {strides = array<i32>} : memref<50016xf32, #tpu.memory_space<vmem>>, vector<16xf32>,
        %scan3A_208 = arith.constant 0 : i32
        %scan3A_209 = arith.constant 3 : i32
        %scan3A_210 = arith.addi %scan3A_182, %scan3A_209 : i32
        %broadcast_in_dim3A_211 = arith.constant 0.000000e+00 : f32
        %broadcast_in_dim3A_212 = vector.broadcast %broadcast_in_dim3A_211 : f32 to vector<16xf32>
        %mul3A_213 = arith.constant 16 : i32
        %mul3A_214 = arith.muli %scan3A_210, %mul3A_213 : i32
        %swap3A_215 = arith.index_cast %mul3A_214 : i32 to index
        %swap3A_216 = tpu.vector_load %arg6[%swap3A_215] {strides = array<i32>} : memref<50016xf32, #tpu.memory_space<vmem>>, vector<16xf32>,
        tpu.vector_store %arg6[%swap3A_215], %broadcast_in_dim3A_212 {strides = array<i32>} : memref<50016xf32, #tpu.memory_space<vmem>>, vector<16xf32>,
        %scan3A_217 = arith.constant 0 : i32
        %scan3A_218 = arith.constant 4 : i32
        %scan3A_219 = arith.addi %scan3A_182, %scan3A_218 : i32
        %broadcast_in_dim3A_220 = arith.constant 0.000000e+00 : f32
        %broadcast_in_dim3A_221 = vector.broadcast %broadcast_in_dim3A_220 : f32 to vector<16xf32>
        %mul3A_222 = arith.constant 16 : i32
        %mul3A_223 = arith.muli %scan3A_219, %mul3A_222 : i32
        %swap3A_224 = arith.index_cast %mul3A_223 : i32 to index
        %swap3A_225 = tpu.vector_load %arg6[%swap3A_224] {strides = array<i32>} : memref<50016xf32, #tpu.memory_space<vmem>>, vector<16xf32>,
        tpu.vector_store %arg6[%swap3A_224], %broadcast_in_dim3A_221 {strides = array<i32>} : memref<50016xf32, #tpu.memory_space<vmem>>, vector<16xf32>,
        %scan3A_226 = arith.constant 0 : i32
        %scan3A_227 = arith.constant 5 : i32
        %scan3A_228 = arith.addi %scan3A_182, %scan3A_227 : i32
        %broadcast_in_dim3A_229 = arith.constant 0.000000e+00 : f32
        %broadcast_in_dim3A_230 = vector.broadcast %broadcast_in_dim3A_229 : f32 to vector<16xf32>
        %mul3A_231 = arith.constant 16 : i32
        %mul3A_232 = arith.muli %scan3A_228, %mul3A_231 : i32
        %swap3A_233 = arith.index_cast %mul3A_232 : i32 to index
        %swap3A_234 = tpu.vector_load %arg6[%swap3A_233] {strides = array<i32>} : memref<50016xf32, #tpu.memory_space<vmem>>, vector<16xf32>,
        tpu.vector_store %arg6[%swap3A_233], %broadcast_in_dim3A_230 {strides = array<i32>} : memref<50016xf32, #tpu.memory_space<vmem>>, vector<16xf32>,
        %scan3A_235 = arith.constant 0 : i32
        %scan3A_236 = arith.constant 6 : i32
        %scan3A_237 = arith.addi %scan3A_182, %scan3A_236 : i32
        %broadcast_in_dim3A_238 = arith.constant 0.000000e+00 : f32
        %broadcast_in_dim3A_239 = vector.broadcast %broadcast_in_dim3A_238 : f32 to vector<16xf32>
        %mul3A_240 = arith.constant 16 : i32
        %mul3A_241 = arith.muli %scan3A_237, %mul3A_240 : i32
        %swap3A_242 = arith.index_cast %mul3A_241 : i32 to index
        %swap3A_243 = tpu.vector_load %arg6[%swap3A_242] {strides = array<i32>} : memref<50016xf32, #tpu.memory_space<vmem>>, vector<16xf32>,
        tpu.vector_store %arg6[%swap3A_242], %broadcast_in_dim3A_239 {strides = array<i32>} : memref<50016xf32, #tpu.memory_space<vmem>>, vector<16xf32>,
        %scan3A_244 = arith.constant 0 : i32
        %scan3A_245 = arith.constant 7 : i32
        %scan3A_246 = arith.addi %scan3A_182, %scan3A_245 : i32
        %broadcast_in_dim3A_247 = arith.constant 0.000000e+00 : f32
        %broadcast_in_dim3A_248 = vector.broadcast %broadcast_in_dim3A_247 : f32 to vector<16xf32>
        %mul3A_249 = arith.constant 16 : i32
        %mul3A_250 = arith.muli %scan3A_246, %mul3A_249 : i32
        %swap3A_251 = arith.index_cast %mul3A_250 : i32 to index
        %swap3A_252 = tpu.vector_load %arg6[%swap3A_251] {strides = array<i32>} : memref<50016xf32, #tpu.memory_space<vmem>>, vector<16xf32>,
        tpu.vector_store %arg6[%swap3A_251], %broadcast_in_dim3A_248 {strides = array<i32>} : memref<50016xf32, #tpu.memory_space<vmem>>, vector<16xf32>,
        %scan3A_253 = arith.constant 0 : i32
        scf.yield %scan3A_253 : i32
      }
      %scan3A_99 = arith.constant 3120 : i32
      %scan3A_100 = arith.addi %scan3A_94, %scan3A_99 : i32
      %broadcast_in_dim3A_101 = arith.constant 0.000000e+00 : f32
      %broadcast_in_dim3A_102 = vector.broadcast %broadcast_in_dim3A_101 : f32 to vector<16xf32>
      %mul3A_103 = arith.constant 16 : i32
      %mul3A_104 = arith.muli %scan3A_100, %mul3A_103 : i32
      %swap3A_105 = arith.index_cast %mul3A_104 : i32 to index
      %swap3A_106 = tpu.vector_load %arg6[%swap3A_105] {strides = array<i32>} : memref<50016xf32, #tpu.memory_space<vmem>>, vector<16xf32>,
      tpu.vector_store %arg6[%swap3A_105], %broadcast_in_dim3A_102 {strides = array<i32>} : memref<50016xf32, #tpu.memory_space<vmem>>, vector<16xf32>,
      %scan3A_107 = arith.constant 0 : i32
      %scan3A_108 = arith.constant 3121 : i32
      %scan3A_109 = arith.addi %scan3A_94, %scan3A_108 : i32
      %broadcast_in_dim3A_110 = arith.constant 0.000000e+00 : f32
      %broadcast_in_dim3A_111 = vector.broadcast %broadcast_in_dim3A_110 : f32 to vector<16xf32>
      %mul3A_112 = arith.constant 16 : i32
      %mul3A_113 = arith.muli %scan3A_109, %mul3A_112 : i32
      %swap3A_114 = arith.index_cast %mul3A_113 : i32 to index
      %swap3A_115 = tpu.vector_load %arg6[%swap3A_114] {strides = array<i32>} : memref<50016xf32, #tpu.memory_space<vmem>>, vector<16xf32>,
      tpu.vector_store %arg6[%swap3A_114], %broadcast_in_dim3A_111 {strides = array<i32>} : memref<50016xf32, #tpu.memory_space<vmem>>, vector<16xf32>,
      %scan3A_116 = arith.constant 0 : i32
      %scan3A_117 = arith.constant 3122 : i32
      %scan3A_118 = arith.addi %scan3A_94, %scan3A_117 : i32
      %broadcast_in_dim3A_119 = arith.constant 0.000000e+00 : f32
      %broadcast_in_dim3A_120 = vector.broadcast %broadcast_in_dim3A_119 : f32 to vector<16xf32>
      %mul3A_121 = arith.constant 16 : i32
      %mul3A_122 = arith.muli %scan3A_118, %mul3A_121 : i32
      %swap3A_123 = arith.index_cast %mul3A_122 : i32 to index
      %swap3A_124 = tpu.vector_load %arg6[%swap3A_123] {strides = array<i32>} : memref<50016xf32, #tpu.memory_space<vmem>>, vector<16xf32>,
      tpu.vector_store %arg6[%swap3A_123], %broadcast_in_dim3A_120 {strides = array<i32>} : memref<50016xf32, #tpu.memory_space<vmem>>, vector<16xf32>,
      %scan3A_125 = arith.constant 0 : i32
      %scan3A_126 = arith.constant 3123 : i32
      %scan3A_127 = arith.addi %scan3A_94, %scan3A_126 : i32
      %broadcast_in_dim3A_128 = arith.constant 0.000000e+00 : f32
      %broadcast_in_dim3A_129 = vector.broadcast %broadcast_in_dim3A_128 : f32 to vector<16xf32>
      %mul3A_130 = arith.constant 16 : i32
      %mul3A_131 = arith.muli %scan3A_127, %mul3A_130 : i32
      %swap3A_132 = arith.index_cast %mul3A_131 : i32 to index
      %swap3A_133 = tpu.vector_load %arg6[%swap3A_132] {strides = array<i32>} : memref<50016xf32, #tpu.memory_space<vmem>>, vector<16xf32>,
      tpu.vector_store %arg6[%swap3A_132], %broadcast_in_dim3A_129 {strides = array<i32>} : memref<50016xf32, #tpu.memory_space<vmem>>, vector<16xf32>,
      %scan3A_134 = arith.constant 0 : i32
      %scan3A_135 = arith.constant 3124 : i32
      %scan3A_136 = arith.addi %scan3A_94, %scan3A_135 : i32
      %broadcast_in_dim3A_137 = arith.constant 0.000000e+00 : f32
      %broadcast_in_dim3A_138 = vector.broadcast %broadcast_in_dim3A_137 : f32 to vector<16xf32>
      %mul3A_139 = arith.constant 16 : i32
      %mul3A_140 = arith.muli %scan3A_136, %mul3A_139 : i32
      %swap3A_141 = arith.index_cast %mul3A_140 : i32 to index
      %swap3A_142 = tpu.vector_load %arg6[%swap3A_141] {strides = array<i32>} : memref<50016xf32, #tpu.memory_space<vmem>>, vector<16xf32>,
      tpu.vector_store %arg6[%swap3A_141], %broadcast_in_dim3A_138 {strides = array<i32>} : memref<50016xf32, #tpu.memory_space<vmem>>, vector<16xf32>,
      %scan3A_143 = arith.constant 0 : i32
      %scan3A_144 = arith.constant 3125 : i32
      %scan3A_145 = arith.addi %scan3A_94, %scan3A_144 : i32
      %broadcast_in_dim3A_146 = arith.constant 0.000000e+00 : f32
      %broadcast_in_dim3A_147 = vector.broadcast %broadcast_in_dim3A_146 : f32 to vector<16xf32>
      %mul3A_148 = arith.constant 16 : i32
      %mul3A_149 = arith.muli %scan3A_145, %mul3A_148 : i32
      %swap3A_150 = arith.index_cast %mul3A_149 : i32 to index
      %swap3A_151 = tpu.vector_load %arg6[%swap3A_150] {strides = array<i32>} : memref<50016xf32, #tpu.memory_space<vmem>>, vector<16xf32>,
      tpu.vector_store %arg6[%swap3A_150], %broadcast_in_dim3A_147 {strides = array<i32>} : memref<50016xf32, #tpu.memory_space<vmem>>, vector<16xf32>,
      %scan3A_152 = arith.constant 0 : i32
      %scan3A_153 = arith.constant 3126 : i32
      %mul3A_154 = arith.constant 25000 : i32
      %mul3A_155 = arith.muli %arg1, %mul3A_154 : i32
      %add3A_156 = arith.constant 400000 : i32
      %add3A_157 = arith.addi %add3A_156, %mul3A_155 : i32
      "tpu.region"() ({
        %run_scoped3A_182 = tpu.sem_alloc : memref<!tpu.dma_semaphore, #tpu.memory_space<semaphore_mem>>
        %dma_start3A = arith.constant 0 : i32
        %dma_start3A_183 = tpu.memref_slice %arg5[%dma_start3A] : memref<25016xi32, #tpu.memory_space<vmem>> -> memref<25000xi32, #tpu.memory_space<vmem>>
        %dma_start3A_184 = tpu.memref_slice %arg2[%add3A_157] : memref<800000xi32, #tpu.memory_space<hbm>> -> memref<25000xi32, #tpu.memory_space<hbm>>
        %dma_start3A_185 = arith.constant 0 : i32
        %dma_start3A_186 = tpu.memref_slice %arg5[%dma_start3A_185] : memref<25016xi32, #tpu.memory_space<vmem>> -> memref<25000xi32, #tpu.memory_space<vmem>>
        %dma_start3A_187 = tpu.memref_slice %arg2[%add3A_157] : memref<800000xi32, #tpu.memory_space<hbm>> -> memref<25000xi32, #tpu.memory_space<hbm>>
        tpu.enqueue_dma source(%dma_start3A_187 : memref<25000xi32, #tpu.memory_space<hbm>>) target(%dma_start3A_186 : memref<25000xi32, #tpu.memory_space<vmem>>) target_semaphore(%run_scoped3A_182 : memref<!tpu.dma_semaphore, #tpu.memory_space<semaphore_mem>>)
        %dma_wait3A = arith.constant 0 : i32
        %dma_wait3A_188 = tpu.memref_slice %arg5[%dma_wait3A] : memref<25016xi32, #tpu.memory_space<vmem>> -> memref<25000xi32, #tpu.memory_space<vmem>>
        %dma_wait3A_189 = tpu.memref_slice %arg2[%add3A_157] : memref<800000xi32, #tpu.memory_space<hbm>> -> memref<25000xi32, #tpu.memory_space<hbm>>
        %dma_wait3A_190 = arith.constant 0 : i32
        %dma_wait3A_191 = tpu.memref_slice %arg5[%dma_wait3A_190] : memref<25016xi32, #tpu.memory_space<vmem>> -> memref<25000xi32, #tpu.memory_space<vmem>>
        %dma_wait3A_192 = tpu.memref_slice %arg2[%add3A_157] : memref<800000xi32, #tpu.memory_space<hbm>> -> memref<25000xi32, #tpu.memory_space<hbm>>
        tpu.wait_dma2 semaphore(%run_scoped3A_182 : memref<!tpu.dma_semaphore, #tpu.memory_space<semaphore_mem>>) src(%dma_wait3A_192 : memref<25000xi32, #tpu.memory_space<hbm>>) dst(%dma_wait3A_191 : memref<25000xi32, #tpu.memory_space<vmem>>)
        tpu.yield
      }) : () -> ()
      %scan3A_158 = arith.constant 0 : i32
      %scan3A_159 = arith.constant 0 : i32
      %scan3A_160 = arith.constant 1560 : i32
      %scan3A_161 = arith.addi %scan3A_159, %scan3A_160 : i32
      %scan3A_162 = arith.constant 8 : i32
      %scan3A_163 = scf.for %scan3A_182 = %scan3A_159 to %scan3A_161 step %scan3A_162 iter_args(%scan3A_183 = %scan3A_158) -> (i32)  : i32 {
        %mul3A_184 = arith.constant 16 : i32
        %mul3A_185 = arith.muli %scan3A_182, %mul3A_184 : i32
        %get3A_186 = arith.index_cast %mul3A_185 : i32 to index
        %get3A_187 = tpu.vector_load %arg5[%get3A_186] {strides = array<i32>} : memref<25016xi32, #tpu.memory_space<vmem>>, vector<16xi32>,
        tpu.vector_store_idx %arg6[%get3A_187], %broadcast_in_dim3A_0 {add = true} : memref<50016xf32, #tpu.memory_space<vmem>>[vector<16xi32>], vector<16xf32>,
        %scan3A_188 = arith.constant 0 : i32
        %scan3A_189 = arith.constant 1 : i32
        %scan3A_190 = arith.addi %scan3A_182, %scan3A_189 : i32
        %mul3A_191 = arith.constant 16 : i32
        %mul3A_192 = arith.muli %scan3A_190, %mul3A_191 : i32
        %get3A_193 = arith.index_cast %mul3A_192 : i32 to index
        %get3A_194 = tpu.vector_load %arg5[%get3A_193] {strides = array<i32>} : memref<25016xi32, #tpu.memory_space<vmem>>, vector<16xi32>,
        tpu.vector_store_idx %arg6[%get3A_194], %broadcast_in_dim3A_0 {add = true} : memref<50016xf32, #tpu.memory_space<vmem>>[vector<16xi32>], vector<16xf32>,
        %scan3A_195 = arith.constant 0 : i32
        %scan3A_196 = arith.constant 2 : i32
        %scan3A_197 = arith.addi %scan3A_182, %scan3A_196 : i32
        %mul3A_198 = arith.constant 16 : i32
        %mul3A_199 = arith.muli %scan3A_197, %mul3A_198 : i32
        %get3A_200 = arith.index_cast %mul3A_199 : i32 to index
        %get3A_201 = tpu.vector_load %arg5[%get3A_200] {strides = array<i32>} : memref<25016xi32, #tpu.memory_space<vmem>>, vector<16xi32>,
        tpu.vector_store_idx %arg6[%get3A_201], %broadcast_in_dim3A_0 {add = true} : memref<50016xf32, #tpu.memory_space<vmem>>[vector<16xi32>], vector<16xf32>,
        %scan3A_202 = arith.constant 0 : i32
        %scan3A_203 = arith.constant 3 : i32
        %scan3A_204 = arith.addi %scan3A_182, %scan3A_203 : i32
        %mul3A_205 = arith.constant 16 : i32
        %mul3A_206 = arith.muli %scan3A_204, %mul3A_205 : i32
        %get3A_207 = arith.index_cast %mul3A_206 : i32 to index
        %get3A_208 = tpu.vector_load %arg5[%get3A_207] {strides = array<i32>} : memref<25016xi32, #tpu.memory_space<vmem>>, vector<16xi32>,
        tpu.vector_store_idx %arg6[%get3A_208], %broadcast_in_dim3A_0 {add = true} : memref<50016xf32, #tpu.memory_space<vmem>>[vector<16xi32>], vector<16xf32>,
        %scan3A_209 = arith.constant 0 : i32
        %scan3A_210 = arith.constant 4 : i32
        %scan3A_211 = arith.addi %scan3A_182, %scan3A_210 : i32
        %mul3A_212 = arith.constant 16 : i32
        %mul3A_213 = arith.muli %scan3A_211, %mul3A_212 : i32
        %get3A_214 = arith.index_cast %mul3A_213 : i32 to index
        %get3A_215 = tpu.vector_load %arg5[%get3A_214] {strides = array<i32>} : memref<25016xi32, #tpu.memory_space<vmem>>, vector<16xi32>,
        tpu.vector_store_idx %arg6[%get3A_215], %broadcast_in_dim3A_0 {add = true} : memref<50016xf32, #tpu.memory_space<vmem>>[vector<16xi32>], vector<16xf32>,
        %scan3A_216 = arith.constant 0 : i32
        %scan3A_217 = arith.constant 5 : i32
        %scan3A_218 = arith.addi %scan3A_182, %scan3A_217 : i32
        %mul3A_219 = arith.constant 16 : i32
        %mul3A_220 = arith.muli %scan3A_218, %mul3A_219 : i32
        %get3A_221 = arith.index_cast %mul3A_220 : i32 to index
        %get3A_222 = tpu.vector_load %arg5[%get3A_221] {strides = array<i32>} : memref<25016xi32, #tpu.memory_space<vmem>>, vector<16xi32>,
        tpu.vector_store_idx %arg6[%get3A_222], %broadcast_in_dim3A_0 {add = true} : memref<50016xf32, #tpu.memory_space<vmem>>[vector<16xi32>], vector<16xf32>,
        %scan3A_223 = arith.constant 0 : i32
        %scan3A_224 = arith.constant 6 : i32
        %scan3A_225 = arith.addi %scan3A_182, %scan3A_224 : i32
        %mul3A_226 = arith.constant 16 : i32
        %mul3A_227 = arith.muli %scan3A_225, %mul3A_226 : i32
        %get3A_228 = arith.index_cast %mul3A_227 : i32 to index
        %get3A_229 = tpu.vector_load %arg5[%get3A_228] {strides = array<i32>} : memref<25016xi32, #tpu.memory_space<vmem>>, vector<16xi32>,
        tpu.vector_store_idx %arg6[%get3A_229], %broadcast_in_dim3A_0 {add = true} : memref<50016xf32, #tpu.memory_space<vmem>>[vector<16xi32>], vector<16xf32>,
        %scan3A_230 = arith.constant 0 : i32
        %scan3A_231 = arith.constant 7 : i32
        %scan3A_232 = arith.addi %scan3A_182, %scan3A_231 : i32
        %mul3A_233 = arith.constant 16 : i32
        %mul3A_234 = arith.muli %scan3A_232, %mul3A_233 : i32
        %get3A_235 = arith.index_cast %mul3A_234 : i32 to index
        %get3A_236 = tpu.vector_load %arg5[%get3A_235] {strides = array<i32>} : memref<25016xi32, #tpu.memory_space<vmem>>, vector<16xi32>,
        tpu.vector_store_idx %arg6[%get3A_236], %broadcast_in_dim3A_0 {add = true} : memref<50016xf32, #tpu.memory_space<vmem>>[vector<16xi32>], vector<16xf32>,
        %scan3A_237 = arith.constant 0 : i32
        scf.yield %scan3A_237 : i32
      }
      %scan3A_164 = arith.constant 1560 : i32
      %scan3A_165 = arith.addi %scan3A_159, %scan3A_164 : i32
      %mul3A_166 = arith.constant 16 : i32
      %mul3A_167 = arith.muli %scan3A_165, %mul3A_166 : i32
      %get3A_168 = arith.index_cast %mul3A_167 : i32 to index
      %get3A_169 = tpu.vector_load %arg5[%get3A_168] {strides = array<i32>} : memref<25016xi32, #tpu.memory_space<vmem>>, vector<16xi32>,
      tpu.vector_store_idx %arg6[%get3A_169], %broadcast_in_dim3A_0 {add = true} : memref<50016xf32, #tpu.memory_space<vmem>>[vector<16xi32>], vector<16xf32>,
      %scan3A_170 = arith.constant 0 : i32
      %scan3A_171 = arith.constant 1561 : i32
      %scan3A_172 = arith.addi %scan3A_159, %scan3A_171 : i32
      %mul3A_173 = arith.constant 16 : i32
      %mul3A_174 = arith.muli %scan3A_172, %mul3A_173 : i32
      %get3A_175 = arith.index_cast %mul3A_174 : i32 to index
      %get3A_176 = tpu.vector_load %arg5[%get3A_175] {strides = array<i32>} : memref<25016xi32, #tpu.memory_space<vmem>>, vector<16xi32>,
      tpu.vector_store_idx %arg6[%get3A_176], %broadcast_in_dim3A_0 {add = true} : memref<50016xf32, #tpu.memory_space<vmem>>[vector<16xi32>], vector<16xf32>,
      %scan3A_177 = arith.constant 0 : i32
      %scan3A_178 = arith.constant 1562 : i32
      %get3A_179 = arith.constant 24992 : index
      %get3A_180 = tpu.vector_load %arg5[%get3A_179] {strides = array<i32>} : memref<25016xi32, #tpu.memory_space<vmem>>, vector<16xi32>,
      tpu.vector_store_idx %arg6[%get3A_180], %broadcast_in_dim3A_0 masked %lt3A_2 {add = true} : memref<50016xf32, #tpu.memory_space<vmem>>[vector<16xi32>], vector<16xf32>, vector<16xi1>
      %run_scoped3A_181 = arith.constant 1 : i32
      "tpu.region"() ({
        %run_scoped3A_182 = tpu.sem_alloc : memref<!tpu.dma_semaphore, #tpu.memory_space<semaphore_mem>>
        %dma_start3A = arith.constant 0 : i32
        %dma_start3A_183 = tpu.memref_slice %arg4[%arg0, %run_scoped3A_181, %arg1, %dma_start3A] : memref<2x2x16x50016xf32, #tpu.memory_space<hbm>> -> memref<1x1x1x50016xf32, #tpu.memory_space<hbm>>
        %dma_start3A_184 = tpu.memref_squeeze %dma_start3A_183 : memref<1x1x1x50016xf32, #tpu.memory_space<hbm>> -> memref<50016xf32, #tpu.memory_space<hbm>>
        %dma_start3A_185 = arith.constant 0 : i32
        %dma_start3A_186 = tpu.memref_slice %arg4[%arg0, %run_scoped3A_181, %arg1, %dma_start3A_185] : memref<2x2x16x50016xf32, #tpu.memory_space<hbm>> -> memref<1x1x1x50016xf32, #tpu.memory_space<hbm>>
        %dma_start3A_187 = tpu.memref_squeeze %dma_start3A_186 : memref<1x1x1x50016xf32, #tpu.memory_space<hbm>> -> memref<50016xf32, #tpu.memory_space<hbm>>
        tpu.enqueue_dma source(%arg6 : memref<50016xf32, #tpu.memory_space<vmem>>) target(%dma_start3A_187 : memref<50016xf32, #tpu.memory_space<hbm>>) target_semaphore(%run_scoped3A_182 : memref<!tpu.dma_semaphore, #tpu.memory_space<semaphore_mem>>)
        %dma_wait3A = arith.constant 0 : i32
        %dma_wait3A_188 = tpu.memref_slice %arg4[%arg0, %run_scoped3A_181, %arg1, %dma_wait3A] : memref<2x2x16x50016xf32, #tpu.memory_space<hbm>> -> memref<1x1x1x50016xf32, #tpu.memory_space<hbm>>
        %dma_wait3A_189 = tpu.memref_squeeze %dma_wait3A_188 : memref<1x1x1x50016xf32, #tpu.memory_space<hbm>> -> memref<50016xf32, #tpu.memory_space<hbm>>
        %dma_wait3A_190 = arith.constant 0 : i32
        %dma_wait3A_191 = tpu.memref_slice %arg4[%arg0, %run_scoped3A_181, %arg1, %dma_wait3A_190] : memref<2x2x16x50016xf32, #tpu.memory_space<hbm>> -> memref<1x1x1x50016xf32, #tpu.memory_space<hbm>>
        %dma_wait3A_192 = tpu.memref_squeeze %dma_wait3A_191 : memref<1x1x1x50016xf32, #tpu.memory_space<hbm>> -> memref<50016xf32, #tpu.memory_space<hbm>>
        tpu.wait_dma2 semaphore(%run_scoped3A_182 : memref<!tpu.dma_semaphore, #tpu.memory_space<semaphore_mem>>) src(%arg6 : memref<50016xf32, #tpu.memory_space<vmem>>) dst(%dma_wait3A_192 : memref<50016xf32, #tpu.memory_space<hbm>>)
        tpu.yield
      }) : () -> ()
    } else {
    }
    %eq3A_5 = arith.constant 1 : i32
    %eq3A_6 = arith.cmpi eq, %arg0, %eq3A_5 : i32
    %convert_element_type3A_7 = arith.extui %eq3A_6 : i1 to i32
    %cond3A_8 = arith.constant 0 : i32
    %cond3A_9 = arith.cmpi ne, %convert_element_type3A_7, %cond3A_8 : i32
    scf.if %cond3A_9 {
      %scan3A = arith.constant 0 : i32
      %scan3A_10 = arith.constant 0 : i32
      %scan3A_11 = arith.constant 3120 : i32
      %scan3A_12 = arith.addi %scan3A_10, %scan3A_11 : i32
      %scan3A_13 = arith.constant 8 : i32
      %scan3A_14 = scf.for %scan3A_182 = %scan3A_10 to %scan3A_12 step %scan3A_13 iter_args(%scan3A_183 = %scan3A) -> (i32)  : i32 {
        %broadcast_in_dim3A_184 = arith.constant 0.000000e+00 : f32
        %broadcast_in_dim3A_185 = vector.broadcast %broadcast_in_dim3A_184 : f32 to vector<16xf32>
        %mul3A_186 = arith.constant 16 : i32
        %mul3A_187 = arith.muli %scan3A_182, %mul3A_186 : i32
        %swap3A_188 = arith.index_cast %mul3A_187 : i32 to index
        %swap3A_189 = tpu.vector_load %arg6[%swap3A_188] {strides = array<i32>} : memref<50016xf32, #tpu.memory_space<vmem>>, vector<16xf32>,
        tpu.vector_store %arg6[%swap3A_188], %broadcast_in_dim3A_185 {strides = array<i32>} : memref<50016xf32, #tpu.memory_space<vmem>>, vector<16xf32>,
        %scan3A_190 = arith.constant 0 : i32
        %scan3A_191 = arith.constant 1 : i32
        %scan3A_192 = arith.addi %scan3A_182, %scan3A_191 : i32
        %broadcast_in_dim3A_193 = arith.constant 0.000000e+00 : f32
        %broadcast_in_dim3A_194 = vector.broadcast %broadcast_in_dim3A_193 : f32 to vector<16xf32>
        %mul3A_195 = arith.constant 16 : i32
        %mul3A_196 = arith.muli %scan3A_192, %mul3A_195 : i32
        %swap3A_197 = arith.index_cast %mul3A_196 : i32 to index
        %swap3A_198 = tpu.vector_load %arg6[%swap3A_197] {strides = array<i32>} : memref<50016xf32, #tpu.memory_space<vmem>>, vector<16xf32>,
        tpu.vector_store %arg6[%swap3A_197], %broadcast_in_dim3A_194 {strides = array<i32>} : memref<50016xf32, #tpu.memory_space<vmem>>, vector<16xf32>,
        %scan3A_199 = arith.constant 0 : i32
        %scan3A_200 = arith.constant 2 : i32
        %scan3A_201 = arith.addi %scan3A_182, %scan3A_200 : i32
        %broadcast_in_dim3A_202 = arith.constant 0.000000e+00 : f32
        %broadcast_in_dim3A_203 = vector.broadcast %broadcast_in_dim3A_202 : f32 to vector<16xf32>
        %mul3A_204 = arith.constant 16 : i32
        %mul3A_205 = arith.muli %scan3A_201, %mul3A_204 : i32
        %swap3A_206 = arith.index_cast %mul3A_205 : i32 to index
        %swap3A_207 = tpu.vector_load %arg6[%swap3A_206] {strides = array<i32>} : memref<50016xf32, #tpu.memory_space<vmem>>, vector<16xf32>,
        tpu.vector_store %arg6[%swap3A_206], %broadcast_in_dim3A_203 {strides = array<i32>} : memref<50016xf32, #tpu.memory_space<vmem>>, vector<16xf32>,
        %scan3A_208 = arith.constant 0 : i32
        %scan3A_209 = arith.constant 3 : i32
        %scan3A_210 = arith.addi %scan3A_182, %scan3A_209 : i32
        %broadcast_in_dim3A_211 = arith.constant 0.000000e+00 : f32
        %broadcast_in_dim3A_212 = vector.broadcast %broadcast_in_dim3A_211 : f32 to vector<16xf32>
        %mul3A_213 = arith.constant 16 : i32
        %mul3A_214 = arith.muli %scan3A_210, %mul3A_213 : i32
        %swap3A_215 = arith.index_cast %mul3A_214 : i32 to index
        %swap3A_216 = tpu.vector_load %arg6[%swap3A_215] {strides = array<i32>} : memref<50016xf32, #tpu.memory_space<vmem>>, vector<16xf32>,
        tpu.vector_store %arg6[%swap3A_215], %broadcast_in_dim3A_212 {strides = array<i32>} : memref<50016xf32, #tpu.memory_space<vmem>>, vector<16xf32>,
        %scan3A_217 = arith.constant 0 : i32
        %scan3A_218 = arith.constant 4 : i32
        %scan3A_219 = arith.addi %scan3A_182, %scan3A_218 : i32
        %broadcast_in_dim3A_220 = arith.constant 0.000000e+00 : f32
        %broadcast_in_dim3A_221 = vector.broadcast %broadcast_in_dim3A_220 : f32 to vector<16xf32>
        %mul3A_222 = arith.constant 16 : i32
        %mul3A_223 = arith.muli %scan3A_219, %mul3A_222 : i32
        %swap3A_224 = arith.index_cast %mul3A_223 : i32 to index
        %swap3A_225 = tpu.vector_load %arg6[%swap3A_224] {strides = array<i32>} : memref<50016xf32, #tpu.memory_space<vmem>>, vector<16xf32>,
        tpu.vector_store %arg6[%swap3A_224], %broadcast_in_dim3A_221 {strides = array<i32>} : memref<50016xf32, #tpu.memory_space<vmem>>, vector<16xf32>,
        %scan3A_226 = arith.constant 0 : i32
        %scan3A_227 = arith.constant 5 : i32
        %scan3A_228 = arith.addi %scan3A_182, %scan3A_227 : i32
        %broadcast_in_dim3A_229 = arith.constant 0.000000e+00 : f32
        %broadcast_in_dim3A_230 = vector.broadcast %broadcast_in_dim3A_229 : f32 to vector<16xf32>
        %mul3A_231 = arith.constant 16 : i32
        %mul3A_232 = arith.muli %scan3A_228, %mul3A_231 : i32
        %swap3A_233 = arith.index_cast %mul3A_232 : i32 to index
        %swap3A_234 = tpu.vector_load %arg6[%swap3A_233] {strides = array<i32>} : memref<50016xf32, #tpu.memory_space<vmem>>, vector<16xf32>,
        tpu.vector_store %arg6[%swap3A_233], %broadcast_in_dim3A_230 {strides = array<i32>} : memref<50016xf32, #tpu.memory_space<vmem>>, vector<16xf32>,
        %scan3A_235 = arith.constant 0 : i32
        %scan3A_236 = arith.constant 6 : i32
        %scan3A_237 = arith.addi %scan3A_182, %scan3A_236 : i32
        %broadcast_in_dim3A_238 = arith.constant 0.000000e+00 : f32
        %broadcast_in_dim3A_239 = vector.broadcast %broadcast_in_dim3A_238 : f32 to vector<16xf32>
        %mul3A_240 = arith.constant 16 : i32
        %mul3A_241 = arith.muli %scan3A_237, %mul3A_240 : i32
        %swap3A_242 = arith.index_cast %mul3A_241 : i32 to index
        %swap3A_243 = tpu.vector_load %arg6[%swap3A_242] {strides = array<i32>} : memref<50016xf32, #tpu.memory_space<vmem>>, vector<16xf32>,
        tpu.vector_store %arg6[%swap3A_242], %broadcast_in_dim3A_239 {strides = array<i32>} : memref<50016xf32, #tpu.memory_space<vmem>>, vector<16xf32>,
        %scan3A_244 = arith.constant 0 : i32
        %scan3A_245 = arith.constant 7 : i32
        %scan3A_246 = arith.addi %scan3A_182, %scan3A_245 : i32
        %broadcast_in_dim3A_247 = arith.constant 0.000000e+00 : f32
        %broadcast_in_dim3A_248 = vector.broadcast %broadcast_in_dim3A_247 : f32 to vector<16xf32>
        %mul3A_249 = arith.constant 16 : i32
        %mul3A_250 = arith.muli %scan3A_246, %mul3A_249 : i32
        %swap3A_251 = arith.index_cast %mul3A_250 : i32 to index
        %swap3A_252 = tpu.vector_load %arg6[%swap3A_251] {strides = array<i32>} : memref<50016xf32, #tpu.memory_space<vmem>>, vector<16xf32>,
        tpu.vector_store %arg6[%swap3A_251], %broadcast_in_dim3A_248 {strides = array<i32>} : memref<50016xf32, #tpu.memory_space<vmem>>, vector<16xf32>,
        %scan3A_253 = arith.constant 0 : i32
        scf.yield %scan3A_253 : i32
      }
      %scan3A_15 = arith.constant 3120 : i32
      %scan3A_16 = arith.addi %scan3A_10, %scan3A_15 : i32
      %broadcast_in_dim3A_17 = arith.constant 0.000000e+00 : f32
      %broadcast_in_dim3A_18 = vector.broadcast %broadcast_in_dim3A_17 : f32 to vector<16xf32>
      %mul3A = arith.constant 16 : i32
      %mul3A_19 = arith.muli %scan3A_16, %mul3A : i32
      %swap3A = arith.index_cast %mul3A_19 : i32 to index
      %swap3A_20 = tpu.vector_load %arg6[%swap3A] {strides = array<i32>} : memref<50016xf32, #tpu.memory_space<vmem>>, vector<16xf32>,
      tpu.vector_store %arg6[%swap3A], %broadcast_in_dim3A_18 {strides = array<i32>} : memref<50016xf32, #tpu.memory_space<vmem>>, vector<16xf32>,
      %scan3A_21 = arith.constant 0 : i32
      %scan3A_22 = arith.constant 3121 : i32
      %scan3A_23 = arith.addi %scan3A_10, %scan3A_22 : i32
      %broadcast_in_dim3A_24 = arith.constant 0.000000e+00 : f32
      %broadcast_in_dim3A_25 = vector.broadcast %broadcast_in_dim3A_24 : f32 to vector<16xf32>
      %mul3A_26 = arith.constant 16 : i32
      %mul3A_27 = arith.muli %scan3A_23, %mul3A_26 : i32
      %swap3A_28 = arith.index_cast %mul3A_27 : i32 to index
      %swap3A_29 = tpu.vector_load %arg6[%swap3A_28] {strides = array<i32>} : memref<50016xf32, #tpu.memory_space<vmem>>, vector<16xf32>,
      tpu.vector_store %arg6[%swap3A_28], %broadcast_in_dim3A_25 {strides = array<i32>} : memref<50016xf32, #tpu.memory_space<vmem>>, vector<16xf32>,
      %scan3A_30 = arith.constant 0 : i32
      %scan3A_31 = arith.constant 3122 : i32
      %scan3A_32 = arith.addi %scan3A_10, %scan3A_31 : i32
      %broadcast_in_dim3A_33 = arith.constant 0.000000e+00 : f32
      %broadcast_in_dim3A_34 = vector.broadcast %broadcast_in_dim3A_33 : f32 to vector<16xf32>
      %mul3A_35 = arith.constant 16 : i32
      %mul3A_36 = arith.muli %scan3A_32, %mul3A_35 : i32
      %swap3A_37 = arith.index_cast %mul3A_36 : i32 to index
      %swap3A_38 = tpu.vector_load %arg6[%swap3A_37] {strides = array<i32>} : memref<50016xf32, #tpu.memory_space<vmem>>, vector<16xf32>,
      tpu.vector_store %arg6[%swap3A_37], %broadcast_in_dim3A_34 {strides = array<i32>} : memref<50016xf32, #tpu.memory_space<vmem>>, vector<16xf32>,
      %scan3A_39 = arith.constant 0 : i32
      %scan3A_40 = arith.constant 3123 : i32
      %scan3A_41 = arith.addi %scan3A_10, %scan3A_40 : i32
      %broadcast_in_dim3A_42 = arith.constant 0.000000e+00 : f32
      %broadcast_in_dim3A_43 = vector.broadcast %broadcast_in_dim3A_42 : f32 to vector<16xf32>
      %mul3A_44 = arith.constant 16 : i32
      %mul3A_45 = arith.muli %scan3A_41, %mul3A_44 : i32
      %swap3A_46 = arith.index_cast %mul3A_45 : i32 to index
      %swap3A_47 = tpu.vector_load %arg6[%swap3A_46] {strides = array<i32>} : memref<50016xf32, #tpu.memory_space<vmem>>, vector<16xf32>,
      tpu.vector_store %arg6[%swap3A_46], %broadcast_in_dim3A_43 {strides = array<i32>} : memref<50016xf32, #tpu.memory_space<vmem>>, vector<16xf32>,
      %scan3A_48 = arith.constant 0 : i32
      %scan3A_49 = arith.constant 3124 : i32
      %scan3A_50 = arith.addi %scan3A_10, %scan3A_49 : i32
      %broadcast_in_dim3A_51 = arith.constant 0.000000e+00 : f32
      %broadcast_in_dim3A_52 = vector.broadcast %broadcast_in_dim3A_51 : f32 to vector<16xf32>
      %mul3A_53 = arith.constant 16 : i32
      %mul3A_54 = arith.muli %scan3A_50, %mul3A_53 : i32
      %swap3A_55 = arith.index_cast %mul3A_54 : i32 to index
      %swap3A_56 = tpu.vector_load %arg6[%swap3A_55] {strides = array<i32>} : memref<50016xf32, #tpu.memory_space<vmem>>, vector<16xf32>,
      tpu.vector_store %arg6[%swap3A_55], %broadcast_in_dim3A_52 {strides = array<i32>} : memref<50016xf32, #tpu.memory_space<vmem>>, vector<16xf32>,
      %scan3A_57 = arith.constant 0 : i32
      %scan3A_58 = arith.constant 3125 : i32
      %scan3A_59 = arith.addi %scan3A_10, %scan3A_58 : i32
      %broadcast_in_dim3A_60 = arith.constant 0.000000e+00 : f32
      %broadcast_in_dim3A_61 = vector.broadcast %broadcast_in_dim3A_60 : f32 to vector<16xf32>
      %mul3A_62 = arith.constant 16 : i32
      %mul3A_63 = arith.muli %scan3A_59, %mul3A_62 : i32
      %swap3A_64 = arith.index_cast %mul3A_63 : i32 to index
      %swap3A_65 = tpu.vector_load %arg6[%swap3A_64] {strides = array<i32>} : memref<50016xf32, #tpu.memory_space<vmem>>, vector<16xf32>,
      tpu.vector_store %arg6[%swap3A_64], %broadcast_in_dim3A_61 {strides = array<i32>} : memref<50016xf32, #tpu.memory_space<vmem>>, vector<16xf32>,
      %scan3A_66 = arith.constant 0 : i32
      %scan3A_67 = arith.constant 3126 : i32
      %mul3A_68 = arith.constant 25000 : i32
      %mul3A_69 = arith.muli %arg1, %mul3A_68 : i32
      %add3A = arith.constant 0 : i32
      %add3A_70 = arith.addi %add3A, %mul3A_69 : i32
      "tpu.region"() ({
        %run_scoped3A_182 = tpu.sem_alloc : memref<!tpu.dma_semaphore, #tpu.memory_space<semaphore_mem>>
        %dma_start3A = arith.constant 0 : i32
        %dma_start3A_183 = tpu.memref_slice %arg5[%dma_start3A] : memref<25016xi32, #tpu.memory_space<vmem>> -> memref<25000xi32, #tpu.memory_space<vmem>>
        %dma_start3A_184 = tpu.memref_slice %arg3[%add3A_70] : memref<800000xi32, #tpu.memory_space<hbm>> -> memref<25000xi32, #tpu.memory_space<hbm>>
        %dma_start3A_185 = arith.constant 0 : i32
        %dma_start3A_186 = tpu.memref_slice %arg5[%dma_start3A_185] : memref<25016xi32, #tpu.memory_space<vmem>> -> memref<25000xi32, #tpu.memory_space<vmem>>
        %dma_start3A_187 = tpu.memref_slice %arg3[%add3A_70] : memref<800000xi32, #tpu.memory_space<hbm>> -> memref<25000xi32, #tpu.memory_space<hbm>>
        tpu.enqueue_dma source(%dma_start3A_187 : memref<25000xi32, #tpu.memory_space<hbm>>) target(%dma_start3A_186 : memref<25000xi32, #tpu.memory_space<vmem>>) target_semaphore(%run_scoped3A_182 : memref<!tpu.dma_semaphore, #tpu.memory_space<semaphore_mem>>)
        %dma_wait3A = arith.constant 0 : i32
        %dma_wait3A_188 = tpu.memref_slice %arg5[%dma_wait3A] : memref<25016xi32, #tpu.memory_space<vmem>> -> memref<25000xi32, #tpu.memory_space<vmem>>
        %dma_wait3A_189 = tpu.memref_slice %arg3[%add3A_70] : memref<800000xi32, #tpu.memory_space<hbm>> -> memref<25000xi32, #tpu.memory_space<hbm>>
        %dma_wait3A_190 = arith.constant 0 : i32
        %dma_wait3A_191 = tpu.memref_slice %arg5[%dma_wait3A_190] : memref<25016xi32, #tpu.memory_space<vmem>> -> memref<25000xi32, #tpu.memory_space<vmem>>
        %dma_wait3A_192 = tpu.memref_slice %arg3[%add3A_70] : memref<800000xi32, #tpu.memory_space<hbm>> -> memref<25000xi32, #tpu.memory_space<hbm>>
        tpu.wait_dma2 semaphore(%run_scoped3A_182 : memref<!tpu.dma_semaphore, #tpu.memory_space<semaphore_mem>>) src(%dma_wait3A_192 : memref<25000xi32, #tpu.memory_space<hbm>>) dst(%dma_wait3A_191 : memref<25000xi32, #tpu.memory_space<vmem>>)
        tpu.yield
      }) : () -> ()
      %scan3A_71 = arith.constant 0 : i32
      %scan3A_72 = arith.constant 0 : i32
      %scan3A_73 = arith.constant 1560 : i32
      %scan3A_74 = arith.addi %scan3A_72, %scan3A_73 : i32
      %scan3A_75 = arith.constant 8 : i32
      %scan3A_76 = scf.for %scan3A_182 = %scan3A_72 to %scan3A_74 step %scan3A_75 iter_args(%scan3A_183 = %scan3A_71) -> (i32)  : i32 {
        %mul3A_184 = arith.constant 16 : i32
        %mul3A_185 = arith.muli %scan3A_182, %mul3A_184 : i32
        %get3A_186 = arith.index_cast %mul3A_185 : i32 to index
        %get3A_187 = tpu.vector_load %arg5[%get3A_186] {strides = array<i32>} : memref<25016xi32, #tpu.memory_space<vmem>>, vector<16xi32>,
        tpu.vector_store_idx %arg6[%get3A_187], %broadcast_in_dim3A_0 {add = true} : memref<50016xf32, #tpu.memory_space<vmem>>[vector<16xi32>], vector<16xf32>,
        %scan3A_188 = arith.constant 0 : i32
        %scan3A_189 = arith.constant 1 : i32
        %scan3A_190 = arith.addi %scan3A_182, %scan3A_189 : i32
        %mul3A_191 = arith.constant 16 : i32
        %mul3A_192 = arith.muli %scan3A_190, %mul3A_191 : i32
        %get3A_193 = arith.index_cast %mul3A_192 : i32 to index
        %get3A_194 = tpu.vector_load %arg5[%get3A_193] {strides = array<i32>} : memref<25016xi32, #tpu.memory_space<vmem>>, vector<16xi32>,
        tpu.vector_store_idx %arg6[%get3A_194], %broadcast_in_dim3A_0 {add = true} : memref<50016xf32, #tpu.memory_space<vmem>>[vector<16xi32>], vector<16xf32>,
        %scan3A_195 = arith.constant 0 : i32
        %scan3A_196 = arith.constant 2 : i32
        %scan3A_197 = arith.addi %scan3A_182, %scan3A_196 : i32
        %mul3A_198 = arith.constant 16 : i32
        %mul3A_199 = arith.muli %scan3A_197, %mul3A_198 : i32
        %get3A_200 = arith.index_cast %mul3A_199 : i32 to index
        %get3A_201 = tpu.vector_load %arg5[%get3A_200] {strides = array<i32>} : memref<25016xi32, #tpu.memory_space<vmem>>, vector<16xi32>,
        tpu.vector_store_idx %arg6[%get3A_201], %broadcast_in_dim3A_0 {add = true} : memref<50016xf32, #tpu.memory_space<vmem>>[vector<16xi32>], vector<16xf32>,
        %scan3A_202 = arith.constant 0 : i32
        %scan3A_203 = arith.constant 3 : i32
        %scan3A_204 = arith.addi %scan3A_182, %scan3A_203 : i32
        %mul3A_205 = arith.constant 16 : i32
        %mul3A_206 = arith.muli %scan3A_204, %mul3A_205 : i32
        %get3A_207 = arith.index_cast %mul3A_206 : i32 to index
        %get3A_208 = tpu.vector_load %arg5[%get3A_207] {strides = array<i32>} : memref<25016xi32, #tpu.memory_space<vmem>>, vector<16xi32>,
        tpu.vector_store_idx %arg6[%get3A_208], %broadcast_in_dim3A_0 {add = true} : memref<50016xf32, #tpu.memory_space<vmem>>[vector<16xi32>], vector<16xf32>,
        %scan3A_209 = arith.constant 0 : i32
        %scan3A_210 = arith.constant 4 : i32
        %scan3A_211 = arith.addi %scan3A_182, %scan3A_210 : i32
        %mul3A_212 = arith.constant 16 : i32
        %mul3A_213 = arith.muli %scan3A_211, %mul3A_212 : i32
        %get3A_214 = arith.index_cast %mul3A_213 : i32 to index
        %get3A_215 = tpu.vector_load %arg5[%get3A_214] {strides = array<i32>} : memref<25016xi32, #tpu.memory_space<vmem>>, vector<16xi32>,
        tpu.vector_store_idx %arg6[%get3A_215], %broadcast_in_dim3A_0 {add = true} : memref<50016xf32, #tpu.memory_space<vmem>>[vector<16xi32>], vector<16xf32>,
        %scan3A_216 = arith.constant 0 : i32
        %scan3A_217 = arith.constant 5 : i32
        %scan3A_218 = arith.addi %scan3A_182, %scan3A_217 : i32
        %mul3A_219 = arith.constant 16 : i32
        %mul3A_220 = arith.muli %scan3A_218, %mul3A_219 : i32
        %get3A_221 = arith.index_cast %mul3A_220 : i32 to index
        %get3A_222 = tpu.vector_load %arg5[%get3A_221] {strides = array<i32>} : memref<25016xi32, #tpu.memory_space<vmem>>, vector<16xi32>,
        tpu.vector_store_idx %arg6[%get3A_222], %broadcast_in_dim3A_0 {add = true} : memref<50016xf32, #tpu.memory_space<vmem>>[vector<16xi32>], vector<16xf32>,
        %scan3A_223 = arith.constant 0 : i32
        %scan3A_224 = arith.constant 6 : i32
        %scan3A_225 = arith.addi %scan3A_182, %scan3A_224 : i32
        %mul3A_226 = arith.constant 16 : i32
        %mul3A_227 = arith.muli %scan3A_225, %mul3A_226 : i32
        %get3A_228 = arith.index_cast %mul3A_227 : i32 to index
        %get3A_229 = tpu.vector_load %arg5[%get3A_228] {strides = array<i32>} : memref<25016xi32, #tpu.memory_space<vmem>>, vector<16xi32>,
        tpu.vector_store_idx %arg6[%get3A_229], %broadcast_in_dim3A_0 {add = true} : memref<50016xf32, #tpu.memory_space<vmem>>[vector<16xi32>], vector<16xf32>,
        %scan3A_230 = arith.constant 0 : i32
        %scan3A_231 = arith.constant 7 : i32
        %scan3A_232 = arith.addi %scan3A_182, %scan3A_231 : i32
        %mul3A_233 = arith.constant 16 : i32
        %mul3A_234 = arith.muli %scan3A_232, %mul3A_233 : i32
        %get3A_235 = arith.index_cast %mul3A_234 : i32 to index
        %get3A_236 = tpu.vector_load %arg5[%get3A_235] {strides = array<i32>} : memref<25016xi32, #tpu.memory_space<vmem>>, vector<16xi32>,
        tpu.vector_store_idx %arg6[%get3A_236], %broadcast_in_dim3A_0 {add = true} : memref<50016xf32, #tpu.memory_space<vmem>>[vector<16xi32>], vector<16xf32>,
        %scan3A_237 = arith.constant 0 : i32
        scf.yield %scan3A_237 : i32
      }
      %scan3A_77 = arith.constant 1560 : i32
      %scan3A_78 = arith.addi %scan3A_72, %scan3A_77 : i32
      %mul3A_79 = arith.constant 16 : i32
      %mul3A_80 = arith.muli %scan3A_78, %mul3A_79 : i32
      %get3A = arith.index_cast %mul3A_80 : i32 to index
      %get3A_81 = tpu.vector_load %arg5[%get3A] {strides = array<i32>} : memref<25016xi32, #tpu.memory_space<vmem>>, vector<16xi32>,
      tpu.vector_store_idx %arg6[%get3A_81], %broadcast_in_dim3A_0 {add = true} : memref<50016xf32, #tpu.memory_space<vmem>>[vector<16xi32>], vector<16xf32>,
      %scan3A_82 = arith.constant 0 : i32
      %scan3A_83 = arith.constant 1561 : i32
      %scan3A_84 = arith.addi %scan3A_72, %scan3A_83 : i32
      %mul3A_85 = arith.constant 16 : i32
      %mul3A_86 = arith.muli %scan3A_84, %mul3A_85 : i32
      %get3A_87 = arith.index_cast %mul3A_86 : i32 to index
      %get3A_88 = tpu.vector_load %arg5[%get3A_87] {strides = array<i32>} : memref<25016xi32, #tpu.memory_space<vmem>>, vector<16xi32>,
      tpu.vector_store_idx %arg6[%get3A_88], %broadcast_in_dim3A_0 {add = true} : memref<50016xf32, #tpu.memory_space<vmem>>[vector<16xi32>], vector<16xf32>,
      %scan3A_89 = arith.constant 0 : i32
      %scan3A_90 = arith.constant 1562 : i32
      %get3A_91 = arith.constant 24992 : index
      %get3A_92 = tpu.vector_load %arg5[%get3A_91] {strides = array<i32>} : memref<25016xi32, #tpu.memory_space<vmem>>, vector<16xi32>,
      tpu.vector_store_idx %arg6[%get3A_92], %broadcast_in_dim3A_0 masked %lt3A_2 {add = true} : memref<50016xf32, #tpu.memory_space<vmem>>[vector<16xi32>], vector<16xf32>, vector<16xi1>
      %run_scoped3A = arith.constant 0 : i32
      "tpu.region"() ({
        %run_scoped3A_182 = tpu.sem_alloc : memref<!tpu.dma_semaphore, #tpu.memory_space<semaphore_mem>>
        %dma_start3A = arith.constant 0 : i32
        %dma_start3A_183 = tpu.memref_slice %arg4[%arg0, %run_scoped3A, %arg1, %dma_start3A] : memref<2x2x16x50016xf32, #tpu.memory_space<hbm>> -> memref<1x1x1x50016xf32, #tpu.memory_space<hbm>>
        %dma_start3A_184 = tpu.memref_squeeze %dma_start3A_183 : memref<1x1x1x50016xf32, #tpu.memory_space<hbm>> -> memref<50016xf32, #tpu.memory_space<hbm>>
        %dma_start3A_185 = arith.constant 0 : i32
        %dma_start3A_186 = tpu.memref_slice %arg4[%arg0, %run_scoped3A, %arg1, %dma_start3A_185] : memref<2x2x16x50016xf32, #tpu.memory_space<hbm>> -> memref<1x1x1x50016xf32, #tpu.memory_space<hbm>>
        %dma_start3A_187 = tpu.memref_squeeze %dma_start3A_186 : memref<1x1x1x50016xf32, #tpu.memory_space<hbm>> -> memref<50016xf32, #tpu.memory_space<hbm>>
        tpu.enqueue_dma source(%arg6 : memref<50016xf32, #tpu.memory_space<vmem>>) target(%dma_start3A_187 : memref<50016xf32, #tpu.memory_space<hbm>>) target_semaphore(%run_scoped3A_182 : memref<!tpu.dma_semaphore, #tpu.memory_space<semaphore_mem>>)
        %dma_wait3A = arith.constant 0 : i32
        %dma_wait3A_188 = tpu.memref_slice %arg4[%arg0, %run_scoped3A, %arg1, %dma_wait3A] : memref<2x2x16x50016xf32, #tpu.memory_space<hbm>> -> memref<1x1x1x50016xf32, #tpu.memory_space<hbm>>
        %dma_wait3A_189 = tpu.memref_squeeze %dma_wait3A_188 : memref<1x1x1x50016xf32, #tpu.memory_space<hbm>> -> memref<50016xf32, #tpu.memory_space<hbm>>
        %dma_wait3A_190 = arith.constant 0 : i32
        %dma_wait3A_191 = tpu.memref_slice %arg4[%arg0, %run_scoped3A, %arg1, %dma_wait3A_190] : memref<2x2x16x50016xf32, #tpu.memory_space<hbm>> -> memref<1x1x1x50016xf32, #tpu.memory_space<hbm>>
        %dma_wait3A_192 = tpu.memref_squeeze %dma_wait3A_191 : memref<1x1x1x50016xf32, #tpu.memory_space<hbm>> -> memref<50016xf32, #tpu.memory_space<hbm>>
        tpu.wait_dma2 semaphore(%run_scoped3A_182 : memref<!tpu.dma_semaphore, #tpu.memory_space<semaphore_mem>>) src(%arg6 : memref<50016xf32, #tpu.memory_space<vmem>>) dst(%dma_wait3A_192 : memref<50016xf32, #tpu.memory_space<hbm>>)
        tpu.yield
      }) : () -> ()
      %scan3A_93 = arith.constant 0 : i32
      %scan3A_94 = arith.constant 0 : i32
      %scan3A_95 = arith.constant 3120 : i32
      %scan3A_96 = arith.addi %scan3A_94, %scan3A_95 : i32
      %scan3A_97 = arith.constant 8 : i32
      %scan3A_98 = scf.for %scan3A_182 = %scan3A_94 to %scan3A_96 step %scan3A_97 iter_args(%scan3A_183 = %scan3A_93) -> (i32)  : i32 {
        %broadcast_in_dim3A_184 = arith.constant 0.000000e+00 : f32
        %broadcast_in_dim3A_185 = vector.broadcast %broadcast_in_dim3A_184 : f32 to vector<16xf32>
        %mul3A_186 = arith.constant 16 : i32
        %mul3A_187 = arith.muli %scan3A_182, %mul3A_186 : i32
        %swap3A_188 = arith.index_cast %mul3A_187 : i32 to index
        %swap3A_189 = tpu.vector_load %arg6[%swap3A_188] {strides = array<i32>} : memref<50016xf32, #tpu.memory_space<vmem>>, vector<16xf32>,
        tpu.vector_store %arg6[%swap3A_188], %broadcast_in_dim3A_185 {strides = array<i32>} : memref<50016xf32, #tpu.memory_space<vmem>>, vector<16xf32>,
        %scan3A_190 = arith.constant 0 : i32
        %scan3A_191 = arith.constant 1 : i32
        %scan3A_192 = arith.addi %scan3A_182, %scan3A_191 : i32
        %broadcast_in_dim3A_193 = arith.constant 0.000000e+00 : f32
        %broadcast_in_dim3A_194 = vector.broadcast %broadcast_in_dim3A_193 : f32 to vector<16xf32>
        %mul3A_195 = arith.constant 16 : i32
        %mul3A_196 = arith.muli %scan3A_192, %mul3A_195 : i32
        %swap3A_197 = arith.index_cast %mul3A_196 : i32 to index
        %swap3A_198 = tpu.vector_load %arg6[%swap3A_197] {strides = array<i32>} : memref<50016xf32, #tpu.memory_space<vmem>>, vector<16xf32>,
        tpu.vector_store %arg6[%swap3A_197], %broadcast_in_dim3A_194 {strides = array<i32>} : memref<50016xf32, #tpu.memory_space<vmem>>, vector<16xf32>,
        %scan3A_199 = arith.constant 0 : i32
        %scan3A_200 = arith.constant 2 : i32
        %scan3A_201 = arith.addi %scan3A_182, %scan3A_200 : i32
        %broadcast_in_dim3A_202 = arith.constant 0.000000e+00 : f32
        %broadcast_in_dim3A_203 = vector.broadcast %broadcast_in_dim3A_202 : f32 to vector<16xf32>
        %mul3A_204 = arith.constant 16 : i32
        %mul3A_205 = arith.muli %scan3A_201, %mul3A_204 : i32
        %swap3A_206 = arith.index_cast %mul3A_205 : i32 to index
        %swap3A_207 = tpu.vector_load %arg6[%swap3A_206] {strides = array<i32>} : memref<50016xf32, #tpu.memory_space<vmem>>, vector<16xf32>,
        tpu.vector_store %arg6[%swap3A_206], %broadcast_in_dim3A_203 {strides = array<i32>} : memref<50016xf32, #tpu.memory_space<vmem>>, vector<16xf32>,
        %scan3A_208 = arith.constant 0 : i32
        %scan3A_209 = arith.constant 3 : i32
        %scan3A_210 = arith.addi %scan3A_182, %scan3A_209 : i32
        %broadcast_in_dim3A_211 = arith.constant 0.000000e+00 : f32
        %broadcast_in_dim3A_212 = vector.broadcast %broadcast_in_dim3A_211 : f32 to vector<16xf32>
        %mul3A_213 = arith.constant 16 : i32
        %mul3A_214 = arith.muli %scan3A_210, %mul3A_213 : i32
        %swap3A_215 = arith.index_cast %mul3A_214 : i32 to index
        %swap3A_216 = tpu.vector_load %arg6[%swap3A_215] {strides = array<i32>} : memref<50016xf32, #tpu.memory_space<vmem>>, vector<16xf32>,
        tpu.vector_store %arg6[%swap3A_215], %broadcast_in_dim3A_212 {strides = array<i32>} : memref<50016xf32, #tpu.memory_space<vmem>>, vector<16xf32>,
        %scan3A_217 = arith.constant 0 : i32
        %scan3A_218 = arith.constant 4 : i32
        %scan3A_219 = arith.addi %scan3A_182, %scan3A_218 : i32
        %broadcast_in_dim3A_220 = arith.constant 0.000000e+00 : f32
        %broadcast_in_dim3A_221 = vector.broadcast %broadcast_in_dim3A_220 : f32 to vector<16xf32>
        %mul3A_222 = arith.constant 16 : i32
        %mul3A_223 = arith.muli %scan3A_219, %mul3A_222 : i32
        %swap3A_224 = arith.index_cast %mul3A_223 : i32 to index
        %swap3A_225 = tpu.vector_load %arg6[%swap3A_224] {strides = array<i32>} : memref<50016xf32, #tpu.memory_space<vmem>>, vector<16xf32>,
        tpu.vector_store %arg6[%swap3A_224], %broadcast_in_dim3A_221 {strides = array<i32>} : memref<50016xf32, #tpu.memory_space<vmem>>, vector<16xf32>,
        %scan3A_226 = arith.constant 0 : i32
        %scan3A_227 = arith.constant 5 : i32
        %scan3A_228 = arith.addi %scan3A_182, %scan3A_227 : i32
        %broadcast_in_dim3A_229 = arith.constant 0.000000e+00 : f32
        %broadcast_in_dim3A_230 = vector.broadcast %broadcast_in_dim3A_229 : f32 to vector<16xf32>
        %mul3A_231 = arith.constant 16 : i32
        %mul3A_232 = arith.muli %scan3A_228, %mul3A_231 : i32
        %swap3A_233 = arith.index_cast %mul3A_232 : i32 to index
        %swap3A_234 = tpu.vector_load %arg6[%swap3A_233] {strides = array<i32>} : memref<50016xf32, #tpu.memory_space<vmem>>, vector<16xf32>,
        tpu.vector_store %arg6[%swap3A_233], %broadcast_in_dim3A_230 {strides = array<i32>} : memref<50016xf32, #tpu.memory_space<vmem>>, vector<16xf32>,
        %scan3A_235 = arith.constant 0 : i32
        %scan3A_236 = arith.constant 6 : i32
        %scan3A_237 = arith.addi %scan3A_182, %scan3A_236 : i32
        %broadcast_in_dim3A_238 = arith.constant 0.000000e+00 : f32
        %broadcast_in_dim3A_239 = vector.broadcast %broadcast_in_dim3A_238 : f32 to vector<16xf32>
        %mul3A_240 = arith.constant 16 : i32
        %mul3A_241 = arith.muli %scan3A_237, %mul3A_240 : i32
        %swap3A_242 = arith.index_cast %mul3A_241 : i32 to index
        %swap3A_243 = tpu.vector_load %arg6[%swap3A_242] {strides = array<i32>} : memref<50016xf32, #tpu.memory_space<vmem>>, vector<16xf32>,
        tpu.vector_store %arg6[%swap3A_242], %broadcast_in_dim3A_239 {strides = array<i32>} : memref<50016xf32, #tpu.memory_space<vmem>>, vector<16xf32>,
        %scan3A_244 = arith.constant 0 : i32
        %scan3A_245 = arith.constant 7 : i32
        %scan3A_246 = arith.addi %scan3A_182, %scan3A_245 : i32
        %broadcast_in_dim3A_247 = arith.constant 0.000000e+00 : f32
        %broadcast_in_dim3A_248 = vector.broadcast %broadcast_in_dim3A_247 : f32 to vector<16xf32>
        %mul3A_249 = arith.constant 16 : i32
        %mul3A_250 = arith.muli %scan3A_246, %mul3A_249 : i32
        %swap3A_251 = arith.index_cast %mul3A_250 : i32 to index
        %swap3A_252 = tpu.vector_load %arg6[%swap3A_251] {strides = array<i32>} : memref<50016xf32, #tpu.memory_space<vmem>>, vector<16xf32>,
        tpu.vector_store %arg6[%swap3A_251], %broadcast_in_dim3A_248 {strides = array<i32>} : memref<50016xf32, #tpu.memory_space<vmem>>, vector<16xf32>,
        %scan3A_253 = arith.constant 0 : i32
        scf.yield %scan3A_253 : i32
      }
      %scan3A_99 = arith.constant 3120 : i32
      %scan3A_100 = arith.addi %scan3A_94, %scan3A_99 : i32
      %broadcast_in_dim3A_101 = arith.constant 0.000000e+00 : f32
      %broadcast_in_dim3A_102 = vector.broadcast %broadcast_in_dim3A_101 : f32 to vector<16xf32>
      %mul3A_103 = arith.constant 16 : i32
      %mul3A_104 = arith.muli %scan3A_100, %mul3A_103 : i32
      %swap3A_105 = arith.index_cast %mul3A_104 : i32 to index
      %swap3A_106 = tpu.vector_load %arg6[%swap3A_105] {strides = array<i32>} : memref<50016xf32, #tpu.memory_space<vmem>>, vector<16xf32>,
      tpu.vector_store %arg6[%swap3A_105], %broadcast_in_dim3A_102 {strides = array<i32>} : memref<50016xf32, #tpu.memory_space<vmem>>, vector<16xf32>,
      %scan3A_107 = arith.constant 0 : i32
      %scan3A_108 = arith.constant 3121 : i32
      %scan3A_109 = arith.addi %scan3A_94, %scan3A_108 : i32
      %broadcast_in_dim3A_110 = arith.constant 0.000000e+00 : f32
      %broadcast_in_dim3A_111 = vector.broadcast %broadcast_in_dim3A_110 : f32 to vector<16xf32>
      %mul3A_112 = arith.constant 16 : i32
      %mul3A_113 = arith.muli %scan3A_109, %mul3A_112 : i32
      %swap3A_114 = arith.index_cast %mul3A_113 : i32 to index
      %swap3A_115 = tpu.vector_load %arg6[%swap3A_114] {strides = array<i32>} : memref<50016xf32, #tpu.memory_space<vmem>>, vector<16xf32>,
      tpu.vector_store %arg6[%swap3A_114], %broadcast_in_dim3A_111 {strides = array<i32>} : memref<50016xf32, #tpu.memory_space<vmem>>, vector<16xf32>,
      %scan3A_116 = arith.constant 0 : i32
      %scan3A_117 = arith.constant 3122 : i32
      %scan3A_118 = arith.addi %scan3A_94, %scan3A_117 : i32
      %broadcast_in_dim3A_119 = arith.constant 0.000000e+00 : f32
      %broadcast_in_dim3A_120 = vector.broadcast %broadcast_in_dim3A_119 : f32 to vector<16xf32>
      %mul3A_121 = arith.constant 16 : i32
      %mul3A_122 = arith.muli %scan3A_118, %mul3A_121 : i32
      %swap3A_123 = arith.index_cast %mul3A_122 : i32 to index
      %swap3A_124 = tpu.vector_load %arg6[%swap3A_123] {strides = array<i32>} : memref<50016xf32, #tpu.memory_space<vmem>>, vector<16xf32>,
      tpu.vector_store %arg6[%swap3A_123], %broadcast_in_dim3A_120 {strides = array<i32>} : memref<50016xf32, #tpu.memory_space<vmem>>, vector<16xf32>,
      %scan3A_125 = arith.constant 0 : i32
      %scan3A_126 = arith.constant 3123 : i32
      %scan3A_127 = arith.addi %scan3A_94, %scan3A_126 : i32
      %broadcast_in_dim3A_128 = arith.constant 0.000000e+00 : f32
      %broadcast_in_dim3A_129 = vector.broadcast %broadcast_in_dim3A_128 : f32 to vector<16xf32>
      %mul3A_130 = arith.constant 16 : i32
      %mul3A_131 = arith.muli %scan3A_127, %mul3A_130 : i32
      %swap3A_132 = arith.index_cast %mul3A_131 : i32 to index
      %swap3A_133 = tpu.vector_load %arg6[%swap3A_132] {strides = array<i32>} : memref<50016xf32, #tpu.memory_space<vmem>>, vector<16xf32>,
      tpu.vector_store %arg6[%swap3A_132], %broadcast_in_dim3A_129 {strides = array<i32>} : memref<50016xf32, #tpu.memory_space<vmem>>, vector<16xf32>,
      %scan3A_134 = arith.constant 0 : i32
      %scan3A_135 = arith.constant 3124 : i32
      %scan3A_136 = arith.addi %scan3A_94, %scan3A_135 : i32
      %broadcast_in_dim3A_137 = arith.constant 0.000000e+00 : f32
      %broadcast_in_dim3A_138 = vector.broadcast %broadcast_in_dim3A_137 : f32 to vector<16xf32>
      %mul3A_139 = arith.constant 16 : i32
      %mul3A_140 = arith.muli %scan3A_136, %mul3A_139 : i32
      %swap3A_141 = arith.index_cast %mul3A_140 : i32 to index
      %swap3A_142 = tpu.vector_load %arg6[%swap3A_141] {strides = array<i32>} : memref<50016xf32, #tpu.memory_space<vmem>>, vector<16xf32>,
      tpu.vector_store %arg6[%swap3A_141], %broadcast_in_dim3A_138 {strides = array<i32>} : memref<50016xf32, #tpu.memory_space<vmem>>, vector<16xf32>,
      %scan3A_143 = arith.constant 0 : i32
      %scan3A_144 = arith.constant 3125 : i32
      %scan3A_145 = arith.addi %scan3A_94, %scan3A_144 : i32
      %broadcast_in_dim3A_146 = arith.constant 0.000000e+00 : f32
      %broadcast_in_dim3A_147 = vector.broadcast %broadcast_in_dim3A_146 : f32 to vector<16xf32>
      %mul3A_148 = arith.constant 16 : i32
      %mul3A_149 = arith.muli %scan3A_145, %mul3A_148 : i32
      %swap3A_150 = arith.index_cast %mul3A_149 : i32 to index
      %swap3A_151 = tpu.vector_load %arg6[%swap3A_150] {strides = array<i32>} : memref<50016xf32, #tpu.memory_space<vmem>>, vector<16xf32>,
      tpu.vector_store %arg6[%swap3A_150], %broadcast_in_dim3A_147 {strides = array<i32>} : memref<50016xf32, #tpu.memory_space<vmem>>, vector<16xf32>,
      %scan3A_152 = arith.constant 0 : i32
      %scan3A_153 = arith.constant 3126 : i32
      %mul3A_154 = arith.constant 25000 : i32
      %mul3A_155 = arith.muli %arg1, %mul3A_154 : i32
      %add3A_156 = arith.constant 400000 : i32
      %add3A_157 = arith.addi %add3A_156, %mul3A_155 : i32
      "tpu.region"() ({
        %run_scoped3A_182 = tpu.sem_alloc : memref<!tpu.dma_semaphore, #tpu.memory_space<semaphore_mem>>
        %dma_start3A = arith.constant 0 : i32
        %dma_start3A_183 = tpu.memref_slice %arg5[%dma_start3A] : memref<25016xi32, #tpu.memory_space<vmem>> -> memref<25000xi32, #tpu.memory_space<vmem>>
        %dma_start3A_184 = tpu.memref_slice %arg3[%add3A_157] : memref<800000xi32, #tpu.memory_space<hbm>> -> memref<25000xi32, #tpu.memory_space<hbm>>
        %dma_start3A_185 = arith.constant 0 : i32
        %dma_start3A_186 = tpu.memref_slice %arg5[%dma_start3A_185] : memref<25016xi32, #tpu.memory_space<vmem>> -> memref<25000xi32, #tpu.memory_space<vmem>>
        %dma_start3A_187 = tpu.memref_slice %arg3[%add3A_157] : memref<800000xi32, #tpu.memory_space<hbm>> -> memref<25000xi32, #tpu.memory_space<hbm>>
        tpu.enqueue_dma source(%dma_start3A_187 : memref<25000xi32, #tpu.memory_space<hbm>>) target(%dma_start3A_186 : memref<25000xi32, #tpu.memory_space<vmem>>) target_semaphore(%run_scoped3A_182 : memref<!tpu.dma_semaphore, #tpu.memory_space<semaphore_mem>>)
        %dma_wait3A = arith.constant 0 : i32
        %dma_wait3A_188 = tpu.memref_slice %arg5[%dma_wait3A] : memref<25016xi32, #tpu.memory_space<vmem>> -> memref<25000xi32, #tpu.memory_space<vmem>>
        %dma_wait3A_189 = tpu.memref_slice %arg3[%add3A_157] : memref<800000xi32, #tpu.memory_space<hbm>> -> memref<25000xi32, #tpu.memory_space<hbm>>
        %dma_wait3A_190 = arith.constant 0 : i32
        %dma_wait3A_191 = tpu.memref_slice %arg5[%dma_wait3A_190] : memref<25016xi32, #tpu.memory_space<vmem>> -> memref<25000xi32, #tpu.memory_space<vmem>>
        %dma_wait3A_192 = tpu.memref_slice %arg3[%add3A_157] : memref<800000xi32, #tpu.memory_space<hbm>> -> memref<25000xi32, #tpu.memory_space<hbm>>
        tpu.wait_dma2 semaphore(%run_scoped3A_182 : memref<!tpu.dma_semaphore, #tpu.memory_space<semaphore_mem>>) src(%dma_wait3A_192 : memref<25000xi32, #tpu.memory_space<hbm>>) dst(%dma_wait3A_191 : memref<25000xi32, #tpu.memory_space<vmem>>)
        tpu.yield
      }) : () -> ()
      %scan3A_158 = arith.constant 0 : i32
      %scan3A_159 = arith.constant 0 : i32
      %scan3A_160 = arith.constant 1560 : i32
      %scan3A_161 = arith.addi %scan3A_159, %scan3A_160 : i32
      %scan3A_162 = arith.constant 8 : i32
      %scan3A_163 = scf.for %scan3A_182 = %scan3A_159 to %scan3A_161 step %scan3A_162 iter_args(%scan3A_183 = %scan3A_158) -> (i32)  : i32 {
        %mul3A_184 = arith.constant 16 : i32
        %mul3A_185 = arith.muli %scan3A_182, %mul3A_184 : i32
        %get3A_186 = arith.index_cast %mul3A_185 : i32 to index
        %get3A_187 = tpu.vector_load %arg5[%get3A_186] {strides = array<i32>} : memref<25016xi32, #tpu.memory_space<vmem>>, vector<16xi32>,
        tpu.vector_store_idx %arg6[%get3A_187], %broadcast_in_dim3A_0 {add = true} : memref<50016xf32, #tpu.memory_space<vmem>>[vector<16xi32>], vector<16xf32>,
        %scan3A_188 = arith.constant 0 : i32
        %scan3A_189 = arith.constant 1 : i32
        %scan3A_190 = arith.addi %scan3A_182, %scan3A_189 : i32
        %mul3A_191 = arith.constant 16 : i32
        %mul3A_192 = arith.muli %scan3A_190, %mul3A_191 : i32
        %get3A_193 = arith.index_cast %mul3A_192 : i32 to index
        %get3A_194 = tpu.vector_load %arg5[%get3A_193] {strides = array<i32>} : memref<25016xi32, #tpu.memory_space<vmem>>, vector<16xi32>,
        tpu.vector_store_idx %arg6[%get3A_194], %broadcast_in_dim3A_0 {add = true} : memref<50016xf32, #tpu.memory_space<vmem>>[vector<16xi32>], vector<16xf32>,
        %scan3A_195 = arith.constant 0 : i32
        %scan3A_196 = arith.constant 2 : i32
        %scan3A_197 = arith.addi %scan3A_182, %scan3A_196 : i32
        %mul3A_198 = arith.constant 16 : i32
        %mul3A_199 = arith.muli %scan3A_197, %mul3A_198 : i32
        %get3A_200 = arith.index_cast %mul3A_199 : i32 to index
        %get3A_201 = tpu.vector_load %arg5[%get3A_200] {strides = array<i32>} : memref<25016xi32, #tpu.memory_space<vmem>>, vector<16xi32>,
        tpu.vector_store_idx %arg6[%get3A_201], %broadcast_in_dim3A_0 {add = true} : memref<50016xf32, #tpu.memory_space<vmem>>[vector<16xi32>], vector<16xf32>,
        %scan3A_202 = arith.constant 0 : i32
        %scan3A_203 = arith.constant 3 : i32
        %scan3A_204 = arith.addi %scan3A_182, %scan3A_203 : i32
        %mul3A_205 = arith.constant 16 : i32
        %mul3A_206 = arith.muli %scan3A_204, %mul3A_205 : i32
        %get3A_207 = arith.index_cast %mul3A_206 : i32 to index
        %get3A_208 = tpu.vector_load %arg5[%get3A_207] {strides = array<i32>} : memref<25016xi32, #tpu.memory_space<vmem>>, vector<16xi32>,
        tpu.vector_store_idx %arg6[%get3A_208], %broadcast_in_dim3A_0 {add = true} : memref<50016xf32, #tpu.memory_space<vmem>>[vector<16xi32>], vector<16xf32>,
        %scan3A_209 = arith.constant 0 : i32
        %scan3A_210 = arith.constant 4 : i32
        %scan3A_211 = arith.addi %scan3A_182, %scan3A_210 : i32
        %mul3A_212 = arith.constant 16 : i32
        %mul3A_213 = arith.muli %scan3A_211, %mul3A_212 : i32
        %get3A_214 = arith.index_cast %mul3A_213 : i32 to index
        %get3A_215 = tpu.vector_load %arg5[%get3A_214] {strides = array<i32>} : memref<25016xi32, #tpu.memory_space<vmem>>, vector<16xi32>,
        tpu.vector_store_idx %arg6[%get3A_215], %broadcast_in_dim3A_0 {add = true} : memref<50016xf32, #tpu.memory_space<vmem>>[vector<16xi32>], vector<16xf32>,
        %scan3A_216 = arith.constant 0 : i32
        %scan3A_217 = arith.constant 5 : i32
        %scan3A_218 = arith.addi %scan3A_182, %scan3A_217 : i32
        %mul3A_219 = arith.constant 16 : i32
        %mul3A_220 = arith.muli %scan3A_218, %mul3A_219 : i32
        %get3A_221 = arith.index_cast %mul3A_220 : i32 to index
        %get3A_222 = tpu.vector_load %arg5[%get3A_221] {strides = array<i32>} : memref<25016xi32, #tpu.memory_space<vmem>>, vector<16xi32>,
        tpu.vector_store_idx %arg6[%get3A_222], %broadcast_in_dim3A_0 {add = true} : memref<50016xf32, #tpu.memory_space<vmem>>[vector<16xi32>], vector<16xf32>,
        %scan3A_223 = arith.constant 0 : i32
        %scan3A_224 = arith.constant 6 : i32
        %scan3A_225 = arith.addi %scan3A_182, %scan3A_224 : i32
        %mul3A_226 = arith.constant 16 : i32
        %mul3A_227 = arith.muli %scan3A_225, %mul3A_226 : i32
        %get3A_228 = arith.index_cast %mul3A_227 : i32 to index
        %get3A_229 = tpu.vector_load %arg5[%get3A_228] {strides = array<i32>} : memref<25016xi32, #tpu.memory_space<vmem>>, vector<16xi32>,
        tpu.vector_store_idx %arg6[%get3A_229], %broadcast_in_dim3A_0 {add = true} : memref<50016xf32, #tpu.memory_space<vmem>>[vector<16xi32>], vector<16xf32>,
        %scan3A_230 = arith.constant 0 : i32
        %scan3A_231 = arith.constant 7 : i32
        %scan3A_232 = arith.addi %scan3A_182, %scan3A_231 : i32
        %mul3A_233 = arith.constant 16 : i32
        %mul3A_234 = arith.muli %scan3A_232, %mul3A_233 : i32
        %get3A_235 = arith.index_cast %mul3A_234 : i32 to index
        %get3A_236 = tpu.vector_load %arg5[%get3A_235] {strides = array<i32>} : memref<25016xi32, #tpu.memory_space<vmem>>, vector<16xi32>,
        tpu.vector_store_idx %arg6[%get3A_236], %broadcast_in_dim3A_0 {add = true} : memref<50016xf32, #tpu.memory_space<vmem>>[vector<16xi32>], vector<16xf32>,
        %scan3A_237 = arith.constant 0 : i32
        scf.yield %scan3A_237 : i32
      }
      %scan3A_164 = arith.constant 1560 : i32
      %scan3A_165 = arith.addi %scan3A_159, %scan3A_164 : i32
      %mul3A_166 = arith.constant 16 : i32
      %mul3A_167 = arith.muli %scan3A_165, %mul3A_166 : i32
      %get3A_168 = arith.index_cast %mul3A_167 : i32 to index
      %get3A_169 = tpu.vector_load %arg5[%get3A_168] {strides = array<i32>} : memref<25016xi32, #tpu.memory_space<vmem>>, vector<16xi32>,
      tpu.vector_store_idx %arg6[%get3A_169], %broadcast_in_dim3A_0 {add = true} : memref<50016xf32, #tpu.memory_space<vmem>>[vector<16xi32>], vector<16xf32>,
      %scan3A_170 = arith.constant 0 : i32
      %scan3A_171 = arith.constant 1561 : i32
      %scan3A_172 = arith.addi %scan3A_159, %scan3A_171 : i32
      %mul3A_173 = arith.constant 16 : i32
      %mul3A_174 = arith.muli %scan3A_172, %mul3A_173 : i32
      %get3A_175 = arith.index_cast %mul3A_174 : i32 to index
      %get3A_176 = tpu.vector_load %arg5[%get3A_175] {strides = array<i32>} : memref<25016xi32, #tpu.memory_space<vmem>>, vector<16xi32>,
      tpu.vector_store_idx %arg6[%get3A_176], %broadcast_in_dim3A_0 {add = true} : memref<50016xf32, #tpu.memory_space<vmem>>[vector<16xi32>], vector<16xf32>,
      %scan3A_177 = arith.constant 0 : i32
      %scan3A_178 = arith.constant 1562 : i32
      %get3A_179 = arith.constant 24992 : index
      %get3A_180 = tpu.vector_load %arg5[%get3A_179] {strides = array<i32>} : memref<25016xi32, #tpu.memory_space<vmem>>, vector<16xi32>,
      tpu.vector_store_idx %arg6[%get3A_180], %broadcast_in_dim3A_0 masked %lt3A_2 {add = true} : memref<50016xf32, #tpu.memory_space<vmem>>[vector<16xi32>], vector<16xf32>, vector<16xi1>
      %run_scoped3A_181 = arith.constant 1 : i32
      "tpu.region"() ({
        %run_scoped3A_182 = tpu.sem_alloc : memref<!tpu.dma_semaphore, #tpu.memory_space<semaphore_mem>>
        %dma_start3A = arith.constant 0 : i32
        %dma_start3A_183 = tpu.memref_slice %arg4[%arg0, %run_scoped3A_181, %arg1, %dma_start3A] : memref<2x2x16x50016xf32, #tpu.memory_space<hbm>> -> memref<1x1x1x50016xf32, #tpu.memory_space<hbm>>
        %dma_start3A_184 = tpu.memref_squeeze %dma_start3A_183 : memref<1x1x1x50016xf32, #tpu.memory_space<hbm>> -> memref<50016xf32, #tpu.memory_space<hbm>>
        %dma_start3A_185 = arith.constant 0 : i32
        %dma_start3A_186 = tpu.memref_slice %arg4[%arg0, %run_scoped3A_181, %arg1, %dma_start3A_185] : memref<2x2x16x50016xf32, #tpu.memory_space<hbm>> -> memref<1x1x1x50016xf32, #tpu.memory_space<hbm>>
        %dma_start3A_187 = tpu.memref_squeeze %dma_start3A_186 : memref<1x1x1x50016xf32, #tpu.memory_space<hbm>> -> memref<50016xf32, #tpu.memory_space<hbm>>
        tpu.enqueue_dma source(%arg6 : memref<50016xf32, #tpu.memory_space<vmem>>) target(%dma_start3A_187 : memref<50016xf32, #tpu.memory_space<hbm>>) target_semaphore(%run_scoped3A_182 : memref<!tpu.dma_semaphore, #tpu.memory_space<semaphore_mem>>)
        %dma_wait3A = arith.constant 0 : i32
        %dma_wait3A_188 = tpu.memref_slice %arg4[%arg0, %run_scoped3A_181, %arg1, %dma_wait3A] : memref<2x2x16x50016xf32, #tpu.memory_space<hbm>> -> memref<1x1x1x50016xf32, #tpu.memory_space<hbm>>
        %dma_wait3A_189 = tpu.memref_squeeze %dma_wait3A_188 : memref<1x1x1x50016xf32, #tpu.memory_space<hbm>> -> memref<50016xf32, #tpu.memory_space<hbm>>
        %dma_wait3A_190 = arith.constant 0 : i32
        %dma_wait3A_191 = tpu.memref_slice %arg4[%arg0, %run_scoped3A_181, %arg1, %dma_wait3A_190] : memref<2x2x16x50016xf32, #tpu.memory_space<hbm>> -> memref<1x1x1x50016xf32, #tpu.memory_space<hbm>>
        %dma_wait3A_192 = tpu.memref_squeeze %dma_wait3A_191 : memref<1x1x1x50016xf32, #tpu.memory_space<hbm>> -> memref<50016xf32, #tpu.memory_space<hbm>>
        tpu.wait_dma2 semaphore(%run_scoped3A_182 : memref<!tpu.dma_semaphore, #tpu.memory_space<semaphore_mem>>) src(%arg6 : memref<50016xf32, #tpu.memory_space<vmem>>) dst(%dma_wait3A_192 : memref<50016xf32, #tpu.memory_space<hbm>>)
        tpu.yield
      }) : () -> ()
    } else {
    }
    return
  }
}

module attributes {stable_mosaic.version = 14 : i64} {
  func.func @_mm_body(%arg0: i32, %arg1: memref<1024x128xf32, #tpu.memory_space<vmem>>, %arg2: memref<2x2x16x1024xf32, #tpu.memory_space<vmem>>, %arg3: memref<128x128xf32, #tpu.memory_space<vmem>>, %arg4: memref<128x128xf32, #tpu.memory_space<vmem>>, %arg5: memref<2x1024x128xf32, #tpu.memory_space<vmem>>, %arg6: memref<2x1024xf32, #tpu.memory_space<vmem>>) attributes {dimension_semantics = [#tpu.dimension_semantics<arbitrary>], iteration_bounds = array<i64: 49>, scalar_prefetch = 0 : i64, scratch_operands = 0 : i64, tpu.core_type = #tpu.core_type<tc>, window_params = [{transform_indices = @transform_0, window_bounds = array<i64: 1024, 128>}, {transform_indices = @transform_1, window_bounds = array<i64: 2, 2, 16, 1024>}, {pipeline_mode = #tpu.pipeline_mode<synchronous>, transform_indices = @transform_2, window_bounds = array<i64: 128, 128>}, {pipeline_mode = #tpu.pipeline_mode<synchronous>, transform_indices = @transform_3, window_bounds = array<i64: 128, 128>}, {transform_indices = @transform_4, window_bounds = array<i64: 2, 1024, 128>}, {transform_indices = @transform_5, window_bounds = array<i64: 2, 1024>}]} {
    %get3A = arith.constant 0 : index
    %get3A_0 = arith.constant 0 : index
    %get3A_1 = arith.constant 0 : index
    %get3A_2 = arith.constant 0 : index
    %get3A_3 = vector.load %arg2[%get3A, %get3A_0, %get3A_1, %get3A_2] : memref<2x2x16x1024xf32, #tpu.memory_space<vmem>>, vector<2x2x16x1024xf32>
    %reduce_sum3A = arith.constant dense<0.000000e+00> : vector<2x2x1024xf32>
    %reduce_sum3A_4 = vector.multi_reduction <add>, %get3A_3, %reduce_sum3A [2] : vector<2x2x16x1024xf32> to vector<2x2x1024xf32>
    %gt3A = arith.constant 0.000000e+00 : f32
    %gt3A_5 = vector.broadcast %gt3A : f32 to vector<2x2x1024xf32>
    %gt3A_6 = arith.cmpf ogt, %reduce_sum3A_4, %gt3A_5 : vector<2x2x1024xf32>
    %max3A = arith.constant 1.000000e+00 : f32
    %max3A_7 = vector.broadcast %max3A : f32 to vector<2x2x1024xf32>
    %max3A_8 = arith.maximumf %reduce_sum3A_4, %max3A_7 : vector<2x2x1024xf32>
    %rsqrt3A = math.rsqrt %max3A_8 : vector<2x2x1024xf32>
    %jit3A = arith.constant 0.000000e+00 : f32
    %broadcast_in_dim3A = vector.broadcast %jit3A : f32 to vector<2x2x1024xf32>
    %select_n3A = arith.select %gt3A_6, %rsqrt3A, %broadcast_in_dim3A : vector<2x2x1024xi1>, vector<2x2x1024xf32>
    %get3A_9 = arith.constant 0 : index
    %get3A_10 = arith.constant 0 : index
    %get3A_11 = vector.load %arg1[%get3A_9, %get3A_10] : memref<1024x128xf32, #tpu.memory_space<vmem>>, vector<1024x128xf32>
    %slice3A = vector.extract_strided_slice %select_n3A {offsets = [0, 0, 0], sizes = [1, 1, 1024], strides = [1, 1, 1]} : vector<2x2x1024xf32> to vector<1x1x1024xf32>
    %squeeze3A = vector.shape_cast %slice3A : vector<1x1x1024xf32> to vector<1024xf32>
    %broadcast_in_dim3A_12 = vector.shape_cast %squeeze3A : vector<1024xf32> to vector<1024x1xf32>
    %mul3A = vector.broadcast %broadcast_in_dim3A_12 : vector<1024x1xf32> to vector<1024x128xf32>
    %mul3A_13 = arith.mulf %get3A_11, %mul3A : vector<1024x128xf32>
    %get3A_14 = arith.constant 0 : index
    %get3A_15 = arith.constant 0 : index
    %get3A_16 = vector.load %arg3[%get3A_14, %get3A_15] : memref<128x128xf32, #tpu.memory_space<vmem>>, vector<128x128xf32>
    %dot_general3A = arith.constant dense<0.000000e+00> : vector<1024x128xf32>
    %dot_general3A_17 = tpu.matmul %mul3A_13, %get3A_16, %dot_general3A {dimension_numbers = #tpu.dot_dimension_numbers<[1], [0], [0], [1], [0, 0, 1, 1], [], []>, transpose_lhs_hint = false} : vector<1024x128xf32>, vector<128x128xf32>, vector<1024x128xf32> -> vector<1024x128xf32>
    %swap3A = arith.constant 0 : index
    %swap3A_18 = arith.constant 0 : index
    %swap3A_19 = arith.constant 0 : index
    %swap3A_20 = vector.load %arg5[%swap3A, %swap3A_18, %swap3A_19] : memref<2x1024x128xf32, #tpu.memory_space<vmem>>, vector<1x1024x128xf32>
    %swap3A_21 = vector.shape_cast %swap3A_20 : vector<1x1024x128xf32> to vector<1024x128xf32>
    %swap3A_22 = vector.shape_cast %dot_general3A_17 : vector<1024x128xf32> to vector<1x1024x128xf32>
    tpu.vector_store %arg5[%swap3A, %swap3A_18, %swap3A_19], %swap3A_22 {strides = array<i32>} : memref<2x1024x128xf32, #tpu.memory_space<vmem>>, vector<1x1024x128xf32>,
    %slice3A_23 = vector.extract_strided_slice %select_n3A {offsets = [1, 0, 0], sizes = [1, 1, 1024], strides = [1, 1, 1]} : vector<2x2x1024xf32> to vector<1x1x1024xf32>
    %squeeze3A_24 = vector.shape_cast %slice3A_23 : vector<1x1x1024xf32> to vector<1024xf32>
    %broadcast_in_dim3A_25 = vector.shape_cast %squeeze3A_24 : vector<1024xf32> to vector<1024x1xf32>
    %mul3A_26 = vector.broadcast %broadcast_in_dim3A_25 : vector<1024x1xf32> to vector<1024x128xf32>
    %mul3A_27 = arith.mulf %get3A_11, %mul3A_26 : vector<1024x128xf32>
    %get3A_28 = arith.constant 0 : index
    %get3A_29 = arith.constant 0 : index
    %get3A_30 = vector.load %arg4[%get3A_28, %get3A_29] : memref<128x128xf32, #tpu.memory_space<vmem>>, vector<128x128xf32>
    %dot_general3A_31 = arith.constant dense<0.000000e+00> : vector<1024x128xf32>
    %dot_general3A_32 = tpu.matmul %mul3A_27, %get3A_30, %dot_general3A_31 {dimension_numbers = #tpu.dot_dimension_numbers<[1], [0], [0], [1], [0, 0, 1, 1], [], []>, transpose_lhs_hint = false} : vector<1024x128xf32>, vector<128x128xf32>, vector<1024x128xf32> -> vector<1024x128xf32>
    %swap3A_33 = arith.constant 1 : index
    %swap3A_34 = arith.constant 0 : index
    %swap3A_35 = arith.constant 0 : index
    %swap3A_36 = vector.load %arg5[%swap3A_33, %swap3A_34, %swap3A_35] : memref<2x1024x128xf32, #tpu.memory_space<vmem>>, vector<1x1024x128xf32>
    %swap3A_37 = vector.shape_cast %swap3A_36 : vector<1x1024x128xf32> to vector<1024x128xf32>
    %swap3A_38 = vector.shape_cast %dot_general3A_32 : vector<1024x128xf32> to vector<1x1024x128xf32>
    tpu.vector_store %arg5[%swap3A_33, %swap3A_34, %swap3A_35], %swap3A_38 {strides = array<i32>} : memref<2x1024x128xf32, #tpu.memory_space<vmem>>, vector<1x1024x128xf32>,
    %slice3A_39 = vector.extract_strided_slice %select_n3A {offsets = [0, 1, 0], sizes = [1, 1, 1024], strides = [1, 1, 1]} : vector<2x2x1024xf32> to vector<1x1x1024xf32>
    %squeeze3A_40 = vector.shape_cast %slice3A_39 : vector<1x1x1024xf32> to vector<1024xf32>
    %swap3A_41 = arith.constant 0 : index
    %swap3A_42 = arith.constant 0 : index
    %swap3A_43 = vector.load %arg6[%swap3A_41, %swap3A_42] : memref<2x1024xf32, #tpu.memory_space<vmem>>, vector<1x1024xf32>
    %swap3A_44 = vector.shape_cast %swap3A_43 : vector<1x1024xf32> to vector<1024xf32>
    %swap3A_45 = vector.shape_cast %squeeze3A_40 : vector<1024xf32> to vector<1x1024xf32>
    tpu.vector_store %arg6[%swap3A_41, %swap3A_42], %swap3A_45 {strides = array<i32>} : memref<2x1024xf32, #tpu.memory_space<vmem>>, vector<1x1024xf32>,
    %slice3A_46 = vector.extract_strided_slice %select_n3A {offsets = [1, 1, 0], sizes = [1, 1, 1024], strides = [1, 1, 1]} : vector<2x2x1024xf32> to vector<1x1x1024xf32>
    %squeeze3A_47 = vector.shape_cast %slice3A_46 : vector<1x1x1024xf32> to vector<1024xf32>
    %swap3A_48 = arith.constant 1 : index
    %swap3A_49 = arith.constant 0 : index
    %swap3A_50 = vector.load %arg6[%swap3A_48, %swap3A_49] : memref<2x1024xf32, #tpu.memory_space<vmem>>, vector<1x1024xf32>
    %swap3A_51 = vector.shape_cast %swap3A_50 : vector<1x1024xf32> to vector<1024xf32>
    %swap3A_52 = vector.shape_cast %squeeze3A_47 : vector<1024xf32> to vector<1x1024xf32>
    tpu.vector_store %arg6[%swap3A_48, %swap3A_49], %swap3A_52 {strides = array<i32>} : memref<2x1024xf32, #tpu.memory_space<vmem>>, vector<1x1024xf32>,
    return
  }
  func.func @transform_0(%arg0: i32) -> (i32, i32) {
    %c0_i32 = arith.constant 0 : i32
    %c0_i32_0 = arith.constant 0 : i32
    return %arg0, %c0_i32 : i32, i32
  }
  func.func @transform_1(%arg0: i32) -> (i32, i32, i32, i32) {
    %c0_i32 = arith.constant 0 : i32
    %c0_i32_0 = arith.constant 0 : i32
    %c0_i32_1 = arith.constant 0 : i32
    %c0_i32_2 = arith.constant 0 : i32
    return %c0_i32, %c0_i32_0, %c0_i32_1, %arg0 : i32, i32, i32, i32
  }
  func.func @transform_2(%arg0: i32) -> (i32, i32) {
    %c0_i32 = arith.constant 0 : i32
    %c0_i32_0 = arith.constant 0 : i32
    %c0_i32_1 = arith.constant 0 : i32
    return %c0_i32, %c0_i32_0 : i32, i32
  }
  func.func @transform_3(%arg0: i32) -> (i32, i32) {
    %c0_i32 = arith.constant 0 : i32
    %c0_i32_0 = arith.constant 0 : i32
    %c0_i32_1 = arith.constant 0 : i32
    return %c0_i32, %c0_i32_0 : i32, i32
  }
  func.func @transform_4(%arg0: i32) -> (i32, i32, i32) {
    %c0_i32 = arith.constant 0 : i32
    %c0_i32_0 = arith.constant 0 : i32
    %c0_i32_1 = arith.constant 0 : i32
    return %c0_i32, %arg0, %c0_i32_0 : i32, i32, i32
  }
  func.func @transform_5(%arg0: i32) -> (i32, i32) {
    %c0_i32 = arith.constant 0 : i32
    %c0_i32_0 = arith.constant 0 : i32
    return %c0_i32, %arg0 : i32, i32
  }
}

module attributes {stable_mosaic.version = 14 : i64} {
  func.func @_post_body(%arg0: i32, %arg1: i32, %arg2: memref<1x1024x128xf32, #tpu.memory_space<vmem>>, %arg3: memref<1x1024x128xf32, #tpu.memory_space<vmem>>, %arg4: memref<2x1024xf32, #tpu.memory_space<vmem>>, %arg5: memref<1x128xf32, #tpu.memory_space<vmem>>, %arg6: memref<1x128xf32, #tpu.memory_space<vmem>>, %arg7: memref<1024x128xf32, #tpu.memory_space<vmem>>, %arg8: memref<2x128xf32, #tpu.memory_space<vmem>>) attributes {dimension_semantics = [#tpu.dimension_semantics<arbitrary>, #tpu.dimension_semantics<arbitrary>], iteration_bounds = array<i64: 2, 49>, scalar_prefetch = 0 : i64, scratch_operands = 1 : i64, tpu.core_type = #tpu.core_type<tc>, window_params = [{transform_indices = @transform_0, window_bounds = array<i64: 1, 1024, 128>}, {transform_indices = @transform_1, window_bounds = array<i64: 1, 1024, 128>}, {transform_indices = @transform_2, window_bounds = array<i64: 2, 1024>}, {pipeline_mode = #tpu.pipeline_mode<synchronous>, transform_indices = @transform_3, window_bounds = array<i64: 1, 128>}, {pipeline_mode = #tpu.pipeline_mode<synchronous>, transform_indices = @transform_4, window_bounds = array<i64: 1, 128>}, {transform_indices = @transform_5, window_bounds = array<i64: 1024, 128>}]} {
    %get3A = arith.constant 0 : index
    %get3A_0 = arith.constant 0 : index
    %get3A_1 = vector.load %arg4[%get3A, %get3A_0] : memref<2x1024xf32, #tpu.memory_space<vmem>>, vector<2x1024xf32>
    %get3A_2 = arith.constant 0 : index
    %get3A_3 = arith.constant 0 : index
    %get3A_4 = arith.constant 0 : index
    %get3A_5 = vector.load %arg2[%get3A_2, %get3A_3, %get3A_4] : memref<1x1024x128xf32, #tpu.memory_space<vmem>>, vector<1x1024x128xf32>
    %get3A_6 = vector.shape_cast %get3A_5 : vector<1x1024x128xf32> to vector<1024x128xf32>
    %slice3A = vector.extract_strided_slice %get3A_1 {offsets = [0, 0], sizes = [1, 1024], strides = [1, 1]} : vector<2x1024xf32> to vector<1x1024xf32>
    %squeeze3A = vector.shape_cast %slice3A : vector<1x1024xf32> to vector<1024xf32>
    %broadcast_in_dim3A = vector.shape_cast %squeeze3A : vector<1024xf32> to vector<1024x1xf32>
    %mul3A = vector.broadcast %broadcast_in_dim3A : vector<1024x1xf32> to vector<1024x128xf32>
    %mul3A_7 = arith.mulf %get3A_6, %mul3A : vector<1024x128xf32>
    %get3A_8 = arith.constant 0 : index
    %get3A_9 = arith.constant 0 : index
    %get3A_10 = arith.constant 0 : index
    %get3A_11 = vector.load %arg3[%get3A_8, %get3A_9, %get3A_10] : memref<1x1024x128xf32, #tpu.memory_space<vmem>>, vector<1x1024x128xf32>
    %get3A_12 = vector.shape_cast %get3A_11 : vector<1x1024x128xf32> to vector<1024x128xf32>
    %slice3A_13 = vector.extract_strided_slice %get3A_1 {offsets = [1, 0], sizes = [1, 1024], strides = [1, 1]} : vector<2x1024xf32> to vector<1x1024xf32>
    %squeeze3A_14 = vector.shape_cast %slice3A_13 : vector<1x1024xf32> to vector<1024xf32>
    %broadcast_in_dim3A_15 = vector.shape_cast %squeeze3A_14 : vector<1024xf32> to vector<1024x1xf32>
    %mul3A_16 = vector.broadcast %broadcast_in_dim3A_15 : vector<1024x1xf32> to vector<1024x128xf32>
    %mul3A_17 = arith.mulf %get3A_12, %mul3A_16 : vector<1024x128xf32>
    %add3A = arith.addf %mul3A_7, %mul3A_17 : vector<1024x128xf32>
    %eq3A = arith.constant 0 : i32
    %eq3A_18 = arith.cmpi eq, %arg0, %eq3A : i32
    %eq3A_19 = arith.constant 0 : i32
    %eq3A_20 = arith.cmpi eq, %arg1, %eq3A_19 : i32
    %and3A = arith.andi %eq3A_18, %eq3A_20 : i1
    %convert_element_type3A = arith.extui %and3A : i1 to i32
    %cond3A = arith.constant 0 : i32
    %cond3A_21 = arith.cmpi ne, %convert_element_type3A, %cond3A : i32
    scf.if %cond3A_21 {
      %broadcast_in_dim3A_32 = arith.constant 0.000000e+00 : f32
      %broadcast_in_dim3A_33 = vector.broadcast %broadcast_in_dim3A_32 : f32 to vector<2x128xf32>
      %swap3A = arith.constant 0 : index
      %swap3A_34 = arith.constant 0 : index
      %swap3A_35 = vector.load %arg8[%swap3A, %swap3A_34] : memref<2x128xf32, #tpu.memory_space<vmem>>, vector<2x128xf32>
      tpu.vector_store %arg8[%swap3A, %swap3A_34], %broadcast_in_dim3A_33 {strides = array<i32>} : memref<2x128xf32, #tpu.memory_space<vmem>>, vector<2x128xf32>,
    } else {
    }
    %eq3A_22 = arith.constant 0 : i32
    %eq3A_23 = arith.cmpi eq, %arg0, %eq3A_22 : i32
    %convert_element_type3A_24 = arith.extui %eq3A_23 : i1 to i32
    %cond3A_25 = arith.constant 0 : i32
    %cond3A_26 = arith.cmpi ne, %convert_element_type3A_24, %cond3A_25 : i32
    scf.if %cond3A_26 {
      %mul3A_32 = arith.constant 1024 : i32
      %mul3A_33 = arith.muli %arg1, %mul3A_32 : i32
      %iota3A = tpu.iota {dimensions = array<i32: 0>} : vector<1024x1xi32>
      %add3A_34 = vector.broadcast %mul3A_33 : i32 to vector<1024x1xi32>
      %add3A_35 = arith.addi %add3A_34, %iota3A : vector<1024x1xi32>
      %lt3A = arith.constant 50000 : i32
      %lt3A_36 = vector.broadcast %lt3A : i32 to vector<1024x1xi32>
      %lt3A_37 = arith.cmpi slt, %add3A_35, %lt3A_36 : vector<1024x1xi32>
      %jit3A = arith.constant 0.000000e+00 : f32
      %broadcast_in_dim3A_38 = vector.shape_cast %lt3A_37 : vector<1024x1xi1> to vector<1024x1xi1>
      %broadcast_in_dim3A_39 = vector.broadcast %broadcast_in_dim3A_38 : vector<1024x1xi1> to vector<1024x128xi1>
      %broadcast_in_dim3A_40 = vector.broadcast %jit3A : f32 to vector<1024x128xf32>
      %select_n3A = arith.select %broadcast_in_dim3A_39, %add3A, %broadcast_in_dim3A_40 : vector<1024x128xi1>, vector<1024x128xf32>
      %get3A_41 = arith.constant 0 : index
      %get3A_42 = arith.constant 0 : index
      %get3A_43 = vector.load %arg8[%get3A_41, %get3A_42] : memref<2x128xf32, #tpu.memory_space<vmem>>, vector<1x128xf32>
      %get3A_44 = vector.shape_cast %get3A_43 : vector<1x128xf32> to vector<128xf32>
      %reduce_sum3A = arith.constant dense<0.000000e+00> : vector<128xf32>
      %reduce_sum3A_45 = vector.multi_reduction <add>, %select_n3A, %reduce_sum3A [0] : vector<1024x128xf32> to vector<128xf32>
      %add3A_46 = arith.addf %get3A_44, %reduce_sum3A_45 : vector<128xf32>
      %swap3A = arith.constant 0 : index
      %swap3A_47 = arith.constant 0 : index
      %swap3A_48 = vector.load %arg8[%swap3A, %swap3A_47] : memref<2x128xf32, #tpu.memory_space<vmem>>, vector<1x128xf32>
      %swap3A_49 = vector.shape_cast %swap3A_48 : vector<1x128xf32> to vector<128xf32>
      %swap3A_50 = vector.shape_cast %add3A_46 : vector<128xf32> to vector<1x128xf32>
      tpu.vector_store %arg8[%swap3A, %swap3A_47], %swap3A_50 {strides = array<i32>} : memref<2x128xf32, #tpu.memory_space<vmem>>, vector<1x128xf32>,
      %get3A_51 = arith.constant 1 : index
      %get3A_52 = arith.constant 0 : index
      %get3A_53 = vector.load %arg8[%get3A_51, %get3A_52] : memref<2x128xf32, #tpu.memory_space<vmem>>, vector<1x128xf32>
      %get3A_54 = vector.shape_cast %get3A_53 : vector<1x128xf32> to vector<128xf32>
      %mul3A_55 = arith.mulf %select_n3A, %select_n3A : vector<1024x128xf32>
      %reduce_sum3A_56 = arith.constant dense<0.000000e+00> : vector<128xf32>
      %reduce_sum3A_57 = vector.multi_reduction <add>, %mul3A_55, %reduce_sum3A_56 [0] : vector<1024x128xf32> to vector<128xf32>
      %add3A_58 = arith.addf %get3A_54, %reduce_sum3A_57 : vector<128xf32>
      %swap3A_59 = arith.constant 1 : index
      %swap3A_60 = arith.constant 0 : index
      %swap3A_61 = vector.load %arg8[%swap3A_59, %swap3A_60] : memref<2x128xf32, #tpu.memory_space<vmem>>, vector<1x128xf32>
      %swap3A_62 = vector.shape_cast %swap3A_61 : vector<1x128xf32> to vector<128xf32>
      %swap3A_63 = vector.shape_cast %add3A_58 : vector<128xf32> to vector<1x128xf32>
      tpu.vector_store %arg8[%swap3A_59, %swap3A_60], %swap3A_63 {strides = array<i32>} : memref<2x128xf32, #tpu.memory_space<vmem>>, vector<1x128xf32>,
    } else {
    }
    %eq3A_27 = arith.constant 1 : i32
    %eq3A_28 = arith.cmpi eq, %arg0, %eq3A_27 : i32
    %convert_element_type3A_29 = arith.extui %eq3A_28 : i1 to i32
    %cond3A_30 = arith.constant 0 : i32
    %cond3A_31 = arith.cmpi ne, %convert_element_type3A_29, %cond3A_30 : i32
    scf.if %cond3A_31 {
      %get3A_32 = arith.constant 0 : index
      %get3A_33 = arith.constant 0 : index
      %get3A_34 = vector.load %arg8[%get3A_32, %get3A_33] : memref<2x128xf32, #tpu.memory_space<vmem>>, vector<1x128xf32>
      %get3A_35 = vector.shape_cast %get3A_34 : vector<1x128xf32> to vector<128xf32>
      %div3A = arith.constant 5.000000e+04 : f32
      %div3A_36 = vector.broadcast %div3A : f32 to vector<128xf32>
      %div3A_37 = arith.divf %get3A_35, %div3A_36 : vector<128xf32>
      %get3A_38 = arith.constant 1 : index
      %get3A_39 = arith.constant 0 : index
      %get3A_40 = vector.load %arg8[%get3A_38, %get3A_39] : memref<2x128xf32, #tpu.memory_space<vmem>>, vector<1x128xf32>
      %get3A_41 = vector.shape_cast %get3A_40 : vector<1x128xf32> to vector<128xf32>
      %div3A_42 = arith.constant 5.000000e+04 : f32
      %div3A_43 = vector.broadcast %div3A_42 : f32 to vector<128xf32>
      %div3A_44 = arith.divf %get3A_41, %div3A_43 : vector<128xf32>
      %mul3A_45 = arith.mulf %div3A_37, %div3A_37 : vector<128xf32>
      %sub3A = arith.subf %div3A_44, %mul3A_45 : vector<128xf32>
      %max3A = arith.constant 0.000000e+00 : f32
      %max3A_46 = vector.broadcast %max3A : f32 to vector<128xf32>
      %max3A_47 = arith.maximumf %sub3A, %max3A_46 : vector<128xf32>
      %get3A_48 = arith.constant 0 : index
      %get3A_49 = arith.constant 0 : index
      %get3A_50 = vector.load %arg5[%get3A_48, %get3A_49] : memref<1x128xf32, #tpu.memory_space<vmem>>, vector<1x128xf32>
      %get3A_51 = vector.shape_cast %get3A_50 : vector<1x128xf32> to vector<128xf32>
      %add3A_52 = arith.constant 9.99999974E-6 : f32
      %add3A_53 = vector.broadcast %add3A_52 : f32 to vector<128xf32>
      %add3A_54 = arith.addf %max3A_47, %add3A_53 : vector<128xf32>
      %rsqrt3A = math.rsqrt %add3A_54 : vector<128xf32>
      %mul3A_55 = arith.mulf %get3A_51, %rsqrt3A : vector<128xf32>
      %get3A_56 = arith.constant 0 : index
      %get3A_57 = arith.constant 0 : index
      %get3A_58 = vector.load %arg6[%get3A_56, %get3A_57] : memref<1x128xf32, #tpu.memory_space<vmem>>, vector<1x128xf32>
      %get3A_59 = vector.shape_cast %get3A_58 : vector<1x128xf32> to vector<128xf32>
      %mul3A_60 = arith.mulf %div3A_37, %mul3A_55 : vector<128xf32>
      %sub3A_61 = arith.subf %get3A_59, %mul3A_60 : vector<128xf32>
      %broadcast_in_dim3A_62 = vector.shape_cast %mul3A_55 : vector<128xf32> to vector<1x128xf32>
      %mul3A_63 = vector.broadcast %broadcast_in_dim3A_62 : vector<1x128xf32> to vector<1024x128xf32>
      %mul3A_64 = arith.mulf %add3A, %mul3A_63 : vector<1024x128xf32>
      %broadcast_in_dim3A_65 = vector.shape_cast %sub3A_61 : vector<128xf32> to vector<1x128xf32>
      %add3A_66 = vector.broadcast %broadcast_in_dim3A_65 : vector<1x128xf32> to vector<1024x128xf32>
      %add3A_67 = arith.addf %mul3A_64, %add3A_66 : vector<1024x128xf32>
      %mul3A_68 = arith.mulf %add3A_67, %add3A_67 : vector<1024x128xf32>
      %reduce_sum3A = arith.constant dense<0.000000e+00> : vector<1024xf32>
      %reduce_sum3A_69 = vector.multi_reduction <add>, %mul3A_68, %reduce_sum3A [1] : vector<1024x128xf32> to vector<1024xf32>
      %broadcast_in_dim3A_70 = vector.shape_cast %reduce_sum3A_69 : vector<1024xf32> to vector<1024x1xf32>
      %sqrt3A = math.sqrt %broadcast_in_dim3A_70 : vector<1024x1xf32>
      %max3A_71 = arith.constant 9.99999996E-13 : f32
      %max3A_72 = vector.broadcast %max3A_71 : f32 to vector<1024x1xf32>
      %max3A_73 = arith.maximumf %sqrt3A, %max3A_72 : vector<1024x1xf32>
      %div3A_74 = vector.broadcast %max3A_73 : vector<1024x1xf32> to vector<1024x128xf32>
      %div3A_75 = arith.divf %add3A_67, %div3A_74 : vector<1024x128xf32>
      %swap3A = arith.constant 0 : index
      %swap3A_76 = arith.constant 0 : index
      %swap3A_77 = vector.load %arg7[%swap3A, %swap3A_76] : memref<1024x128xf32, #tpu.memory_space<vmem>>, vector<1024x128xf32>
      tpu.vector_store %arg7[%swap3A, %swap3A_76], %div3A_75 {strides = array<i32>} : memref<1024x128xf32, #tpu.memory_space<vmem>>, vector<1024x128xf32>,
    } else {
    }
    return
  }
  func.func @transform_0(%arg0: i32, %arg1: i32) -> (i32, i32, i32) {
    %c0_i32 = arith.constant 0 : i32
    %c0_i32_0 = arith.constant 0 : i32
    %c0_i32_1 = arith.constant 0 : i32
    return %c0_i32, %arg1, %c0_i32_0 : i32, i32, i32
  }
  func.func @transform_1(%arg0: i32, %arg1: i32) -> (i32, i32, i32) {
    %c1_i32 = arith.constant 1 : i32
    %c0_i32 = arith.constant 0 : i32
    %c0_i32_0 = arith.constant 0 : i32
    return %c1_i32, %arg1, %c0_i32 : i32, i32, i32
  }
  func.func @transform_2(%arg0: i32, %arg1: i32) -> (i32, i32) {
    %c0_i32 = arith.constant 0 : i32
    %c0_i32_0 = arith.constant 0 : i32
    return %c0_i32, %arg1 : i32, i32
  }
  func.func @transform_3(%arg0: i32, %arg1: i32) -> (i32, i32) {
    %c0_i32 = arith.constant 0 : i32
    %c0_i32_0 = arith.constant 0 : i32
    %c0_i32_1 = arith.constant 0 : i32
    return %c0_i32, %c0_i32_0 : i32, i32
  }
  func.func @transform_4(%arg0: i32, %arg1: i32) -> (i32, i32) {
    %c0_i32 = arith.constant 0 : i32
    %c0_i32_0 = arith.constant 0 : i32
    %c0_i32_1 = arith.constant 0 : i32
    return %c0_i32, %c0_i32_0 : i32, i32
  }
  func.func @transform_5(%arg0: i32, %arg1: i32) -> (i32, i32) {
    %c0_i32 = arith.constant 0 : i32
    %c0_i32_0 = arith.constant 0 : i32
    return %arg1, %c0_i32 : i32, i32
  }
}

</mosaic_0001>

<sc_bundles>
// kernel: kernel.6.cloned.1.call-start
scs
__scs_entry_jumppad:
0x0: {  	(pc) =	sbr.rel $0x88, $3  }
0x1: {  	(tag) =	ssettag $0x0;
	lr =	simm.s32 $0x1  }
0x2: {  	[smem:$0x3F9A] =	sst lr;
	_ =	strace $0xD0000000  }
0x3: {  	_ = 	snop  }
0x4: {  	_ = 	snop  }
0x5: {  	_ = 	snop  }
0x6: {  	_ = 	snop  }
0x7: {  	_ = 	snop  }
__scs_overlays_trampoline_lowered:
0x8: {  	[smem:$0x3FA9] =	sst s0  }
0x9: {  	[smem:$0x3FAA] =	sst s1  }
0xa: {  	[smem:$0x3FAB] =	sst s2  }
0xb: {  	[smem:$0x3FAC] =	sst s3  }
0xc: {  	[smem:$0x3FAD] =	sst s4  }
0xd: {  	[smem:$0x3FAE] =	sst s5  }
0xe: {  	[smem:$0x3FAF] =	sst s6  }
0xf: {  	[smem:$0x3FB0] =	sst s7  }
0x10: {  	[smem:$0x3FB1] =	sst s8  }
0x11: {  	[smem:$0x3FB2] =	sst s9;
	s0 =	simm.s32 @!p0 $0x0  }
0x12: {  	s1 =	sld [smem:$0x3F98];
	s0 =	simm.s32 @p0 $0x1  }
0x13: {  	[smem:$0x3FB3] =	sst s0;
	s0 =	simm.s32 @!p1 $0x0  }
0x14: {  	s2 =	sld [smem:$0x3F97];
	s0 =	simm.s32 @p1 $0x1  }
0x15: {  	[smem:$0x3FB4] =	sst s0;
	s0 =	simm.s32 @!p2 $0x0  }
0x16: {  	s3 =	sld [smem:$0x3FDB];
	s0 =	simm.s32 @p2 $0x1  }
0x17: {  	s4 =	simm.s32 $0x1BF5;
	[smem:$0x3FB6] =	sst s0  }
0x18: {  	s0 =	sld [smem:$0x3F99];
	_ =	swait.ge [sflag:s4], $0x0  }
0x19: {  	s7 =	sld [smem:$0x3F9A]  }
0x1a: {  	s8 =	sadd.s32 $0xFFFFE003, lr  }
0x1b: {  	s9 =	sadd.s32 $0xFFFFFEF7, lr;
	s5 =	simm.s32 $0xFFFFFFFF;
	p2 =	slt.u32 s8, $0xFFFFF086  }
0x1c: {  	p1 =	slt.u32 s9, $0xF7A;
	s5 =	simm.s32 @!p2 $0x0  }
0x1d: {  	s5 =	simm.s32 @p1 $0x1;
	p0 =	seq.s32 s7, s2  }
0x1e: {  	s7 =	smul.u32 @!p0 $0xF7A, s2;
	p2 =	seq.s32 @!p0 s5, $0x0  }
0x1f: {  	s9 =	smul.u32 $0xF7A, s1;
	s8 =	simm.s32 @!p0 $0x1BF5;
	p2 =	por !p2, p0  }
0x20: {  	[sflag:s8] =	ssyncset.s32 @!p0 $0xFFFFF086;
	s6 =	sadd.s32 @!p0 s3, s7;
	s7 =	simm.s32 @!p0 $0x108  }
0x21: {  	s3 =	sadd.s32 s3, s9;
	s6 =	sadd.s32 @!p0 $0x88, s6;
	s7 =	simm.s32 @p2 $0x1082  }
0x22: {  	[simem:s7], [sflag:s8] =	dma.local @!p0 [hbm:s6], $0xF7A  }
0x23: {  	s9 =	sor.u32 $0xD0000000, s2;
	s6 =	simm.s32 $0x108;
	_ =	swait.ge @!p0 [sflag:s8], $0x0  }
0x24: {  	s3 =	sadd.s32 $0x88, s3;
	s6 =	simm.s32 @!p1 $0x1082;
	[sflag:s4] =	ssyncset.s32 $0xFFFFF086  }
0x25: {  	[simem:s6], [sflag:s4] =	dma.local [hbm:s3], $0xF7A  }
0x26: {  	[smem:$0x3F9A] =	sst s1;
	(tag) =	ssettag s2;
	_ =	strace s9  }
0x27: {  	s1 =	sld [smem:$0x3FAA]  }
0x28: {  	s2 =	sld [smem:$0x3FAB]  }
0x29: {  	s4 =	sld [smem:$0x3FAD]  }
0x2a: {  	p0 =	seq.s32 s5, $0x0;
	s5 =	sld [smem:$0x3FAE]  }
0x2b: {  	s6 =	sld [smem:$0x3FAF]  }
0x2c: {  	s7 =	sld [smem:$0x3FB0]  }
0x2d: {  	s3 =	simm.s32 $0x108;
	s8 =	sld [smem:$0x3FB1]  }
0x2e: {  	s3 =	simm.s32 @!p0 $0x1082;
	s9 =	sld [smem:$0x3FB2]  }
0x2f: {  	lr =	sadd.s32 s0, s3;
	s0 =	sld [smem:$0x3FA9]  }
0x30: {  	s3 =	sld [smem:$0x3FAC]  }
0x31: {  	[smem:$0x3FB5] =	sst s10  }
0x32: {  	s10 =	sld [smem:$0x3FB3];
	_ =	sdelay $0x3  }
0x33: {  	p0 =	seq.s32 s10, $0x1;
	s10 =	sld [smem:$0x3FB5];
	_ =	sdelay $0x3  }
0x34: {  	[smem:$0x3FB5] =	sst s10  }
0x35: {  	s10 =	sld [smem:$0x3FB4];
	_ =	sdelay $0x3  }
0x36: {  	p1 =	seq.s32 s10, $0x1;
	s10 =	sld [smem:$0x3FB5];
	_ =	sdelay $0x3  }
0x37: {  	[smem:$0x3FB5] =	sst s10  }
0x38: {  	s10 =	sld [smem:$0x3FB6]  }
0x39: {  	_ = 	snop;
	(pc) =	sbr.ind lr, $3  }
0x3a: {  	_ = 	snop  }
0x3b: {  	_ = 	snop  }
0x3c: {  	p2 =	seq.s32 s10, $0x1;
	s10 =	sld [smem:$0x3FB5]  }
0x3d: {  	_ =	shalt  }
0x3e: {  	_ =	shalt  }
0x3f: {  	_ =	shalt  }
0x40: {  	_ =	shalt  }
0x41: {  	_ =	shalt  }
0x42: {  	_ =	shalt  }
0x43: {  	_ =	shalt  }
0x44: {  	_ =	shalt  }
0x45: {  	_ =	shalt  }
0x46: {  	_ =	shalt  }
0x47: {  	_ =	shalt  }
0x48: {  	_ =	shalt  }
0x49: {  	_ =	shalt  }
0x4a: {  	_ =	shalt  }
0x4b: {  	_ =	shalt  }
0x4c: {  	_ =	shalt  }
0x4d: {  	_ =	shalt  }
0x4e: {  	_ =	shalt  }
0x4f: {  	_ =	shalt  }
0x50: {  	_ =	shalt  }
0x51: {  	_ =	shalt  }
0x52: {  	_ =	shalt  }
0x53: {  	_ =	shalt  }
0x54: {  	_ =	shalt  }
0x55: {  	_ =	shalt  }
0x56: {  	_ =	shalt  }
0x57: {  	_ =	shalt  }
0x58: {  	_ =	shalt  }
0x59: {  	_ =	shalt  }
0x5a: {  	_ =	shalt  }
0x5b: {  	_ =	shalt  }
0x5c: {  	_ =	shalt  }
0x5d: {  	_ =	shalt  }
0x5e: {  	_ =	shalt  }
0x5f: {  	_ =	shalt  }
0x60: {  	_ =	shalt  }
0x61: {  	_ =	shalt  }
0x62: {  	_ =	shalt  }
0x63: {  	_ =	shalt  }
0x64: {  	_ =	shalt  }
0x65: {  	_ =	shalt  }
0x66: {  	_ =	shalt  }
0x67: {  	_ =	shalt  }
0x68: {  	_ =	shalt  }
0x69: {  	_ =	shalt  }
0x6a: {  	_ =	shalt  }
0x6b: {  	_ =	shalt  }
0x6c: {  	_ =	shalt  }
0x6d: {  	_ =	shalt  }
0x6e: {  	_ =	shalt  }
0x6f: {  	_ =	shalt  }
0x70: {  	_ =	shalt  }
0x71: {  	_ =	shalt  }
0x72: {  	_ =	shalt  }
0x73: {  	_ =	shalt  }
0x74: {  	_ =	shalt  }
0x75: {  	_ =	shalt  }
0x76: {  	_ =	shalt  }
0x77: {  	_ =	shalt  }
0x78: {  	_ =	shalt  }
0x79: {  	_ =	shalt  }
0x7a: {  	_ =	shalt  }
0x7b: {  	_ =	shalt  }
0x7c: {  	_ =	shalt  }
0x7d: {  	_ =	shalt  }
0x7e: {  	_ =	shalt  }
0x7f: {  	_ =	shalt  }
0x80: {  	_ =	shalt  }
0x81: {  	_ =	shalt  }
0x82: {  	_ =	shalt  }
0x83: {  	_ =	shalt  }
0x84: {  	_ =	shalt  }
0x85: {  	_ =	shalt  }
0x86: {  	_ =	shalt  }
0x87: {  	_ =	shalt  }
.Lfunc_end0:
.L_simem_size_0:
called_computation_lowered:
.L_overlay_start_0:
0x88: {  	s2 =	sld [smem:$0x3FD9]  }
0x89: {  	s3 =	sld [smem:$0x3FFE];
	_ =	sdelay $0x1  }
0x8a: {  	s1 =	srdreg.scid  }
0x8b: {  	s0 =	sand.u32 $0x1, s1  }
0x8c: {  	s17 =	sshll.u32 s0, $0xA;
	s2 =	sadd.s32 s3, s2  }
0x8d: {  	s2 =	sadd.s32 s2, s17  }
0x8e: {  	[smem:$0x3FC1] =	sst s2  }
0x8f: {  	_ = 	snop  }
0x90: {  	s2 =	sld [smem:$0x3FD0];
	(tm) =	ssettm $0x1  }
0x91: {  	s18 =	sld [smem:$0x3FFB];
	_ =	sdelay $0x3  }
0x92: {  	_ =	strace s18  }
0x93: {  	s3 =	sld [smem:$0x3FFC];
	_ =	sdelay $0x3  }
0x94: {  	_ =	strace s3  }
0x95: {  	s3 =	sld [smem:$0x3FFD];
	_ =	sdelay $0x3  }
0x96: {  	_ =	strace s3  }
0x97: {  	_ =	strace $0x8FFFFFFF  }
0x98: {  	s19 =	sld [smem:$0x3FDB];
	_ =	sdelay $0x1  }
0x99: {  	s4 =	simm.s32 $_scs_section_size  }
0x9a: {  	s5 =	simm.s32 $_size__tile_overlayer_lowered;
	s6 =	simm.s32 $_tile_overlayer_lowered  }
0x9b: {  	s22 =	simm.s32 $0x1BFF;
	s21 =	sshll.u32 s6, $0x1;
	s3 =	sadd.s32 s4, s19  }
0x9c: {  	s7 =	simm.s32 $0x0;
	s20 =	sshll.u32 s5, $0x1;
	s5 =	sadd.s32 s21, s3  }
0x9d: {  	[timem:s7], [sflag:s22] =	dma.local [hbm:s5], s20  }
0x9e: {  	_ =	swait.ge [sflag:s22], s20  }
0x9f: {  	s4 =	ssub.s32 $0x0, s20;
	[sflag:s22] =	ssyncset.done $0x0  }
0xa0: {  	[sflag:s22] =	ssyncadd.s32 s4;
	_ =	sdelay $0x1  }
0xa1: {  	s23 =	simm.s32 $0x1B8B  }
0xa2: {  	_ =	swait.ge [sflag:s23], $0x1  }
0xa3: {  	[sflag:s23] =	ssyncset.done $0x0  }
0xa4: {  	s25 =	simm.s32 $0x1B8E;
	s24 =	sld [smem:$0x3FFE];
	[sflag:s23] =	ssyncadd.s32 $0xFFFFFFFF  }
0xa5: {  	s26 =	simm.s32 $execute0_lowered;
	[smem:$0x3FD2] =	sst s25  }
0xa6: {  	s5 =	sshll.u32 s26, $0x1;
	_ =	strace $0x80000046;
	[dreg:$0x1] =	wrdreg $0xFFFFFFFF  }
0xa7: {  	s28 =	simm.s32 $_size_execute0_lowered;
	s3 =	sadd.s32 s3, s5;
	[dreg:$0x0] =	wrdreg $0x0  }
0xa8: {  	s5 =	sshll.u32 s28, $0x1;
	[dreg:$0x2] =	wrdreg s3  }
0xa9: {  	[dreg:$0x3] =	wrdreg s5  }
0xaa: {  	[dreg:$0x4] =	wrdreg $0xC0  }
0xab: {  	_ =	task [dreg:s7], $0x5FFFF  }
0xac: {  	[dreg:$0x1] =	wrdreg $0xFFFFFFFF  }
0xad: {  	[dreg:$0x0] =	wrdreg $0x60  }
0xae: {  	[dreg:$0x2] =	wrdreg s24  }
0xaf: {  	[dreg:$0x3] =	wrdreg s2  }
0xb0: {  	[dreg:$0x4] =	wrdreg $0x9  }
0xb1: {  	_ =	task.clear_ibuf [dreg:s7], $0x5FFFF;
	_ =	strace $0x90000046  }
0xb2: {  	s29 =	simm.s32 $0x9;
	_ =	strace $0x80000048  }
0xb3: {  	_ =	swait.ge [sflag:s29], $0x1  }
0xb4: {  	[sflag:s29] =	ssyncadd.s32 $0xFFFFFFFF  }
0xb5: {  	_ =	strace $0x90000048  }
0xb6: {  	_ =	sfence  }
0xb7: {  	s30 =	sld [smem:$0x0];
	_ =	sdelay $0x2  }
0xb8: {  	s31 =	sshll.u32 s1, $0xD;
	s1 =	sshrl.u32 s1, $0x2  }
0xb9: {  	s3 =	sand.u32 $0x4000, s31;
	s1 =	sadd.s32 s1, s30  }
0xba: {  	s0 =	sor.u32 s3, s0;
	s1 =	sshll.u32 s1, $0x11  }
0xbb: {  	s0 =	sor.u32 s1, s0  }
0xbc: {  	s0 =	sadd.s32 $0x8F2B, s0  }
0xbd: {  	[sflag:s0] =	ssyncadd.remote.s32 $0x1  }
0xbe: {  	_ =	sfence.sel $0xFFFF  }
0xbf: {  	[dreg:$0x0] =	wrdreg $0xFFFFFFFF;
	(pc) =	sbr.abs _section_cstart, $3  }
0xc0: {  	[dreg:$0x1] =	wrdreg $0xFFFFFFFF  }
0xc1: {  	_ =	task.clear_ibuf [dreg:s7], $0x2FFFF;
	_ =	strace $0x9FFFFFFF  }
0xc2: {  	(tm) =	ssettm $0x7FFFFFFF  }
0xc3: {  	_ =	shalt  }
tec
execute0_lowered:
.L_overlay_start_1:
0x0: {  	(tag) =	ssettag $0x1  }
0x1: {  	s4 =	rddreg [dreg:$0x0]  }
0x2: {  	s1 =	rddreg [dreg:$0x1]  }
0x3: {  	s0 =	rddreg [dreg:$0x2];
	s2 =	simm.s32 $0x0;
	s5 =	srdreg.scid  }
0x4: {  	s3 =	stileid.u32;
	s15 =	simm.s32 $0x6200;
	s16 =	simm.s32 $0x80  }
0x5: {  	s17 =	simm.s32 $0x400;
	s18 =	simm.s32 $0x0;
	[smem:$0x7FF] =	sst s2  }
0x6: {  	s7 =	sadd.s32 $0x800, s4;
	s5 =	sand.u32 $0x1, s5;
	s8 =	smul.u32 $0x61A8, s3  }
0x7: {  	s9 =	sshrl.u32 s3, $0x3;
	s26 =	sshll.u32 s3, $0x7;
	s11 =	sadd.s32 $0x19000, s4  }
0x8: {  	_ =	strace $0x80000047;
	s6 =	ssub.s32 $0x2, s5;
	s12 =	smul.u32 $0x61C00, s9  }
0x9: {  	s4 =	sand.u32 $0x380, s26;
	p0 =	seq.s32 s5, $0x1;
	s10 =	sshrl.u32 s6, $0x1  }
0xa: {  	s28 =	sshrl.u32 s8, $0x3;
	s13 =	ssub.s32 s6, s10;
	s29 =	sor.u32 s4, s12  }
.Ltmp0:
0xb: {  	s5 =	sadd.s32 s7, s28;
	s14 =	sadd.s32 $0xC350, s28;
	(pc) =	sbr.rel .LBB2_1-.Ltmp0, $4  }
0xc: {  	s8 =	sadd.s32 $0xC3800, s12;
	s9 =	sadd.s32 s11, s28;
	s12 =	sadd.s32 $0x24A800, s12  }
0xd: {  	s30 =	sshrl.u32 s29, $0x3;
	s7 =	sadd.s32 s7, s14;
	s31 =	sadd.s32 $0x187000, s29  }
0xe: {  	s11 =	sadd.s32 s11, s14;
	s13 =	smax.u32 s13, $0x1;
	s10 =	sshrl.u32 s31, $0x3  }
0xf: {  	v0 =	vimm.f32 $0.0e+00;
	v1 =	vimm.f32 $1.000000000e+00;
	s14 =	simm.s32 $0x1;
	s6 =	sadd.s32 s1, s30;
	s10 =	sadd.s32 s1, s10  }
.LBB2_20:
0x10: {  	v2 =	vld [tilespmem:$0x6180];
	_ =	sdelay $0x7  }
0x11: {  	[tilespmem:v2+s15+$0x0] =	vst.idx.add.f32.msk $0xffff, v1  }
0x12: {  	v2 =	vld [tilespmem:$0x6190];
	_ =	sdelay $0x7  }
0x13: {  	[tilespmem:v2+s15+$0x0] =	vst.idx.add.f32.msk $0xffff, v1  }
0x14: {  	v2 =	vld [tilespmem:$0x61A0];
	_ =	sdelay $0x5  }
0x15: {  	s19 =	sor.u32 s4, s19;
	s18 =	sadd.s32 $0x1, s18  }
0x16: {  	s19 =	sshrl.u32 s19, $0x3;
	p1 =	sne.s32 s18, s13  }
.Ltmp1:
0x17: {  	s19 =	sadd.s32 s1, s19;
	[tilespmem:v2+s15+$0x0] =	vst.idx.add.f32.msk $0xff, v1;
	(pc) =	sbr.rel @!p1 .LBB2_21-.Ltmp1, $4  }
0x18: {  	[hbm4b:s19+s16] =	stream.strided.scatter [tilespmem:s15], [sflag:$0x1], $0xC380, s17, s16, $0x38;
	[tilespmem:$0x12580] =	vst v63  }
0x19: {  	_ =	swait.ge [sflag:s14], $0xC380  }
0x1a: {  	[sflag:s14] =	ssyncset.done $0x0  }
0x1b: {  	[sflag:s14] =	ssyncadd.s32 $0xFFFF3C80  }
.LBB2_1:
.Ltmp2:
0x1c: {  	(pc) =	sbr.rel @!p0 .LBB2_2-.Ltmp2, $2  }
0x1d: {  	_ =	sdelay $0x2  }
0x1e: {  	s20 =	simm.s32 $0xFFFFFFF8;
	s19 =	simm.s32 $0x6240  }
0x1f: {  	[tilespmem:s19+$0xFFFFFFC0] =	vst v0  }
0x20: {  	[tilespmem:s19+$0x30] =	vst v0  }
0x21: {  	[tilespmem:s19+$0x20] =	vst v0  }
0x22: {  	[tilespmem:s19+$0x10] =	vst v0  }
0x23: {  	[tilespmem:s19+$0x0] =	vst v0  }
0x24: {  	[tilespmem:s19+$0xFFFFFFF0] =	vst v0  }
0x25: {  	s20 =	sadd.s32 $0x8, s20;
	[tilespmem:s19+$0xFFFFFFE0] =	vst v0  }
.LBB2_12:
0x26: {  	s20 =	sadd.s32 $0x8, s20;
	[tilespmem:s19+$0xFFFFFFD0] =	vst v0;
	s19 =	sadd.s32 $0x80, s19  }
0x27: {  	[tilespmem:s19+$0xFFFFFFC0] =	vst v0;
	p1 =	slt.u32 s20, $0xC28  }
0x28: {  	[tilespmem:s19+$0x30] =	vst v0  }
.Ltmp3:
0x29: {  	[tilespmem:s19+$0x20] =	vst v0;
	(pc) =	sbr.rel @p1 .LBB2_12-.Ltmp3, $4  }
0x2a: {  	[tilespmem:s19+$0x10] =	vst v0  }
0x2b: {  	[tilespmem:s19+$0x0] =	vst v0  }
0x2c: {  	[tilespmem:s19+$0xFFFFFFF0] =	vst v0  }
0x2d: {  	[tilespmem:s19+$0xFFFFFFE0] =	vst v0  }
0x2e: {  	[tilespmem:s19+$0xFFFFFFD0] =	vst v0  }
0x2f: {  	[tilespmem:$0x12500] =	vst v0  }
0x30: {  	[tilespmem:$0x12510] =	vst v0  }
0x31: {  	[tilespmem:$0x12520] =	vst v0  }
0x32: {  	[tilespmem:$0x12530] =	vst v0  }
0x33: {  	[tilespmem:$0x12540] =	vst v0  }
0x34: {  	[tilespmem:$0x12550] =	vst v0  }
0x35: {  	[tilespmem:s2], [sflag:$0x1] =	stream.linear.gather [hbm4b:s9+s2], $0x61A8, $0x38;
	[tilespmem:$0x12580] =	vst v63  }
0x36: {  	_ =	swait.ge [sflag:s14], $0x61A8  }
0x37: {  	[sflag:s14] =	ssyncset.done $0x0  }
0x38: {  	s19 =	simm.s32 $0xFFFFFFF8;
	s20 =	simm.s32 $0x40;
	[sflag:s14] =	ssyncadd.s32 $0xFFFF9E58  }
.LBB2_14:
0x39: {  	v2 =	vld [tilespmem:s20+$0xFFFFFFC0];
	_ =	sdelay $0x7  }
0x3a: {  	[tilespmem:v2+s15+$0x0] =	vst.idx.add.f32.msk $0xffff, v1  }
0x3b: {  	v2 =	vld [tilespmem:s20+$0xFFFFFFD0];
	_ =	sdelay $0x7  }
0x3c: {  	[tilespmem:v2+s15+$0x0] =	vst.idx.add.f32.msk $0xffff, v1  }
0x3d: {  	v2 =	vld [tilespmem:s20+$0xFFFFFFE0];
	_ =	sdelay $0x7  }
0x3e: {  	[tilespmem:v2+s15+$0x0] =	vst.idx.add.f32.msk $0xffff, v1  }
0x3f: {  	v2 =	vld [tilespmem:s20+$0xFFFFFFF0];
	_ =	sdelay $0x7  }
0x40: {  	[tilespmem:v2+s15+$0x0] =	vst.idx.add.f32.msk $0xffff, v1  }
0x41: {  	v2 =	vld [tilespmem:s20+$0x0];
	_ =	sdelay $0x7  }
0x42: {  	[tilespmem:v2+s15+$0x0] =	vst.idx.add.f32.msk $0xffff, v1  }
0x43: {  	v2 =	vld [tilespmem:s20+$0x10];
	_ =	sdelay $0x7  }
0x44: {  	[tilespmem:v2+s15+$0x0] =	vst.idx.add.f32.msk $0xffff, v1  }
0x45: {  	v2 =	vld [tilespmem:s20+$0x20];
	_ =	sdelay $0x7  }
0x46: {  	[tilespmem:v2+s15+$0x0] =	vst.idx.add.f32.msk $0xffff, v1  }
0x47: {  	v2 =	vld [tilespmem:s20+$0x30];
	_ =	sdelay $0x1  }
0x48: {  	s19 =	sadd.s32 $0x8, s19  }
0x49: {  	p1 =	slt.u32 s19, $0x610  }
.Ltmp4:
0x4a: {  	_ = 	snop;
	(pc) =	sbr.rel @p1 .LBB2_14-.Ltmp4, $2  }
0x4b: {  	_ =	sdelay $0x2  }
0x4c: {  	s20 =	sadd.s32 $0x80, s20;
	[tilespmem:v2+s15+$0x0] =	vst.idx.add.f32.msk $0xffff, v1  }
0x4d: {  	v2 =	vld [tilespmem:$0x6180];
	_ =	sdelay $0x7  }
0x4e: {  	[tilespmem:v2+s15+$0x0] =	vst.idx.add.f32.msk $0xffff, v1  }
0x4f: {  	v2 =	vld [tilespmem:$0x6190];
	_ =	sdelay $0x7  }
0x50: {  	[tilespmem:v2+s15+$0x0] =	vst.idx.add.f32.msk $0xffff, v1  }
0x51: {  	v2 =	vld [tilespmem:$0x61A0];
	_ =	sdelay $0x7  }
0x52: {  	[tilespmem:v2+s15+$0x0] =	vst.idx.add.f32.msk $0xff, v1  }
0x53: {  	[hbm4b:s10+s16] =	stream.strided.scatter [tilespmem:s15], [sflag:$0x1], $0xC380, s17, s16, $0x38;
	[tilespmem:$0x12580] =	vst v63  }
0x54: {  	_ =	swait.ge [sflag:s14], $0xC380  }
0x55: {  	[sflag:s14] =	ssyncset.done $0x0  }
0x56: {  	s19 =	simm.s32 $0x6240;
	[sflag:s14] =	ssyncadd.s32 $0xFFFF3C80  }
0x57: {  	[tilespmem:s19+$0xFFFFFFC0] =	vst v0  }
0x58: {  	[tilespmem:s19+$0x30] =	vst v0  }
0x59: {  	[tilespmem:s19+$0x20] =	vst v0  }
0x5a: {  	[tilespmem:s19+$0x10] =	vst v0  }
0x5b: {  	[tilespmem:s19+$0x0] =	vst v0  }
0x5c: {  	[tilespmem:s19+$0xFFFFFFF0] =	vst v0  }
0x5d: {  	s20 =	simm.s32 $0x0;
	[tilespmem:s19+$0xFFFFFFE0] =	vst v0  }
.LBB2_16:
0x5e: {  	s20 =	sadd.s32 $0x8, s20;
	[tilespmem:s19+$0xFFFFFFD0] =	vst v0;
	s19 =	sadd.s32 $0x80, s19  }
0x5f: {  	[tilespmem:s19+$0xFFFFFFC0] =	vst v0;
	p1 =	slt.u32 s20, $0xC28  }
0x60: {  	[tilespmem:s19+$0x30] =	vst v0  }
.Ltmp5:
0x61: {  	[tilespmem:s19+$0x20] =	vst v0;
	(pc) =	sbr.rel @p1 .LBB2_16-.Ltmp5, $4  }
0x62: {  	[tilespmem:s19+$0x10] =	vst v0  }
0x63: {  	[tilespmem:s19+$0x0] =	vst v0  }
0x64: {  	[tilespmem:s19+$0xFFFFFFF0] =	vst v0  }
0x65: {  	[tilespmem:s19+$0xFFFFFFE0] =	vst v0  }
0x66: {  	[tilespmem:s19+$0xFFFFFFD0] =	vst v0  }
0x67: {  	[tilespmem:$0x12500] =	vst v0  }
0x68: {  	[tilespmem:$0x12510] =	vst v0  }
0x69: {  	[tilespmem:$0x12520] =	vst v0  }
0x6a: {  	[tilespmem:$0x12530] =	vst v0  }
0x6b: {  	[tilespmem:$0x12540] =	vst v0  }
0x6c: {  	[tilespmem:$0x12550] =	vst v0  }
0x6d: {  	[tilespmem:s2], [sflag:$0x1] =	stream.linear.gather [hbm4b:s11+s2], $0x61A8, $0x38;
	[tilespmem:$0x12580] =	vst v63  }
0x6e: {  	_ =	swait.ge [sflag:s14], $0x61A8  }
0x6f: {  	[sflag:s14] =	ssyncset.done $0x0  }
0x70: {  	s19 =	simm.s32 $0xFFFFFFF8;
	s20 =	simm.s32 $0x40;
	[sflag:s14] =	ssyncadd.s32 $0xFFFF9E58  }
.LBB2_18:
0x71: {  	v2 =	vld [tilespmem:s20+$0xFFFFFFC0];
	_ =	sdelay $0x7  }
0x72: {  	[tilespmem:v2+s15+$0x0] =	vst.idx.add.f32.msk $0xffff, v1  }
0x73: {  	v2 =	vld [tilespmem:s20+$0xFFFFFFD0];
	_ =	sdelay $0x7  }
0x74: {  	[tilespmem:v2+s15+$0x0] =	vst.idx.add.f32.msk $0xffff, v1  }
0x75: {  	v2 =	vld [tilespmem:s20+$0xFFFFFFE0];
	_ =	sdelay $0x7  }
0x76: {  	[tilespmem:v2+s15+$0x0] =	vst.idx.add.f32.msk $0xffff, v1  }
0x77: {  	v2 =	vld [tilespmem:s20+$0xFFFFFFF0];
	_ =	sdelay $0x7  }
0x78: {  	[tilespmem:v2+s15+$0x0] =	vst.idx.add.f32.msk $0xffff, v1  }
0x79: {  	v2 =	vld [tilespmem:s20+$0x0];
	_ =	sdelay $0x7  }
0x7a: {  	[tilespmem:v2+s15+$0x0] =	vst.idx.add.f32.msk $0xffff, v1  }
0x7b: {  	v2 =	vld [tilespmem:s20+$0x10];
	_ =	sdelay $0x7  }
0x7c: {  	[tilespmem:v2+s15+$0x0] =	vst.idx.add.f32.msk $0xffff, v1  }
0x7d: {  	v2 =	vld [tilespmem:s20+$0x20];
	_ =	sdelay $0x7  }
0x7e: {  	[tilespmem:v2+s15+$0x0] =	vst.idx.add.f32.msk $0xffff, v1  }
0x7f: {  	v2 =	vld [tilespmem:s20+$0x30];
	_ =	sdelay $0x1  }
0x80: {  	s19 =	sadd.s32 $0x8, s19  }
0x81: {  	p1 =	slt.u32 s19, $0x610  }
.Ltmp6:
0x82: {  	_ = 	snop;
	(pc) =	sbr.rel @p1 .LBB2_18-.Ltmp6, $2  }
0x83: {  	_ =	sdelay $0x2  }
0x84: {  	s20 =	sadd.s32 $0x80, s20;
	[tilespmem:v2+s15+$0x0] =	vst.idx.add.f32.msk $0xffff, v1  }
.Ltmp7:
0x85: {  	(pc) =	sbr.rel .LBB2_20-.Ltmp7, $2  }
0x86: {  	_ =	sdelay $0x2  }
0x87: {  	s19 =	smov.u32 s12  }
.LBB2_2:
0x88: {  	[tilespmem:s19+$0xFFFFFFC0] =	vst v0  }
0x89: {  	[tilespmem:s19+$0x30] =	vst v0  }
0x8a: {  	[tilespmem:s19+$0x20] =	vst v0  }
0x8b: {  	[tilespmem:s19+$0x10] =	vst v0  }
0x8c: {  	[tilespmem:s19+$0x0] =	vst v0  }
0x8d: {  	[tilespmem:s19+$0xFFFFFFF0] =	vst v0  }
0x8e: {  	s20 =	sadd.s32 $0x8, s20;
	[tilespmem:s19+$0xFFFFFFE0] =	vst v0  }
.LBB2_3:
0x8f: {  	s20 =	sadd.s32 $0x8, s20;
	[tilespmem:s19+$0xFFFFFFD0] =	vst v0;
	s19 =	sadd.s32 $0x80, s19  }
0x90: {  	[tilespmem:s19+$0xFFFFFFC0] =	vst v0;
	p1 =	slt.u32 s20, $0xC28  }
0x91: {  	[tilespmem:s19+$0x30] =	vst v0  }
.Ltmp8:
0x92: {  	[tilespmem:s19+$0x20] =	vst v0;
	(pc) =	sbr.rel @p1 .LBB2_3-.Ltmp8, $4  }
0x93: {  	[tilespmem:s19+$0x10] =	vst v0  }
0x94: {  	[tilespmem:s19+$0x0] =	vst v0  }
0x95: {  	[tilespmem:s19+$0xFFFFFFF0] =	vst v0  }
0x96: {  	[tilespmem:s19+$0xFFFFFFE0] =	vst v0  }
0x97: {  	[tilespmem:s19+$0xFFFFFFD0] =	vst v0  }
0x98: {  	[tilespmem:$0x12500] =	vst v0  }
0x99: {  	[tilespmem:$0x12510] =	vst v0  }
0x9a: {  	[tilespmem:$0x12520] =	vst v0  }
0x9b: {  	[tilespmem:$0x12530] =	vst v0  }
0x9c: {  	[tilespmem:$0x12540] =	vst v0  }
0x9d: {  	[tilespmem:$0x12550] =	vst v0  }
0x9e: {  	[tilespmem:s2], [sflag:$0x1] =	stream.linear.gather [hbm4b:s5+s2], $0x61A8, $0x38;
	[tilespmem:$0x12580] =	vst v63  }
0x9f: {  	_ =	swait.ge [sflag:s14], $0x61A8  }
0xa0: {  	[sflag:s14] =	ssyncset.done $0x0  }
0xa1: {  	s19 =	simm.s32 $0xFFFFFFF8;
	s20 =	simm.s32 $0x40;
	[sflag:s14] =	ssyncadd.s32 $0xFFFF9E58  }
.LBB2_5:
0xa2: {  	v2 =	vld [tilespmem:s20+$0xFFFFFFC0];
	_ =	sdelay $0x7  }
0xa3: {  	[tilespmem:v2+s15+$0x0] =	vst.idx.add.f32.msk $0xffff, v1  }
0xa4: {  	v2 =	vld [tilespmem:s20+$0xFFFFFFD0];
	_ =	sdelay $0x7  }
0xa5: {  	[tilespmem:v2+s15+$0x0] =	vst.idx.add.f32.msk $0xffff, v1  }
0xa6: {  	v2 =	vld [tilespmem:s20+$0xFFFFFFE0];
	_ =	sdelay $0x7  }
0xa7: {  	[tilespmem:v2+s15+$0x0] =	vst.idx.add.f32.msk $0xffff, v1  }
0xa8: {  	v2 =	vld [tilespmem:s20+$0xFFFFFFF0];
	_ =	sdelay $0x7  }
0xa9: {  	[tilespmem:v2+s15+$0x0] =	vst.idx.add.f32.msk $0xffff, v1  }
0xaa: {  	v2 =	vld [tilespmem:s20+$0x0];
	_ =	sdelay $0x7  }
0xab: {  	[tilespmem:v2+s15+$0x0] =	vst.idx.add.f32.msk $0xffff, v1  }
0xac: {  	v2 =	vld [tilespmem:s20+$0x10];
	_ =	sdelay $0x7  }
0xad: {  	[tilespmem:v2+s15+$0x0] =	vst.idx.add.f32.msk $0xffff, v1  }
0xae: {  	v2 =	vld [tilespmem:s20+$0x20];
	_ =	sdelay $0x7  }
0xaf: {  	[tilespmem:v2+s15+$0x0] =	vst.idx.add.f32.msk $0xffff, v1  }
0xb0: {  	v2 =	vld [tilespmem:s20+$0x30];
	_ =	sdelay $0x1  }
0xb1: {  	s19 =	sadd.s32 $0x8, s19  }
0xb2: {  	p1 =	slt.u32 s19, $0x610  }
.Ltmp9:
0xb3: {  	_ = 	snop;
	(pc) =	sbr.rel @p1 .LBB2_5-.Ltmp9, $2  }
0xb4: {  	_ =	sdelay $0x2  }
0xb5: {  	s20 =	sadd.s32 $0x80, s20;
	[tilespmem:v2+s15+$0x0] =	vst.idx.add.f32.msk $0xffff, v1  }
0xb6: {  	v2 =	vld [tilespmem:$0x6180];
	_ =	sdelay $0x7  }
0xb7: {  	[tilespmem:v2+s15+$0x0] =	vst.idx.add.f32.msk $0xffff, v1  }
0xb8: {  	v2 =	vld [tilespmem:$0x6190];
	_ =	sdelay $0x7  }
0xb9: {  	[tilespmem:v2+s15+$0x0] =	vst.idx.add.f32.msk $0xffff, v1  }
0xba: {  	v2 =	vld [tilespmem:$0x61A0];
	_ =	sdelay $0x7  }
0xbb: {  	[tilespmem:v2+s15+$0x0] =	vst.idx.add.f32.msk $0xff, v1  }
0xbc: {  	[hbm4b:s6+s16] =	stream.strided.scatter [tilespmem:s15], [sflag:$0x1], $0xC380, s17, s16, $0x38;
	[tilespmem:$0x12580] =	vst v63  }
0xbd: {  	_ =	swait.ge [sflag:s14], $0xC380  }
0xbe: {  	[sflag:s14] =	ssyncset.done $0x0  }
0xbf: {  	s19 =	simm.s32 $0x6240;
	[sflag:s14] =	ssyncadd.s32 $0xFFFF3C80  }
0xc0: {  	[tilespmem:s19+$0xFFFFFFC0] =	vst v0  }
0xc1: {  	[tilespmem:s19+$0x30] =	vst v0  }
0xc2: {  	[tilespmem:s19+$0x20] =	vst v0  }
0xc3: {  	[tilespmem:s19+$0x10] =	vst v0  }
0xc4: {  	[tilespmem:s19+$0x0] =	vst v0  }
0xc5: {  	[tilespmem:s19+$0xFFFFFFF0] =	vst v0  }
0xc6: {  	s20 =	simm.s32 $0x0;
	[tilespmem:s19+$0xFFFFFFE0] =	vst v0  }
.LBB2_7:
0xc7: {  	s20 =	sadd.s32 $0x8, s20;
	[tilespmem:s19+$0xFFFFFFD0] =	vst v0;
	s19 =	sadd.s32 $0x80, s19  }
0xc8: {  	[tilespmem:s19+$0xFFFFFFC0] =	vst v0;
	p1 =	slt.u32 s20, $0xC28  }
0xc9: {  	[tilespmem:s19+$0x30] =	vst v0  }
.Ltmp10:
0xca: {  	[tilespmem:s19+$0x20] =	vst v0;
	(pc) =	sbr.rel @p1 .LBB2_7-.Ltmp10, $4  }
0xcb: {  	[tilespmem:s19+$0x10] =	vst v0  }
0xcc: {  	[tilespmem:s19+$0x0] =	vst v0  }
0xcd: {  	[tilespmem:s19+$0xFFFFFFF0] =	vst v0  }
0xce: {  	[tilespmem:s19+$0xFFFFFFE0] =	vst v0  }
0xcf: {  	[tilespmem:s19+$0xFFFFFFD0] =	vst v0  }
0xd0: {  	[tilespmem:$0x12500] =	vst v0  }
0xd1: {  	[tilespmem:$0x12510] =	vst v0  }
0xd2: {  	[tilespmem:$0x12520] =	vst v0  }
0xd3: {  	[tilespmem:$0x12530] =	vst v0  }
0xd4: {  	[tilespmem:$0x12540] =	vst v0  }
0xd5: {  	[tilespmem:$0x12550] =	vst v0  }
0xd6: {  	[tilespmem:s2], [sflag:$0x1] =	stream.linear.gather [hbm4b:s7+s2], $0x61A8, $0x38;
	[tilespmem:$0x12580] =	vst v63  }
0xd7: {  	_ =	swait.ge [sflag:s14], $0x61A8  }
0xd8: {  	[sflag:s14] =	ssyncset.done $0x0  }
0xd9: {  	s19 =	simm.s32 $0xFFFFFFF8;
	s20 =	simm.s32 $0x40;
	[sflag:s14] =	ssyncadd.s32 $0xFFFF9E58  }
.LBB2_9:
0xda: {  	v2 =	vld [tilespmem:s20+$0xFFFFFFC0];
	_ =	sdelay $0x7  }
0xdb: {  	[tilespmem:v2+s15+$0x0] =	vst.idx.add.f32.msk $0xffff, v1  }
0xdc: {  	v2 =	vld [tilespmem:s20+$0xFFFFFFD0];
	_ =	sdelay $0x7  }
0xdd: {  	[tilespmem:v2+s15+$0x0] =	vst.idx.add.f32.msk $0xffff, v1  }
0xde: {  	v2 =	vld [tilespmem:s20+$0xFFFFFFE0];
	_ =	sdelay $0x7  }
0xdf: {  	[tilespmem:v2+s15+$0x0] =	vst.idx.add.f32.msk $0xffff, v1  }
0xe0: {  	v2 =	vld [tilespmem:s20+$0xFFFFFFF0];
	_ =	sdelay $0x7  }
0xe1: {  	[tilespmem:v2+s15+$0x0] =	vst.idx.add.f32.msk $0xffff, v1  }
0xe2: {  	v2 =	vld [tilespmem:s20+$0x0];
	_ =	sdelay $0x7  }
0xe3: {  	[tilespmem:v2+s15+$0x0] =	vst.idx.add.f32.msk $0xffff, v1  }
0xe4: {  	v2 =	vld [tilespmem:s20+$0x10];
	_ =	sdelay $0x7  }
0xe5: {  	[tilespmem:v2+s15+$0x0] =	vst.idx.add.f32.msk $0xffff, v1  }
0xe6: {  	v2 =	vld [tilespmem:s20+$0x20];
	_ =	sdelay $0x7  }
0xe7: {  	[tilespmem:v2+s15+$0x0] =	vst.idx.add.f32.msk $0xffff, v1  }
0xe8: {  	v2 =	vld [tilespmem:s20+$0x30];
	_ =	sdelay $0x1  }
0xe9: {  	s19 =	sadd.s32 $0x8, s19  }
0xea: {  	p1 =	slt.u32 s19, $0x610  }
.Ltmp11:
0xeb: {  	_ = 	snop;
	(pc) =	sbr.rel @p1 .LBB2_9-.Ltmp11, $2  }
0xec: {  	_ =	sdelay $0x2  }
0xed: {  	s20 =	sadd.s32 $0x80, s20;
	[tilespmem:v2+s15+$0x0] =	vst.idx.add.f32.msk $0xffff, v1  }
.Ltmp12:
0xee: {  	(pc) =	sbr.rel .LBB2_20-.Ltmp12, $2  }
0xef: {  	_ =	sdelay $0x2  }
0xf0: {  	s19 =	smov.u32 s8  }
.LBB2_21:
0xf1: {  	_ =	sfence.sel $0x180000  }
0xf2: {  	[bflag:$0x0] =	sbarrier.arrive $0xFFFF  }
0xf3: {  	p0 =	sne.s32 s3, $0x0;
	_ =	strace $0x90000047  }
0xf4: {  	s0 =	sadd.s32 @!p0 $0x100000, s0;
	[bflag:$0x2] =	sbarrier.arrive $0xFFFF  }
0xf5: {  	[sflag:s0] =	ssyncadd.tile.s32 @!p0 $0x1;
	_ =	shalt  }
.Lfunc_end2:
_tile_overlayer_lowered:
.L_overlay_start_2:
0xf6: {  	(tag) =	ssettag $0x2  }
0xf7: {  	s0 =	rddreg [dreg:$0x0];
	s2 =	stileid.u32  }
0xf8: {  	s1 =	rddreg [dreg:$0x1];
	p0 =	sne.s32 s2, $0x0  }
0xf9: {  	s3 =	rddreg [dreg:$0x2];
	[bflag:$0x3] =	sbarrier.arrive $0xFFFF;
	s2 =	simm.s32 @!p0 $0x1C01  }
0xfa: {  	[timem:s3], [sflag:s2] =	dma.local @!p0 [hbm:s0], s1  }
0xfb: {  	s0 =	simm.s32 @!p0 $0x1  }
0xfc: {  	_ =	swait.ge @!p0 [sflag:s0], s1  }
0xfd: {  	s1 =	ssub.s32 @!p0 $0x0, s1;
	[sflag:s0] =	ssyncset.done @!p0 $0x0  }
0xfe: {  	[sflag:s0] =	ssyncadd.s32 @!p0 s1  }
0xff: {  	[bflag:$0x3] =	sbarrier.arrive $0xFFFF  }
0x100: {  	_ =	shalt  }

// kernel: kernel.9.cloned.1.call-start
scs
__scs_entry_jumppad:
0x0: {  	(pc) =	sbr.rel $0x88, $3  }
0x1: {  	(tag) =	ssettag $0x0;
	lr =	simm.s32 $0x1  }
0x2: {  	[smem:$0x3F9A] =	sst lr;
	_ =	strace $0xD0000000  }
0x3: {  	_ = 	snop  }
0x4: {  	_ = 	snop  }
0x5: {  	_ = 	snop  }
0x6: {  	_ = 	snop  }
0x7: {  	_ = 	snop  }
__scs_overlays_trampoline_lowered:
0x8: {  	[smem:$0x3FA9] =	sst s0  }
0x9: {  	[smem:$0x3FAA] =	sst s1  }
0xa: {  	[smem:$0x3FAB] =	sst s2  }
0xb: {  	[smem:$0x3FAC] =	sst s3  }
0xc: {  	[smem:$0x3FAD] =	sst s4  }
0xd: {  	[smem:$0x3FAE] =	sst s5  }
0xe: {  	[smem:$0x3FAF] =	sst s6  }
0xf: {  	[smem:$0x3FB0] =	sst s7  }
0x10: {  	[smem:$0x3FB1] =	sst s8  }
0x11: {  	[smem:$0x3FB2] =	sst s9;
	s0 =	simm.s32 @!p0 $0x0  }
0x12: {  	s1 =	sld [smem:$0x3F98];
	s0 =	simm.s32 @p0 $0x1  }
0x13: {  	[smem:$0x3FB3] =	sst s0;
	s0 =	simm.s32 @!p1 $0x0  }
0x14: {  	s2 =	sld [smem:$0x3F97];
	s0 =	simm.s32 @p1 $0x1  }
0x15: {  	[smem:$0x3FB4] =	sst s0;
	s0 =	simm.s32 @!p2 $0x0  }
0x16: {  	s3 =	sld [smem:$0x3FDB];
	s0 =	simm.s32 @p2 $0x1  }
0x17: {  	s4 =	simm.s32 $0x1BF5;
	[smem:$0x3FB6] =	sst s0  }
0x18: {  	s0 =	sld [smem:$0x3F99];
	_ =	swait.ge [sflag:s4], $0x0  }
0x19: {  	s7 =	sld [smem:$0x3F9A]  }
0x1a: {  	s8 =	sadd.s32 $0xFFFFE003, lr  }
0x1b: {  	s9 =	sadd.s32 $0xFFFFFEF7, lr;
	s5 =	simm.s32 $0xFFFFFFFF;
	p2 =	slt.u32 s8, $0xFFFFF086  }
0x1c: {  	p1 =	slt.u32 s9, $0xF7A;
	s5 =	simm.s32 @!p2 $0x0  }
0x1d: {  	s5 =	simm.s32 @p1 $0x1;
	p0 =	seq.s32 s7, s2  }
0x1e: {  	s7 =	smul.u32 @!p0 $0xF7A, s2;
	p2 =	seq.s32 @!p0 s5, $0x0  }
0x1f: {  	s9 =	smul.u32 $0xF7A, s1;
	s8 =	simm.s32 @!p0 $0x1BF5;
	p2 =	por !p2, p0  }
0x20: {  	[sflag:s8] =	ssyncset.s32 @!p0 $0xFFFFF086;
	s6 =	sadd.s32 @!p0 s3, s7;
	s7 =	simm.s32 @!p0 $0x108  }
0x21: {  	s3 =	sadd.s32 s3, s9;
	s6 =	sadd.s32 @!p0 $0x88, s6;
	s7 =	simm.s32 @p2 $0x1082  }
0x22: {  	[simem:s7], [sflag:s8] =	dma.local @!p0 [hbm:s6], $0xF7A  }
0x23: {  	s9 =	sor.u32 $0xD0000000, s2;
	s6 =	simm.s32 $0x108;
	_ =	swait.ge @!p0 [sflag:s8], $0x0  }
0x24: {  	s3 =	sadd.s32 $0x88, s3;
	s6 =	simm.s32 @!p1 $0x1082;
	[sflag:s4] =	ssyncset.s32 $0xFFFFF086  }
0x25: {  	[simem:s6], [sflag:s4] =	dma.local [hbm:s3], $0xF7A  }
0x26: {  	[smem:$0x3F9A] =	sst s1;
	(tag) =	ssettag s2;
	_ =	strace s9  }
0x27: {  	s1 =	sld [smem:$0x3FAA]  }
0x28: {  	s2 =	sld [smem:$0x3FAB]  }
0x29: {  	s4 =	sld [smem:$0x3FAD]  }
0x2a: {  	p0 =	seq.s32 s5, $0x0;
	s5 =	sld [smem:$0x3FAE]  }
0x2b: {  	s6 =	sld [smem:$0x3FAF]  }
0x2c: {  	s7 =	sld [smem:$0x3FB0]  }
0x2d: {  	s3 =	simm.s32 $0x108;
	s8 =	sld [smem:$0x3FB1]  }
0x2e: {  	s3 =	simm.s32 @!p0 $0x1082;
	s9 =	sld [smem:$0x3FB2]  }
0x2f: {  	lr =	sadd.s32 s0, s3;
	s0 =	sld [smem:$0x3FA9]  }
0x30: {  	s3 =	sld [smem:$0x3FAC]  }
0x31: {  	[smem:$0x3FB5] =	sst s10  }
0x32: {  	s10 =	sld [smem:$0x3FB3];
	_ =	sdelay $0x3  }
0x33: {  	p0 =	seq.s32 s10, $0x1;
	s10 =	sld [smem:$0x3FB5];
	_ =	sdelay $0x3  }
0x34: {  	[smem:$0x3FB5] =	sst s10  }
0x35: {  	s10 =	sld [smem:$0x3FB4];
	_ =	sdelay $0x3  }
0x36: {  	p1 =	seq.s32 s10, $0x1;
	s10 =	sld [smem:$0x3FB5];
	_ =	sdelay $0x3  }
0x37: {  	[smem:$0x3FB5] =	sst s10  }
0x38: {  	s10 =	sld [smem:$0x3FB6]  }
0x39: {  	_ = 	snop;
	(pc) =	sbr.ind lr, $3  }
0x3a: {  	_ = 	snop  }
0x3b: {  	_ = 	snop  }
0x3c: {  	p2 =	seq.s32 s10, $0x1;
	s10 =	sld [smem:$0x3FB5]  }
0x3d: {  	_ =	shalt  }
0x3e: {  	_ =	shalt  }
0x3f: {  	_ =	shalt  }
0x40: {  	_ =	shalt  }
0x41: {  	_ =	shalt  }
0x42: {  	_ =	shalt  }
0x43: {  	_ =	shalt  }
0x44: {  	_ =	shalt  }
0x45: {  	_ =	shalt  }
0x46: {  	_ =	shalt  }
0x47: {  	_ =	shalt  }
0x48: {  	_ =	shalt  }
0x49: {  	_ =	shalt  }
0x4a: {  	_ =	shalt  }
0x4b: {  	_ =	shalt  }
0x4c: {  	_ =	shalt  }
0x4d: {  	_ =	shalt  }
0x4e: {  	_ =	shalt  }
0x4f: {  	_ =	shalt  }
0x50: {  	_ =	shalt  }
0x51: {  	_ =	shalt  }
0x52: {  	_ =	shalt  }
0x53: {  	_ =	shalt  }
0x54: {  	_ =	shalt  }
0x55: {  	_ =	shalt  }
0x56: {  	_ =	shalt  }
0x57: {  	_ =	shalt  }
0x58: {  	_ =	shalt  }
0x59: {  	_ =	shalt  }
0x5a: {  	_ =	shalt  }
0x5b: {  	_ =	shalt  }
0x5c: {  	_ =	shalt  }
0x5d: {  	_ =	shalt  }
0x5e: {  	_ =	shalt  }
0x5f: {  	_ =	shalt  }
0x60: {  	_ =	shalt  }
0x61: {  	_ =	shalt  }
0x62: {  	_ =	shalt  }
0x63: {  	_ =	shalt  }
0x64: {  	_ =	shalt  }
0x65: {  	_ =	shalt  }
0x66: {  	_ =	shalt  }
0x67: {  	_ =	shalt  }
0x68: {  	_ =	shalt  }
0x69: {  	_ =	shalt  }
0x6a: {  	_ =	shalt  }
0x6b: {  	_ =	shalt  }
0x6c: {  	_ =	shalt  }
0x6d: {  	_ =	shalt  }
0x6e: {  	_ =	shalt  }
0x6f: {  	_ =	shalt  }
0x70: {  	_ =	shalt  }
0x71: {  	_ =	shalt  }
0x72: {  	_ =	shalt  }
0x73: {  	_ =	shalt  }
0x74: {  	_ =	shalt  }
0x75: {  	_ =	shalt  }
0x76: {  	_ =	shalt  }
0x77: {  	_ =	shalt  }
0x78: {  	_ =	shalt  }
0x79: {  	_ =	shalt  }
0x7a: {  	_ =	shalt  }
0x7b: {  	_ =	shalt  }
0x7c: {  	_ =	shalt  }
0x7d: {  	_ =	shalt  }
0x7e: {  	_ =	shalt  }
0x7f: {  	_ =	shalt  }
0x80: {  	_ =	shalt  }
0x81: {  	_ =	shalt  }
0x82: {  	_ =	shalt  }
0x83: {  	_ =	shalt  }
0x84: {  	_ =	shalt  }
0x85: {  	_ =	shalt  }
0x86: {  	_ =	shalt  }
0x87: {  	_ =	shalt  }
.Lfunc_end0:
.L_simem_size_0:
called_computation.1_lowered:
.L_overlay_start_0:
0x88: {  	s2 =	sld [smem:$0x3FD9]  }
0x89: {  	s3 =	sld [smem:$0x3FFE];
	_ =	sdelay $0x1  }
0x8a: {  	s1 =	srdreg.scid  }
0x8b: {  	s0 =	sand.u32 $0x1, s1  }
0x8c: {  	s16 =	sshll.u32 s0, $0xA;
	s2 =	sadd.s32 s3, s2  }
0x8d: {  	s2 =	sadd.s32 s2, s16  }
0x8e: {  	[smem:$0x3FC1] =	sst s2  }
0x8f: {  	_ = 	snop  }
0x90: {  	(tm) =	ssettm $0x1  }
0x91: {  	s17 =	sld [smem:$0x3FFB];
	_ =	sdelay $0x3  }
0x92: {  	_ =	strace s17  }
0x93: {  	s2 =	sld [smem:$0x3FFC];
	_ =	sdelay $0x3  }
0x94: {  	_ =	strace s2  }
0x95: {  	s2 =	sld [smem:$0x3FFD];
	_ =	sdelay $0x3  }
0x96: {  	_ =	strace s2  }
0x97: {  	_ =	strace $0x8FFFFFFF  }
0x98: {  	s18 =	sld [smem:$0x3FDB];
	_ =	sdelay $0x1  }
0x99: {  	s19 =	simm.s32 $_scs_section_size  }
0x9a: {  	s4 =	simm.s32 $_size__tile_overlayer_lowered;
	s5 =	simm.s32 $_tile_overlayer_lowered  }
0x9b: {  	s22 =	simm.s32 $0x1BFF;
	s21 =	sshll.u32 s5, $0x1;
	s2 =	sadd.s32 s19, s18  }
0x9c: {  	s6 =	simm.s32 $0x0;
	s20 =	sshll.u32 s4, $0x1;
	s4 =	sadd.s32 s21, s2  }
0x9d: {  	[timem:s6], [sflag:s22] =	dma.local [hbm:s4], s20  }
0x9e: {  	_ =	swait.ge [sflag:s22], s20  }
0x9f: {  	s3 =	ssub.s32 $0x0, s20;
	[sflag:s22] =	ssyncset.done $0x0  }
0xa0: {  	[sflag:s22] =	ssyncadd.s32 s3;
	_ =	sdelay $0x1  }
0xa1: {  	s23 =	simm.s32 $0x1B8B  }
0xa2: {  	_ =	swait.ge [sflag:s23], $0x1  }
0xa3: {  	[sflag:s23] =	ssyncset.done $0x0  }
0xa4: {  	s25 =	simm.s32 $0x1B8E;
	s24 =	sld [smem:$0x3FFE];
	[sflag:s23] =	ssyncadd.s32 $0xFFFFFFFF  }
0xa5: {  	s26 =	simm.s32 $execute0_lowered;
	[smem:$0x3FD2] =	sst s25  }
0xa6: {  	s4 =	sshll.u32 s26, $0x1;
	_ =	strace $0x80000049;
	[dreg:$0x1] =	wrdreg $0xFFFFFFFF  }
0xa7: {  	s28 =	simm.s32 $_size_execute0_lowered;
	s2 =	sadd.s32 s2, s4;
	[dreg:$0x0] =	wrdreg $0x0  }
0xa8: {  	s4 =	sshll.u32 s28, $0x1;
	[dreg:$0x2] =	wrdreg s2  }
0xa9: {  	[dreg:$0x3] =	wrdreg s4  }
0xaa: {  	[dreg:$0x4] =	wrdreg $0xC0  }
0xab: {  	_ =	task [dreg:s6], $0x5FFFF  }
0xac: {  	[dreg:$0x1] =	wrdreg $0xFFFFFFFF  }
0xad: {  	[dreg:$0x0] =	wrdreg $0x60  }
0xae: {  	[dreg:$0x2] =	wrdreg s24  }
0xaf: {  	[dreg:$0x3] =	wrdreg $0x0  }
0xb0: {  	[dreg:$0x4] =	wrdreg $0x9  }
0xb1: {  	_ =	task.clear_ibuf [dreg:s6], $0x5FFFF;
	_ =	strace $0x90000049  }
0xb2: {  	s29 =	simm.s32 $0x9;
	_ =	strace $0x8000004B  }
0xb3: {  	_ =	swait.ge [sflag:s29], $0x1  }
0xb4: {  	[sflag:s29] =	ssyncadd.s32 $0xFFFFFFFF  }
0xb5: {  	_ =	strace $0x9000004B  }
0xb6: {  	_ =	sfence  }
0xb7: {  	s30 =	sld [smem:$0x0];
	_ =	sdelay $0x2  }
0xb8: {  	s31 =	sshll.u32 s1, $0xD;
	s1 =	sshrl.u32 s1, $0x2  }
0xb9: {  	s3 =	sand.u32 $0x4000, s31;
	s1 =	sadd.s32 s1, s30  }
0xba: {  	s0 =	sor.u32 s3, s0;
	s1 =	sshll.u32 s1, $0x11  }
0xbb: {  	s0 =	sor.u32 s1, s0  }
0xbc: {  	s0 =	sadd.s32 $0x8F2B, s0  }
0xbd: {  	[sflag:s0] =	ssyncadd.remote.s32 $0x1  }
0xbe: {  	_ =	sfence.sel $0xFFFF  }
0xbf: {  	[dreg:$0x0] =	wrdreg $0xFFFFFFFF;
	(pc) =	sbr.abs _section_cstart, $3  }
0xc0: {  	[dreg:$0x1] =	wrdreg $0xFFFFFFFF  }
0xc1: {  	_ =	task.clear_ibuf [dreg:s6], $0x2FFFF;
	_ =	strace $0x9FFFFFFF  }
0xc2: {  	(tm) =	ssettm $0x7FFFFFFF  }
0xc3: {  	_ =	shalt  }
tec
execute0_lowered:
.L_overlay_start_1:
0x0: {  	(tag) =	ssettag $0x1  }
0x1: {  	s0 =	rddreg [dreg:$0x0]  }
0x2: {  	s1 =	rddreg [dreg:$0x1];
	s3 =	simm.s32 $0x0  }
0x3: {  	s2 =	srdreg.scid;
	s11 =	stileid.u32;
	s18 =	simm.s32 $0x17E00  }
0x4: {  	s19 =	simm.s32 $0x4;
	s22 =	simm.s32 $0x2;
	s23 =	simm.s32 $0x3  }
0x5: {  	s24 =	simm.s32 $0x15400;
	s29 =	simm.s32 $0x80;
	s7 =	smul.u32 $0x6400, s11  }
0x6: {  	s30 =	simm.s32 $0x16800;
	[smem:$0x7FF] =	sst s3;
	s9 =	smul.u32 $0x50000, s11  }
0x7: {  	s2 =	sand.u32 $0x1, s2;
	s4 =	sadd.s32 $0x63800, s0;
	s31 =	smul.u32 $0x4F000, s11  }
0x8: {  	s5 =	sadd.s32 $0x31800, s0;
	s0 =	sadd.s32 $0x1EA200, s0;
	s16 =	smul.u32 $0x278, s11  }
0x9: {  	s17 =	sshll.u32 s11, $0x4;
	s6 =	smul.u32 $0xC8000, s2;
	_ =	strace $0x8000004A  }
0xa: {  	s8 =	ssub.s32 $0x2, s2;
	[dreg:$0x3] =	wrdreg s0;
	s10 =	smul.u32 $0xC350, s2  }
0xb: {  	s2 =	smul.u32 $0xC580, s2;
	s25 =	sshrl.u32 s8, $0x1;
	s26 =	sshrl.u32 s9, $0x2  }
0xc: {  	s7 =	sadd.s32 s7, s6;
	s0 =	ssub.s32 s8, s25;
	s9 =	sadd.s32 s26, s1  }
0xd: {  	s16 =	sadd.s32 s2, s16;
	s26 =	simm.s32 $0x15E00;
	s6 =	sadd.s32 $0x4000, s9  }
0xe: {  	s8 =	sadd.s32 $0x64000, s7;
	s28 =	sadd.s32 $0x8000, s9;
	[dreg:$0x4] =	wrdreg s6  }
0xf: {  	s12 =	sadd.s32 $0xC000, s9;
	s13 =	smov.u32 s9;
	[dreg:$0x5] =	wrdreg s28  }
.Ltmp0:
0x10: {  	v0 =	vmov s10;
	s9 =	sadd.s32 $0x10000, s9;
	[dreg:$0x6] =	wrdreg s12;
	(pc) =	sbr.rel .LBB2_1-.Ltmp0, $4  }
0x11: {  	s14 =	sshrl.u32 s7, $0x3;
	s0 =	smax.u32 s0, $0x1;
	v1 =	vadd.s32 s17, v0;
	[dreg:$0x7] =	wrdreg s9  }
0x12: {  	s15 =	sshrl.u32 s8, $0x3;
	s14 =	sadd.s32 s5, s14;
	s6 =	sshrl.u32 s31, $0x2;
	v2 =	vbroadcast v1, $0x0  }
0x13: {  	[dreg:$0x8] =	wrdreg s0;
	v1 =	vlaneseq.u32;
	s0 =	simm.s32 $0x5;
	s6 =	sadd.s32 s6, s1  }
0x14: {  	v3 =	vimm.f32 $0.0e+00;
	s15 =	sadd.s32 s5, s15;
	v4 =	vor.u32 $0x2780, v1;
	s25 =	sshrl.u32 s6, $0x3;
	v2 =	vor.u32 v1, v2;
	s6 =	simm.s32 $0x0  }
.LBB2_20:
0x15: {  	s6 =	rddreg [dreg:$0x9]  }
0x16: {  	s2 =	rddreg [dreg:$0x8];
	s6 =	sadd.s32 $0x1, s6  }
0x17: {  	p0 =	sne.s32 s6, s2  }
.Ltmp1:
0x18: {  	_ = 	snop;
	(pc) =	sbr.rel @!p0 .LBB2_21-.Ltmp1, $1  }
0x19: {  	_ =	sdelay $0x3  }
.LBB2_1:
.Ltmp2:
0x1a: {  	(pc) =	sbr.rel .LBB2_2-.Ltmp2, $2  }
0x1b: {  	_ =	sdelay $0x2  }
0x1c: {  	[dreg:$0x9] =	wrdreg s6;
	s17 =	simm.s32 $0x0  }
.LBB2_19:
0x1d: {  	s2 =	sadd.s32 s31, s16  }
0x1e: {  	s6 =	stileid.u32;
	[bflag:$0x0] =	sbarrier.arrive $0xFFFF;
	s17 =	sadd.s32 $0x1, s17  }
0x1f: {  	s2 =	sshll.u32 s2, $0x4;
	s6 =	sshll.u32 s6, $0x6;
	s9 =	rddreg [dreg:$0x3]  }
0x20: {  	p0 =	sne.s32 s17, $0x5;
	s2 =	sadd.s32 s9, s2;
	s6 =	sor.u32 $0x1C05, s6  }
0x21: {  	[hbm:s2], [sflag:s6] =	dma.local [spmem:s25], $0x2780  }
.Ltmp3:
0x22: {  	_ =	swait.ge [sflag:s0], $0x2780;
	(pc) =	sbr.rel @!p0 .LBB2_20-.Ltmp3, $3  }
0x23: {  	[sflag:s0] =	ssyncset.done $0x0  }
0x24: {  	[sflag:s0] =	ssyncadd.s32 $0xFFFFD880  }
0x25: {  	[bflag:$0x0] =	sbarrier.arrive $0xFFFF;
	_ =	sdelay $0x1  }
.LBB2_2:
0x26: {  	s2 =	simm.s32 $0x17E40  }
0x27: {  	[tilespmem:s2+$0xFFFFFFC0] =	vst v3  }
0x28: {  	[tilespmem:s2+$0x30] =	vst v3  }
0x29: {  	[tilespmem:s2+$0x20] =	vst v3  }
0x2a: {  	[tilespmem:s2+$0x10] =	vst v3  }
0x2b: {  	[tilespmem:s2+$0x0] =	vst v3  }
0x2c: {  	[tilespmem:s2+$0xFFFFFFF0] =	vst v3  }
0x2d: {  	s6 =	simm.s32 $0x0;
	[tilespmem:s2+$0xFFFFFFE0] =	vst v3  }
.LBB2_3:
0x2e: {  	s6 =	sadd.s32 $0x8, s6;
	[tilespmem:s2+$0xFFFFFFD0] =	vst v3;
	s2 =	sadd.s32 $0x80, s2  }
0x2f: {  	[tilespmem:s2+$0xFFFFFFC0] =	vst v3;
	p0 =	slt.u32 s6, $0x3F8  }
0x30: {  	[tilespmem:s2+$0x30] =	vst v3  }
.Ltmp4:
0x31: {  	[tilespmem:s2+$0x20] =	vst v3;
	(pc) =	sbr.rel @p0 .LBB2_3-.Ltmp4, $4  }
0x32: {  	[tilespmem:s2+$0x10] =	vst v3  }
0x33: {  	[tilespmem:s2+$0x0] =	vst v3  }
0x34: {  	[tilespmem:s2+$0xFFFFFFF0] =	vst v3  }
0x35: {  	[tilespmem:s2+$0xFFFFFFE0] =	vst v3  }
0x36: {  	[tilespmem:s2+$0xFFFFFFD0] =	vst v3  }
0x37: {  	[spmem:s13] =	stream.linear.scatter [tilespmem:s18], [sflag:$0x4], $0x4000, $0x38;
	[tilespmem:$0x1FE00] =	vst v63  }
0x38: {  	s10 =	rddreg [dreg:$0x4]  }
0x39: {  	[spmem:s10] =	stream.linear.scatter [tilespmem:s18], [sflag:$0x4], $0x4000, $0x38;
	[tilespmem:$0x1FE00] =	vst v63  }
0x3a: {  	s11 =	rddreg [dreg:$0x5]  }
0x3b: {  	[spmem:s11] =	stream.linear.scatter [tilespmem:s18], [sflag:$0x4], $0x4000, $0x38;
	[tilespmem:$0x1FE00] =	vst v63  }
0x3c: {  	s12 =	rddreg [dreg:$0x6]  }
0x3d: {  	[spmem:s12] =	stream.linear.scatter [tilespmem:s18], [sflag:$0x4], $0x4000, $0x38;
	[tilespmem:$0x1FE00] =	vst v63  }
0x3e: {  	s20 =	rddreg [dreg:$0x7]  }
0x3f: {  	[spmem:s20] =	stream.linear.scatter [tilespmem:s18], [sflag:$0x4], $0x4000, $0x38;
	[tilespmem:$0x1FE00] =	vst v63  }
0x40: {  	_ =	swait.ge [sflag:s19], $0x4000  }
0x41: {  	[sflag:s19] =	ssyncset.done $0x0  }
0x42: {  	[sflag:s19] =	ssyncadd.s32 $0xFFFFC000  }
0x43: {  	_ =	swait.ge [sflag:s19], $0x4000  }
0x44: {  	[sflag:s19] =	ssyncset.done $0x0  }
0x45: {  	[sflag:s19] =	ssyncadd.s32 $0xFFFFC000  }
0x46: {  	_ =	swait.ge [sflag:s19], $0x4000  }
0x47: {  	[sflag:s19] =	ssyncset.done $0x0  }
0x48: {  	[sflag:s19] =	ssyncadd.s32 $0xFFFFC000  }
0x49: {  	_ =	swait.ge [sflag:s19], $0x4000  }
0x4a: {  	[sflag:s19] =	ssyncset.done $0x0  }
0x4b: {  	s31 =	smul.u32 $0x2780, s17;
	[sflag:s19] =	ssyncadd.s32 $0xFFFFC000  }
0x4c: {  	_ =	swait.ge [sflag:s19], $0x4000  }
0x4d: {  	s21 =	simm.s32 $0x14000;
	s28 =	smin.u32 s31, $0x9BD0;
	[sflag:s19] =	ssyncset.done $0x0  }
.Ltmp5:
0x4e: {  	s2 =	ssub.s32 s28, s31;
	[sflag:s19] =	ssyncadd.s32 $0xFFFFC000;
	(pc) =	sbr.rel .LBB2_5-.Ltmp5, $4  }
0x4f: {  	s2 =	sadd.s32 $0x2780, s2;
	s20 =	simm.s32 $0x0;
	[bflag:$0x0] =	sbarrier.arrive $0xFFFF  }
0x50: {  	[tilespmem:s21], [sflag:$0x2] =	stream.linear.gather [hbm4b:s14+s20], $0xA00, $0x38;
	[tilespmem:$0x1FE00] =	vst v63  }
0x51: {  	s6 =	simm.s32 $0x14A00;
	v6 =	vmov s2;
	s2 =	simm.s32 $0x0  }
0x52: {  	v5 =	vmov s31;
	[tilespmem:s6], [sflag:$0x3] =	stream.linear.gather [hbm4b:s15+s20], $0xA00, $0x38;
	[tilespmem:$0x1FE00] =	vst v63  }
.LBB2_22:
0x53: {  	s6 =	sshll.u32 s21, $0x7  }
.LBB2_16:
0x54: {  	s2 =	sadd.s32 $0x1, s2  }
0x55: {  	p0 =	sne.s32 s2, $0xA  }
.Ltmp6:
0x56: {  	_ = 	snop;
	(pc) =	sbr.rel @!p0 .LBB2_17-.Ltmp6, $2  }
0x57: {  	_ =	sdelay $0x2  }
0x58: {  	s20 =	ssub.s32 s20, s6  }
.LBB2_5:
0x59: {  	s6 =	sand.u32 $0x1, s2  }
0x5a: {  	_ =	swait.ge [sflag:s22], $0xA00;
	p0 =	seq.s32 s6, $0x1  }
.Ltmp7:
0x5b: {  	[sflag:s22] =	ssyncset.done $0x0;
	(pc) =	sbr.rel @p0 .LBB2_9-.Ltmp7, $4  }
0x5c: {  	[sflag:s22] =	ssyncadd.s32 $0xFFFFF600  }
0x5d: {  	_ =	swait.ge [sflag:s23], $0xA00  }
0x5e: {  	[sflag:s23] =	ssyncset.done $0x0  }
0x5f: {  	[sflag:s23] =	ssyncadd.s32 $0xFFFFF600  }
0x60: {  	s6 =	smul.u32 $0xA00, s2;
	_ =	sdelay $0x1  }
0x61: {  	s6 =	sadd.s32 $0xA00, s6  }
0x62: {  	s10 =	sadd.s32 s7, s6  }
0x63: {  	s6 =	sadd.s32 s8, s6;
	s10 =	sshrl.u32 s10, $0x3  }
0x64: {  	s6 =	sshrl.u32 s6, $0x3;
	s10 =	sadd.s32 s5, s10  }
0x65: {  	[tilespmem:s24], [sflag:$0x2] =	stream.linear.gather [hbm4b:s10+s3], $0xA00, $0x38;
	[tilespmem:$0x1FE00] =	vst v63  }
0x66: {  	s28 =	simm.s32 $0x14A40;
	s6 =	sadd.s32 s5, s6  }
0x67: {  	[tilespmem:s26], [sflag:$0x3] =	stream.linear.gather [hbm4b:s6+s3], $0xA00, $0x38;
	[tilespmem:$0x1FE00] =	vst v63  }
0x68: {  	s21 =	simm.s32 $0x14040;
	v7 =	vld [tilespmem:s28+$0xFFFFFFC0]  }
0x69: {  	v8 =	vld [tilespmem:s21+$0xFFFFFFC0];
	_ =	sdelay $0x3  }
0x6a: {  	v7 =	vsub.s32 v7, v5  }
0x6b: {  	v8 =	vadd.s32 v0, v8;
	vm0 =	vlt.u32 v7, v6  }
0x6c: {  	[tilespmem:s20+$0x16800] =	vst.msk vm0, v8;
	v8 =	vmpcnt.ones.xlane vm0  }
0x6d: {  	[tilespmem:s20+$0x17300] =	vst.msk vm0, v7  }
0x6e: {  	v7 =	vld [tilespmem:s28+$0xFFFFFFD0];
	(v2sf) =	vpush v8, $0x0;
	_ =	sdelay $0x4  }
0x6f: {  	v7 =	vsub.s32 v7, v5  }
0x70: {  	vm9 =	vlt.u32 v7, v6  }
0x71: {  	v8 =	vmpcnt.ones.xlane vm9;
	_ =	sdelay $0x1  }
0x72: {  	(v2sf) =	vpush v8, $0x0;
	_ =	sdelay $0x1  }
0x73: {  	v8 =	vld [tilespmem:s21+$0xFFFFFFD0];
	_ =	sdelay $0x3  }
0x74: {  	s12 =	spop (v2sf)  }
0x75: {  	v8 =	vadd.s32 v0, v8;
	s6 =	sadd.s32 s20, s12  }
0x76: {  	[tilespmem:s6+$0x16800] =	vst.msk vm9, v8  }
0x77: {  	[tilespmem:s6+$0x17300] =	vst.msk vm9, v7  }
0x78: {  	v7 =	vld [tilespmem:s28+$0xFFFFFFE0]  }
0x79: {  	v8 =	vld [tilespmem:s21+$0xFFFFFFE0];
	_ =	sdelay $0x3  }
0x7a: {  	v7 =	vsub.s32 v7, v5;
	s20 =	spop (v2sf)  }
0x7b: {  	v8 =	vadd.s32 v0, v8;
	s6 =	sadd.s32 s6, s20;
	vm10 =	vlt.u32 v7, v6  }
0x7c: {  	[tilespmem:s6+$0x16800] =	vst.msk vm10, v8;
	v8 =	vmpcnt.ones.xlane vm10  }
0x7d: {  	[tilespmem:s6+$0x17300] =	vst.msk vm10, v7  }
0x7e: {  	v7 =	vld [tilespmem:s28+$0xFFFFFFF0];
	(v2sf) =	vpush v8, $0x0;
	_ =	sdelay $0x4  }
0x7f: {  	v7 =	vsub.s32 v7, v5  }
0x80: {  	vm11 =	vlt.u32 v7, v6  }
0x81: {  	v8 =	vmpcnt.ones.xlane vm11;
	_ =	sdelay $0x1  }
0x82: {  	(v2sf) =	vpush v8, $0x0;
	_ =	sdelay $0x1  }
0x83: {  	v8 =	vld [tilespmem:s21+$0xFFFFFFF0];
	_ =	sdelay $0x3  }
0x84: {  	s9 =	spop (v2sf)  }
0x85: {  	v8 =	vadd.s32 v0, v8;
	s6 =	sadd.s32 s6, s9  }
0x86: {  	[tilespmem:s6+$0x16800] =	vst.msk vm11, v8  }
0x87: {  	[tilespmem:s6+$0x17300] =	vst.msk vm11, v7  }
0x88: {  	v7 =	vld [tilespmem:s28+$0x0]  }
0x89: {  	v8 =	vld [tilespmem:s21+$0x0];
	_ =	sdelay $0x3  }
0x8a: {  	v7 =	vsub.s32 v7, v5;
	s11 =	spop (v2sf)  }
0x8b: {  	v8 =	vadd.s32 v0, v8;
	s6 =	sadd.s32 s6, s11;
	vm12 =	vlt.u32 v7, v6  }
0x8c: {  	[tilespmem:s6+$0x16800] =	vst.msk vm12, v8;
	v8 =	vmpcnt.ones.xlane vm12  }
0x8d: {  	[tilespmem:s6+$0x17300] =	vst.msk vm12, v7  }
0x8e: {  	v7 =	vld [tilespmem:s28+$0x10];
	(v2sf) =	vpush v8, $0x0;
	_ =	sdelay $0x4  }
0x8f: {  	v7 =	vsub.s32 v7, v5  }
0x90: {  	vm13 =	vlt.u32 v7, v6  }
0x91: {  	v8 =	vmpcnt.ones.xlane vm13;
	_ =	sdelay $0x1  }
0x92: {  	(v2sf) =	vpush v8, $0x0;
	_ =	sdelay $0x1  }
0x93: {  	v8 =	vld [tilespmem:s21+$0x10];
	_ =	sdelay $0x3  }
0x94: {  	s12 =	spop (v2sf)  }
0x95: {  	v8 =	vadd.s32 v0, v8;
	s6 =	sadd.s32 s6, s12  }
0x96: {  	[tilespmem:s6+$0x16800] =	vst.msk vm13, v8  }
0x97: {  	[tilespmem:s6+$0x17300] =	vst.msk vm13, v7  }
0x98: {  	v7 =	vld [tilespmem:s28+$0x20]  }
0x99: {  	v8 =	vld [tilespmem:s21+$0x20];
	_ =	sdelay $0x3  }
0x9a: {  	v7 =	vsub.s32 v7, v5;
	s20 =	spop (v2sf)  }
0x9b: {  	v8 =	vadd.s32 v0, v8;
	s6 =	sadd.s32 s6, s20;
	vm14 =	vlt.u32 v7, v6  }
0x9c: {  	[tilespmem:s6+$0x16800] =	vst.msk vm14, v8;
	v8 =	vmpcnt.ones.xlane vm14  }
0x9d: {  	[tilespmem:s6+$0x17300] =	vst.msk vm14, v7  }
0x9e: {  	v7 =	vld [tilespmem:s28+$0x30];
	(v2sf) =	vpush v8, $0x0;
	_ =	sdelay $0x4  }
0x9f: {  	v7 =	vsub.s32 v7, v5  }
0xa0: {  	vm15 =	vlt.u32 v7, v6  }
0xa1: {  	v8 =	vmpcnt.ones.xlane vm15;
	_ =	sdelay $0x1  }
0xa2: {  	(v2sf) =	vpush v8, $0x0;
	_ =	sdelay $0x1  }
0xa3: {  	v8 =	vld [tilespmem:s21+$0x30];
	_ =	sdelay $0x3  }
0xa4: {  	s21 =	spop (v2sf)  }
0xa5: {  	v8 =	vadd.s32 v0, v8;
	s6 =	sadd.s32 s6, s21  }
0xa6: {  	[tilespmem:s6+$0x16800] =	vst.msk vm15, v8  }
0xa7: {  	s21 =	simm.s32 $0x14AC0;
	[tilespmem:s6+$0x17300] =	vst.msk vm15, v7  }
0xa8: {  	s20 =	simm.s32 $0x140C0;
	v7 =	vld [tilespmem:s21+$0xFFFFFFC0]  }
0xa9: {  	v8 =	vld [tilespmem:s20+$0xFFFFFFC0];
	_ =	sdelay $0x3  }
0xaa: {  	s28 =	simm.s32 $0x8;
	v7 =	vsub.s32 v7, v5;
	s10 =	spop (v2sf)  }
.LBB2_7:
0xab: {  	s28 =	sadd.s32 $0x8, s28;
	vm0 =	vlt.u32 v7, v6;
	v8 =	vadd.s32 v0, v8;
	s6 =	sadd.s32 s6, s10  }
0xac: {  	p0 =	slt.u32 s28, $0x98;
	[tilespmem:s6+$0x16800] =	vst.msk vm0, v8;
	v8 =	vmpcnt.ones.xlane vm0  }
0xad: {  	[tilespmem:s6+$0x17300] =	vst.msk vm0, v7  }
0xae: {  	v7 =	vld [tilespmem:s21+$0xFFFFFFD0];
	(v2sf) =	vpush v8, $0x0;
	_ =	sdelay $0x4  }
0xaf: {  	v7 =	vsub.s32 v7, v5  }
0xb0: {  	vm0 =	vlt.u32 v7, v6  }
0xb1: {  	v8 =	vmpcnt.ones.xlane vm0;
	_ =	sdelay $0x1  }
0xb2: {  	(v2sf) =	vpush v8, $0x0;
	_ =	sdelay $0x1  }
0xb3: {  	v8 =	vld [tilespmem:s20+$0xFFFFFFD0];
	_ =	sdelay $0x3  }
0xb4: {  	s10 =	spop (v2sf)  }
0xb5: {  	s6 =	sadd.s32 s6, s10;
	v8 =	vadd.s32 v0, v8  }
0xb6: {  	[tilespmem:s6+$0x16800] =	vst.msk vm0, v8  }
0xb7: {  	[tilespmem:s6+$0x17300] =	vst.msk vm0, v7  }
0xb8: {  	v7 =	vld [tilespmem:s21+$0xFFFFFFE0]  }
0xb9: {  	v8 =	vld [tilespmem:s20+$0xFFFFFFE0];
	_ =	sdelay $0x3  }
0xba: {  	v7 =	vsub.s32 v7, v5;
	s10 =	spop (v2sf)  }
0xbb: {  	s6 =	sadd.s32 s6, s10;
	vm0 =	vlt.u32 v7, v6;
	v8 =	vadd.s32 v0, v8  }
0xbc: {  	[tilespmem:s6+$0x16800] =	vst.msk vm0, v8;
	v8 =	vmpcnt.ones.xlane vm0  }
0xbd: {  	[tilespmem:s6+$0x17300] =	vst.msk vm0, v7  }
0xbe: {  	v7 =	vld [tilespmem:s21+$0xFFFFFFF0];
	(v2sf) =	vpush v8, $0x0;
	_ =	sdelay $0x4  }
0xbf: {  	v7 =	vsub.s32 v7, v5  }
0xc0: {  	vm0 =	vlt.u32 v7, v6  }
0xc1: {  	v8 =	vmpcnt.ones.xlane vm0;
	_ =	sdelay $0x1  }
0xc2: {  	(v2sf) =	vpush v8, $0x0;
	_ =	sdelay $0x1  }
0xc3: {  	v8 =	vld [tilespmem:s20+$0xFFFFFFF0];
	_ =	sdelay $0x3  }
0xc4: {  	s10 =	spop (v2sf)  }
0xc5: {  	s6 =	sadd.s32 s6, s10;
	v8 =	vadd.s32 v0, v8  }
0xc6: {  	[tilespmem:s6+$0x16800] =	vst.msk vm0, v8  }
0xc7: {  	[tilespmem:s6+$0x17300] =	vst.msk vm0, v7  }
0xc8: {  	v7 =	vld [tilespmem:s21+$0x0]  }
0xc9: {  	v8 =	vld [tilespmem:s20+$0x0];
	_ =	sdelay $0x3  }
0xca: {  	v7 =	vsub.s32 v7, v5;
	s10 =	spop (v2sf)  }
0xcb: {  	s6 =	sadd.s32 s6, s10;
	vm0 =	vlt.u32 v7, v6;
	v8 =	vadd.s32 v0, v8  }
0xcc: {  	[tilespmem:s6+$0x16800] =	vst.msk vm0, v8;
	v8 =	vmpcnt.ones.xlane vm0  }
0xcd: {  	[tilespmem:s6+$0x17300] =	vst.msk vm0, v7  }
0xce: {  	v7 =	vld [tilespmem:s21+$0x10];
	(v2sf) =	vpush v8, $0x0  }
0xcf: {  	v8 =	vld [tilespmem:s20+$0x10];
	_ =	sdelay $0x3  }
0xd0: {  	v7 =	vsub.s32 v7, v5  }
0xd1: {  	vm0 =	vlt.u32 v7, v6  }
0xd2: {  	v9 =	vmpcnt.ones.xlane vm0;
	_ =	sdelay $0x1  }
0xd3: {  	(v2sf) =	vpush v9, $0x0;
	_ =	sdelay $0x5  }
0xd4: {  	s10 =	spop (v2sf)  }
0xd5: {  	v8 =	vadd.s32 v0, v8;
	s6 =	sadd.s32 s6, s10  }
0xd6: {  	[tilespmem:s6+$0x16800] =	vst.msk vm0, v8  }
0xd7: {  	[tilespmem:s6+$0x17300] =	vst.msk vm0, v7  }
0xd8: {  	v7 =	vld [tilespmem:s21+$0x20]  }
0xd9: {  	v8 =	vld [tilespmem:s20+$0x20];
	_ =	sdelay $0x3  }
0xda: {  	v7 =	vsub.s32 v7, v5;
	s10 =	spop (v2sf)  }
0xdb: {  	s6 =	sadd.s32 s6, s10;
	vm0 =	vlt.u32 v7, v6;
	v8 =	vadd.s32 v0, v8  }
0xdc: {  	[tilespmem:s6+$0x16800] =	vst.msk vm0, v8;
	v8 =	vmpcnt.ones.xlane vm0  }
0xdd: {  	[tilespmem:s6+$0x17300] =	vst.msk vm0, v7  }
0xde: {  	v7 =	vld [tilespmem:s21+$0x30];
	(v2sf) =	vpush v8, $0x0  }
0xdf: {  	v8 =	vld [tilespmem:s20+$0x30];
	_ =	sdelay $0x3  }
0xe0: {  	v7 =	vsub.s32 v7, v5  }
0xe1: {  	vm0 =	vlt.u32 v7, v6  }
0xe2: {  	v9 =	vmpcnt.ones.xlane vm0;
	_ =	sdelay $0x1  }
0xe3: {  	(v2sf) =	vpush v9, $0x0;
	_ =	sdelay $0x5  }
0xe4: {  	s10 =	spop (v2sf)  }
0xe5: {  	v8 =	vadd.s32 v0, v8;
	s6 =	sadd.s32 s6, s10  }
0xe6: {  	[tilespmem:s6+$0x16800] =	vst.msk vm0, v8  }
0xe7: {  	s21 =	sadd.s32 $0x80, s21;
	[tilespmem:s6+$0x17300] =	vst.msk vm0, v7  }
0xe8: {  	s20 =	sadd.s32 $0x80, s20;
	v7 =	vld [tilespmem:s21+$0xFFFFFFC0]  }
.Ltmp8:
0xe9: {  	v8 =	vld [tilespmem:s20+$0xFFFFFFC0];
	(pc) =	sbr.rel @p0 .LBB2_7-.Ltmp8, $2  }
0xea: {  	_ =	sdelay $0x2  }
0xeb: {  	v7 =	vsub.s32 v7, v5;
	s10 =	spop (v2sf)  }
0xec: {  	vm0 =	vlt.u32 v7, v6;
	v8 =	vadd.s32 v0, v8;
	s6 =	sadd.s32 s6, s10  }
0xed: {  	[tilespmem:s6+$0x16800] =	vst.msk vm0, v8;
	v8 =	vmpcnt.ones.xlane vm0  }
0xee: {  	[tilespmem:s6+$0x17300] =	vst.msk vm0, v7  }
0xef: {  	v7 =	vld [tilespmem:s21+$0xFFFFFFD0];
	(v2sf) =	vpush v8, $0x0;
	_ =	sdelay $0x4  }
0xf0: {  	v7 =	vsub.s32 v7, v5  }
0xf1: {  	vm9 =	vlt.u32 v7, v6  }
0xf2: {  	v8 =	vmpcnt.ones.xlane vm9;
	_ =	sdelay $0x1  }
0xf3: {  	(v2sf) =	vpush v8, $0x0;
	_ =	sdelay $0x1  }
0xf4: {  	v8 =	vld [tilespmem:s20+$0xFFFFFFD0];
	_ =	sdelay $0x3  }
0xf5: {  	s11 =	spop (v2sf)  }
0xf6: {  	v8 =	vadd.s32 v0, v8;
	s6 =	sadd.s32 s6, s11  }
0xf7: {  	[tilespmem:s6+$0x16800] =	vst.msk vm9, v8  }
0xf8: {  	[tilespmem:s6+$0x17300] =	vst.msk vm9, v7  }
0xf9: {  	v7 =	vld [tilespmem:s21+$0xFFFFFFE0]  }
0xfa: {  	v8 =	vld [tilespmem:s20+$0xFFFFFFE0];
	_ =	sdelay $0x3  }
0xfb: {  	v7 =	vsub.s32 v7, v5;
	s12 =	spop (v2sf)  }
0xfc: {  	v8 =	vadd.s32 v0, v8;
	s6 =	sadd.s32 s6, s12;
	vm10 =	vlt.u32 v7, v6  }
0xfd: {  	[tilespmem:s6+$0x16800] =	vst.msk vm10, v8;
	v8 =	vmpcnt.ones.xlane vm10  }
0xfe: {  	[tilespmem:s6+$0x17300] =	vst.msk vm10, v7  }
0xff: {  	v7 =	vld [tilespmem:s21+$0xFFFFFFF0];
	(v2sf) =	vpush v8, $0x0;
	_ =	sdelay $0x4  }
0x100: {  	v7 =	vsub.s32 v7, v5  }
0x101: {  	vm11 =	vlt.u32 v7, v6  }
0x102: {  	v8 =	vmpcnt.ones.xlane vm11;
	_ =	sdelay $0x1  }
0x103: {  	(v2sf) =	vpush v8, $0x0;
	_ =	sdelay $0x1  }
0x104: {  	v8 =	vld [tilespmem:s20+$0xFFFFFFF0];
	_ =	sdelay $0x3  }
0x105: {  	s28 =	spop (v2sf)  }
0x106: {  	v8 =	vadd.s32 v0, v8;
	s6 =	sadd.s32 s6, s28  }
0x107: {  	[tilespmem:s6+$0x16800] =	vst.msk vm11, v8  }
0x108: {  	[tilespmem:s6+$0x17300] =	vst.msk vm11, v7  }
0x109: {  	v7 =	vld [tilespmem:s21+$0x0]  }
0x10a: {  	v8 =	vld [tilespmem:s20+$0x0];
	_ =	sdelay $0x3  }
0x10b: {  	v7 =	vsub.s32 v7, v5;
	s9 =	spop (v2sf)  }
0x10c: {  	v8 =	vadd.s32 v0, v8;
	s6 =	sadd.s32 s6, s9;
	vm12 =	vlt.u32 v7, v6  }
0x10d: {  	[tilespmem:s6+$0x16800] =	vst.msk vm12, v8;
	v8 =	vmpcnt.ones.xlane vm12  }
0x10e: {  	[tilespmem:s6+$0x17300] =	vst.msk vm12, v7  }
0x10f: {  	v7 =	vld [tilespmem:s21+$0x10];
	(v2sf) =	vpush v8, $0x0;
	_ =	sdelay $0x4  }
0x110: {  	v7 =	vsub.s32 v7, v5  }
0x111: {  	vm13 =	vlt.u32 v7, v6  }
0x112: {  	v8 =	vmpcnt.ones.xlane vm13;
	_ =	sdelay $0x1  }
0x113: {  	(v2sf) =	vpush v8, $0x0;
	_ =	sdelay $0x1  }
0x114: {  	v8 =	vld [tilespmem:s20+$0x10];
	_ =	sdelay $0x3  }
0x115: {  	s11 =	spop (v2sf)  }
0x116: {  	v8 =	vadd.s32 v0, v8;
	s6 =	sadd.s32 s6, s11  }
0x117: {  	[tilespmem:s6+$0x16800] =	vst.msk vm13, v8  }
0x118: {  	[tilespmem:s6+$0x17300] =	vst.msk vm13, v7  }
0x119: {  	v7 =	vld [tilespmem:s21+$0x20]  }
0x11a: {  	v8 =	vld [tilespmem:s20+$0x20];
	_ =	sdelay $0x3  }
0x11b: {  	v7 =	vsub.s32 v7, v5;
	s12 =	spop (v2sf)  }
0x11c: {  	v8 =	vadd.s32 v0, v8;
	s6 =	sadd.s32 s6, s12;
	vm14 =	vlt.u32 v7, v6  }
0x11d: {  	[tilespmem:s6+$0x16800] =	vst.msk vm14, v8  }
0x11e: {  	[tilespmem:s6+$0x17300] =	vst.msk vm14, v7  }
0x11f: {  	v7 =	vld [tilespmem:s21+$0x30];
	_ =	sdelay $0x4  }
0x120: {  	v8 =	vmpcnt.ones.xlane vm14;
	v7 =	vsub.s32 v7, v5  }
0x121: {  	vm15 =	vlt.u32 v7, v6  }
0x122: {  	(v2sf) =	vpush v8, $0x0;
	v8 =	vmpcnt.ones.xlane vm15;
	_ =	sdelay $0x1  }
0x123: {  	(v2sf) =	vpush v8, $0x0;
	_ =	sdelay $0x8  }
0x124: {  	v8 =	vld [tilespmem:s20+$0x30];
	_ =	sdelay $0x2  }
.Ltmp9:
0x125: {  	_ = 	snop;
	(pc) =	sbr.rel .LBB2_12-.Ltmp9, $4  }
0x126: {  	s21 =	spop (v2sf)  }
0x127: {  	v8 =	vadd.s32 v0, v8;
	s6 =	sadd.s32 s6, s21  }
0x128: {  	[tilespmem:s6+$0x16800] =	vst.msk vm15, v8;
	s28 =	spop (v2sf)  }
0x129: {  	[tilespmem:s6+$0x17300] =	vst.msk vm15, v7;
	s20 =	sadd.s32 s6, s28  }
.LBB2_9:
0x12a: {  	p0 =	seq.s32 s2, $0x9  }
0x12b: {  	s6 =	smul.u32 @!p0 $0xA00, s2;
	_ =	sdelay $0x1  }
0x12c: {  	s6 =	sadd.s32 @!p0 $0xA00, s6  }
0x12d: {  	s10 =	sadd.s32 @!p0 s7, s6  }
0x12e: {  	s21 =	simm.s32 @!p0 $0x0;
	s6 =	sadd.s32 @!p0 s8, s6;
	s10 =	sshrl.u32 @!p0 s10, $0x3  }
0x12f: {  	s28 =	simm.s32 @!p0 $0x14000;
	s6 =	sshrl.u32 @!p0 s6, $0x3;
	s10 =	sadd.s32 @!p0 s5, s10  }
0x130: {  	[tilespmem:s28], [sflag:$0x2] =	stream.linear.gather @!p0 [hbm4b:s10+s21], $0xA00, $0x38;
	[tilespmem:$0x1FE00] =	vst v63  }
0x131: {  	s6 =	sadd.s32 @!p0 s5, s6;
	s10 =	simm.s32 @!p0 $0x14A00;
	s28 =	simm.s32 $0x15E40  }
0x132: {  	[tilespmem:s10], [sflag:$0x3] =	stream.linear.gather @!p0 [hbm4b:s6+s21], $0xA00, $0x38;
	[tilespmem:$0x1FE00] =	vst v63  }
0x133: {  	s21 =	simm.s32 $0x15440;
	v7 =	vld [tilespmem:s28+$0xFFFFFFC0]  }
0x134: {  	v8 =	vld [tilespmem:s21+$0xFFFFFFC0];
	_ =	sdelay $0x3  }
0x135: {  	v7 =	vsub.s32 v7, v5  }
0x136: {  	v8 =	vadd.s32 v0, v8;
	vm0 =	vlt.u32 v7, v6  }
0x137: {  	[tilespmem:s20+$0x16800] =	vst.msk vm0, v8;
	v8 =	vmpcnt.ones.xlane vm0  }
0x138: {  	[tilespmem:s20+$0x17300] =	vst.msk vm0, v7  }
0x139: {  	v7 =	vld [tilespmem:s28+$0xFFFFFFD0];
	(v2sf) =	vpush v8, $0x0;
	_ =	sdelay $0x4  }
0x13a: {  	v7 =	vsub.s32 v7, v5  }
0x13b: {  	vm9 =	vlt.u32 v7, v6  }
0x13c: {  	v8 =	vmpcnt.ones.xlane vm9;
	_ =	sdelay $0x1  }
0x13d: {  	(v2sf) =	vpush v8, $0x0;
	_ =	sdelay $0x1  }
0x13e: {  	v8 =	vld [tilespmem:s21+$0xFFFFFFD0];
	_ =	sdelay $0x3  }
0x13f: {  	s12 =	spop (v2sf)  }
0x140: {  	v8 =	vadd.s32 v0, v8;
	s6 =	sadd.s32 s20, s12  }
0x141: {  	[tilespmem:s6+$0x16800] =	vst.msk vm9, v8  }
0x142: {  	[tilespmem:s6+$0x17300] =	vst.msk vm9, v7  }
0x143: {  	v7 =	vld [tilespmem:s28+$0xFFFFFFE0]  }
0x144: {  	v8 =	vld [tilespmem:s21+$0xFFFFFFE0];
	_ =	sdelay $0x3  }
0x145: {  	v7 =	vsub.s32 v7, v5;
	s20 =	spop (v2sf)  }
0x146: {  	v8 =	vadd.s32 v0, v8;
	s6 =	sadd.s32 s6, s20;
	vm10 =	vlt.u32 v7, v6  }
0x147: {  	[tilespmem:s6+$0x16800] =	vst.msk vm10, v8;
	v8 =	vmpcnt.ones.xlane vm10  }
0x148: {  	[tilespmem:s6+$0x17300] =	vst.msk vm10, v7  }
0x149: {  	v7 =	vld [tilespmem:s28+$0xFFFFFFF0];
	(v2sf) =	vpush v8, $0x0;
	_ =	sdelay $0x4  }
0x14a: {  	v7 =	vsub.s32 v7, v5  }
0x14b: {  	vm11 =	vlt.u32 v7, v6  }
0x14c: {  	v8 =	vmpcnt.ones.xlane vm11;
	_ =	sdelay $0x1  }
0x14d: {  	(v2sf) =	vpush v8, $0x0;
	_ =	sdelay $0x1  }
0x14e: {  	v8 =	vld [tilespmem:s21+$0xFFFFFFF0];
	_ =	sdelay $0x3  }
0x14f: {  	s9 =	spop (v2sf)  }
0x150: {  	v8 =	vadd.s32 v0, v8;
	s6 =	sadd.s32 s6, s9  }
0x151: {  	[tilespmem:s6+$0x16800] =	vst.msk vm11, v8  }
0x152: {  	[tilespmem:s6+$0x17300] =	vst.msk vm11, v7  }
0x153: {  	v7 =	vld [tilespmem:s28+$0x0]  }
0x154: {  	v8 =	vld [tilespmem:s21+$0x0];
	_ =	sdelay $0x3  }
0x155: {  	v7 =	vsub.s32 v7, v5;
	s11 =	spop (v2sf)  }
0x156: {  	v8 =	vadd.s32 v0, v8;
	s6 =	sadd.s32 s6, s11;
	vm12 =	vlt.u32 v7, v6  }
0x157: {  	[tilespmem:s6+$0x16800] =	vst.msk vm12, v8;
	v8 =	vmpcnt.ones.xlane vm12  }
0x158: {  	[tilespmem:s6+$0x17300] =	vst.msk vm12, v7  }
0x159: {  	v7 =	vld [tilespmem:s28+$0x10];
	(v2sf) =	vpush v8, $0x0;
	_ =	sdelay $0x4  }
0x15a: {  	v7 =	vsub.s32 v7, v5  }
0x15b: {  	vm13 =	vlt.u32 v7, v6  }
0x15c: {  	v8 =	vmpcnt.ones.xlane vm13;
	_ =	sdelay $0x1  }
0x15d: {  	(v2sf) =	vpush v8, $0x0;
	_ =	sdelay $0x1  }
0x15e: {  	v8 =	vld [tilespmem:s21+$0x10];
	_ =	sdelay $0x3  }
0x15f: {  	s12 =	spop (v2sf)  }
0x160: {  	v8 =	vadd.s32 v0, v8;
	s6 =	sadd.s32 s6, s12  }
0x161: {  	[tilespmem:s6+$0x16800] =	vst.msk vm13, v8  }
0x162: {  	[tilespmem:s6+$0x17300] =	vst.msk vm13, v7  }
0x163: {  	v7 =	vld [tilespmem:s28+$0x20]  }
0x164: {  	v8 =	vld [tilespmem:s21+$0x20];
	_ =	sdelay $0x3  }
0x165: {  	v7 =	vsub.s32 v7, v5;
	s20 =	spop (v2sf)  }
0x166: {  	v8 =	vadd.s32 v0, v8;
	s6 =	sadd.s32 s6, s20;
	vm14 =	vlt.u32 v7, v6  }
0x167: {  	[tilespmem:s6+$0x16800] =	vst.msk vm14, v8;
	v8 =	vmpcnt.ones.xlane vm14  }
0x168: {  	[tilespmem:s6+$0x17300] =	vst.msk vm14, v7  }
0x169: {  	v7 =	vld [tilespmem:s28+$0x30];
	(v2sf) =	vpush v8, $0x0;
	_ =	sdelay $0x4  }
0x16a: {  	v7 =	vsub.s32 v7, v5  }
0x16b: {  	vm15 =	vlt.u32 v7, v6  }
0x16c: {  	v8 =	vmpcnt.ones.xlane vm15;
	_ =	sdelay $0x1  }
0x16d: {  	(v2sf) =	vpush v8, $0x0;
	_ =	sdelay $0x1  }
0x16e: {  	v8 =	vld [tilespmem:s21+$0x30];
	_ =	sdelay $0x3  }
0x16f: {  	s21 =	spop (v2sf)  }
0x170: {  	v8 =	vadd.s32 v0, v8;
	s6 =	sadd.s32 s6, s21  }
0x171: {  	[tilespmem:s6+$0x16800] =	vst.msk vm15, v8  }
0x172: {  	s21 =	simm.s32 $0x15EC0;
	[tilespmem:s6+$0x17300] =	vst.msk vm15, v7  }
0x173: {  	s20 =	simm.s32 $0x154C0;
	v7 =	vld [tilespmem:s21+$0xFFFFFFC0]  }
0x174: {  	v8 =	vld [tilespmem:s20+$0xFFFFFFC0];
	_ =	sdelay $0x3  }
0x175: {  	s28 =	simm.s32 $0x8;
	v7 =	vsub.s32 v7, v5;
	s10 =	spop (v2sf)  }
.LBB2_10:
0x176: {  	s28 =	sadd.s32 $0x8, s28;
	vm0 =	vlt.u32 v7, v6;
	v8 =	vadd.s32 v0, v8;
	s6 =	sadd.s32 s6, s10  }
0x177: {  	p0 =	slt.u32 s28, $0x98;
	[tilespmem:s6+$0x16800] =	vst.msk vm0, v8;
	v8 =	vmpcnt.ones.xlane vm0  }
0x178: {  	[tilespmem:s6+$0x17300] =	vst.msk vm0, v7  }
0x179: {  	v7 =	vld [tilespmem:s21+$0xFFFFFFD0];
	(v2sf) =	vpush v8, $0x0;
	_ =	sdelay $0x4  }
0x17a: {  	v7 =	vsub.s32 v7, v5  }
0x17b: {  	vm0 =	vlt.u32 v7, v6  }
0x17c: {  	v8 =	vmpcnt.ones.xlane vm0;
	_ =	sdelay $0x1  }
0x17d: {  	(v2sf) =	vpush v8, $0x0;
	_ =	sdelay $0x1  }
0x17e: {  	v8 =	vld [tilespmem:s20+$0xFFFFFFD0];
	_ =	sdelay $0x3  }
0x17f: {  	s10 =	spop (v2sf)  }
0x180: {  	s6 =	sadd.s32 s6, s10;
	v8 =	vadd.s32 v0, v8  }
0x181: {  	[tilespmem:s6+$0x16800] =	vst.msk vm0, v8  }
0x182: {  	[tilespmem:s6+$0x17300] =	vst.msk vm0, v7  }
0x183: {  	v7 =	vld [tilespmem:s21+$0xFFFFFFE0]  }
0x184: {  	v8 =	vld [tilespmem:s20+$0xFFFFFFE0];
	_ =	sdelay $0x3  }
0x185: {  	v7 =	vsub.s32 v7, v5;
	s10 =	spop (v2sf)  }
0x186: {  	s6 =	sadd.s32 s6, s10;
	vm0 =	vlt.u32 v7, v6;
	v8 =	vadd.s32 v0, v8  }
0x187: {  	[tilespmem:s6+$0x16800] =	vst.msk vm0, v8;
	v8 =	vmpcnt.ones.xlane vm0  }
0x188: {  	[tilespmem:s6+$0x17300] =	vst.msk vm0, v7  }
0x189: {  	v7 =	vld [tilespmem:s21+$0xFFFFFFF0];
	(v2sf) =	vpush v8, $0x0;
	_ =	sdelay $0x4  }
0x18a: {  	v7 =	vsub.s32 v7, v5  }
0x18b: {  	vm0 =	vlt.u32 v7, v6  }
0x18c: {  	v8 =	vmpcnt.ones.xlane vm0;
	_ =	sdelay $0x1  }
0x18d: {  	(v2sf) =	vpush v8, $0x0;
	_ =	sdelay $0x1  }
0x18e: {  	v8 =	vld [tilespmem:s20+$0xFFFFFFF0];
	_ =	sdelay $0x3  }
0x18f: {  	s10 =	spop (v2sf)  }
0x190: {  	s6 =	sadd.s32 s6, s10;
	v8 =	vadd.s32 v0, v8  }
0x191: {  	[tilespmem:s6+$0x16800] =	vst.msk vm0, v8  }
0x192: {  	[tilespmem:s6+$0x17300] =	vst.msk vm0, v7  }
0x193: {  	v7 =	vld [tilespmem:s21+$0x0]  }
0x194: {  	v8 =	vld [tilespmem:s20+$0x0];
	_ =	sdelay $0x3  }
0x195: {  	v7 =	vsub.s32 v7, v5;
	s10 =	spop (v2sf)  }
0x196: {  	s6 =	sadd.s32 s6, s10;
	vm0 =	vlt.u32 v7, v6;
	v8 =	vadd.s32 v0, v8  }
0x197: {  	[tilespmem:s6+$0x16800] =	vst.msk vm0, v8;
	v8 =	vmpcnt.ones.xlane vm0  }
0x198: {  	[tilespmem:s6+$0x17300] =	vst.msk vm0, v7  }
0x199: {  	v7 =	vld [tilespmem:s21+$0x10];
	(v2sf) =	vpush v8, $0x0  }
0x19a: {  	v8 =	vld [tilespmem:s20+$0x10];
	_ =	sdelay $0x3  }
0x19b: {  	v7 =	vsub.s32 v7, v5  }
0x19c: {  	vm0 =	vlt.u32 v7, v6  }
0x19d: {  	v9 =	vmpcnt.ones.xlane vm0;
	_ =	sdelay $0x1  }
0x19e: {  	(v2sf) =	vpush v9, $0x0;
	_ =	sdelay $0x5  }
0x19f: {  	s10 =	spop (v2sf)  }
0x1a0: {  	v8 =	vadd.s32 v0, v8;
	s6 =	sadd.s32 s6, s10  }
0x1a1: {  	[tilespmem:s6+$0x16800] =	vst.msk vm0, v8  }
0x1a2: {  	[tilespmem:s6+$0x17300] =	vst.msk vm0, v7  }
0x1a3: {  	v7 =	vld [tilespmem:s21+$0x20]  }
0x1a4: {  	v8 =	vld [tilespmem:s20+$0x20];
	_ =	sdelay $0x3  }
0x1a5: {  	v7 =	vsub.s32 v7, v5;
	s10 =	spop (v2sf)  }
0x1a6: {  	s6 =	sadd.s32 s6, s10;
	vm0 =	vlt.u32 v7, v6;
	v8 =	vadd.s32 v0, v8  }
0x1a7: {  	[tilespmem:s6+$0x16800] =	vst.msk vm0, v8;
	v8 =	vmpcnt.ones.xlane vm0  }
0x1a8: {  	[tilespmem:s6+$0x17300] =	vst.msk vm0, v7  }
0x1a9: {  	v7 =	vld [tilespmem:s21+$0x30];
	(v2sf) =	vpush v8, $0x0  }
0x1aa: {  	v8 =	vld [tilespmem:s20+$0x30];
	_ =	sdelay $0x3  }
0x1ab: {  	v7 =	vsub.s32 v7, v5  }
0x1ac: {  	vm0 =	vlt.u32 v7, v6  }
0x1ad: {  	v9 =	vmpcnt.ones.xlane vm0;
	_ =	sdelay $0x1  }
0x1ae: {  	(v2sf) =	vpush v9, $0x0;
	_ =	sdelay $0x5  }
0x1af: {  	s10 =	spop (v2sf)  }
0x1b0: {  	v8 =	vadd.s32 v0, v8;
	s6 =	sadd.s32 s6, s10  }
0x1b1: {  	[tilespmem:s6+$0x16800] =	vst.msk vm0, v8  }
0x1b2: {  	s21 =	sadd.s32 $0x80, s21;
	[tilespmem:s6+$0x17300] =	vst.msk vm0, v7  }
0x1b3: {  	s20 =	sadd.s32 $0x80, s20;
	v7 =	vld [tilespmem:s21+$0xFFFFFFC0]  }
.Ltmp10:
0x1b4: {  	v8 =	vld [tilespmem:s20+$0xFFFFFFC0];
	(pc) =	sbr.rel @p0 .LBB2_10-.Ltmp10, $2  }
0x1b5: {  	_ =	sdelay $0x2  }
0x1b6: {  	v7 =	vsub.s32 v7, v5;
	s10 =	spop (v2sf)  }
0x1b7: {  	vm0 =	vlt.u32 v7, v6;
	v8 =	vadd.s32 v0, v8;
	s6 =	sadd.s32 s6, s10  }
0x1b8: {  	[tilespmem:s6+$0x16800] =	vst.msk vm0, v8;
	v8 =	vmpcnt.ones.xlane vm0  }
0x1b9: {  	[tilespmem:s6+$0x17300] =	vst.msk vm0, v7  }
0x1ba: {  	v7 =	vld [tilespmem:s21+$0xFFFFFFD0];
	(v2sf) =	vpush v8, $0x0;
	_ =	sdelay $0x4  }
0x1bb: {  	v7 =	vsub.s32 v7, v5  }
0x1bc: {  	vm9 =	vlt.u32 v7, v6  }
0x1bd: {  	v8 =	vmpcnt.ones.xlane vm9;
	_ =	sdelay $0x1  }
0x1be: {  	(v2sf) =	vpush v8, $0x0;
	_ =	sdelay $0x1  }
0x1bf: {  	v8 =	vld [tilespmem:s20+$0xFFFFFFD0];
	_ =	sdelay $0x3  }
0x1c0: {  	s11 =	spop (v2sf)  }
0x1c1: {  	v8 =	vadd.s32 v0, v8;
	s6 =	sadd.s32 s6, s11  }
0x1c2: {  	[tilespmem:s6+$0x16800] =	vst.msk vm9, v8  }
0x1c3: {  	[tilespmem:s6+$0x17300] =	vst.msk vm9, v7  }
0x1c4: {  	v7 =	vld [tilespmem:s21+$0xFFFFFFE0]  }
0x1c5: {  	v8 =	vld [tilespmem:s20+$0xFFFFFFE0];
	_ =	sdelay $0x3  }
0x1c6: {  	v7 =	vsub.s32 v7, v5;
	s12 =	spop (v2sf)  }
0x1c7: {  	v8 =	vadd.s32 v0, v8;
	s6 =	sadd.s32 s6, s12;
	vm10 =	vlt.u32 v7, v6  }
0x1c8: {  	[tilespmem:s6+$0x16800] =	vst.msk vm10, v8;
	v8 =	vmpcnt.ones.xlane vm10  }
0x1c9: {  	[tilespmem:s6+$0x17300] =	vst.msk vm10, v7  }
0x1ca: {  	v7 =	vld [tilespmem:s21+$0xFFFFFFF0];
	(v2sf) =	vpush v8, $0x0;
	_ =	sdelay $0x4  }
0x1cb: {  	v7 =	vsub.s32 v7, v5  }
0x1cc: {  	vm11 =	vlt.u32 v7, v6  }
0x1cd: {  	v8 =	vmpcnt.ones.xlane vm11;
	_ =	sdelay $0x1  }
0x1ce: {  	(v2sf) =	vpush v8, $0x0;
	_ =	sdelay $0x1  }
0x1cf: {  	v8 =	vld [tilespmem:s20+$0xFFFFFFF0];
	_ =	sdelay $0x3  }
0x1d0: {  	s28 =	spop (v2sf)  }
0x1d1: {  	v8 =	vadd.s32 v0, v8;
	s6 =	sadd.s32 s6, s28  }
0x1d2: {  	[tilespmem:s6+$0x16800] =	vst.msk vm11, v8  }
0x1d3: {  	[tilespmem:s6+$0x17300] =	vst.msk vm11, v7  }
0x1d4: {  	v7 =	vld [tilespmem:s21+$0x0]  }
0x1d5: {  	v8 =	vld [tilespmem:s20+$0x0];
	_ =	sdelay $0x3  }
0x1d6: {  	v7 =	vsub.s32 v7, v5;
	s9 =	spop (v2sf)  }
0x1d7: {  	v8 =	vadd.s32 v0, v8;
	s6 =	sadd.s32 s6, s9;
	vm12 =	vlt.u32 v7, v6  }
0x1d8: {  	[tilespmem:s6+$0x16800] =	vst.msk vm12, v8;
	v8 =	vmpcnt.ones.xlane vm12  }
0x1d9: {  	[tilespmem:s6+$0x17300] =	vst.msk vm12, v7  }
0x1da: {  	v7 =	vld [tilespmem:s21+$0x10];
	(v2sf) =	vpush v8, $0x0;
	_ =	sdelay $0x4  }
0x1db: {  	v7 =	vsub.s32 v7, v5  }
0x1dc: {  	vm13 =	vlt.u32 v7, v6  }
0x1dd: {  	v8 =	vmpcnt.ones.xlane vm13;
	_ =	sdelay $0x1  }
0x1de: {  	(v2sf) =	vpush v8, $0x0;
	_ =	sdelay $0x1  }
0x1df: {  	v8 =	vld [tilespmem:s20+$0x10];
	_ =	sdelay $0x3  }
0x1e0: {  	s11 =	spop (v2sf)  }
0x1e1: {  	v8 =	vadd.s32 v0, v8;
	s6 =	sadd.s32 s6, s11  }
0x1e2: {  	[tilespmem:s6+$0x16800] =	vst.msk vm13, v8  }
0x1e3: {  	[tilespmem:s6+$0x17300] =	vst.msk vm13, v7  }
0x1e4: {  	v7 =	vld [tilespmem:s21+$0x20]  }
0x1e5: {  	v8 =	vld [tilespmem:s20+$0x20];
	_ =	sdelay $0x3  }
0x1e6: {  	v7 =	vsub.s32 v7, v5;
	s12 =	spop (v2sf)  }
0x1e7: {  	v8 =	vadd.s32 v0, v8;
	s6 =	sadd.s32 s6, s12;
	vm14 =	vlt.u32 v7, v6  }
0x1e8: {  	[tilespmem:s6+$0x16800] =	vst.msk vm14, v8  }
0x1e9: {  	[tilespmem:s6+$0x17300] =	vst.msk vm14, v7  }
0x1ea: {  	v7 =	vld [tilespmem:s21+$0x30];
	_ =	sdelay $0x4  }
0x1eb: {  	v8 =	vmpcnt.ones.xlane vm14;
	v7 =	vsub.s32 v7, v5  }
0x1ec: {  	vm15 =	vlt.u32 v7, v6  }
0x1ed: {  	(v2sf) =	vpush v8, $0x0;
	v8 =	vmpcnt.ones.xlane vm15;
	_ =	sdelay $0x1  }
0x1ee: {  	(v2sf) =	vpush v8, $0x0;
	_ =	sdelay $0x8  }
0x1ef: {  	v8 =	vld [tilespmem:s20+$0x30];
	_ =	sdelay $0x3  }
0x1f0: {  	s21 =	spop (v2sf)  }
0x1f1: {  	v8 =	vadd.s32 v0, v8;
	s6 =	sadd.s32 s6, s21  }
0x1f2: {  	[tilespmem:s6+$0x16800] =	vst.msk vm15, v8;
	s28 =	spop (v2sf)  }
0x1f3: {  	[tilespmem:s6+$0x17300] =	vst.msk vm15, v7;
	s20 =	sadd.s32 s6, s28  }
.LBB2_12:
0x1f4: {  	s6 =	sand.u32 $0x7F, s20  }
0x1f5: {  	s10 =	sshra.s32 s20, $0x1F;
	p0 =	slt.s32 s20, $0x1;
	p1 =	sne.s32 s6, $0x0  }
0x1f6: {  	s28 =	sshrl.u32 s10, $0x19;
	p0 =	por !p0, !p1  }
0x1f7: {  	s10 =	simm.s32 $0x1;
	s6 =	sadd.s32 s28, s20;
	p0 =	por !p0, !p0  }
0x1f8: {  	s6 =	sshra.s32 s6, $0x7;
	s10 =	simm.s32 @!p0 $0x0  }
0x1f9: {  	s21 =	ssub.s32 s6, s10  }
0x1fa: {  	p0 =	slt.s32 s21, $0x1  }
.Ltmp11:
0x1fb: {  	_ = 	snop;
	(pc) =	sbr.rel @p0 .LBB2_22-.Ltmp11, $2  }
0x1fc: {  	_ =	sdelay $0x2  }
0x1fd: {  	[smem:$0x0] =	sst s20  }
0x1fe: {  	[tilespmem:s18], [sflag:$0x1] =	stream.indirect.gather [hbm4b:s4+s29], $0x80, s30, s29, $0xb8;
	[tilespmem:$0x1FE00] =	vst v63  }
0x1ff: {  	s28 =	simm.s32 $0x0  }
.LBB2_14:
0x200: {  	s6 =	sand.u32 $0x1, s28  }
0x201: {  	p0 =	seq.s32 s6, $0x1  }
0x202: {  	s6 =	sadd.s32 @p0 $0x1, s28  }
0x203: {  	s10 =	simm.s32 @p0 $0x1;
	p1 =	sge.s32 @p0 s6, s21  }
0x204: {  	_ =	swait.ge @p0 [sflag:s10], $0x4000;
	p1 =	por p1, !p0  }
0x205: {  	[sflag:s10] =	ssyncset.done @p0 $0x0;
	s11 =	sshll.u32 @!p1 s6, $0x9  }
0x206: {  	[sflag:s10] =	ssyncadd.s32 @p0 $0xFFFFC000;
	s10 =	sshra.s32 @!p1 s11, $0x2  }
0x207: {  	s12 =	simm.s32 @!p1 $0x17E00;
	s11 =	simm.s32 @!p1 $0x80;
	s10 =	sadd.s32 @!p1 $0x16800, s10  }
0x208: {  	[tilespmem:s12], [sflag:$0x1] =	stream.indirect.gather @!p1 [hbm4b:s4+s11], $0x80, s10, s11, $0xb8;
	[tilespmem:$0x1FE00] =	vst v63  }
0x209: {  	s10 =	sshll.u32 @p0 s28, $0x9  }
0x20a: {  	s10 =	sshra.s32 @p0 s10, $0x2  }
0x20b: {  	s11 =	simm.s32 @p0 $0x80;
	s12 =	simm.s32 @p0 $0x1BE00;
	s10 =	sadd.s32 @p0 $0x17300, s10  }
0x20c: {  	[spmem:s1] =	stream.indirect.scatter.add.f32 @p0 [tilespmem:s12], [sflag:$0x5], $0x80, s10, s11, $0xb8;
	[tilespmem:$0x1FE00] =	vst v63  }
0x20d: {  	s10 =	simm.s32 @p0 $0x5  }
0x20e: {  	_ =	swait.ge @p0 [sflag:s10], $0x4000  }
0x20f: {  	s11 =	sor.u32 @!p0 $0x1, s28;
	[sflag:s10] =	ssyncset.done @p0 $0x0  }
0x210: {  	p1 =	sge.s32 @!p0 s11, s21;
	[sflag:s10] =	ssyncadd.s32 @p0 $0xFFFFC000;
	s10 =	simm.s32 @!p0 $0x1  }
0x211: {  	p1 =	por p1, p0;
	_ =	swait.ge @!p0 [sflag:s10], $0x4000  }
0x212: {  	s12 =	sshll.u32 @!p1 s11, $0x9;
	[sflag:s10] =	ssyncset.done @!p0 $0x0  }
0x213: {  	[sflag:s10] =	ssyncadd.s32 @!p0 $0xFFFFC000;
	s10 =	sshra.s32 @!p1 s12, $0x2  }
0x214: {  	s9 =	simm.s32 @!p1 $0x1BE00;
	s12 =	simm.s32 @!p1 $0x80;
	s10 =	sadd.s32 @!p1 $0x16800, s10  }
0x215: {  	[tilespmem:s9], [sflag:$0x1] =	stream.indirect.gather @!p1 [hbm4b:s4+s12], $0x80, s10, s12, $0xb8;
	[tilespmem:$0x1FE00] =	vst v63  }
0x216: {  	s9 =	sshll.u32 @!p0 s28, $0x9  }
0x217: {  	s11 =	smov.u32 @p0 s6;
	s10 =	simm.s32 @!p0 $0x80;
	s9 =	sshra.s32 @!p0 s9, $0x2  }
0x218: {  	s12 =	simm.s32 @!p0 $0x17E00;
	p1 =	seq.s32 s11, s21;
	s9 =	sadd.s32 @!p0 $0x17300, s9  }
0x219: {  	[spmem:s1] =	stream.indirect.scatter.add.f32 @!p0 [tilespmem:s12], [sflag:$0x6], $0x80, s9, s10, $0xb8;
	[tilespmem:$0x1FE00] =	vst v63  }
.Ltmp12:
0x21a: {  	_ = 	snop;
	(pc) =	sbr.rel @!p1 .LBB2_14-.Ltmp12, $4  }
0x21b: {  	s9 =	simm.s32 @!p0 $0x6  }
0x21c: {  	_ =	swait.ge @!p0 [sflag:s9], $0x4000  }
0x21d: {  	[sflag:s9] =	ssyncset.done @!p0 $0x0  }
0x21e: {  	s28 =	smov.u32 s11;
	[sflag:s9] =	ssyncadd.s32 @!p0 $0xFFFFC000  }
0x21f: {  	s6 =	sshll.u32 s21, $0x7  }
0x220: {  	v7 =	vld [tilespmem:s6+$0x16800];
	_ =	sdelay $0x4  }
0x221: {  	[tilespmem:$0x16800] =	vst v7  }
0x222: {  	v7 =	vld [tilespmem:s6+$0x17300];
	_ =	sdelay $0x4  }
0x223: {  	[tilespmem:$0x17300] =	vst v7  }
0x224: {  	v7 =	vld [tilespmem:s6+$0x16810];
	_ =	sdelay $0x4  }
0x225: {  	[tilespmem:$0x16810] =	vst v7  }
0x226: {  	v7 =	vld [tilespmem:s6+$0x17310];
	_ =	sdelay $0x4  }
0x227: {  	[tilespmem:$0x17310] =	vst v7  }
0x228: {  	v7 =	vld [tilespmem:s6+$0x16820];
	_ =	sdelay $0x4  }
0x229: {  	[tilespmem:$0x16820] =	vst v7  }
0x22a: {  	v7 =	vld [tilespmem:s6+$0x17320];
	_ =	sdelay $0x4  }
0x22b: {  	[tilespmem:$0x17320] =	vst v7  }
0x22c: {  	v7 =	vld [tilespmem:s6+$0x16830];
	_ =	sdelay $0x4  }
0x22d: {  	[tilespmem:$0x16830] =	vst v7  }
0x22e: {  	v7 =	vld [tilespmem:s6+$0x17330];
	_ =	sdelay $0x4  }
0x22f: {  	[tilespmem:$0x17330] =	vst v7  }
0x230: {  	v7 =	vld [tilespmem:s6+$0x16840];
	_ =	sdelay $0x4  }
0x231: {  	[tilespmem:$0x16840] =	vst v7  }
0x232: {  	v7 =	vld [tilespmem:s6+$0x17340];
	_ =	sdelay $0x4  }
0x233: {  	[tilespmem:$0x17340] =	vst v7  }
0x234: {  	v7 =	vld [tilespmem:s6+$0x16850];
	_ =	sdelay $0x4  }
0x235: {  	[tilespmem:$0x16850] =	vst v7  }
0x236: {  	v7 =	vld [tilespmem:s6+$0x17350];
	_ =	sdelay $0x4  }
0x237: {  	[tilespmem:$0x17350] =	vst v7  }
0x238: {  	v7 =	vld [tilespmem:s6+$0x16860];
	_ =	sdelay $0x4  }
0x239: {  	[tilespmem:$0x16860] =	vst v7  }
0x23a: {  	v7 =	vld [tilespmem:s6+$0x17360];
	_ =	sdelay $0x4  }
0x23b: {  	[tilespmem:$0x17360] =	vst v7  }
0x23c: {  	v7 =	vld [tilespmem:s6+$0x16870];
	_ =	sdelay $0x4  }
0x23d: {  	[tilespmem:$0x16870] =	vst v7  }
0x23e: {  	v7 =	vld [tilespmem:s6+$0x17370]  }
.Ltmp13:
0x23f: {  	_ = 	snop;
	(pc) =	sbr.rel .LBB2_16-.Ltmp13, $2  }
0x240: {  	_ =	sdelay $0x2  }
0x241: {  	[tilespmem:$0x17370] =	vst v7  }
.LBB2_17:
0x242: {  	p0 =	slt.s32 s20, $0x1  }
.Ltmp14:
0x243: {  	_ = 	snop;
	(pc) =	sbr.rel @p0 .LBB2_19-.Ltmp14, $1  }
0x244: {  	_ =	sdelay $0x3  }
0x245: {  	s2 =	ssub.s32 $0x80, s20  }
0x246: {  	p0 =	sgt.s32 s2, $0x0  }
0x247: {  	s6 =	ssub.s32 $0x70, s20;
	s2 =	simm.s32 @!p0 $0x0  }
0x248: {  	p0 =	sgt.s32 s6, $0x0;
	s2 =	smin.u32 s2, $0x10  }
0x249: {  	s9 =	ssub.s32 $0x60, s20;
	s6 =	simm.s32 @!p0 $0x0;
	v5 =	vmov s2  }
0x24a: {  	p0 =	sgt.s32 s9, $0x0;
	s6 =	smin.u32 s6, $0x10;
	vm0 =	vgt.u32 v5, v1  }
0x24b: {  	s10 =	ssub.s32 $0x50, s20;
	s9 =	simm.s32 @!p0 $0x0;
	v5 =	vmov s6;
	[tilespmem:s20+$0x16800] =	vst.msk vm0, v2  }
0x24c: {  	s2 =	sadd.s32 s20, s2;
	p0 =	sgt.s32 s10, $0x0;
	s9 =	smin.u32 s9, $0x10;
	vm9 =	vgt.u32 v5, v1;
	[tilespmem:s20+$0x17300] =	vst.msk vm0, v4  }
0x24d: {  	s11 =	ssub.s32 $0x40, s20;
	s10 =	simm.s32 @!p0 $0x0;
	v5 =	vmov s9;
	[tilespmem:s2+$0x16800] =	vst.msk vm9, v2  }
0x24e: {  	p0 =	sgt.s32 s11, $0x0;
	s12 =	smin.u32 s10, $0x10;
	vm10 =	vgt.u32 v5, v1;
	[tilespmem:s2+$0x17300] =	vst.msk vm9, v4;
	s2 =	sadd.s32 s6, s2  }
0x24f: {  	s11 =	simm.s32 @!p0 $0x0;
	s10 =	ssub.s32 $0x30, s20;
	v5 =	vmov s12;
	[tilespmem:s2+$0x16800] =	vst.msk vm10, v2  }
0x250: {  	s21 =	smin.u32 s11, $0x10;
	p0 =	sgt.s32 s10, $0x0;
	vm11 =	vgt.u32 v5, v1;
	[tilespmem:s2+$0x17300] =	vst.msk vm10, v4;
	s2 =	sadd.s32 s9, s2  }
0x251: {  	s11 =	ssub.s32 $0x20, s20;
	v5 =	vmov s21;
	s10 =	simm.s32 @!p0 $0x0;
	[tilespmem:s2+$0x16800] =	vst.msk vm11, v2  }
0x252: {  	p0 =	sgt.s32 s11, $0x0;
	vm12 =	vgt.u32 v5, v1;
	s28 =	smin.u32 s10, $0x10;
	[tilespmem:s2+$0x17300] =	vst.msk vm11, v4;
	s2 =	sadd.s32 s12, s2  }
0x253: {  	s11 =	simm.s32 @!p0 $0x0;
	v5 =	vmov s28;
	[tilespmem:s2+$0x16800] =	vst.msk vm12, v2  }
0x254: {  	s10 =	ssub.s32 $0x10, s20;
	vm13 =	vgt.u32 v5, v1;
	s12 =	smin.u32 s11, $0x10;
	[tilespmem:s2+$0x17300] =	vst.msk vm12, v4;
	s2 =	sadd.s32 s21, s2  }
0x255: {  	p0 =	sgt.s32 s10, $0x0;
	v5 =	vmov s12;
	[tilespmem:s2+$0x16800] =	vst.msk vm13, v2  }
0x256: {  	s10 =	simm.s32 @!p0 $0x0;
	vm14 =	vgt.u32 v5, v1;
	[tilespmem:s2+$0x17300] =	vst.msk vm13, v4;
	s2 =	sadd.s32 s28, s2  }
0x257: {  	v5 =	vmov s10;
	[tilespmem:s2+$0x16800] =	vst.msk vm14, v2  }
0x258: {  	vm15 =	vgt.u32 v5, v1;
	[tilespmem:s2+$0x17300] =	vst.msk vm14, v4;
	s2 =	sadd.s32 s12, s2  }
0x259: {  	[tilespmem:s2+$0x16800] =	vst.msk vm15, v2  }
0x25a: {  	s21 =	simm.s32 $0x1;
	[tilespmem:s2+$0x17300] =	vst.msk vm15, v4  }
0x25b: {  	[tilespmem:s18], [sflag:$0x1] =	stream.indirect.gather [hbm4b:s4+s29], $0x80, s30, s29, $0xb8;
	[tilespmem:$0x1FE00] =	vst v63  }
0x25c: {  	_ =	swait.ge [sflag:s21], $0x4000  }
0x25d: {  	[sflag:s21] =	ssyncset.done $0x0  }
.Ltmp15:
0x25e: {  	s28 =	simm.s32 $0x17300;
	[sflag:s21] =	ssyncadd.s32 $0xFFFFC000;
	(pc) =	sbr.rel .LBB2_19-.Ltmp15, $4  }
0x25f: {  	[spmem:s1] =	stream.indirect.scatter.add.f32 [tilespmem:s18], [sflag:$0x5], $0x80, s28, s29, $0xb8;
	[tilespmem:$0x1FE00] =	vst v63  }
0x260: {  	_ =	swait.ge [sflag:s0], $0x4000  }
0x261: {  	[sflag:s0] =	ssyncset.done $0x0  }
0x262: {  	[sflag:s0] =	ssyncadd.s32 $0xFFFFC000  }
.LBB2_21:
0x263: {  	_ =	sfence.sel $0x180000  }
0x264: {  	[bflag:$0x0] =	sbarrier.arrive $0xFFFF  }
0x265: {  	_ =	strace $0x9000004A  }
0x266: {  	s0 =	stileid.u32;
	[bflag:$0x2] =	sbarrier.arrive $0xFFFF  }
0x267: {  	p0 =	sne.s32 s0, $0x0;
	s0 =	rddreg [dreg:$0x2]  }
0x268: {  	s0 =	sadd.s32 @!p0 $0x100000, s0  }
0x269: {  	[sflag:s0] =	ssyncadd.tile.s32 @!p0 $0x1;
	_ =	shalt  }
.Lfunc_end2:
_tile_overlayer_lowered:
.L_overlay_start_2:
0x26a: {  	(tag) =	ssettag $0x2  }
0x26b: {  	s0 =	rddreg [dreg:$0x0];
	s2 =	stileid.u32  }
0x26c: {  	s1 =	rddreg [dreg:$0x1];
	p0 =	sne.s32 s2, $0x0  }
0x26d: {  	s3 =	rddreg [dreg:$0x2];
	[bflag:$0x3] =	sbarrier.arrive $0xFFFF;
	s2 =	simm.s32 @!p0 $0x1C05  }
0x26e: {  	[timem:s3], [sflag:s2] =	dma.local @!p0 [hbm:s0], s1  }
0x26f: {  	s0 =	simm.s32 @!p0 $0x5  }
0x270: {  	_ =	swait.ge @!p0 [sflag:s0], s1  }
0x271: {  	s1 =	ssub.s32 @!p0 $0x0, s1;
	[sflag:s0] =	ssyncset.done @!p0 $0x0  }
0x272: {  	[sflag:s0] =	ssyncadd.s32 @!p0 s1  }
0x273: {  	[bflag:$0x3] =	sbarrier.arrive $0xFFFF  }
0x274: {  	_ =	shalt  }

</sc_bundles>
